<compile_context>
chip_gen: v7x
topology: tpu7x:2x2x1
jax: 0.10.2.dev20260603
libtpu: 0.0.44.dev20260713+nightly
codegen_flags: <defaults>
</compile_context>

<pallas_src>
import jax
import jax.numpy as jnp
from jax import lax
from jax.experimental import pallas as pl
from jax.experimental.pallas import tpu as pltpu
from jax.experimental.pallas import tpu_sc as plsc

N = 50000
E = 800000
D = 128
H = 64
NP = 50048
HALF = NP // 2
ACC_ROWS = HALF + 64
H2 = 64
CH = 128
EC = E // CH
ECP = 6400
DUMMY_DST = NP - 8

A_CPT = ECP // 16
A_CPG = 1
A_NG = A_CPT // A_CPG

D_CPT = ECP // 32
D_CPG = 8
D_NG = D_CPT // D_CPG


def _deg_body(dst_hbm, out_hbm, ones_v, zbuf, dblk, acc, ssem, isem):
    c = lax.axis_index("c")
    s = lax.axis_index("s")
    zero16 = jnp.zeros((16,), jnp.float32)
    one16 = jnp.ones((16,), jnp.float32)
    for k in range(CH // 16):
        ones_v[pl.ds(16 * k, 16)] = one16

    def zb(i, _):
        zbuf[pl.ds(i * 16, 16)] = zero16
        return 0

    lax.fori_loop(0, 196, zb, 0)
    tpr = NP // 16
    pltpu.sync_copy(zbuf.at[pl.ds(0, tpr)], acc.at[pl.ds(s * tpr, tpr)])
    plsc.subcore_barrier()

    start = c * (ECP // 2) + s * D_CPT

    def idx_src(g):
        return dst_hbm.at[pl.ds(start + D_CPG * g, D_CPG)]

    pltpu.sync_copy(idx_src(0), dblk.at[0])
    pltpu.async_copy(idx_src(1), dblk.at[1], isem)

    def body(g, _):
        r = lax.rem(g, 3)
        rp = lax.rem(g + 2, 3)
        for i in range(D_CPG):
            pltpu.async_copy(ones_v, acc.at[dblk.at[r, i]], ssem, add=True)

        @pl.when(g > 0)
        def _():
            for i in range(D_CPG):
                pltpu.make_async_copy(ones_v, acc.at[dblk.at[rp, i]], ssem).wait()

        @pl.when(g < D_NG - 1)
        def _():
            pltpu.make_async_copy(idx_src(g + 1), dblk.at[lax.rem(g + 1, 3)],
                                  isem).wait()

        @pl.when(g < D_NG - 2)
        def _():
            pltpu.async_copy(idx_src(g + 2), dblk.at[rp], isem)

        return 0

    lax.fori_loop(0, D_NG, body, 0)
    rl = lax.rem(D_NG - 1, 3)
    for i in range(D_CPG):
        pltpu.make_async_copy(ones_v, acc.at[dblk.at[rl, i]], ssem).wait()

    plsc.subcore_barrier()
    pltpu.sync_copy(acc.at[pl.ds(s * tpr, tpr)], zbuf.at[pl.ds(0, tpr)])
    pltpu.sync_copy(zbuf.at[pl.ds(0, tpr)],
                    out_hbm.at[pl.ds(c * NP + s * tpr, tpr)])


def _agg_body(g_hbm, src_hbm, dst_hbm, out_hbm, sblk, dblk, dloc, rows, acc,
              gsem, isem):
    c = lax.axis_index("c")
    s = lax.axis_index("s")
    base = c * HALF
    zero16 = jnp.zeros((16,), jnp.float32)

    def zb(i, _):
        for k in range(H2 // 16):
            rows[0, 0, i, pl.ds(16 * k, 16)] = zero16
        return 0

    lax.fori_loop(0, CH, zb, 0)
    nchunks = ACC_ROWS // 128

    def zc(k, _):
        m = s + 16 * k

        @pl.when(m < nchunks)
        def _():
            pltpu.sync_copy(rows.at[0, 0], acc.at[pl.ds(m * 128, 128)])

        return 0

    lax.fori_loop(0, (nchunks + 15) // 16, zc, 0)
    plsc.subcore_barrier()

    start = s * A_CPT

    pltpu.sync_copy(src_hbm.at[pl.ds(start, A_CPG)], sblk.at[0])
    pltpu.sync_copy(dst_hbm.at[pl.ds(start, A_CPG)], dblk.at[0])

    def body(k, _):
        p = lax.rem(k, 2)
        q = lax.rem(k + 1, 2)

        @pl.when(k < A_NG - 1)
        def _():
            pltpu.async_copy(src_hbm.at[pl.ds(start + A_CPG * (k + 1), A_CPG)],
                             sblk.at[q], isem)
            pltpu.async_copy(dst_hbm.at[pl.ds(start + A_CPG * (k + 1), A_CPG)],
                             dblk.at[q], isem)

        cp = pltpu.async_copy(g_hbm.at[sblk.at[p, 0]], rows.at[p, 0], gsem)
        for t in range(CH // 16):
            d16 = dblk[p, 0, pl.ds(16 * t, 16)]
            m = (d16 >= base) & (d16 < base + HALF)
            dloc[p, 0, pl.ds(16 * t, 16)] = jnp.where(m, d16 - base, HALF)
        cp.wait()
        pltpu.sync_copy(rows.at[p, 0], acc.at[dloc.at[p, 0]], add=True)

        @pl.when(k < A_NG - 1)
        def _():
            pltpu.make_async_copy(
                src_hbm.at[pl.ds(start + A_CPG * (k + 1), A_CPG)],
                sblk.at[q], isem).wait()
            pltpu.make_async_copy(
                dst_hbm.at[pl.ds(start + A_CPG * (k + 1), A_CPG)],
                dblk.at[q], isem).wait()

        return 0

    lax.fori_loop(0, A_NG, body, 0)
    plsc.subcore_barrier()

    def drain(k, _):
        m = s + 16 * k

        @pl.when(m < HALF // 128)
        def _():
            pltpu.sync_copy(acc.at[pl.ds(m * 128, 128)], rows.at[0, 0])
            pltpu.sync_copy(rows.at[0, 0],
                            out_hbm.at[pl.ds(c * HALF + m * 128, 128)])

        @pl.when(m == HALF // 128)
        def _():
            pltpu.sync_copy(acc.at[pl.ds(m * 128, 64)],
                            rows.at[0, 0, pl.ds(0, 64)])
            pltpu.sync_copy(rows.at[0, 0, pl.ds(0, 64)],
                            out_hbm.at[pl.ds(c * HALF + m * 128, 64)])

        return 0

    lax.fori_loop(0, (HALF // 128 + 16) // 16, drain, 0)


_SC_MESH = plsc.VectorSubcoreMesh(core_axis_name="c", subcore_axis_name="s")
_SC_PARAMS = pltpu.CompilerParams(use_tc_tiling_on_sc=False)

_deg_call = pl.kernel(
    _deg_body,
    out_type=jax.ShapeDtypeStruct((2 * NP,), jnp.float32),
    mesh=_SC_MESH,
    scratch_types=[
        pltpu.VMEM((CH,), jnp.float32),
        pltpu.VMEM((3136,), jnp.float32),
        pltpu.VMEM((3, D_CPG, CH), jnp.int32),
        pltpu.VMEM_SHARED((NP,), jnp.float32),
        pltpu.SemaphoreType.DMA,
        pltpu.SemaphoreType.DMA,
    ],
    compiler_params=_SC_PARAMS,
)

_agg_call = pl.kernel(
    _agg_body,
    out_type=jax.ShapeDtypeStruct((NP, H2), jnp.float32),
    mesh=_SC_MESH,
    scratch_types=[
        pltpu.VMEM((2, A_CPG, CH), jnp.int32),
        pltpu.VMEM((2, A_CPG, CH), jnp.int32),
        pltpu.VMEM((2, A_CPG, CH), jnp.int32),
        pltpu.VMEM((2, A_CPG, CH, H2), jnp.float32),
        pltpu.VMEM_SHARED((ACC_ROWS, H2), jnp.float32),
        pltpu.SemaphoreType.DMA,
        pltpu.SemaphoreType.DMA,
    ],
    compiler_params=_SC_PARAMS,
)




BR = 3128
NBLK = NP // BR


def _dinv_body(d0_ref, d1_ref, o_ref):
    o_ref[...] = lax.rsqrt(d0_ref[...] + d1_ref[...] + 1.0)


def _dinv_tc(d0, d1):
    return pl.pallas_call(
        _dinv_body,
        out_shape=jax.ShapeDtypeStruct((NP // 128, 128), jnp.float32),
    )(d0, d1)


def _fused_in_body(x_ref, Wi_ref, bi_ref, W0_ref, dv_ref, h_ref, g_ref):
    h = jnp.dot(x_ref[...], Wi_ref[...],
                preferred_element_type=jnp.float32) + bi_ref[...]
    h_ref[...] = h
    g_ref[...] = dv_ref[...] * jnp.dot(h, W0_ref[...],
                                       preferred_element_type=jnp.float32)


def _fused_in_tc(xp, W_in, b_in, W0, dinvc):
    return pl.pallas_call(
        _fused_in_body,
        grid=(NBLK,),
        in_specs=[
            pl.BlockSpec((BR, D), lambda i: (i, 0)),
            pl.BlockSpec((D, H), lambda i: (0, 0)),
            pl.BlockSpec((1, H), lambda i: (0, 0)),
            pl.BlockSpec((H, H), lambda i: (0, 0)),
            pl.BlockSpec((BR, 1), lambda i: (i, 0)),
        ],
        out_specs=[
            pl.BlockSpec((BR, H), lambda i: (i, 0)),
            pl.BlockSpec((BR, H), lambda i: (i, 0)),
        ],
        out_shape=[
            jax.ShapeDtypeStruct((NP, H), jnp.float32),
            jax.ShapeDtypeStruct((NP, H), jnp.float32),
        ],
    )(xp, W_in, b_in, W0, dinvc)


def _post_body(agg_ref, g_ref, dv_ref, b_ref, t_ref, st_ref):
    i = pl.program_id(0)
    t = dv_ref[...] * (agg_ref[...] + g_ref[...]) + b_ref[...]
    t_ref[...] = t
    rows = i * BR + lax.broadcasted_iota(jnp.int32, (BR, 1), 0)
    tm = jnp.where(rows < N, t, 0.0)

    @pl.when(i == 0)
    def _():
        st_ref[...] = jnp.zeros_like(st_ref)

    st_ref[0, :] += jnp.sum(tm, axis=0)
    st_ref[1, :] += jnp.sum(tm * t, axis=0)


def _post_tc(agg, g, dinvc, b):
    return pl.pallas_call(
        _post_body,
        grid=(NBLK,),
        in_specs=[
            pl.BlockSpec((BR, H), lambda i: (i, 0)),
            pl.BlockSpec((BR, H), lambda i: (i, 0)),
            pl.BlockSpec((BR, 1), lambda i: (i, 0)),
            pl.BlockSpec((1, H), lambda i: (0, 0)),
        ],
        out_specs=[
            pl.BlockSpec((BR, H), lambda i: (i, 0)),
            pl.BlockSpec((2, H), lambda i: (0, 0)),
        ],
        out_shape=[
            jax.ShapeDtypeStruct((NP, H), jnp.float32),
            jax.ShapeDtypeStruct((2, H), jnp.float32),
        ],
    )(agg, g, dinvc, b)


def _norm_block(t, st, gw, gb, gm):
    mean = st[0:1, :] * (1.0 / N)
    var = st[1:2, :] * (1.0 / N) - mean * mean * gm * (2.0 - gm)
    rstd = lax.rsqrt(var + 1e-5)
    sub = t - mean * gm
    return jax.nn.relu(gw * sub * rstd + gb)


def _next_body(t_ref, st_ref, h_ref, dv_ref, Wn_ref, gw_ref, gb_ref, gm_ref,
               ho_ref, go_ref):
    hn = h_ref[...] + _norm_block(t_ref[...], st_ref[...], gw_ref[...],
                                  gb_ref[...], gm_ref[...])
    ho_ref[...] = hn
    go_ref[...] = dv_ref[...] * jnp.dot(hn, Wn_ref[...],
                                        preferred_element_type=jnp.float32)


def _next_tc(t, st, h, dinvc, Wn, gw, gb, gm):
    return pl.pallas_call(
        _next_body,
        grid=(NBLK,),
        in_specs=[
            pl.BlockSpec((BR, H), lambda i: (i, 0)),
            pl.BlockSpec((2, H), lambda i: (0, 0)),
            pl.BlockSpec((BR, H), lambda i: (i, 0)),
            pl.BlockSpec((BR, 1), lambda i: (i, 0)),
            pl.BlockSpec((H, H), lambda i: (0, 0)),
            pl.BlockSpec((1, H), lambda i: (0, 0)),
            pl.BlockSpec((1, H), lambda i: (0, 0)),
            pl.BlockSpec((1, H), lambda i: (0, 0)),
        ],
        out_specs=[
            pl.BlockSpec((BR, H), lambda i: (i, 0)),
            pl.BlockSpec((BR, H), lambda i: (i, 0)),
        ],
        out_shape=[
            jax.ShapeDtypeStruct((NP, H), jnp.float32),
            jax.ShapeDtypeStruct((NP, H), jnp.float32),
        ],
    )(t, st, h, dinvc, Wn, gw, gb, gm)


def _last_body(t_ref, st_ref, h_ref, gw_ref, gb_ref, gm_ref, Ws1_ref, bs1_ref,
               Ws2_ref, bs2_ref, ho_ref, hs_ref, sc_ref):
    i = pl.program_id(0)
    hn = h_ref[...] + _norm_block(t_ref[...], st_ref[...], gw_ref[...],
                                  gb_ref[...], gm_ref[...])
    ho_ref[...] = hn
    rows = i * BR + lax.broadcasted_iota(jnp.int32, (BR, 1), 0)

    @pl.when(i == 0)
    def _():
        hs_ref[...] = jnp.zeros_like(hs_ref)

    hs_ref[0, :] += jnp.sum(jnp.where(rows < N, hn, 0.0), axis=0)
    ns = jax.nn.relu(jnp.dot(hn, Ws1_ref[...],
                             preferred_element_type=jnp.float32) + bs1_ref[...])
    sc_ref[...] = jax.nn.sigmoid(
        jnp.dot(ns, Ws2_ref[...], preferred_element_type=jnp.float32)
        + bs2_ref[...])


def _last_tc(t, st, h, gw, gb, gm, Ws1, bs1, Ws2, bs2):
    return pl.pallas_call(
        _last_body,
        grid=(NBLK,),
        in_specs=[
            pl.BlockSpec((BR, H), lambda i: (i, 0)),
            pl.BlockSpec((2, H), lambda i: (0, 0)),
            pl.BlockSpec((BR, H), lambda i: (i, 0)),
            pl.BlockSpec((1, H), lambda i: (0, 0)),
            pl.BlockSpec((1, H), lambda i: (0, 0)),
            pl.BlockSpec((1, H), lambda i: (0, 0)),
            pl.BlockSpec((H, H // 2), lambda i: (0, 0)),
            pl.BlockSpec((1, H // 2), lambda i: (0, 0)),
            pl.BlockSpec((H // 2, 1), lambda i: (0, 0)),
            pl.BlockSpec((1, 1), lambda i: (0, 0)),
        ],
        out_specs=[
            pl.BlockSpec((BR, H), lambda i: (i, 0)),
            pl.BlockSpec((1, H), lambda i: (0, 0)),
            pl.BlockSpec((BR, 1), lambda i: (i, 0)),
        ],
        out_shape=[
            jax.ShapeDtypeStruct((NP, H), jnp.float32),
            jax.ShapeDtypeStruct((1, H), jnp.float32),
            jax.ShapeDtypeStruct((NP, 1), jnp.float32),
        ],
    )(t, st, h, gw, gb, gm, Ws1, bs1, Ws2, bs2)


def _heads_body(hs_ref, Wc1_ref, bc1_ref, Wc2_ref, bc2_ref, Wc3_ref, bc3_ref,
                lg_ref, pr_ref, ge_ref):
    ge = hs_ref[...] * (1.0 / N)
    ge_ref[...] = ge
    z = jax.nn.relu(jnp.dot(ge, Wc1_ref[...],
                            preferred_element_type=jnp.float32) + bc1_ref[...])
    z = jax.nn.relu(jnp.dot(z, Wc2_ref[...],
                            preferred_element_type=jnp.float32) + bc2_ref[...])
    lg = jnp.dot(z, Wc3_ref[...],
                 preferred_element_type=jnp.float32) + bc3_ref[...]
    lg_ref[...] = lg
    m = jnp.max(lg, axis=1, keepdims=True)
    e = jnp.exp(lg - m)
    pr_ref[...] = e / jnp.sum(e, axis=1, keepdims=True)


def _heads_tc(hs, Wc1, bc1, Wc2, bc2, Wc3, bc3):
    return pl.pallas_call(
        _heads_body,
        out_shape=[
            jax.ShapeDtypeStruct((1, 2), jnp.float32),
            jax.ShapeDtypeStruct((1, 2), jnp.float32),
            jax.ShapeDtypeStruct((1, H), jnp.float32),
        ],
    )(hs, Wc1, bc1, Wc2, bc2, Wc3, bc3)


def kernel(x, edge_index, batch, W_in, b_in, conv_W, conv_b, gn_w, gn_b, gn_ms,
           Wc1, bc1, Wc2, bc2, Wc3, bc3, Ws1, bs1, Ws2, bs2):
    src2 = edge_index[0].reshape(EC, CH)
    dst2 = edge_index[1].reshape(EC, CH)
    src2 = jnp.pad(src2, ((0, ECP - EC), (0, 0)))
    dst2 = jnp.pad(dst2, ((0, ECP - EC), (0, 0)), constant_values=DUMMY_DST)

    degpart = _deg_call(dst2)
    dp = degpart.reshape(2, NP // 128, 128)
    dinvc = _dinv_tc(dp[0], dp[1]).reshape(NP, 1)

    xp = jnp.pad(x, ((0, NP - N), (0, 0)))
    h, g = _fused_in_tc(xp, W_in, b_in.reshape(1, H), conv_W[0], dinvc)
    for l in range(3):
        agg = _agg_call(g, src2, dst2)
        t, st = _post_tc(agg, g, dinvc, conv_b[l].reshape(1, H))
        gw = gn_w[l].reshape(1, H)
        gb = gn_b[l].reshape(1, H)
        gm = gn_ms[l].reshape(1, H)
        if l < 2:
            h, g = _next_tc(t, st, h, dinvc, conv_W[l + 1], gw, gb, gm)
        else:
            h, hs, sc = _last_tc(t, st, h, gw, gb, gm, Ws1.reshape(H, H // 2),
                                 bs1.reshape(1, H // 2), Ws2.reshape(H // 2, 1),
                                 bs2.reshape(1, 1))
    logits, probs, graph_emb = _heads_tc(hs, Wc1, bc1.reshape(1, H),
                                         Wc2, bc2.reshape(1, H // 2),
                                         Wc3, bc3.reshape(1, 2))
    return logits, probs, graph_emb, h[:N], sc[:N, 0]

# --- scband reference (transcript-rebuilt; emitter-appended) ---
"""Pipeline reference for scband-hub-discriminator-55155970015929 (READ-ONLY COPY).

The authoritative reference and input builder live on the scoring server;
editing this copy changes nothing except your own understanding.
"""

import jax, jax.numpy as jnp
import numpy as np

N = 50000
E = 800000
D = 128
H = 64
L = 3


def setup_inputs(seed: int = 0) -> dict:
    key = jax.random.key(seed)
    ks = jax.random.split(key, 12)
    s = 0.05
    inp = {}
    inp["x"] = jax.random.normal(ks[0], (N, D), dtype=jnp.float32)
    inp["edge_index"] = jax.random.randint(ks[1], (2, E), 0, N, dtype=jnp.int32)
    inp["batch"] = jnp.zeros((N,), dtype=jnp.int32)
    inp["W_in"] = jax.random.normal(ks[2], (D, H), dtype=jnp.float32) * s
    inp["b_in"] = jnp.zeros((H,), dtype=jnp.float32)
    inp["conv_W"] = jax.random.normal(ks[3], (L, H, H), dtype=jnp.float32) * s
    inp["conv_b"] = jnp.zeros((L, H), dtype=jnp.float32)
    inp["gn_w"] = jnp.ones((L, H), dtype=jnp.float32)
    inp["gn_b"] = jnp.zeros((L, H), dtype=jnp.float32)
    inp["gn_ms"] = jnp.ones((L, H), dtype=jnp.float32)
    inp["Wc1"] = jax.random.normal(ks[4], (H, H), dtype=jnp.float32) * s
    inp["bc1"] = jnp.zeros((H,), dtype=jnp.float32)
    inp["Wc2"] = jax.random.normal(ks[5], (H, H // 2), dtype=jnp.float32) * s
    inp["bc2"] = jnp.zeros((H // 2,), dtype=jnp.float32)
    inp["Wc3"] = jax.random.normal(ks[6], (H // 2, 2), dtype=jnp.float32) * s
    inp["bc3"] = jnp.zeros((2,), dtype=jnp.float32)
    inp["Ws1"] = jax.random.normal(ks[7], (H, H // 2), dtype=jnp.float32) * s
    inp["bs1"] = jnp.zeros((H // 2,), dtype=jnp.float32)
    inp["Ws2"] = jax.random.normal(ks[8], (H // 2, 1), dtype=jnp.float32) * s
    inp["bs2"] = jnp.zeros((1,), dtype=jnp.float32)
    return inp


def _gcn_conv(x, src, dst, W, b):
    n = x.shape[0]
    loop = jnp.arange(n, dtype=src.dtype)
    s = jnp.concatenate([src, loop])
    d = jnp.concatenate([dst, loop])
    deg = jnp.zeros((n,), x.dtype).at[d].add(1.0)
    dinv = jnp.where(deg > 0, 1.0 / jnp.sqrt(deg), 0.0)
    norm = dinv[s] * dinv[d]
    h = x @ W
    out = jnp.zeros((n, W.shape[1]), x.dtype).at[d].add(h[s] * norm[:, None])
    return out + b


def _graph_norm(x, w, b, ms, batch, G):
    cnt = jax.ops.segment_sum(jnp.ones((x.shape[0],), x.dtype), batch, num_segments=G)
    mean = jax.ops.segment_sum(x, batch, num_segments=G) / cnt[:, None]
    sub = x - mean[batch] * ms
    var = jax.ops.segment_sum(sub * sub, batch, num_segments=G) / cnt[:, None]
    std = jnp.sqrt(var + 1e-5)
    return w * sub / std[batch] + b


def _forward(x, edge_index, batch, W_in, b_in, conv_W, conv_b, gn_w, gn_b, gn_ms, Wc1, bc1, Wc2, bc2, Wc3, bc3, Ws1, bs1, Ws2, bs2):
    G = 1
    src, dst = edge_index[0], edge_index[1]
    h = x @ W_in + b_in
    for i in range(L):
        t = _gcn_conv(h, src, dst, conv_W[i], conv_b[i])
        t = _graph_norm(t, gn_w[i], gn_b[i], gn_ms[i], batch, G)
        t = jax.nn.relu(t)
        # dropout is identity in eval mode
        h = h + t
    cnt = jax.ops.segment_sum(jnp.ones((h.shape[0],), h.dtype), batch, num_segments=G)
    graph_emb = jax.ops.segment_sum(h, batch, num_segments=G) / cnt[:, None]
    z = jax.nn.relu(graph_emb @ Wc1 + bc1)
    z = jax.nn.relu(z @ Wc2 + bc2)
    logits = z @ Wc3 + bc3
    probs = jax.nn.softmax(logits, axis=-1)
    ns = jax.nn.relu(h @ Ws1 + bs1)
    node_hub_scores = jax.nn.sigmoid(ns @ Ws2 + bs2)[:, 0]
    return logits, probs, graph_emb, h, node_hub_scores


def reference(x, edge_index, batch, W_in, b_in, conv_W, conv_b, gn_w, gn_b, gn_ms, Wc1, bc1, Wc2, bc2, Wc3, bc3, Ws1, bs1, Ws2, bs2):
    return _forward(x, edge_index, batch, W_in, b_in, conv_W, conv_b, gn_w, gn_b, gn_ms, Wc1, bc1, Wc2, bc2, Wc3, bc3, Ws1, bs1, Ws2, bs2)

if __name__ == "__main__":
    import jax
    _d = setup_inputs()
    print(jax.jit(kernel)(*tuple(_d.values())))

</pallas_src>

<mosaic_0001>
#map = affine_map<(d0, d1) -> (0, 0)>
module attributes {stable_mosaic.version = 14 : i64} {
  func.func @_agg_body(%arg0: i32, %arg1: i32, %arg2: memref<50048x64xf32, #tpu.memory_space<hbm>>, %arg3: memref<6400x128xi32, #tpu.memory_space<hbm>>, %arg4: memref<6400x128xi32, #tpu.memory_space<hbm>>, %arg5: memref<50048x64xf32, #tpu.memory_space<hbm>>, %arg6: memref<2x1x128xi32, #tpu.memory_space<vmem>>, %arg7: memref<2x1x128xi32, #tpu.memory_space<vmem>>, %arg8: memref<2x1x128xi32, #tpu.memory_space<vmem>>, %arg9: memref<2x1x128x64xf32, #tpu.memory_space<vmem>>, %arg10: memref<25088x64xf32, #tpu.memory_space<vmem_shared>>, %arg11: memref<!tpu.dma_semaphore, #tpu.memory_space<semaphore_mem>>, %arg12: memref<!tpu.dma_semaphore, #tpu.memory_space<semaphore_mem>>) attributes {dimension_semantics = [#tpu.dimension_semantics<core_parallel>, #tpu.dimension_semantics<subcore_parallel>], iteration_bounds = array<i64: 2, 16>, scalar_prefetch = 0 : i64, scratch_operands = 7 : i64, tpu.core_type = #tpu.core_type<sc_vector_subcore>, window_params = [{transform_indices = #map}, {transform_indices = #map}, {transform_indices = #map}, {transform_indices = #map}]} {
    %mul3A = arith.constant 25024 : i32
    %mul3A_0 = arith.muli %arg0, %mul3A : i32
    %broadcast_in_dim3A = arith.constant 0.000000e+00 : f32
    %broadcast_in_dim3A_1 = vector.broadcast %broadcast_in_dim3A : f32 to vector<16xf32>
    %scan3A = arith.constant 0 : i32
    %scan3A_2 = arith.constant 0 : i32
    %scan3A_3 = arith.constant 128 : i32
    %scan3A_4 = arith.addi %scan3A_2, %scan3A_3 : i32
    %scan3A_5 = arith.constant 1 : i32
    %scan3A_6 = scf.for %scan3A_33 = %scan3A_2 to %scan3A_4 step %scan3A_5 iter_args(%scan3A_34 = %scan3A) -> (i32)  : i32 {
      %swap3A = arith.constant 0 : i32
      %swap3A_35 = arith.constant 0 : i32
      %swap3A_36 = arith.index_cast %swap3A : i32 to index
      %swap3A_37 = arith.index_cast %swap3A_35 : i32 to index
      %swap3A_38 = arith.index_cast %scan3A_33 : i32 to index
      %swap3A_39 = arith.constant 0 : index
      %swap3A_40 = tpu.vector_load %arg9[%swap3A_36, %swap3A_37, %swap3A_38, %swap3A_39] {strides = array<i32>} : memref<2x1x128x64xf32, #tpu.memory_space<vmem>>, vector<1x1x1x16xf32>,
      %swap3A_41 = vector.shape_cast %swap3A_40 : vector<1x1x1x16xf32> to vector<16xf32>
      %swap3A_42 = vector.shape_cast %broadcast_in_dim3A_1 : vector<16xf32> to vector<1x1x1x16xf32>
      tpu.vector_store %arg9[%swap3A_36, %swap3A_37, %swap3A_38, %swap3A_39], %swap3A_42 {strides = array<i32>} : memref<2x1x128x64xf32, #tpu.memory_space<vmem>>, vector<1x1x1x16xf32>,
      %swap3A_43 = arith.constant 0 : i32
      %swap3A_44 = arith.constant 0 : i32
      %swap3A_45 = arith.index_cast %swap3A_43 : i32 to index
      %swap3A_46 = arith.index_cast %swap3A_44 : i32 to index
      %swap3A_47 = arith.index_cast %scan3A_33 : i32 to index
      %swap3A_48 = arith.constant 16 : index
      %swap3A_49 = tpu.vector_load %arg9[%swap3A_45, %swap3A_46, %swap3A_47, %swap3A_48] {strides = array<i32>} : memref<2x1x128x64xf32, #tpu.memory_space<vmem>>, vector<1x1x1x16xf32>,
      %swap3A_50 = vector.shape_cast %swap3A_49 : vector<1x1x1x16xf32> to vector<16xf32>
      %swap3A_51 = vector.shape_cast %broadcast_in_dim3A_1 : vector<16xf32> to vector<1x1x1x16xf32>
      tpu.vector_store %arg9[%swap3A_45, %swap3A_46, %swap3A_47, %swap3A_48], %swap3A_51 {strides = array<i32>} : memref<2x1x128x64xf32, #tpu.memory_space<vmem>>, vector<1x1x1x16xf32>,
      %swap3A_52 = arith.constant 0 : i32
      %swap3A_53 = arith.constant 0 : i32
      %swap3A_54 = arith.index_cast %swap3A_52 : i32 to index
      %swap3A_55 = arith.index_cast %swap3A_53 : i32 to index
      %swap3A_56 = arith.index_cast %scan3A_33 : i32 to index
      %swap3A_57 = arith.constant 32 : index
      %swap3A_58 = tpu.vector_load %arg9[%swap3A_54, %swap3A_55, %swap3A_56, %swap3A_57] {strides = array<i32>} : memref<2x1x128x64xf32, #tpu.memory_space<vmem>>, vector<1x1x1x16xf32>,
      %swap3A_59 = vector.shape_cast %swap3A_58 : vector<1x1x1x16xf32> to vector<16xf32>
      %swap3A_60 = vector.shape_cast %broadcast_in_dim3A_1 : vector<16xf32> to vector<1x1x1x16xf32>
      tpu.vector_store %arg9[%swap3A_54, %swap3A_55, %swap3A_56, %swap3A_57], %swap3A_60 {strides = array<i32>} : memref<2x1x128x64xf32, #tpu.memory_space<vmem>>, vector<1x1x1x16xf32>,
      %swap3A_61 = arith.constant 0 : i32
      %swap3A_62 = arith.constant 0 : i32
      %swap3A_63 = arith.index_cast %swap3A_61 : i32 to index
      %swap3A_64 = arith.index_cast %swap3A_62 : i32 to index
      %swap3A_65 = arith.index_cast %scan3A_33 : i32 to index
      %swap3A_66 = arith.constant 48 : index
      %swap3A_67 = tpu.vector_load %arg9[%swap3A_63, %swap3A_64, %swap3A_65, %swap3A_66] {strides = array<i32>} : memref<2x1x128x64xf32, #tpu.memory_space<vmem>>, vector<1x1x1x16xf32>,
      %swap3A_68 = vector.shape_cast %swap3A_67 : vector<1x1x1x16xf32> to vector<16xf32>
      %swap3A_69 = vector.shape_cast %broadcast_in_dim3A_1 : vector<16xf32> to vector<1x1x1x16xf32>
      tpu.vector_store %arg9[%swap3A_63, %swap3A_64, %swap3A_65, %swap3A_66], %swap3A_69 {strides = array<i32>} : memref<2x1x128x64xf32, #tpu.memory_space<vmem>>, vector<1x1x1x16xf32>,
      %scan3A_70 = arith.constant 0 : i32
      scf.yield %scan3A_70 : i32
    }
    %scan3A_7 = arith.constant 128 : i32
    %scan3A_8 = arith.constant 0 : i32
    %scan3A_9 = arith.constant 0 : i32
    %scan3A_10 = arith.constant 13 : i32
    %scan3A_11 = arith.addi %scan3A_9, %scan3A_10 : i32
    %scan3A_12 = arith.constant 1 : i32
    %scan3A_13 = scf.for %scan3A_33 = %scan3A_9 to %scan3A_11 step %scan3A_12 iter_args(%scan3A_34 = %scan3A_8) -> (i32)  : i32 {
      %mul3A_35 = arith.constant 16 : i32
      %mul3A_36 = arith.muli %mul3A_35, %scan3A_33 : i32
      %add3A = arith.addi %arg1, %mul3A_36 : i32
      %lt3A = arith.constant 196 : i32
      %lt3A_37 = arith.cmpi slt, %add3A, %lt3A : i32
      %convert_element_type3A = arith.extui %lt3A_37 : i1 to i32
      %cond3A = arith.constant 0 : i32
      %cond3A_38 = arith.cmpi ne, %convert_element_type3A, %cond3A : i32
      scf.if %cond3A_38 {
        %mul3A_40 = arith.constant 128 : i32
        %mul3A_41 = arith.muli %add3A, %mul3A_40 : i32
        %run_scoped3A_42 = arith.constant 0 : i32
        %run_scoped3A_43 = arith.constant 0 : i32
        "tpu.region"() ({
          %run_scoped3A_44 = tpu.sem_alloc : memref<!tpu.dma_semaphore, #tpu.memory_space<semaphore_mem>>
          %dma_start3A = arith.constant 0 : i32
          %dma_start3A_45 = arith.constant 0 : i32
          %dma_start3A_46 = tpu.memref_slice %arg9[%run_scoped3A_42, %run_scoped3A_43, %dma_start3A, %dma_start3A_45] : memref<2x1x128x64xf32, #tpu.memory_space<vmem>> -> memref<1x1x128x64xf32, #tpu.memory_space<vmem>>
          %dma_start3A_47 = tpu.memref_squeeze %dma_start3A_46 : memref<1x1x128x64xf32, #tpu.memory_space<vmem>> -> memref<128x64xf32, #tpu.memory_space<vmem>>
          %dma_start3A_48 = arith.constant 0 : i32
          %dma_start3A_49 = tpu.memref_slice %arg10[%mul3A_41, %dma_start3A_48] : memref<25088x64xf32, #tpu.memory_space<vmem_shared>> -> memref<128x64xf32, #tpu.memory_space<vmem_shared>>
          %dma_start3A_50 = arith.constant 0 : i32
          %dma_start3A_51 = tpu.memref_slice %arg10[%mul3A_41, %dma_start3A_50] : memref<25088x64xf32, #tpu.memory_space<vmem_shared>> -> memref<128x64xf32, #tpu.memory_space<vmem_shared>>
          %dma_start3A_52 = arith.constant 0 : i32
          %dma_start3A_53 = arith.constant 0 : i32
          %dma_start3A_54 = tpu.memref_slice %arg9[%run_scoped3A_42, %run_scoped3A_43, %dma_start3A_52, %dma_start3A_53] : memref<2x1x128x64xf32, #tpu.memory_space<vmem>> -> memref<1x1x128x64xf32, #tpu.memory_space<vmem>>
          %dma_start3A_55 = tpu.memref_squeeze %dma_start3A_54 : memref<1x1x128x64xf32, #tpu.memory_space<vmem>> -> memref<128x64xf32, #tpu.memory_space<vmem>>
          tpu.enqueue_dma source(%dma_start3A_55 : memref<128x64xf32, #tpu.memory_space<vmem>>) target(%dma_start3A_51 : memref<128x64xf32, #tpu.memory_space<vmem_shared>>) target_semaphore(%run_scoped3A_44 : memref<!tpu.dma_semaphore, #tpu.memory_space<semaphore_mem>>)
          %dma_wait3A = arith.constant 0 : i32
          %dma_wait3A_56 = arith.constant 0 : i32
          %dma_wait3A_57 = tpu.memref_slice %arg9[%run_scoped3A_42, %run_scoped3A_43, %dma_wait3A, %dma_wait3A_56] : memref<2x1x128x64xf32, #tpu.memory_space<vmem>> -> memref<1x1x128x64xf32, #tpu.memory_space<vmem>>
          %dma_wait3A_58 = tpu.memref_squeeze %dma_wait3A_57 : memref<1x1x128x64xf32, #tpu.memory_space<vmem>> -> memref<128x64xf32, #tpu.memory_space<vmem>>
          %dma_wait3A_59 = arith.constant 0 : i32
          %dma_wait3A_60 = tpu.memref_slice %arg10[%mul3A_41, %dma_wait3A_59] : memref<25088x64xf32, #tpu.memory_space<vmem_shared>> -> memref<128x64xf32, #tpu.memory_space<vmem_shared>>
          %dma_wait3A_61 = arith.constant 0 : i32
          %dma_wait3A_62 = tpu.memref_slice %arg10[%mul3A_41, %dma_wait3A_61] : memref<25088x64xf32, #tpu.memory_space<vmem_shared>> -> memref<128x64xf32, #tpu.memory_space<vmem_shared>>
          %dma_wait3A_63 = arith.constant 0 : i32
          %dma_wait3A_64 = arith.constant 0 : i32
          %dma_wait3A_65 = tpu.memref_slice %arg9[%run_scoped3A_42, %run_scoped3A_43, %dma_wait3A_63, %dma_wait3A_64] : memref<2x1x128x64xf32, #tpu.memory_space<vmem>> -> memref<1x1x128x64xf32, #tpu.memory_space<vmem>>
          %dma_wait3A_66 = tpu.memref_squeeze %dma_wait3A_65 : memref<1x1x128x64xf32, #tpu.memory_space<vmem>> -> memref<128x64xf32, #tpu.memory_space<vmem>>
          tpu.wait_dma2 semaphore(%run_scoped3A_44 : memref<!tpu.dma_semaphore, #tpu.memory_space<semaphore_mem>>) src(%dma_wait3A_66 : memref<128x64xf32, #tpu.memory_space<vmem>>) dst(%dma_wait3A_62 : memref<128x64xf32, #tpu.memory_space<vmem_shared>>)
          tpu.yield
        }) : () -> ()
      } else {
      }
      %scan3A_39 = arith.constant 0 : i32
      scf.yield %scan3A_39 : i32
    }
    %scan3A_14 = arith.constant 13 : i32
    %barrier3A = arith.constant 0 : index
    tpu.barrier barrier_id(%barrier3A)
    %mul3A_15 = arith.constant 400 : i32
    %mul3A_16 = arith.muli %arg1, %mul3A_15 : i32
    %run_scoped3A = arith.constant 0 : i32
    "tpu.region"() ({
      %run_scoped3A_33 = tpu.sem_alloc : memref<!tpu.dma_semaphore, #tpu.memory_space<semaphore_mem>>
      %dma_start3A = arith.constant 0 : i32
      %dma_start3A_34 = arith.constant 0 : i32
      %dma_start3A_35 = tpu.memref_slice %arg6[%run_scoped3A, %dma_start3A, %dma_start3A_34] : memref<2x1x128xi32, #tpu.memory_space<vmem>> -> memref<1x1x128xi32, #tpu.memory_space<vmem>>
      %dma_start3A_36 = tpu.memref_squeeze %dma_start3A_35 : memref<1x1x128xi32, #tpu.memory_space<vmem>> -> memref<1x128xi32, #tpu.memory_space<vmem>>
      %dma_start3A_37 = arith.constant 0 : i32
      %dma_start3A_38 = tpu.memref_slice %arg3[%mul3A_16, %dma_start3A_37] : memref<6400x128xi32, #tpu.memory_space<hbm>> -> memref<1x128xi32, #tpu.memory_space<hbm>>
      %dma_start3A_39 = arith.constant 0 : i32
      %dma_start3A_40 = arith.constant 0 : i32
      %dma_start3A_41 = tpu.memref_slice %arg6[%run_scoped3A, %dma_start3A_39, %dma_start3A_40] : memref<2x1x128xi32, #tpu.memory_space<vmem>> -> memref<1x1x128xi32, #tpu.memory_space<vmem>>
      %dma_start3A_42 = tpu.memref_squeeze %dma_start3A_41 : memref<1x1x128xi32, #tpu.memory_space<vmem>> -> memref<1x128xi32, #tpu.memory_space<vmem>>
      %dma_start3A_43 = arith.constant 0 : i32
      %dma_start3A_44 = tpu.memref_slice %arg3[%mul3A_16, %dma_start3A_43] : memref<6400x128xi32, #tpu.memory_space<hbm>> -> memref<1x128xi32, #tpu.memory_space<hbm>>
      tpu.enqueue_dma source(%dma_start3A_44 : memref<1x128xi32, #tpu.memory_space<hbm>>) target(%dma_start3A_42 : memref<1x128xi32, #tpu.memory_space<vmem>>) target_semaphore(%run_scoped3A_33 : memref<!tpu.dma_semaphore, #tpu.memory_space<semaphore_mem>>)
      %dma_wait3A = arith.constant 0 : i32
      %dma_wait3A_45 = arith.constant 0 : i32
      %dma_wait3A_46 = tpu.memref_slice %arg6[%run_scoped3A, %dma_wait3A, %dma_wait3A_45] : memref<2x1x128xi32, #tpu.memory_space<vmem>> -> memref<1x1x128xi32, #tpu.memory_space<vmem>>
      %dma_wait3A_47 = tpu.memref_squeeze %dma_wait3A_46 : memref<1x1x128xi32, #tpu.memory_space<vmem>> -> memref<1x128xi32, #tpu.memory_space<vmem>>
      %dma_wait3A_48 = arith.constant 0 : i32
      %dma_wait3A_49 = tpu.memref_slice %arg3[%mul3A_16, %dma_wait3A_48] : memref<6400x128xi32, #tpu.memory_space<hbm>> -> memref<1x128xi32, #tpu.memory_space<hbm>>
      %dma_wait3A_50 = arith.constant 0 : i32
      %dma_wait3A_51 = arith.constant 0 : i32
      %dma_wait3A_52 = tpu.memref_slice %arg6[%run_scoped3A, %dma_wait3A_50, %dma_wait3A_51] : memref<2x1x128xi32, #tpu.memory_space<vmem>> -> memref<1x1x128xi32, #tpu.memory_space<vmem>>
      %dma_wait3A_53 = tpu.memref_squeeze %dma_wait3A_52 : memref<1x1x128xi32, #tpu.memory_space<vmem>> -> memref<1x128xi32, #tpu.memory_space<vmem>>
      %dma_wait3A_54 = arith.constant 0 : i32
      %dma_wait3A_55 = tpu.memref_slice %arg3[%mul3A_16, %dma_wait3A_54] : memref<6400x128xi32, #tpu.memory_space<hbm>> -> memref<1x128xi32, #tpu.memory_space<hbm>>
      tpu.wait_dma2 semaphore(%run_scoped3A_33 : memref<!tpu.dma_semaphore, #tpu.memory_space<semaphore_mem>>) src(%dma_wait3A_55 : memref<1x128xi32, #tpu.memory_space<hbm>>) dst(%dma_wait3A_53 : memref<1x128xi32, #tpu.memory_space<vmem>>)
      tpu.yield
    }) : () -> ()
    %run_scoped3A_17 = arith.constant 0 : i32
    "tpu.region"() ({
      %run_scoped3A_33 = tpu.sem_alloc : memref<!tpu.dma_semaphore, #tpu.memory_space<semaphore_mem>>
      %dma_start3A = arith.constant 0 : i32
      %dma_start3A_34 = arith.constant 0 : i32
      %dma_start3A_35 = tpu.memref_slice %arg7[%run_scoped3A_17, %dma_start3A, %dma_start3A_34] : memref<2x1x128xi32, #tpu.memory_space<vmem>> -> memref<1x1x128xi32, #tpu.memory_space<vmem>>
      %dma_start3A_36 = tpu.memref_squeeze %dma_start3A_35 : memref<1x1x128xi32, #tpu.memory_space<vmem>> -> memref<1x128xi32, #tpu.memory_space<vmem>>
      %dma_start3A_37 = arith.constant 0 : i32
      %dma_start3A_38 = tpu.memref_slice %arg4[%mul3A_16, %dma_start3A_37] : memref<6400x128xi32, #tpu.memory_space<hbm>> -> memref<1x128xi32, #tpu.memory_space<hbm>>
      %dma_start3A_39 = arith.constant 0 : i32
      %dma_start3A_40 = arith.constant 0 : i32
      %dma_start3A_41 = tpu.memref_slice %arg7[%run_scoped3A_17, %dma_start3A_39, %dma_start3A_40] : memref<2x1x128xi32, #tpu.memory_space<vmem>> -> memref<1x1x128xi32, #tpu.memory_space<vmem>>
      %dma_start3A_42 = tpu.memref_squeeze %dma_start3A_41 : memref<1x1x128xi32, #tpu.memory_space<vmem>> -> memref<1x128xi32, #tpu.memory_space<vmem>>
      %dma_start3A_43 = arith.constant 0 : i32
      %dma_start3A_44 = tpu.memref_slice %arg4[%mul3A_16, %dma_start3A_43] : memref<6400x128xi32, #tpu.memory_space<hbm>> -> memref<1x128xi32, #tpu.memory_space<hbm>>
      tpu.enqueue_dma source(%dma_start3A_44 : memref<1x128xi32, #tpu.memory_space<hbm>>) target(%dma_start3A_42 : memref<1x128xi32, #tpu.memory_space<vmem>>) target_semaphore(%run_scoped3A_33 : memref<!tpu.dma_semaphore, #tpu.memory_space<semaphore_mem>>)
      %dma_wait3A = arith.constant 0 : i32
      %dma_wait3A_45 = arith.constant 0 : i32
      %dma_wait3A_46 = tpu.memref_slice %arg7[%run_scoped3A_17, %dma_wait3A, %dma_wait3A_45] : memref<2x1x128xi32, #tpu.memory_space<vmem>> -> memref<1x1x128xi32, #tpu.memory_space<vmem>>
      %dma_wait3A_47 = tpu.memref_squeeze %dma_wait3A_46 : memref<1x1x128xi32, #tpu.memory_space<vmem>> -> memref<1x128xi32, #tpu.memory_space<vmem>>
      %dma_wait3A_48 = arith.constant 0 : i32
      %dma_wait3A_49 = tpu.memref_slice %arg4[%mul3A_16, %dma_wait3A_48] : memref<6400x128xi32, #tpu.memory_space<hbm>> -> memref<1x128xi32, #tpu.memory_space<hbm>>
      %dma_wait3A_50 = arith.constant 0 : i32
      %dma_wait3A_51 = arith.constant 0 : i32
      %dma_wait3A_52 = tpu.memref_slice %arg7[%run_scoped3A_17, %dma_wait3A_50, %dma_wait3A_51] : memref<2x1x128xi32, #tpu.memory_space<vmem>> -> memref<1x1x128xi32, #tpu.memory_space<vmem>>
      %dma_wait3A_53 = tpu.memref_squeeze %dma_wait3A_52 : memref<1x1x128xi32, #tpu.memory_space<vmem>> -> memref<1x128xi32, #tpu.memory_space<vmem>>
      %dma_wait3A_54 = arith.constant 0 : i32
      %dma_wait3A_55 = tpu.memref_slice %arg4[%mul3A_16, %dma_wait3A_54] : memref<6400x128xi32, #tpu.memory_space<hbm>> -> memref<1x128xi32, #tpu.memory_space<hbm>>
      tpu.wait_dma2 semaphore(%run_scoped3A_33 : memref<!tpu.dma_semaphore, #tpu.memory_space<semaphore_mem>>) src(%dma_wait3A_55 : memref<1x128xi32, #tpu.memory_space<hbm>>) dst(%dma_wait3A_53 : memref<1x128xi32, #tpu.memory_space<vmem>>)
      tpu.yield
    }) : () -> ()
    %scan3A_18 = arith.constant 0 : i32
    %scan3A_19 = arith.constant 0 : i32
    %scan3A_20 = arith.constant 400 : i32
    %scan3A_21 = arith.addi %scan3A_19, %scan3A_20 : i32
    %scan3A_22 = arith.constant 1 : i32
    %scan3A_23 = scf.for %scan3A_33 = %scan3A_19 to %scan3A_21 step %scan3A_22 iter_args(%scan3A_34 = %scan3A_18) -> (i32)  : i32 {
      %rem3A = arith.constant 2 : i32
      %rem3A_35 = arith.remsi %scan3A_33, %rem3A : i32
      %add3A = arith.constant 1 : i32
      %add3A_36 = arith.addi %scan3A_33, %add3A : i32
      %rem3A_37 = arith.constant 2 : i32
      %rem3A_38 = arith.remsi %add3A_36, %rem3A_37 : i32
      %lt3A = arith.constant 399 : i32
      %lt3A_39 = arith.cmpi slt, %scan3A_33, %lt3A : i32
      %convert_element_type3A = arith.extui %lt3A_39 : i1 to i32
      %cond3A = arith.constant 0 : i32
      %cond3A_40 = arith.cmpi ne, %convert_element_type3A, %cond3A : i32
      scf.if %cond3A_40 {
        %add3A_264 = arith.constant 1 : i32
        %add3A_265 = arith.addi %scan3A_33, %add3A_264 : i32
        %mul3A_266 = arith.constant 1 : i32
        %mul3A_267 = arith.muli %mul3A_266, %add3A_265 : i32
        %add3A_268 = arith.addi %mul3A_16, %mul3A_267 : i32
        %dma_start3A_269 = arith.constant 0 : i32
        %dma_start3A_270 = arith.constant 0 : i32
        %dma_start3A_271 = tpu.memref_slice %arg6[%rem3A_38, %dma_start3A_269, %dma_start3A_270] : memref<2x1x128xi32, #tpu.memory_space<vmem>> -> memref<1x1x128xi32, #tpu.memory_space<vmem>>
        %dma_start3A_272 = tpu.memref_squeeze %dma_start3A_271 : memref<1x1x128xi32, #tpu.memory_space<vmem>> -> memref<1x128xi32, #tpu.memory_space<vmem>>
        %dma_start3A_273 = arith.constant 0 : i32
        %dma_start3A_274 = tpu.memref_slice %arg3[%add3A_268, %dma_start3A_273] : memref<6400x128xi32, #tpu.memory_space<hbm>> -> memref<1x128xi32, #tpu.memory_space<hbm>>
        %dma_start3A_275 = arith.constant 0 : i32
        %dma_start3A_276 = arith.constant 0 : i32
        %dma_start3A_277 = tpu.memref_slice %arg6[%rem3A_38, %dma_start3A_275, %dma_start3A_276] : memref<2x1x128xi32, #tpu.memory_space<vmem>> -> memref<1x1x128xi32, #tpu.memory_space<vmem>>
        %dma_start3A_278 = tpu.memref_squeeze %dma_start3A_277 : memref<1x1x128xi32, #tpu.memory_space<vmem>> -> memref<1x128xi32, #tpu.memory_space<vmem>>
        %dma_start3A_279 = arith.constant 0 : i32
        %dma_start3A_280 = tpu.memref_slice %arg3[%add3A_268, %dma_start3A_279] : memref<6400x128xi32, #tpu.memory_space<hbm>> -> memref<1x128xi32, #tpu.memory_space<hbm>>
        tpu.enqueue_dma source(%dma_start3A_280 : memref<1x128xi32, #tpu.memory_space<hbm>>) target(%dma_start3A_278 : memref<1x128xi32, #tpu.memory_space<vmem>>) target_semaphore(%arg12 : memref<!tpu.dma_semaphore, #tpu.memory_space<semaphore_mem>>)
        %add3A_281 = arith.constant 1 : i32
        %add3A_282 = arith.addi %scan3A_33, %add3A_281 : i32
        %mul3A_283 = arith.constant 1 : i32
        %mul3A_284 = arith.muli %mul3A_283, %add3A_282 : i32
        %add3A_285 = arith.addi %mul3A_16, %mul3A_284 : i32
        %dma_start3A_286 = arith.constant 0 : i32
        %dma_start3A_287 = arith.constant 0 : i32
        %dma_start3A_288 = tpu.memref_slice %arg7[%rem3A_38, %dma_start3A_286, %dma_start3A_287] : memref<2x1x128xi32, #tpu.memory_space<vmem>> -> memref<1x1x128xi32, #tpu.memory_space<vmem>>
        %dma_start3A_289 = tpu.memref_squeeze %dma_start3A_288 : memref<1x1x128xi32, #tpu.memory_space<vmem>> -> memref<1x128xi32, #tpu.memory_space<vmem>>
        %dma_start3A_290 = arith.constant 0 : i32
        %dma_start3A_291 = tpu.memref_slice %arg4[%add3A_285, %dma_start3A_290] : memref<6400x128xi32, #tpu.memory_space<hbm>> -> memref<1x128xi32, #tpu.memory_space<hbm>>
        %dma_start3A_292 = arith.constant 0 : i32
        %dma_start3A_293 = arith.constant 0 : i32
        %dma_start3A_294 = tpu.memref_slice %arg7[%rem3A_38, %dma_start3A_292, %dma_start3A_293] : memref<2x1x128xi32, #tpu.memory_space<vmem>> -> memref<1x1x128xi32, #tpu.memory_space<vmem>>
        %dma_start3A_295 = tpu.memref_squeeze %dma_start3A_294 : memref<1x1x128xi32, #tpu.memory_space<vmem>> -> memref<1x128xi32, #tpu.memory_space<vmem>>
        %dma_start3A_296 = arith.constant 0 : i32
        %dma_start3A_297 = tpu.memref_slice %arg4[%add3A_285, %dma_start3A_296] : memref<6400x128xi32, #tpu.memory_space<hbm>> -> memref<1x128xi32, #tpu.memory_space<hbm>>
        tpu.enqueue_dma source(%dma_start3A_297 : memref<1x128xi32, #tpu.memory_space<hbm>>) target(%dma_start3A_295 : memref<1x128xi32, #tpu.memory_space<vmem>>) target_semaphore(%arg12 : memref<!tpu.dma_semaphore, #tpu.memory_space<semaphore_mem>>)
      } else {
      }
      %dma_start3A = arith.constant 0 : i32
      %dma_start3A_41 = arith.constant 0 : i32
      %dma_start3A_42 = arith.constant 0 : i32
      %dma_start3A_43 = arith.constant 0 : i32
      %dma_start3A_44 = tpu.memref_slice %arg9[%rem3A_35, %dma_start3A_41, %dma_start3A_42, %dma_start3A_43] : memref<2x1x128x64xf32, #tpu.memory_space<vmem>> -> memref<1x1x128x64xf32, #tpu.memory_space<vmem>>
      %dma_start3A_45 = tpu.memref_squeeze %dma_start3A_44 : memref<1x1x128x64xf32, #tpu.memory_space<vmem>> -> memref<128x64xf32, #tpu.memory_space<vmem>>
      %dma_start3A_46 = arith.constant 0 : i32
      %dma_start3A_47 = tpu.memref_slice %arg6[%rem3A_35, %dma_start3A, %dma_start3A_46] : memref<2x1x128xi32, #tpu.memory_space<vmem>> -> memref<1x1x128xi32, #tpu.memory_space<vmem>>
      %dma_start3A_48 = tpu.memref_squeeze %dma_start3A_47 : memref<1x1x128xi32, #tpu.memory_space<vmem>> -> memref<128xi32, #tpu.memory_space<vmem>>
      %dma_start3A_49 = arith.constant 0 : i32
      %dma_start3A_50 = arith.constant 0 : i32
      %dma_start3A_51 = tpu.memref_slice %arg2[%dma_start3A_49, %dma_start3A_50] : memref<50048x64xf32, #tpu.memory_space<hbm>> -> memref<50048x64xf32, #tpu.memory_space<hbm>>
      tpu.enqueue_indirect_dma source(%dma_start3A_51 : memref<50048x64xf32, #tpu.memory_space<hbm>>) target(%dma_start3A_45 : memref<128x64xf32, #tpu.memory_space<vmem>>) offsets(%dma_start3A_48 : memref<128xi32, #tpu.memory_space<vmem>>) semaphore(%arg11 : memref<!tpu.dma_semaphore, #tpu.memory_space<semaphore_mem>>)
      %get3A = arith.constant 0 : i32
      %get3A_52 = arith.index_cast %rem3A_35 : i32 to index
      %get3A_53 = arith.index_cast %get3A : i32 to index
      %get3A_54 = arith.constant 0 : index
      %get3A_55 = tpu.vector_load %arg7[%get3A_52, %get3A_53, %get3A_54] {strides = array<i32>} : memref<2x1x128xi32, #tpu.memory_space<vmem>>, vector<1x1x16xi32>,
      %get3A_56 = vector.shape_cast %get3A_55 : vector<1x1x16xi32> to vector<16xi32>
      %ge3A = vector.broadcast %mul3A_0 : i32 to vector<16xi32>
      %ge3A_57 = arith.cmpi sge, %get3A_56, %ge3A : vector<16xi32>
      %add3A_58 = arith.constant 25024 : i32
      %add3A_59 = arith.addi %mul3A_0, %add3A_58 : i32
      %lt3A_60 = vector.broadcast %add3A_59 : i32 to vector<16xi32>
      %lt3A_61 = arith.cmpi slt, %get3A_56, %lt3A_60 : vector<16xi32>
      %and3A = arith.andi %ge3A_57, %lt3A_61 : vector<16xi1>
      %sub3A = vector.broadcast %mul3A_0 : i32 to vector<16xi32>
      %sub3A_62 = arith.subi %get3A_56, %sub3A : vector<16xi32>
      %jit3A = arith.constant 25024 : i32
      %broadcast_in_dim3A_63 = vector.broadcast %jit3A : i32 to vector<16xi32>
      %select_n3A = arith.select %and3A, %sub3A_62, %broadcast_in_dim3A_63 : vector<16xi1>, vector<16xi32>
      %swap3A = arith.constant 0 : i32
      %swap3A_64 = arith.index_cast %rem3A_35 : i32 to index
      %swap3A_65 = arith.index_cast %swap3A : i32 to index
      %swap3A_66 = arith.constant 0 : index
      %swap3A_67 = tpu.vector_load %arg8[%swap3A_64, %swap3A_65, %swap3A_66] {strides = array<i32>} : memref<2x1x128xi32, #tpu.memory_space<vmem>>, vector<1x1x16xi32>,
      %swap3A_68 = vector.shape_cast %swap3A_67 : vector<1x1x16xi32> to vector<16xi32>
      %swap3A_69 = vector.shape_cast %select_n3A : vector<16xi32> to vector<1x1x16xi32>
      tpu.vector_store %arg8[%swap3A_64, %swap3A_65, %swap3A_66], %swap3A_69 {strides = array<i32>} : memref<2x1x128xi32, #tpu.memory_space<vmem>>, vector<1x1x16xi32>,
      %get3A_70 = arith.constant 0 : i32
      %get3A_71 = arith.index_cast %rem3A_35 : i32 to index
      %get3A_72 = arith.index_cast %get3A_70 : i32 to index
      %get3A_73 = arith.constant 16 : index
      %get3A_74 = tpu.vector_load %arg7[%get3A_71, %get3A_72, %get3A_73] {strides = array<i32>} : memref<2x1x128xi32, #tpu.memory_space<vmem>>, vector<1x1x16xi32>,
      %get3A_75 = vector.shape_cast %get3A_74 : vector<1x1x16xi32> to vector<16xi32>
      %ge3A_76 = vector.broadcast %mul3A_0 : i32 to vector<16xi32>
      %ge3A_77 = arith.cmpi sge, %get3A_75, %ge3A_76 : vector<16xi32>
      %add3A_78 = arith.constant 25024 : i32
      %add3A_79 = arith.addi %mul3A_0, %add3A_78 : i32
      %lt3A_80 = vector.broadcast %add3A_79 : i32 to vector<16xi32>
      %lt3A_81 = arith.cmpi slt, %get3A_75, %lt3A_80 : vector<16xi32>
      %and3A_82 = arith.andi %ge3A_77, %lt3A_81 : vector<16xi1>
      %sub3A_83 = vector.broadcast %mul3A_0 : i32 to vector<16xi32>
      %sub3A_84 = arith.subi %get3A_75, %sub3A_83 : vector<16xi32>
      %jit3A_85 = arith.constant 25024 : i32
      %broadcast_in_dim3A_86 = vector.broadcast %jit3A_85 : i32 to vector<16xi32>
      %select_n3A_87 = arith.select %and3A_82, %sub3A_84, %broadcast_in_dim3A_86 : vector<16xi1>, vector<16xi32>
      %swap3A_88 = arith.constant 0 : i32
      %swap3A_89 = arith.index_cast %rem3A_35 : i32 to index
      %swap3A_90 = arith.index_cast %swap3A_88 : i32 to index
      %swap3A_91 = arith.constant 16 : index
      %swap3A_92 = tpu.vector_load %arg8[%swap3A_89, %swap3A_90, %swap3A_91] {strides = array<i32>} : memref<2x1x128xi32, #tpu.memory_space<vmem>>, vector<1x1x16xi32>,
      %swap3A_93 = vector.shape_cast %swap3A_92 : vector<1x1x16xi32> to vector<16xi32>
      %swap3A_94 = vector.shape_cast %select_n3A_87 : vector<16xi32> to vector<1x1x16xi32>
      tpu.vector_store %arg8[%swap3A_89, %swap3A_90, %swap3A_91], %swap3A_94 {strides = array<i32>} : memref<2x1x128xi32, #tpu.memory_space<vmem>>, vector<1x1x16xi32>,
      %get3A_95 = arith.constant 0 : i32
      %get3A_96 = arith.index_cast %rem3A_35 : i32 to index
      %get3A_97 = arith.index_cast %get3A_95 : i32 to index
      %get3A_98 = arith.constant 32 : index
      %get3A_99 = tpu.vector_load %arg7[%get3A_96, %get3A_97, %get3A_98] {strides = array<i32>} : memref<2x1x128xi32, #tpu.memory_space<vmem>>, vector<1x1x16xi32>,
      %get3A_100 = vector.shape_cast %get3A_99 : vector<1x1x16xi32> to vector<16xi32>
      %ge3A_101 = vector.broadcast %mul3A_0 : i32 to vector<16xi32>
      %ge3A_102 = arith.cmpi sge, %get3A_100, %ge3A_101 : vector<16xi32>
      %add3A_103 = arith.constant 25024 : i32
      %add3A_104 = arith.addi %mul3A_0, %add3A_103 : i32
      %lt3A_105 = vector.broadcast %add3A_104 : i32 to vector<16xi32>
      %lt3A_106 = arith.cmpi slt, %get3A_100, %lt3A_105 : vector<16xi32>
      %and3A_107 = arith.andi %ge3A_102, %lt3A_106 : vector<16xi1>
      %sub3A_108 = vector.broadcast %mul3A_0 : i32 to vector<16xi32>
      %sub3A_109 = arith.subi %get3A_100, %sub3A_108 : vector<16xi32>
      %jit3A_110 = arith.constant 25024 : i32
      %broadcast_in_dim3A_111 = vector.broadcast %jit3A_110 : i32 to vector<16xi32>
      %select_n3A_112 = arith.select %and3A_107, %sub3A_109, %broadcast_in_dim3A_111 : vector<16xi1>, vector<16xi32>
      %swap3A_113 = arith.constant 0 : i32
      %swap3A_114 = arith.index_cast %rem3A_35 : i32 to index
      %swap3A_115 = arith.index_cast %swap3A_113 : i32 to index
      %swap3A_116 = arith.constant 32 : index
      %swap3A_117 = tpu.vector_load %arg8[%swap3A_114, %swap3A_115, %swap3A_116] {strides = array<i32>} : memref<2x1x128xi32, #tpu.memory_space<vmem>>, vector<1x1x16xi32>,
      %swap3A_118 = vector.shape_cast %swap3A_117 : vector<1x1x16xi32> to vector<16xi32>
      %swap3A_119 = vector.shape_cast %select_n3A_112 : vector<16xi32> to vector<1x1x16xi32>
      tpu.vector_store %arg8[%swap3A_114, %swap3A_115, %swap3A_116], %swap3A_119 {strides = array<i32>} : memref<2x1x128xi32, #tpu.memory_space<vmem>>, vector<1x1x16xi32>,
      %get3A_120 = arith.constant 0 : i32
      %get3A_121 = arith.index_cast %rem3A_35 : i32 to index
      %get3A_122 = arith.index_cast %get3A_120 : i32 to index
      %get3A_123 = arith.constant 48 : index
      %get3A_124 = tpu.vector_load %arg7[%get3A_121, %get3A_122, %get3A_123] {strides = array<i32>} : memref<2x1x128xi32, #tpu.memory_space<vmem>>, vector<1x1x16xi32>,
      %get3A_125 = vector.shape_cast %get3A_124 : vector<1x1x16xi32> to vector<16xi32>
      %ge3A_126 = vector.broadcast %mul3A_0 : i32 to vector<16xi32>
      %ge3A_127 = arith.cmpi sge, %get3A_125, %ge3A_126 : vector<16xi32>
      %add3A_128 = arith.constant 25024 : i32
      %add3A_129 = arith.addi %mul3A_0, %add3A_128 : i32
      %lt3A_130 = vector.broadcast %add3A_129 : i32 to vector<16xi32>
      %lt3A_131 = arith.cmpi slt, %get3A_125, %lt3A_130 : vector<16xi32>
      %and3A_132 = arith.andi %ge3A_127, %lt3A_131 : vector<16xi1>
      %sub3A_133 = vector.broadcast %mul3A_0 : i32 to vector<16xi32>
      %sub3A_134 = arith.subi %get3A_125, %sub3A_133 : vector<16xi32>
      %jit3A_135 = arith.constant 25024 : i32
      %broadcast_in_dim3A_136 = vector.broadcast %jit3A_135 : i32 to vector<16xi32>
      %select_n3A_137 = arith.select %and3A_132, %sub3A_134, %broadcast_in_dim3A_136 : vector<16xi1>, vector<16xi32>
      %swap3A_138 = arith.constant 0 : i32
      %swap3A_139 = arith.index_cast %rem3A_35 : i32 to index
      %swap3A_140 = arith.index_cast %swap3A_138 : i32 to index
      %swap3A_141 = arith.constant 48 : index
      %swap3A_142 = tpu.vector_load %arg8[%swap3A_139, %swap3A_140, %swap3A_141] {strides = array<i32>} : memref<2x1x128xi32, #tpu.memory_space<vmem>>, vector<1x1x16xi32>,
      %swap3A_143 = vector.shape_cast %swap3A_142 : vector<1x1x16xi32> to vector<16xi32>
      %swap3A_144 = vector.shape_cast %select_n3A_137 : vector<16xi32> to vector<1x1x16xi32>
      tpu.vector_store %arg8[%swap3A_139, %swap3A_140, %swap3A_141], %swap3A_144 {strides = array<i32>} : memref<2x1x128xi32, #tpu.memory_space<vmem>>, vector<1x1x16xi32>,
      %get3A_145 = arith.constant 0 : i32
      %get3A_146 = arith.index_cast %rem3A_35 : i32 to index
      %get3A_147 = arith.index_cast %get3A_145 : i32 to index
      %get3A_148 = arith.constant 64 : index
      %get3A_149 = tpu.vector_load %arg7[%get3A_146, %get3A_147, %get3A_148] {strides = array<i32>} : memref<2x1x128xi32, #tpu.memory_space<vmem>>, vector<1x1x16xi32>,
      %get3A_150 = vector.shape_cast %get3A_149 : vector<1x1x16xi32> to vector<16xi32>
      %ge3A_151 = vector.broadcast %mul3A_0 : i32 to vector<16xi32>
      %ge3A_152 = arith.cmpi sge, %get3A_150, %ge3A_151 : vector<16xi32>
      %add3A_153 = arith.constant 25024 : i32
      %add3A_154 = arith.addi %mul3A_0, %add3A_153 : i32
      %lt3A_155 = vector.broadcast %add3A_154 : i32 to vector<16xi32>
      %lt3A_156 = arith.cmpi slt, %get3A_150, %lt3A_155 : vector<16xi32>
      %and3A_157 = arith.andi %ge3A_152, %lt3A_156 : vector<16xi1>
      %sub3A_158 = vector.broadcast %mul3A_0 : i32 to vector<16xi32>
      %sub3A_159 = arith.subi %get3A_150, %sub3A_158 : vector<16xi32>
      %jit3A_160 = arith.constant 25024 : i32
      %broadcast_in_dim3A_161 = vector.broadcast %jit3A_160 : i32 to vector<16xi32>
      %select_n3A_162 = arith.select %and3A_157, %sub3A_159, %broadcast_in_dim3A_161 : vector<16xi1>, vector<16xi32>
      %swap3A_163 = arith.constant 0 : i32
      %swap3A_164 = arith.index_cast %rem3A_35 : i32 to index
      %swap3A_165 = arith.index_cast %swap3A_163 : i32 to index
      %swap3A_166 = arith.constant 64 : index
      %swap3A_167 = tpu.vector_load %arg8[%swap3A_164, %swap3A_165, %swap3A_166] {strides = array<i32>} : memref<2x1x128xi32, #tpu.memory_space<vmem>>, vector<1x1x16xi32>,
      %swap3A_168 = vector.shape_cast %swap3A_167 : vector<1x1x16xi32> to vector<16xi32>
      %swap3A_169 = vector.shape_cast %select_n3A_162 : vector<16xi32> to vector<1x1x16xi32>
      tpu.vector_store %arg8[%swap3A_164, %swap3A_165, %swap3A_166], %swap3A_169 {strides = array<i32>} : memref<2x1x128xi32, #tpu.memory_space<vmem>>, vector<1x1x16xi32>,
      %get3A_170 = arith.constant 0 : i32
      %get3A_171 = arith.index_cast %rem3A_35 : i32 to index
      %get3A_172 = arith.index_cast %get3A_170 : i32 to index
      %get3A_173 = arith.constant 80 : index
      %get3A_174 = tpu.vector_load %arg7[%get3A_171, %get3A_172, %get3A_173] {strides = array<i32>} : memref<2x1x128xi32, #tpu.memory_space<vmem>>, vector<1x1x16xi32>,
      %get3A_175 = vector.shape_cast %get3A_174 : vector<1x1x16xi32> to vector<16xi32>
      %ge3A_176 = vector.broadcast %mul3A_0 : i32 to vector<16xi32>
      %ge3A_177 = arith.cmpi sge, %get3A_175, %ge3A_176 : vector<16xi32>
      %add3A_178 = arith.constant 25024 : i32
      %add3A_179 = arith.addi %mul3A_0, %add3A_178 : i32
      %lt3A_180 = vector.broadcast %add3A_179 : i32 to vector<16xi32>
      %lt3A_181 = arith.cmpi slt, %get3A_175, %lt3A_180 : vector<16xi32>
      %and3A_182 = arith.andi %ge3A_177, %lt3A_181 : vector<16xi1>
      %sub3A_183 = vector.broadcast %mul3A_0 : i32 to vector<16xi32>
      %sub3A_184 = arith.subi %get3A_175, %sub3A_183 : vector<16xi32>
      %jit3A_185 = arith.constant 25024 : i32
      %broadcast_in_dim3A_186 = vector.broadcast %jit3A_185 : i32 to vector<16xi32>
      %select_n3A_187 = arith.select %and3A_182, %sub3A_184, %broadcast_in_dim3A_186 : vector<16xi1>, vector<16xi32>
      %swap3A_188 = arith.constant 0 : i32
      %swap3A_189 = arith.index_cast %rem3A_35 : i32 to index
      %swap3A_190 = arith.index_cast %swap3A_188 : i32 to index
      %swap3A_191 = arith.constant 80 : index
      %swap3A_192 = tpu.vector_load %arg8[%swap3A_189, %swap3A_190, %swap3A_191] {strides = array<i32>} : memref<2x1x128xi32, #tpu.memory_space<vmem>>, vector<1x1x16xi32>,
      %swap3A_193 = vector.shape_cast %swap3A_192 : vector<1x1x16xi32> to vector<16xi32>
      %swap3A_194 = vector.shape_cast %select_n3A_187 : vector<16xi32> to vector<1x1x16xi32>
      tpu.vector_store %arg8[%swap3A_189, %swap3A_190, %swap3A_191], %swap3A_194 {strides = array<i32>} : memref<2x1x128xi32, #tpu.memory_space<vmem>>, vector<1x1x16xi32>,
      %get3A_195 = arith.constant 0 : i32
      %get3A_196 = arith.index_cast %rem3A_35 : i32 to index
      %get3A_197 = arith.index_cast %get3A_195 : i32 to index
      %get3A_198 = arith.constant 96 : index
      %get3A_199 = tpu.vector_load %arg7[%get3A_196, %get3A_197, %get3A_198] {strides = array<i32>} : memref<2x1x128xi32, #tpu.memory_space<vmem>>, vector<1x1x16xi32>,
      %get3A_200 = vector.shape_cast %get3A_199 : vector<1x1x16xi32> to vector<16xi32>
      %ge3A_201 = vector.broadcast %mul3A_0 : i32 to vector<16xi32>
      %ge3A_202 = arith.cmpi sge, %get3A_200, %ge3A_201 : vector<16xi32>
      %add3A_203 = arith.constant 25024 : i32
      %add3A_204 = arith.addi %mul3A_0, %add3A_203 : i32
      %lt3A_205 = vector.broadcast %add3A_204 : i32 to vector<16xi32>
      %lt3A_206 = arith.cmpi slt, %get3A_200, %lt3A_205 : vector<16xi32>
      %and3A_207 = arith.andi %ge3A_202, %lt3A_206 : vector<16xi1>
      %sub3A_208 = vector.broadcast %mul3A_0 : i32 to vector<16xi32>
      %sub3A_209 = arith.subi %get3A_200, %sub3A_208 : vector<16xi32>
      %jit3A_210 = arith.constant 25024 : i32
      %broadcast_in_dim3A_211 = vector.broadcast %jit3A_210 : i32 to vector<16xi32>
      %select_n3A_212 = arith.select %and3A_207, %sub3A_209, %broadcast_in_dim3A_211 : vector<16xi1>, vector<16xi32>
      %swap3A_213 = arith.constant 0 : i32
      %swap3A_214 = arith.index_cast %rem3A_35 : i32 to index
      %swap3A_215 = arith.index_cast %swap3A_213 : i32 to index
      %swap3A_216 = arith.constant 96 : index
      %swap3A_217 = tpu.vector_load %arg8[%swap3A_214, %swap3A_215, %swap3A_216] {strides = array<i32>} : memref<2x1x128xi32, #tpu.memory_space<vmem>>, vector<1x1x16xi32>,
      %swap3A_218 = vector.shape_cast %swap3A_217 : vector<1x1x16xi32> to vector<16xi32>
      %swap3A_219 = vector.shape_cast %select_n3A_212 : vector<16xi32> to vector<1x1x16xi32>
      tpu.vector_store %arg8[%swap3A_214, %swap3A_215, %swap3A_216], %swap3A_219 {strides = array<i32>} : memref<2x1x128xi32, #tpu.memory_space<vmem>>, vector<1x1x16xi32>,
      %get3A_220 = arith.constant 0 : i32
      %get3A_221 = arith.index_cast %rem3A_35 : i32 to index
      %get3A_222 = arith.index_cast %get3A_220 : i32 to index
      %get3A_223 = arith.constant 112 : index
      %get3A_224 = tpu.vector_load %arg7[%get3A_221, %get3A_222, %get3A_223] {strides = array<i32>} : memref<2x1x128xi32, #tpu.memory_space<vmem>>, vector<1x1x16xi32>,
      %get3A_225 = vector.shape_cast %get3A_224 : vector<1x1x16xi32> to vector<16xi32>
      %ge3A_226 = vector.broadcast %mul3A_0 : i32 to vector<16xi32>
      %ge3A_227 = arith.cmpi sge, %get3A_225, %ge3A_226 : vector<16xi32>
      %add3A_228 = arith.constant 25024 : i32
      %add3A_229 = arith.addi %mul3A_0, %add3A_228 : i32
      %lt3A_230 = vector.broadcast %add3A_229 : i32 to vector<16xi32>
      %lt3A_231 = arith.cmpi slt, %get3A_225, %lt3A_230 : vector<16xi32>
      %and3A_232 = arith.andi %ge3A_227, %lt3A_231 : vector<16xi1>
      %sub3A_233 = vector.broadcast %mul3A_0 : i32 to vector<16xi32>
      %sub3A_234 = arith.subi %get3A_225, %sub3A_233 : vector<16xi32>
      %jit3A_235 = arith.constant 25024 : i32
      %broadcast_in_dim3A_236 = vector.broadcast %jit3A_235 : i32 to vector<16xi32>
      %select_n3A_237 = arith.select %and3A_232, %sub3A_234, %broadcast_in_dim3A_236 : vector<16xi1>, vector<16xi32>
      %swap3A_238 = arith.constant 0 : i32
      %swap3A_239 = arith.index_cast %rem3A_35 : i32 to index
      %swap3A_240 = arith.index_cast %swap3A_238 : i32 to index
      %swap3A_241 = arith.constant 112 : index
      %swap3A_242 = tpu.vector_load %arg8[%swap3A_239, %swap3A_240, %swap3A_241] {strides = array<i32>} : memref<2x1x128xi32, #tpu.memory_space<vmem>>, vector<1x1x16xi32>,
      %swap3A_243 = vector.shape_cast %swap3A_242 : vector<1x1x16xi32> to vector<16xi32>
      %swap3A_244 = vector.shape_cast %select_n3A_237 : vector<16xi32> to vector<1x1x16xi32>
      tpu.vector_store %arg8[%swap3A_239, %swap3A_240, %swap3A_241], %swap3A_244 {strides = array<i32>} : memref<2x1x128xi32, #tpu.memory_space<vmem>>, vector<1x1x16xi32>,
      %dma_wait3A = arith.constant 0 : i32
      %dma_wait3A_245 = arith.constant 0 : i32
      %dma_wait3A_246 = arith.constant 0 : i32
      %dma_wait3A_247 = arith.constant 0 : i32
      %dma_wait3A_248 = tpu.memref_slice %arg9[%rem3A_35, %dma_wait3A_245, %dma_wait3A_246, %dma_wait3A_247] : memref<2x1x128x64xf32, #tpu.memory_space<vmem>> -> memref<1x1x128x64xf32, #tpu.memory_space<vmem>>
      %dma_wait3A_249 = tpu.memref_squeeze %dma_wait3A_248 : memref<1x1x128x64xf32, #tpu.memory_space<vmem>> -> memref<128x64xf32, #tpu.memory_space<vmem>>
      %dma_wait3A_250 = arith.constant 0 : i32
      %dma_wait3A_251 = tpu.memref_slice %arg6[%rem3A_35, %dma_wait3A, %dma_wait3A_250] : memref<2x1x128xi32, #tpu.memory_space<vmem>> -> memref<1x1x128xi32, #tpu.memory_space<vmem>>
      %dma_wait3A_252 = tpu.memref_squeeze %dma_wait3A_251 : memref<1x1x128xi32, #tpu.memory_space<vmem>> -> memref<128xi32, #tpu.memory_space<vmem>>
      %dma_wait3A_253 = arith.constant 0 : i32
      %dma_wait3A_254 = arith.constant 0 : i32
      %dma_wait3A_255 = tpu.memref_slice %arg2[%dma_wait3A_253, %dma_wait3A_254] : memref<50048x64xf32, #tpu.memory_space<hbm>> -> memref<50048x64xf32, #tpu.memory_space<hbm>>
      tpu.wait_indirect_dma semaphore(%arg11 : memref<!tpu.dma_semaphore, #tpu.memory_space<semaphore_mem>>) src(%dma_wait3A_255 : memref<50048x64xf32, #tpu.memory_space<hbm>>) dst(%dma_wait3A_249 : memref<128x64xf32, #tpu.memory_space<vmem>>)
      %run_scoped3A_256 = arith.constant 0 : i32
      %run_scoped3A_257 = arith.constant 0 : i32
      "tpu.region"() ({
        %run_scoped3A_264 = tpu.sem_alloc : memref<!tpu.dma_semaphore, #tpu.memory_space<semaphore_mem>>
        %dma_start3A_265 = arith.constant 0 : i32
        %dma_start3A_266 = arith.constant 0 : i32
        %dma_start3A_267 = tpu.memref_slice %arg9[%rem3A_35, %run_scoped3A_256, %dma_start3A_265, %dma_start3A_266] : memref<2x1x128x64xf32, #tpu.memory_space<vmem>> -> memref<1x1x128x64xf32, #tpu.memory_space<vmem>>
        %dma_start3A_268 = tpu.memref_squeeze %dma_start3A_267 : memref<1x1x128x64xf32, #tpu.memory_space<vmem>> -> memref<128x64xf32, #tpu.memory_space<vmem>>
        %dma_start3A_269 = arith.constant 0 : i32
        %dma_start3A_270 = tpu.memref_slice %arg8[%rem3A_35, %run_scoped3A_257, %dma_start3A_269] : memref<2x1x128xi32, #tpu.memory_space<vmem>> -> memref<1x1x128xi32, #tpu.memory_space<vmem>>
        %dma_start3A_271 = tpu.memref_squeeze %dma_start3A_270 : memref<1x1x128xi32, #tpu.memory_space<vmem>> -> memref<128xi32, #tpu.memory_space<vmem>>
        %dma_start3A_272 = arith.constant 0 : i32
        %dma_start3A_273 = arith.constant 0 : i32
        %dma_start3A_274 = tpu.memref_slice %arg10[%dma_start3A_272, %dma_start3A_273] : memref<25088x64xf32, #tpu.memory_space<vmem_shared>> -> memref<25088x64xf32, #tpu.memory_space<vmem_shared>>
        tpu.enqueue_indirect_dma source(%dma_start3A_268 : memref<128x64xf32, #tpu.memory_space<vmem>>) target(%dma_start3A_274 : memref<25088x64xf32, #tpu.memory_space<vmem_shared>>) offsets(%dma_start3A_271 : memref<128xi32, #tpu.memory_space<vmem>>) semaphore(%run_scoped3A_264 : memref<!tpu.dma_semaphore, #tpu.memory_space<semaphore_mem>>) {add = true}
        %dma_wait3A_275 = arith.constant 0 : i32
        %dma_wait3A_276 = arith.constant 0 : i32
        %dma_wait3A_277 = tpu.memref_slice %arg9[%rem3A_35, %run_scoped3A_256, %dma_wait3A_275, %dma_wait3A_276] : memref<2x1x128x64xf32, #tpu.memory_space<vmem>> -> memref<1x1x128x64xf32, #tpu.memory_space<vmem>>
        %dma_wait3A_278 = tpu.memref_squeeze %dma_wait3A_277 : memref<1x1x128x64xf32, #tpu.memory_space<vmem>> -> memref<128x64xf32, #tpu.memory_space<vmem>>
        %dma_wait3A_279 = arith.constant 0 : i32
        %dma_wait3A_280 = tpu.memref_slice %arg8[%rem3A_35, %run_scoped3A_257, %dma_wait3A_279] : memref<2x1x128xi32, #tpu.memory_space<vmem>> -> memref<1x1x128xi32, #tpu.memory_space<vmem>>
        %dma_wait3A_281 = tpu.memref_squeeze %dma_wait3A_280 : memref<1x1x128xi32, #tpu.memory_space<vmem>> -> memref<128xi32, #tpu.memory_space<vmem>>
        %dma_wait3A_282 = arith.constant 0 : i32
        %dma_wait3A_283 = arith.constant 0 : i32
        %dma_wait3A_284 = tpu.memref_slice %arg10[%dma_wait3A_282, %dma_wait3A_283] : memref<25088x64xf32, #tpu.memory_space<vmem_shared>> -> memref<25088x64xf32, #tpu.memory_space<vmem_shared>>
        tpu.wait_indirect_dma semaphore(%run_scoped3A_264 : memref<!tpu.dma_semaphore, #tpu.memory_space<semaphore_mem>>) src(%dma_wait3A_278 : memref<128x64xf32, #tpu.memory_space<vmem>>) dst(%dma_wait3A_284 : memref<25088x64xf32, #tpu.memory_space<vmem_shared>>)
        tpu.yield
      }) : () -> ()
      %lt3A_258 = arith.constant 399 : i32
      %lt3A_259 = arith.cmpi slt, %scan3A_33, %lt3A_258 : i32
      %convert_element_type3A_260 = arith.extui %lt3A_259 : i1 to i32
      %cond3A_261 = arith.constant 0 : i32
      %cond3A_262 = arith.cmpi ne, %convert_element_type3A_260, %cond3A_261 : i32
      scf.if %cond3A_262 {
        %add3A_264 = arith.constant 1 : i32
        %add3A_265 = arith.addi %scan3A_33, %add3A_264 : i32
        %mul3A_266 = arith.constant 1 : i32
        %mul3A_267 = arith.muli %mul3A_266, %add3A_265 : i32
        %add3A_268 = arith.addi %mul3A_16, %mul3A_267 : i32
        %dma_wait3A_269 = arith.constant 0 : i32
        %dma_wait3A_270 = arith.constant 0 : i32
        %dma_wait3A_271 = tpu.memref_slice %arg6[%rem3A_38, %dma_wait3A_269, %dma_wait3A_270] : memref<2x1x128xi32, #tpu.memory_space<vmem>> -> memref<1x1x128xi32, #tpu.memory_space<vmem>>
        %dma_wait3A_272 = tpu.memref_squeeze %dma_wait3A_271 : memref<1x1x128xi32, #tpu.memory_space<vmem>> -> memref<1x128xi32, #tpu.memory_space<vmem>>
        %dma_wait3A_273 = arith.constant 0 : i32
        %dma_wait3A_274 = tpu.memref_slice %arg3[%add3A_268, %dma_wait3A_273] : memref<6400x128xi32, #tpu.memory_space<hbm>> -> memref<1x128xi32, #tpu.memory_space<hbm>>
        %dma_wait3A_275 = arith.constant 0 : i32
        %dma_wait3A_276 = arith.constant 0 : i32
        %dma_wait3A_277 = tpu.memref_slice %arg6[%rem3A_38, %dma_wait3A_275, %dma_wait3A_276] : memref<2x1x128xi32, #tpu.memory_space<vmem>> -> memref<1x1x128xi32, #tpu.memory_space<vmem>>
        %dma_wait3A_278 = tpu.memref_squeeze %dma_wait3A_277 : memref<1x1x128xi32, #tpu.memory_space<vmem>> -> memref<1x128xi32, #tpu.memory_space<vmem>>
        %dma_wait3A_279 = arith.constant 0 : i32
        %dma_wait3A_280 = tpu.memref_slice %arg3[%add3A_268, %dma_wait3A_279] : memref<6400x128xi32, #tpu.memory_space<hbm>> -> memref<1x128xi32, #tpu.memory_space<hbm>>
        tpu.wait_dma2 semaphore(%arg12 : memref<!tpu.dma_semaphore, #tpu.memory_space<semaphore_mem>>) src(%dma_wait3A_280 : memref<1x128xi32, #tpu.memory_space<hbm>>) dst(%dma_wait3A_278 : memref<1x128xi32, #tpu.memory_space<vmem>>)
        %add3A_281 = arith.constant 1 : i32
        %add3A_282 = arith.addi %scan3A_33, %add3A_281 : i32
        %mul3A_283 = arith.constant 1 : i32
        %mul3A_284 = arith.muli %mul3A_283, %add3A_282 : i32
        %add3A_285 = arith.addi %mul3A_16, %mul3A_284 : i32
        %dma_wait3A_286 = arith.constant 0 : i32
        %dma_wait3A_287 = arith.constant 0 : i32
        %dma_wait3A_288 = tpu.memref_slice %arg7[%rem3A_38, %dma_wait3A_286, %dma_wait3A_287] : memref<2x1x128xi32, #tpu.memory_space<vmem>> -> memref<1x1x128xi32, #tpu.memory_space<vmem>>
        %dma_wait3A_289 = tpu.memref_squeeze %dma_wait3A_288 : memref<1x1x128xi32, #tpu.memory_space<vmem>> -> memref<1x128xi32, #tpu.memory_space<vmem>>
        %dma_wait3A_290 = arith.constant 0 : i32
        %dma_wait3A_291 = tpu.memref_slice %arg4[%add3A_285, %dma_wait3A_290] : memref<6400x128xi32, #tpu.memory_space<hbm>> -> memref<1x128xi32, #tpu.memory_space<hbm>>
        %dma_wait3A_292 = arith.constant 0 : i32
        %dma_wait3A_293 = arith.constant 0 : i32
        %dma_wait3A_294 = tpu.memref_slice %arg7[%rem3A_38, %dma_wait3A_292, %dma_wait3A_293] : memref<2x1x128xi32, #tpu.memory_space<vmem>> -> memref<1x1x128xi32, #tpu.memory_space<vmem>>
        %dma_wait3A_295 = tpu.memref_squeeze %dma_wait3A_294 : memref<1x1x128xi32, #tpu.memory_space<vmem>> -> memref<1x128xi32, #tpu.memory_space<vmem>>
        %dma_wait3A_296 = arith.constant 0 : i32
        %dma_wait3A_297 = tpu.memref_slice %arg4[%add3A_285, %dma_wait3A_296] : memref<6400x128xi32, #tpu.memory_space<hbm>> -> memref<1x128xi32, #tpu.memory_space<hbm>>
        tpu.wait_dma2 semaphore(%arg12 : memref<!tpu.dma_semaphore, #tpu.memory_space<semaphore_mem>>) src(%dma_wait3A_297 : memref<1x128xi32, #tpu.memory_space<hbm>>) dst(%dma_wait3A_295 : memref<1x128xi32, #tpu.memory_space<vmem>>)
      } else {
      }
      %scan3A_263 = arith.constant 0 : i32
      scf.yield %scan3A_263 : i32
    }
    %scan3A_24 = arith.constant 400 : i32
    %barrier3A_25 = arith.constant 0 : index
    tpu.barrier barrier_id(%barrier3A_25)
    %scan3A_26 = arith.constant 0 : i32
    %scan3A_27 = arith.constant 0 : i32
    %scan3A_28 = arith.constant 13 : i32
    %scan3A_29 = arith.addi %scan3A_27, %scan3A_28 : i32
    %scan3A_30 = arith.constant 1 : i32
    %scan3A_31 = scf.for %scan3A_33 = %scan3A_27 to %scan3A_29 step %scan3A_30 iter_args(%scan3A_34 = %scan3A_26) -> (i32)  : i32 {
      %mul3A_35 = arith.constant 16 : i32
      %mul3A_36 = arith.muli %mul3A_35, %scan3A_33 : i32
      %add3A = arith.addi %arg1, %mul3A_36 : i32
      %lt3A = arith.constant 195 : i32
      %lt3A_37 = arith.cmpi slt, %add3A, %lt3A : i32
      %convert_element_type3A = arith.extui %lt3A_37 : i1 to i32
      %cond3A = arith.constant 0 : i32
      %cond3A_38 = arith.cmpi ne, %convert_element_type3A, %cond3A : i32
      scf.if %cond3A_38 {
        %mul3A_44 = arith.constant 128 : i32
        %mul3A_45 = arith.muli %add3A, %mul3A_44 : i32
        %run_scoped3A_46 = arith.constant 0 : i32
        %run_scoped3A_47 = arith.constant 0 : i32
        "tpu.region"() ({
          %run_scoped3A_55 = tpu.sem_alloc : memref<!tpu.dma_semaphore, #tpu.memory_space<semaphore_mem>>
          %dma_start3A = arith.constant 0 : i32
          %dma_start3A_56 = arith.constant 0 : i32
          %dma_start3A_57 = tpu.memref_slice %arg9[%run_scoped3A_46, %run_scoped3A_47, %dma_start3A, %dma_start3A_56] : memref<2x1x128x64xf32, #tpu.memory_space<vmem>> -> memref<1x1x128x64xf32, #tpu.memory_space<vmem>>
          %dma_start3A_58 = tpu.memref_squeeze %dma_start3A_57 : memref<1x1x128x64xf32, #tpu.memory_space<vmem>> -> memref<128x64xf32, #tpu.memory_space<vmem>>
          %dma_start3A_59 = arith.constant 0 : i32
          %dma_start3A_60 = tpu.memref_slice %arg10[%mul3A_45, %dma_start3A_59] : memref<25088x64xf32, #tpu.memory_space<vmem_shared>> -> memref<128x64xf32, #tpu.memory_space<vmem_shared>>
          %dma_start3A_61 = arith.constant 0 : i32
          %dma_start3A_62 = arith.constant 0 : i32
          %dma_start3A_63 = tpu.memref_slice %arg9[%run_scoped3A_46, %run_scoped3A_47, %dma_start3A_61, %dma_start3A_62] : memref<2x1x128x64xf32, #tpu.memory_space<vmem>> -> memref<1x1x128x64xf32, #tpu.memory_space<vmem>>
          %dma_start3A_64 = tpu.memref_squeeze %dma_start3A_63 : memref<1x1x128x64xf32, #tpu.memory_space<vmem>> -> memref<128x64xf32, #tpu.memory_space<vmem>>
          %dma_start3A_65 = arith.constant 0 : i32
          %dma_start3A_66 = tpu.memref_slice %arg10[%mul3A_45, %dma_start3A_65] : memref<25088x64xf32, #tpu.memory_space<vmem_shared>> -> memref<128x64xf32, #tpu.memory_space<vmem_shared>>
          tpu.enqueue_dma source(%dma_start3A_66 : memref<128x64xf32, #tpu.memory_space<vmem_shared>>) target(%dma_start3A_64 : memref<128x64xf32, #tpu.memory_space<vmem>>) target_semaphore(%run_scoped3A_55 : memref<!tpu.dma_semaphore, #tpu.memory_space<semaphore_mem>>)
          %dma_wait3A = arith.constant 0 : i32
          %dma_wait3A_67 = arith.constant 0 : i32
          %dma_wait3A_68 = tpu.memref_slice %arg9[%run_scoped3A_46, %run_scoped3A_47, %dma_wait3A, %dma_wait3A_67] : memref<2x1x128x64xf32, #tpu.memory_space<vmem>> -> memref<1x1x128x64xf32, #tpu.memory_space<vmem>>
          %dma_wait3A_69 = tpu.memref_squeeze %dma_wait3A_68 : memref<1x1x128x64xf32, #tpu.memory_space<vmem>> -> memref<128x64xf32, #tpu.memory_space<vmem>>
          %dma_wait3A_70 = arith.constant 0 : i32
          %dma_wait3A_71 = tpu.memref_slice %arg10[%mul3A_45, %dma_wait3A_70] : memref<25088x64xf32, #tpu.memory_space<vmem_shared>> -> memref<128x64xf32, #tpu.memory_space<vmem_shared>>
          %dma_wait3A_72 = arith.constant 0 : i32
          %dma_wait3A_73 = arith.constant 0 : i32
          %dma_wait3A_74 = tpu.memref_slice %arg9[%run_scoped3A_46, %run_scoped3A_47, %dma_wait3A_72, %dma_wait3A_73] : memref<2x1x128x64xf32, #tpu.memory_space<vmem>> -> memref<1x1x128x64xf32, #tpu.memory_space<vmem>>
          %dma_wait3A_75 = tpu.memref_squeeze %dma_wait3A_74 : memref<1x1x128x64xf32, #tpu.memory_space<vmem>> -> memref<128x64xf32, #tpu.memory_space<vmem>>
          %dma_wait3A_76 = arith.constant 0 : i32
          %dma_wait3A_77 = tpu.memref_slice %arg10[%mul3A_45, %dma_wait3A_76] : memref<25088x64xf32, #tpu.memory_space<vmem_shared>> -> memref<128x64xf32, #tpu.memory_space<vmem_shared>>
          tpu.wait_dma2 semaphore(%run_scoped3A_55 : memref<!tpu.dma_semaphore, #tpu.memory_space<semaphore_mem>>) src(%dma_wait3A_77 : memref<128x64xf32, #tpu.memory_space<vmem_shared>>) dst(%dma_wait3A_75 : memref<128x64xf32, #tpu.memory_space<vmem>>)
          tpu.yield
        }) : () -> ()
        %mul3A_48 = arith.constant 25024 : i32
        %mul3A_49 = arith.muli %arg0, %mul3A_48 : i32
        %mul3A_50 = arith.constant 128 : i32
        %mul3A_51 = arith.muli %add3A, %mul3A_50 : i32
        %add3A_52 = arith.addi %mul3A_49, %mul3A_51 : i32
        %run_scoped3A_53 = arith.constant 0 : i32
        %run_scoped3A_54 = arith.constant 0 : i32
        "tpu.region"() ({
          %run_scoped3A_55 = tpu.sem_alloc : memref<!tpu.dma_semaphore, #tpu.memory_space<semaphore_mem>>
          %dma_start3A = arith.constant 0 : i32
          %dma_start3A_56 = arith.constant 0 : i32
          %dma_start3A_57 = tpu.memref_slice %arg9[%run_scoped3A_53, %run_scoped3A_54, %dma_start3A, %dma_start3A_56] : memref<2x1x128x64xf32, #tpu.memory_space<vmem>> -> memref<1x1x128x64xf32, #tpu.memory_space<vmem>>
          %dma_start3A_58 = tpu.memref_squeeze %dma_start3A_57 : memref<1x1x128x64xf32, #tpu.memory_space<vmem>> -> memref<128x64xf32, #tpu.memory_space<vmem>>
          %dma_start3A_59 = arith.constant 0 : i32
          %dma_start3A_60 = tpu.memref_slice %arg5[%add3A_52, %dma_start3A_59] : memref<50048x64xf32, #tpu.memory_space<hbm>> -> memref<128x64xf32, #tpu.memory_space<hbm>>
          %dma_start3A_61 = arith.constant 0 : i32
          %dma_start3A_62 = tpu.memref_slice %arg5[%add3A_52, %dma_start3A_61] : memref<50048x64xf32, #tpu.memory_space<hbm>> -> memref<128x64xf32, #tpu.memory_space<hbm>>
          %dma_start3A_63 = arith.constant 0 : i32
          %dma_start3A_64 = arith.constant 0 : i32
          %dma_start3A_65 = tpu.memref_slice %arg9[%run_scoped3A_53, %run_scoped3A_54, %dma_start3A_63, %dma_start3A_64] : memref<2x1x128x64xf32, #tpu.memory_space<vmem>> -> memref<1x1x128x64xf32, #tpu.memory_space<vmem>>
          %dma_start3A_66 = tpu.memref_squeeze %dma_start3A_65 : memref<1x1x128x64xf32, #tpu.memory_space<vmem>> -> memref<128x64xf32, #tpu.memory_space<vmem>>
          tpu.enqueue_dma source(%dma_start3A_66 : memref<128x64xf32, #tpu.memory_space<vmem>>) target(%dma_start3A_62 : memref<128x64xf32, #tpu.memory_space<hbm>>) target_semaphore(%run_scoped3A_55 : memref<!tpu.dma_semaphore, #tpu.memory_space<semaphore_mem>>)
          %dma_wait3A = arith.constant 0 : i32
          %dma_wait3A_67 = arith.constant 0 : i32
          %dma_wait3A_68 = tpu.memref_slice %arg9[%run_scoped3A_53, %run_scoped3A_54, %dma_wait3A, %dma_wait3A_67] : memref<2x1x128x64xf32, #tpu.memory_space<vmem>> -> memref<1x1x128x64xf32, #tpu.memory_space<vmem>>
          %dma_wait3A_69 = tpu.memref_squeeze %dma_wait3A_68 : memref<1x1x128x64xf32, #tpu.memory_space<vmem>> -> memref<128x64xf32, #tpu.memory_space<vmem>>
          %dma_wait3A_70 = arith.constant 0 : i32
          %dma_wait3A_71 = tpu.memref_slice %arg5[%add3A_52, %dma_wait3A_70] : memref<50048x64xf32, #tpu.memory_space<hbm>> -> memref<128x64xf32, #tpu.memory_space<hbm>>
          %dma_wait3A_72 = arith.constant 0 : i32
          %dma_wait3A_73 = tpu.memref_slice %arg5[%add3A_52, %dma_wait3A_72] : memref<50048x64xf32, #tpu.memory_space<hbm>> -> memref<128x64xf32, #tpu.memory_space<hbm>>
          %dma_wait3A_74 = arith.constant 0 : i32
          %dma_wait3A_75 = arith.constant 0 : i32
          %dma_wait3A_76 = tpu.memref_slice %arg9[%run_scoped3A_53, %run_scoped3A_54, %dma_wait3A_74, %dma_wait3A_75] : memref<2x1x128x64xf32, #tpu.memory_space<vmem>> -> memref<1x1x128x64xf32, #tpu.memory_space<vmem>>
          %dma_wait3A_77 = tpu.memref_squeeze %dma_wait3A_76 : memref<1x1x128x64xf32, #tpu.memory_space<vmem>> -> memref<128x64xf32, #tpu.memory_space<vmem>>
          tpu.wait_dma2 semaphore(%run_scoped3A_55 : memref<!tpu.dma_semaphore, #tpu.memory_space<semaphore_mem>>) src(%dma_wait3A_77 : memref<128x64xf32, #tpu.memory_space<vmem>>) dst(%dma_wait3A_73 : memref<128x64xf32, #tpu.memory_space<hbm>>)
          tpu.yield
        }) : () -> ()
      } else {
      }
      %eq3A = arith.constant 195 : i32
      %eq3A_39 = arith.cmpi eq, %add3A, %eq3A : i32
      %convert_element_type3A_40 = arith.extui %eq3A_39 : i1 to i32
      %cond3A_41 = arith.constant 0 : i32
      %cond3A_42 = arith.cmpi ne, %convert_element_type3A_40, %cond3A_41 : i32
      scf.if %cond3A_42 {
        %mul3A_44 = arith.constant 128 : i32
        %mul3A_45 = arith.muli %add3A, %mul3A_44 : i32
        %run_scoped3A_46 = arith.constant 0 : i32
        %run_scoped3A_47 = arith.constant 0 : i32
        "tpu.region"() ({
          %run_scoped3A_55 = tpu.sem_alloc : memref<!tpu.dma_semaphore, #tpu.memory_space<semaphore_mem>>
          %dma_start3A = arith.constant 0 : i32
          %dma_start3A_56 = arith.constant 0 : i32
          %dma_start3A_57 = tpu.memref_slice %arg9[%run_scoped3A_46, %run_scoped3A_47, %dma_start3A, %dma_start3A_56] : memref<2x1x128x64xf32, #tpu.memory_space<vmem>> -> memref<1x1x64x64xf32, #tpu.memory_space<vmem>>
          %dma_start3A_58 = tpu.memref_squeeze %dma_start3A_57 : memref<1x1x64x64xf32, #tpu.memory_space<vmem>> -> memref<64x64xf32, #tpu.memory_space<vmem>>
          %dma_start3A_59 = arith.constant 0 : i32
          %dma_start3A_60 = tpu.memref_slice %arg10[%mul3A_45, %dma_start3A_59] : memref<25088x64xf32, #tpu.memory_space<vmem_shared>> -> memref<64x64xf32, #tpu.memory_space<vmem_shared>>
          %dma_start3A_61 = arith.constant 0 : i32
          %dma_start3A_62 = arith.constant 0 : i32
          %dma_start3A_63 = tpu.memref_slice %arg9[%run_scoped3A_46, %run_scoped3A_47, %dma_start3A_61, %dma_start3A_62] : memref<2x1x128x64xf32, #tpu.memory_space<vmem>> -> memref<1x1x64x64xf32, #tpu.memory_space<vmem>>
          %dma_start3A_64 = tpu.memref_squeeze %dma_start3A_63 : memref<1x1x64x64xf32, #tpu.memory_space<vmem>> -> memref<64x64xf32, #tpu.memory_space<vmem>>
          %dma_start3A_65 = arith.constant 0 : i32
          %dma_start3A_66 = tpu.memref_slice %arg10[%mul3A_45, %dma_start3A_65] : memref<25088x64xf32, #tpu.memory_space<vmem_shared>> -> memref<64x64xf32, #tpu.memory_space<vmem_shared>>
          tpu.enqueue_dma source(%dma_start3A_66 : memref<64x64xf32, #tpu.memory_space<vmem_shared>>) target(%dma_start3A_64 : memref<64x64xf32, #tpu.memory_space<vmem>>) target_semaphore(%run_scoped3A_55 : memref<!tpu.dma_semaphore, #tpu.memory_space<semaphore_mem>>)
          %dma_wait3A = arith.constant 0 : i32
          %dma_wait3A_67 = arith.constant 0 : i32
          %dma_wait3A_68 = tpu.memref_slice %arg9[%run_scoped3A_46, %run_scoped3A_47, %dma_wait3A, %dma_wait3A_67] : memref<2x1x128x64xf32, #tpu.memory_space<vmem>> -> memref<1x1x64x64xf32, #tpu.memory_space<vmem>>
          %dma_wait3A_69 = tpu.memref_squeeze %dma_wait3A_68 : memref<1x1x64x64xf32, #tpu.memory_space<vmem>> -> memref<64x64xf32, #tpu.memory_space<vmem>>
          %dma_wait3A_70 = arith.constant 0 : i32
          %dma_wait3A_71 = tpu.memref_slice %arg10[%mul3A_45, %dma_wait3A_70] : memref<25088x64xf32, #tpu.memory_space<vmem_shared>> -> memref<64x64xf32, #tpu.memory_space<vmem_shared>>
          %dma_wait3A_72 = arith.constant 0 : i32
          %dma_wait3A_73 = arith.constant 0 : i32
          %dma_wait3A_74 = tpu.memref_slice %arg9[%run_scoped3A_46, %run_scoped3A_47, %dma_wait3A_72, %dma_wait3A_73] : memref<2x1x128x64xf32, #tpu.memory_space<vmem>> -> memref<1x1x64x64xf32, #tpu.memory_space<vmem>>
          %dma_wait3A_75 = tpu.memref_squeeze %dma_wait3A_74 : memref<1x1x64x64xf32, #tpu.memory_space<vmem>> -> memref<64x64xf32, #tpu.memory_space<vmem>>
          %dma_wait3A_76 = arith.constant 0 : i32
          %dma_wait3A_77 = tpu.memref_slice %arg10[%mul3A_45, %dma_wait3A_76] : memref<25088x64xf32, #tpu.memory_space<vmem_shared>> -> memref<64x64xf32, #tpu.memory_space<vmem_shared>>
          tpu.wait_dma2 semaphore(%run_scoped3A_55 : memref<!tpu.dma_semaphore, #tpu.memory_space<semaphore_mem>>) src(%dma_wait3A_77 : memref<64x64xf32, #tpu.memory_space<vmem_shared>>) dst(%dma_wait3A_75 : memref<64x64xf32, #tpu.memory_space<vmem>>)
          tpu.yield
        }) : () -> ()
        %mul3A_48 = arith.constant 25024 : i32
        %mul3A_49 = arith.muli %arg0, %mul3A_48 : i32
        %mul3A_50 = arith.constant 128 : i32
        %mul3A_51 = arith.muli %add3A, %mul3A_50 : i32
        %add3A_52 = arith.addi %mul3A_49, %mul3A_51 : i32
        %run_scoped3A_53 = arith.constant 0 : i32
        %run_scoped3A_54 = arith.constant 0 : i32
        "tpu.region"() ({
          %run_scoped3A_55 = tpu.sem_alloc : memref<!tpu.dma_semaphore, #tpu.memory_space<semaphore_mem>>
          %dma_start3A = arith.constant 0 : i32
          %dma_start3A_56 = arith.constant 0 : i32
          %dma_start3A_57 = tpu.memref_slice %arg9[%run_scoped3A_53, %run_scoped3A_54, %dma_start3A, %dma_start3A_56] : memref<2x1x128x64xf32, #tpu.memory_space<vmem>> -> memref<1x1x64x64xf32, #tpu.memory_space<vmem>>
          %dma_start3A_58 = tpu.memref_squeeze %dma_start3A_57 : memref<1x1x64x64xf32, #tpu.memory_space<vmem>> -> memref<64x64xf32, #tpu.memory_space<vmem>>
          %dma_start3A_59 = arith.constant 0 : i32
          %dma_start3A_60 = tpu.memref_slice %arg5[%add3A_52, %dma_start3A_59] : memref<50048x64xf32, #tpu.memory_space<hbm>> -> memref<64x64xf32, #tpu.memory_space<hbm>>
          %dma_start3A_61 = arith.constant 0 : i32
          %dma_start3A_62 = tpu.memref_slice %arg5[%add3A_52, %dma_start3A_61] : memref<50048x64xf32, #tpu.memory_space<hbm>> -> memref<64x64xf32, #tpu.memory_space<hbm>>
          %dma_start3A_63 = arith.constant 0 : i32
          %dma_start3A_64 = arith.constant 0 : i32
          %dma_start3A_65 = tpu.memref_slice %arg9[%run_scoped3A_53, %run_scoped3A_54, %dma_start3A_63, %dma_start3A_64] : memref<2x1x128x64xf32, #tpu.memory_space<vmem>> -> memref<1x1x64x64xf32, #tpu.memory_space<vmem>>
          %dma_start3A_66 = tpu.memref_squeeze %dma_start3A_65 : memref<1x1x64x64xf32, #tpu.memory_space<vmem>> -> memref<64x64xf32, #tpu.memory_space<vmem>>
          tpu.enqueue_dma source(%dma_start3A_66 : memref<64x64xf32, #tpu.memory_space<vmem>>) target(%dma_start3A_62 : memref<64x64xf32, #tpu.memory_space<hbm>>) target_semaphore(%run_scoped3A_55 : memref<!tpu.dma_semaphore, #tpu.memory_space<semaphore_mem>>)
          %dma_wait3A = arith.constant 0 : i32
          %dma_wait3A_67 = arith.constant 0 : i32
          %dma_wait3A_68 = tpu.memref_slice %arg9[%run_scoped3A_53, %run_scoped3A_54, %dma_wait3A, %dma_wait3A_67] : memref<2x1x128x64xf32, #tpu.memory_space<vmem>> -> memref<1x1x64x64xf32, #tpu.memory_space<vmem>>
          %dma_wait3A_69 = tpu.memref_squeeze %dma_wait3A_68 : memref<1x1x64x64xf32, #tpu.memory_space<vmem>> -> memref<64x64xf32, #tpu.memory_space<vmem>>
          %dma_wait3A_70 = arith.constant 0 : i32
          %dma_wait3A_71 = tpu.memref_slice %arg5[%add3A_52, %dma_wait3A_70] : memref<50048x64xf32, #tpu.memory_space<hbm>> -> memref<64x64xf32, #tpu.memory_space<hbm>>
          %dma_wait3A_72 = arith.constant 0 : i32
          %dma_wait3A_73 = tpu.memref_slice %arg5[%add3A_52, %dma_wait3A_72] : memref<50048x64xf32, #tpu.memory_space<hbm>> -> memref<64x64xf32, #tpu.memory_space<hbm>>
          %dma_wait3A_74 = arith.constant 0 : i32
          %dma_wait3A_75 = arith.constant 0 : i32
          %dma_wait3A_76 = tpu.memref_slice %arg9[%run_scoped3A_53, %run_scoped3A_54, %dma_wait3A_74, %dma_wait3A_75] : memref<2x1x128x64xf32, #tpu.memory_space<vmem>> -> memref<1x1x64x64xf32, #tpu.memory_space<vmem>>
          %dma_wait3A_77 = tpu.memref_squeeze %dma_wait3A_76 : memref<1x1x64x64xf32, #tpu.memory_space<vmem>> -> memref<64x64xf32, #tpu.memory_space<vmem>>
          tpu.wait_dma2 semaphore(%run_scoped3A_55 : memref<!tpu.dma_semaphore, #tpu.memory_space<semaphore_mem>>) src(%dma_wait3A_77 : memref<64x64xf32, #tpu.memory_space<vmem>>) dst(%dma_wait3A_73 : memref<64x64xf32, #tpu.memory_space<hbm>>)
          tpu.yield
        }) : () -> ()
      } else {
      }
      %scan3A_43 = arith.constant 0 : i32
      scf.yield %scan3A_43 : i32
    }
    %scan3A_32 = arith.constant 13 : i32
    return
  }
}

#map = affine_map<(d0, d1) -> (0, 0)>
module attributes {stable_mosaic.version = 14 : i64} {
  func.func @_agg_body(%arg0: i32, %arg1: i32, %arg2: memref<50048x64xf32, #tpu.memory_space<hbm>>, %arg3: memref<6400x128xi32, #tpu.memory_space<hbm>>, %arg4: memref<6400x128xi32, #tpu.memory_space<hbm>>, %arg5: memref<50048x64xf32, #tpu.memory_space<hbm>>, %arg6: memref<2x1x128xi32, #tpu.memory_space<vmem>>, %arg7: memref<2x1x128xi32, #tpu.memory_space<vmem>>, %arg8: memref<2x1x128xi32, #tpu.memory_space<vmem>>, %arg9: memref<2x1x128x64xf32, #tpu.memory_space<vmem>>, %arg10: memref<25088x64xf32, #tpu.memory_space<vmem_shared>>, %arg11: memref<!tpu.dma_semaphore, #tpu.memory_space<semaphore_mem>>, %arg12: memref<!tpu.dma_semaphore, #tpu.memory_space<semaphore_mem>>) attributes {dimension_semantics = [#tpu.dimension_semantics<core_parallel>, #tpu.dimension_semantics<subcore_parallel>], iteration_bounds = array<i64: 2, 16>, scalar_prefetch = 0 : i64, scratch_operands = 7 : i64, tpu.core_type = #tpu.core_type<sc_vector_subcore>, window_params = [{transform_indices = #map}, {transform_indices = #map}, {transform_indices = #map}, {transform_indices = #map}]} {
    %mul3A = arith.constant 25024 : i32
    %mul3A_0 = arith.muli %arg0, %mul3A : i32
    %broadcast_in_dim3A = arith.constant 0.000000e+00 : f32
    %broadcast_in_dim3A_1 = vector.broadcast %broadcast_in_dim3A : f32 to vector<16xf32>
    %scan3A = arith.constant 0 : i32
    %scan3A_2 = arith.constant 0 : i32
    %scan3A_3 = arith.constant 128 : i32
    %scan3A_4 = arith.addi %scan3A_2, %scan3A_3 : i32
    %scan3A_5 = arith.constant 1 : i32
    %scan3A_6 = scf.for %scan3A_33 = %scan3A_2 to %scan3A_4 step %scan3A_5 iter_args(%scan3A_34 = %scan3A) -> (i32)  : i32 {
      %swap3A = arith.constant 0 : i32
      %swap3A_35 = arith.constant 0 : i32
      %swap3A_36 = arith.index_cast %swap3A : i32 to index
      %swap3A_37 = arith.index_cast %swap3A_35 : i32 to index
      %swap3A_38 = arith.index_cast %scan3A_33 : i32 to index
      %swap3A_39 = arith.constant 0 : index
      %swap3A_40 = tpu.vector_load %arg9[%swap3A_36, %swap3A_37, %swap3A_38, %swap3A_39] {strides = array<i32>} : memref<2x1x128x64xf32, #tpu.memory_space<vmem>>, vector<1x1x1x16xf32>,
      %swap3A_41 = vector.shape_cast %swap3A_40 : vector<1x1x1x16xf32> to vector<16xf32>
      %swap3A_42 = vector.shape_cast %broadcast_in_dim3A_1 : vector<16xf32> to vector<1x1x1x16xf32>
      tpu.vector_store %arg9[%swap3A_36, %swap3A_37, %swap3A_38, %swap3A_39], %swap3A_42 {strides = array<i32>} : memref<2x1x128x64xf32, #tpu.memory_space<vmem>>, vector<1x1x1x16xf32>,
      %swap3A_43 = arith.constant 0 : i32
      %swap3A_44 = arith.constant 0 : i32
      %swap3A_45 = arith.index_cast %swap3A_43 : i32 to index
      %swap3A_46 = arith.index_cast %swap3A_44 : i32 to index
      %swap3A_47 = arith.index_cast %scan3A_33 : i32 to index
      %swap3A_48 = arith.constant 16 : index
      %swap3A_49 = tpu.vector_load %arg9[%swap3A_45, %swap3A_46, %swap3A_47, %swap3A_48] {strides = array<i32>} : memref<2x1x128x64xf32, #tpu.memory_space<vmem>>, vector<1x1x1x16xf32>,
      %swap3A_50 = vector.shape_cast %swap3A_49 : vector<1x1x1x16xf32> to vector<16xf32>
      %swap3A_51 = vector.shape_cast %broadcast_in_dim3A_1 : vector<16xf32> to vector<1x1x1x16xf32>
      tpu.vector_store %arg9[%swap3A_45, %swap3A_46, %swap3A_47, %swap3A_48], %swap3A_51 {strides = array<i32>} : memref<2x1x128x64xf32, #tpu.memory_space<vmem>>, vector<1x1x1x16xf32>,
      %swap3A_52 = arith.constant 0 : i32
      %swap3A_53 = arith.constant 0 : i32
      %swap3A_54 = arith.index_cast %swap3A_52 : i32 to index
      %swap3A_55 = arith.index_cast %swap3A_53 : i32 to index
      %swap3A_56 = arith.index_cast %scan3A_33 : i32 to index
      %swap3A_57 = arith.constant 32 : index
      %swap3A_58 = tpu.vector_load %arg9[%swap3A_54, %swap3A_55, %swap3A_56, %swap3A_57] {strides = array<i32>} : memref<2x1x128x64xf32, #tpu.memory_space<vmem>>, vector<1x1x1x16xf32>,
      %swap3A_59 = vector.shape_cast %swap3A_58 : vector<1x1x1x16xf32> to vector<16xf32>
      %swap3A_60 = vector.shape_cast %broadcast_in_dim3A_1 : vector<16xf32> to vector<1x1x1x16xf32>
      tpu.vector_store %arg9[%swap3A_54, %swap3A_55, %swap3A_56, %swap3A_57], %swap3A_60 {strides = array<i32>} : memref<2x1x128x64xf32, #tpu.memory_space<vmem>>, vector<1x1x1x16xf32>,
      %swap3A_61 = arith.constant 0 : i32
      %swap3A_62 = arith.constant 0 : i32
      %swap3A_63 = arith.index_cast %swap3A_61 : i32 to index
      %swap3A_64 = arith.index_cast %swap3A_62 : i32 to index
      %swap3A_65 = arith.index_cast %scan3A_33 : i32 to index
      %swap3A_66 = arith.constant 48 : index
      %swap3A_67 = tpu.vector_load %arg9[%swap3A_63, %swap3A_64, %swap3A_65, %swap3A_66] {strides = array<i32>} : memref<2x1x128x64xf32, #tpu.memory_space<vmem>>, vector<1x1x1x16xf32>,
      %swap3A_68 = vector.shape_cast %swap3A_67 : vector<1x1x1x16xf32> to vector<16xf32>
      %swap3A_69 = vector.shape_cast %broadcast_in_dim3A_1 : vector<16xf32> to vector<1x1x1x16xf32>
      tpu.vector_store %arg9[%swap3A_63, %swap3A_64, %swap3A_65, %swap3A_66], %swap3A_69 {strides = array<i32>} : memref<2x1x128x64xf32, #tpu.memory_space<vmem>>, vector<1x1x1x16xf32>,
      %scan3A_70 = arith.constant 0 : i32
      scf.yield %scan3A_70 : i32
    }
    %scan3A_7 = arith.constant 128 : i32
    %scan3A_8 = arith.constant 0 : i32
    %scan3A_9 = arith.constant 0 : i32
    %scan3A_10 = arith.constant 13 : i32
    %scan3A_11 = arith.addi %scan3A_9, %scan3A_10 : i32
    %scan3A_12 = arith.constant 1 : i32
    %scan3A_13 = scf.for %scan3A_33 = %scan3A_9 to %scan3A_11 step %scan3A_12 iter_args(%scan3A_34 = %scan3A_8) -> (i32)  : i32 {
      %mul3A_35 = arith.constant 16 : i32
      %mul3A_36 = arith.muli %mul3A_35, %scan3A_33 : i32
      %add3A = arith.addi %arg1, %mul3A_36 : i32
      %lt3A = arith.constant 196 : i32
      %lt3A_37 = arith.cmpi slt, %add3A, %lt3A : i32
      %convert_element_type3A = arith.extui %lt3A_37 : i1 to i32
      %cond3A = arith.constant 0 : i32
      %cond3A_38 = arith.cmpi ne, %convert_element_type3A, %cond3A : i32
      scf.if %cond3A_38 {
        %mul3A_40 = arith.constant 128 : i32
        %mul3A_41 = arith.muli %add3A, %mul3A_40 : i32
        %run_scoped3A_42 = arith.constant 0 : i32
        %run_scoped3A_43 = arith.constant 0 : i32
        "tpu.region"() ({
          %run_scoped3A_44 = tpu.sem_alloc : memref<!tpu.dma_semaphore, #tpu.memory_space<semaphore_mem>>
          %dma_start3A = arith.constant 0 : i32
          %dma_start3A_45 = arith.constant 0 : i32
          %dma_start3A_46 = tpu.memref_slice %arg9[%run_scoped3A_42, %run_scoped3A_43, %dma_start3A, %dma_start3A_45] : memref<2x1x128x64xf32, #tpu.memory_space<vmem>> -> memref<1x1x128x64xf32, #tpu.memory_space<vmem>>
          %dma_start3A_47 = tpu.memref_squeeze %dma_start3A_46 : memref<1x1x128x64xf32, #tpu.memory_space<vmem>> -> memref<128x64xf32, #tpu.memory_space<vmem>>
          %dma_start3A_48 = arith.constant 0 : i32
          %dma_start3A_49 = tpu.memref_slice %arg10[%mul3A_41, %dma_start3A_48] : memref<25088x64xf32, #tpu.memory_space<vmem_shared>> -> memref<128x64xf32, #tpu.memory_space<vmem_shared>>
          %dma_start3A_50 = arith.constant 0 : i32
          %dma_start3A_51 = tpu.memref_slice %arg10[%mul3A_41, %dma_start3A_50] : memref<25088x64xf32, #tpu.memory_space<vmem_shared>> -> memref<128x64xf32, #tpu.memory_space<vmem_shared>>
          %dma_start3A_52 = arith.constant 0 : i32
          %dma_start3A_53 = arith.constant 0 : i32
          %dma_start3A_54 = tpu.memref_slice %arg9[%run_scoped3A_42, %run_scoped3A_43, %dma_start3A_52, %dma_start3A_53] : memref<2x1x128x64xf32, #tpu.memory_space<vmem>> -> memref<1x1x128x64xf32, #tpu.memory_space<vmem>>
          %dma_start3A_55 = tpu.memref_squeeze %dma_start3A_54 : memref<1x1x128x64xf32, #tpu.memory_space<vmem>> -> memref<128x64xf32, #tpu.memory_space<vmem>>
          tpu.enqueue_dma source(%dma_start3A_55 : memref<128x64xf32, #tpu.memory_space<vmem>>) target(%dma_start3A_51 : memref<128x64xf32, #tpu.memory_space<vmem_shared>>) target_semaphore(%run_scoped3A_44 : memref<!tpu.dma_semaphore, #tpu.memory_space<semaphore_mem>>)
          %dma_wait3A = arith.constant 0 : i32
          %dma_wait3A_56 = arith.constant 0 : i32
          %dma_wait3A_57 = tpu.memref_slice %arg9[%run_scoped3A_42, %run_scoped3A_43, %dma_wait3A, %dma_wait3A_56] : memref<2x1x128x64xf32, #tpu.memory_space<vmem>> -> memref<1x1x128x64xf32, #tpu.memory_space<vmem>>
          %dma_wait3A_58 = tpu.memref_squeeze %dma_wait3A_57 : memref<1x1x128x64xf32, #tpu.memory_space<vmem>> -> memref<128x64xf32, #tpu.memory_space<vmem>>
          %dma_wait3A_59 = arith.constant 0 : i32
          %dma_wait3A_60 = tpu.memref_slice %arg10[%mul3A_41, %dma_wait3A_59] : memref<25088x64xf32, #tpu.memory_space<vmem_shared>> -> memref<128x64xf32, #tpu.memory_space<vmem_shared>>
          %dma_wait3A_61 = arith.constant 0 : i32
          %dma_wait3A_62 = tpu.memref_slice %arg10[%mul3A_41, %dma_wait3A_61] : memref<25088x64xf32, #tpu.memory_space<vmem_shared>> -> memref<128x64xf32, #tpu.memory_space<vmem_shared>>
          %dma_wait3A_63 = arith.constant 0 : i32
          %dma_wait3A_64 = arith.constant 0 : i32
          %dma_wait3A_65 = tpu.memref_slice %arg9[%run_scoped3A_42, %run_scoped3A_43, %dma_wait3A_63, %dma_wait3A_64] : memref<2x1x128x64xf32, #tpu.memory_space<vmem>> -> memref<1x1x128x64xf32, #tpu.memory_space<vmem>>
          %dma_wait3A_66 = tpu.memref_squeeze %dma_wait3A_65 : memref<1x1x128x64xf32, #tpu.memory_space<vmem>> -> memref<128x64xf32, #tpu.memory_space<vmem>>
          tpu.wait_dma2 semaphore(%run_scoped3A_44 : memref<!tpu.dma_semaphore, #tpu.memory_space<semaphore_mem>>) src(%dma_wait3A_66 : memref<128x64xf32, #tpu.memory_space<vmem>>) dst(%dma_wait3A_62 : memref<128x64xf32, #tpu.memory_space<vmem_shared>>)
          tpu.yield
        }) : () -> ()
      } else {
      }
      %scan3A_39 = arith.constant 0 : i32
      scf.yield %scan3A_39 : i32
    }
    %scan3A_14 = arith.constant 13 : i32
    %barrier3A = arith.constant 0 : index
    tpu.barrier barrier_id(%barrier3A)
    %mul3A_15 = arith.constant 400 : i32
    %mul3A_16 = arith.muli %arg1, %mul3A_15 : i32
    %run_scoped3A = arith.constant 0 : i32
    "tpu.region"() ({
      %run_scoped3A_33 = tpu.sem_alloc : memref<!tpu.dma_semaphore, #tpu.memory_space<semaphore_mem>>
      %dma_start3A = arith.constant 0 : i32
      %dma_start3A_34 = arith.constant 0 : i32
      %dma_start3A_35 = tpu.memref_slice %arg6[%run_scoped3A, %dma_start3A, %dma_start3A_34] : memref<2x1x128xi32, #tpu.memory_space<vmem>> -> memref<1x1x128xi32, #tpu.memory_space<vmem>>
      %dma_start3A_36 = tpu.memref_squeeze %dma_start3A_35 : memref<1x1x128xi32, #tpu.memory_space<vmem>> -> memref<1x128xi32, #tpu.memory_space<vmem>>
      %dma_start3A_37 = arith.constant 0 : i32
      %dma_start3A_38 = tpu.memref_slice %arg3[%mul3A_16, %dma_start3A_37] : memref<6400x128xi32, #tpu.memory_space<hbm>> -> memref<1x128xi32, #tpu.memory_space<hbm>>
      %dma_start3A_39 = arith.constant 0 : i32
      %dma_start3A_40 = arith.constant 0 : i32
      %dma_start3A_41 = tpu.memref_slice %arg6[%run_scoped3A, %dma_start3A_39, %dma_start3A_40] : memref<2x1x128xi32, #tpu.memory_space<vmem>> -> memref<1x1x128xi32, #tpu.memory_space<vmem>>
      %dma_start3A_42 = tpu.memref_squeeze %dma_start3A_41 : memref<1x1x128xi32, #tpu.memory_space<vmem>> -> memref<1x128xi32, #tpu.memory_space<vmem>>
      %dma_start3A_43 = arith.constant 0 : i32
      %dma_start3A_44 = tpu.memref_slice %arg3[%mul3A_16, %dma_start3A_43] : memref<6400x128xi32, #tpu.memory_space<hbm>> -> memref<1x128xi32, #tpu.memory_space<hbm>>
      tpu.enqueue_dma source(%dma_start3A_44 : memref<1x128xi32, #tpu.memory_space<hbm>>) target(%dma_start3A_42 : memref<1x128xi32, #tpu.memory_space<vmem>>) target_semaphore(%run_scoped3A_33 : memref<!tpu.dma_semaphore, #tpu.memory_space<semaphore_mem>>)
      %dma_wait3A = arith.constant 0 : i32
      %dma_wait3A_45 = arith.constant 0 : i32
      %dma_wait3A_46 = tpu.memref_slice %arg6[%run_scoped3A, %dma_wait3A, %dma_wait3A_45] : memref<2x1x128xi32, #tpu.memory_space<vmem>> -> memref<1x1x128xi32, #tpu.memory_space<vmem>>
      %dma_wait3A_47 = tpu.memref_squeeze %dma_wait3A_46 : memref<1x1x128xi32, #tpu.memory_space<vmem>> -> memref<1x128xi32, #tpu.memory_space<vmem>>
      %dma_wait3A_48 = arith.constant 0 : i32
      %dma_wait3A_49 = tpu.memref_slice %arg3[%mul3A_16, %dma_wait3A_48] : memref<6400x128xi32, #tpu.memory_space<hbm>> -> memref<1x128xi32, #tpu.memory_space<hbm>>
      %dma_wait3A_50 = arith.constant 0 : i32
      %dma_wait3A_51 = arith.constant 0 : i32
      %dma_wait3A_52 = tpu.memref_slice %arg6[%run_scoped3A, %dma_wait3A_50, %dma_wait3A_51] : memref<2x1x128xi32, #tpu.memory_space<vmem>> -> memref<1x1x128xi32, #tpu.memory_space<vmem>>
      %dma_wait3A_53 = tpu.memref_squeeze %dma_wait3A_52 : memref<1x1x128xi32, #tpu.memory_space<vmem>> -> memref<1x128xi32, #tpu.memory_space<vmem>>
      %dma_wait3A_54 = arith.constant 0 : i32
      %dma_wait3A_55 = tpu.memref_slice %arg3[%mul3A_16, %dma_wait3A_54] : memref<6400x128xi32, #tpu.memory_space<hbm>> -> memref<1x128xi32, #tpu.memory_space<hbm>>
      tpu.wait_dma2 semaphore(%run_scoped3A_33 : memref<!tpu.dma_semaphore, #tpu.memory_space<semaphore_mem>>) src(%dma_wait3A_55 : memref<1x128xi32, #tpu.memory_space<hbm>>) dst(%dma_wait3A_53 : memref<1x128xi32, #tpu.memory_space<vmem>>)
      tpu.yield
    }) : () -> ()
    %run_scoped3A_17 = arith.constant 0 : i32
    "tpu.region"() ({
      %run_scoped3A_33 = tpu.sem_alloc : memref<!tpu.dma_semaphore, #tpu.memory_space<semaphore_mem>>
      %dma_start3A = arith.constant 0 : i32
      %dma_start3A_34 = arith.constant 0 : i32
      %dma_start3A_35 = tpu.memref_slice %arg7[%run_scoped3A_17, %dma_start3A, %dma_start3A_34] : memref<2x1x128xi32, #tpu.memory_space<vmem>> -> memref<1x1x128xi32, #tpu.memory_space<vmem>>
      %dma_start3A_36 = tpu.memref_squeeze %dma_start3A_35 : memref<1x1x128xi32, #tpu.memory_space<vmem>> -> memref<1x128xi32, #tpu.memory_space<vmem>>
      %dma_start3A_37 = arith.constant 0 : i32
      %dma_start3A_38 = tpu.memref_slice %arg4[%mul3A_16, %dma_start3A_37] : memref<6400x128xi32, #tpu.memory_space<hbm>> -> memref<1x128xi32, #tpu.memory_space<hbm>>
      %dma_start3A_39 = arith.constant 0 : i32
      %dma_start3A_40 = arith.constant 0 : i32
      %dma_start3A_41 = tpu.memref_slice %arg7[%run_scoped3A_17, %dma_start3A_39, %dma_start3A_40] : memref<2x1x128xi32, #tpu.memory_space<vmem>> -> memref<1x1x128xi32, #tpu.memory_space<vmem>>
      %dma_start3A_42 = tpu.memref_squeeze %dma_start3A_41 : memref<1x1x128xi32, #tpu.memory_space<vmem>> -> memref<1x128xi32, #tpu.memory_space<vmem>>
      %dma_start3A_43 = arith.constant 0 : i32
      %dma_start3A_44 = tpu.memref_slice %arg4[%mul3A_16, %dma_start3A_43] : memref<6400x128xi32, #tpu.memory_space<hbm>> -> memref<1x128xi32, #tpu.memory_space<hbm>>
      tpu.enqueue_dma source(%dma_start3A_44 : memref<1x128xi32, #tpu.memory_space<hbm>>) target(%dma_start3A_42 : memref<1x128xi32, #tpu.memory_space<vmem>>) target_semaphore(%run_scoped3A_33 : memref<!tpu.dma_semaphore, #tpu.memory_space<semaphore_mem>>)
      %dma_wait3A = arith.constant 0 : i32
      %dma_wait3A_45 = arith.constant 0 : i32
      %dma_wait3A_46 = tpu.memref_slice %arg7[%run_scoped3A_17, %dma_wait3A, %dma_wait3A_45] : memref<2x1x128xi32, #tpu.memory_space<vmem>> -> memref<1x1x128xi32, #tpu.memory_space<vmem>>
      %dma_wait3A_47 = tpu.memref_squeeze %dma_wait3A_46 : memref<1x1x128xi32, #tpu.memory_space<vmem>> -> memref<1x128xi32, #tpu.memory_space<vmem>>
      %dma_wait3A_48 = arith.constant 0 : i32
      %dma_wait3A_49 = tpu.memref_slice %arg4[%mul3A_16, %dma_wait3A_48] : memref<6400x128xi32, #tpu.memory_space<hbm>> -> memref<1x128xi32, #tpu.memory_space<hbm>>
      %dma_wait3A_50 = arith.constant 0 : i32
      %dma_wait3A_51 = arith.constant 0 : i32
      %dma_wait3A_52 = tpu.memref_slice %arg7[%run_scoped3A_17, %dma_wait3A_50, %dma_wait3A_51] : memref<2x1x128xi32, #tpu.memory_space<vmem>> -> memref<1x1x128xi32, #tpu.memory_space<vmem>>
      %dma_wait3A_53 = tpu.memref_squeeze %dma_wait3A_52 : memref<1x1x128xi32, #tpu.memory_space<vmem>> -> memref<1x128xi32, #tpu.memory_space<vmem>>
      %dma_wait3A_54 = arith.constant 0 : i32
      %dma_wait3A_55 = tpu.memref_slice %arg4[%mul3A_16, %dma_wait3A_54] : memref<6400x128xi32, #tpu.memory_space<hbm>> -> memref<1x128xi32, #tpu.memory_space<hbm>>
      tpu.wait_dma2 semaphore(%run_scoped3A_33 : memref<!tpu.dma_semaphore, #tpu.memory_space<semaphore_mem>>) src(%dma_wait3A_55 : memref<1x128xi32, #tpu.memory_space<hbm>>) dst(%dma_wait3A_53 : memref<1x128xi32, #tpu.memory_space<vmem>>)
      tpu.yield
    }) : () -> ()
    %scan3A_18 = arith.constant 0 : i32
    %scan3A_19 = arith.constant 0 : i32
    %scan3A_20 = arith.constant 400 : i32
    %scan3A_21 = arith.addi %scan3A_19, %scan3A_20 : i32
    %scan3A_22 = arith.constant 1 : i32
    %scan3A_23 = scf.for %scan3A_33 = %scan3A_19 to %scan3A_21 step %scan3A_22 iter_args(%scan3A_34 = %scan3A_18) -> (i32)  : i32 {
      %rem3A = arith.constant 2 : i32
      %rem3A_35 = arith.remsi %scan3A_33, %rem3A : i32
      %add3A = arith.constant 1 : i32
      %add3A_36 = arith.addi %scan3A_33, %add3A : i32
      %rem3A_37 = arith.constant 2 : i32
      %rem3A_38 = arith.remsi %add3A_36, %rem3A_37 : i32
      %lt3A = arith.constant 399 : i32
      %lt3A_39 = arith.cmpi slt, %scan3A_33, %lt3A : i32
      %convert_element_type3A = arith.extui %lt3A_39 : i1 to i32
      %cond3A = arith.constant 0 : i32
      %cond3A_40 = arith.cmpi ne, %convert_element_type3A, %cond3A : i32
      scf.if %cond3A_40 {
        %add3A_264 = arith.constant 1 : i32
        %add3A_265 = arith.addi %scan3A_33, %add3A_264 : i32
        %mul3A_266 = arith.constant 1 : i32
        %mul3A_267 = arith.muli %mul3A_266, %add3A_265 : i32
        %add3A_268 = arith.addi %mul3A_16, %mul3A_267 : i32
        %dma_start3A_269 = arith.constant 0 : i32
        %dma_start3A_270 = arith.constant 0 : i32
        %dma_start3A_271 = tpu.memref_slice %arg6[%rem3A_38, %dma_start3A_269, %dma_start3A_270] : memref<2x1x128xi32, #tpu.memory_space<vmem>> -> memref<1x1x128xi32, #tpu.memory_space<vmem>>
        %dma_start3A_272 = tpu.memref_squeeze %dma_start3A_271 : memref<1x1x128xi32, #tpu.memory_space<vmem>> -> memref<1x128xi32, #tpu.memory_space<vmem>>
        %dma_start3A_273 = arith.constant 0 : i32
        %dma_start3A_274 = tpu.memref_slice %arg3[%add3A_268, %dma_start3A_273] : memref<6400x128xi32, #tpu.memory_space<hbm>> -> memref<1x128xi32, #tpu.memory_space<hbm>>
        %dma_start3A_275 = arith.constant 0 : i32
        %dma_start3A_276 = arith.constant 0 : i32
        %dma_start3A_277 = tpu.memref_slice %arg6[%rem3A_38, %dma_start3A_275, %dma_start3A_276] : memref<2x1x128xi32, #tpu.memory_space<vmem>> -> memref<1x1x128xi32, #tpu.memory_space<vmem>>
        %dma_start3A_278 = tpu.memref_squeeze %dma_start3A_277 : memref<1x1x128xi32, #tpu.memory_space<vmem>> -> memref<1x128xi32, #tpu.memory_space<vmem>>
        %dma_start3A_279 = arith.constant 0 : i32
        %dma_start3A_280 = tpu.memref_slice %arg3[%add3A_268, %dma_start3A_279] : memref<6400x128xi32, #tpu.memory_space<hbm>> -> memref<1x128xi32, #tpu.memory_space<hbm>>
        tpu.enqueue_dma source(%dma_start3A_280 : memref<1x128xi32, #tpu.memory_space<hbm>>) target(%dma_start3A_278 : memref<1x128xi32, #tpu.memory_space<vmem>>) target_semaphore(%arg12 : memref<!tpu.dma_semaphore, #tpu.memory_space<semaphore_mem>>)
        %add3A_281 = arith.constant 1 : i32
        %add3A_282 = arith.addi %scan3A_33, %add3A_281 : i32
        %mul3A_283 = arith.constant 1 : i32
        %mul3A_284 = arith.muli %mul3A_283, %add3A_282 : i32
        %add3A_285 = arith.addi %mul3A_16, %mul3A_284 : i32
        %dma_start3A_286 = arith.constant 0 : i32
        %dma_start3A_287 = arith.constant 0 : i32
        %dma_start3A_288 = tpu.memref_slice %arg7[%rem3A_38, %dma_start3A_286, %dma_start3A_287] : memref<2x1x128xi32, #tpu.memory_space<vmem>> -> memref<1x1x128xi32, #tpu.memory_space<vmem>>
        %dma_start3A_289 = tpu.memref_squeeze %dma_start3A_288 : memref<1x1x128xi32, #tpu.memory_space<vmem>> -> memref<1x128xi32, #tpu.memory_space<vmem>>
        %dma_start3A_290 = arith.constant 0 : i32
        %dma_start3A_291 = tpu.memref_slice %arg4[%add3A_285, %dma_start3A_290] : memref<6400x128xi32, #tpu.memory_space<hbm>> -> memref<1x128xi32, #tpu.memory_space<hbm>>
        %dma_start3A_292 = arith.constant 0 : i32
        %dma_start3A_293 = arith.constant 0 : i32
        %dma_start3A_294 = tpu.memref_slice %arg7[%rem3A_38, %dma_start3A_292, %dma_start3A_293] : memref<2x1x128xi32, #tpu.memory_space<vmem>> -> memref<1x1x128xi32, #tpu.memory_space<vmem>>
        %dma_start3A_295 = tpu.memref_squeeze %dma_start3A_294 : memref<1x1x128xi32, #tpu.memory_space<vmem>> -> memref<1x128xi32, #tpu.memory_space<vmem>>
        %dma_start3A_296 = arith.constant 0 : i32
        %dma_start3A_297 = tpu.memref_slice %arg4[%add3A_285, %dma_start3A_296] : memref<6400x128xi32, #tpu.memory_space<hbm>> -> memref<1x128xi32, #tpu.memory_space<hbm>>
        tpu.enqueue_dma source(%dma_start3A_297 : memref<1x128xi32, #tpu.memory_space<hbm>>) target(%dma_start3A_295 : memref<1x128xi32, #tpu.memory_space<vmem>>) target_semaphore(%arg12 : memref<!tpu.dma_semaphore, #tpu.memory_space<semaphore_mem>>)
      } else {
      }
      %dma_start3A = arith.constant 0 : i32
      %dma_start3A_41 = arith.constant 0 : i32
      %dma_start3A_42 = arith.constant 0 : i32
      %dma_start3A_43 = arith.constant 0 : i32
      %dma_start3A_44 = tpu.memref_slice %arg9[%rem3A_35, %dma_start3A_41, %dma_start3A_42, %dma_start3A_43] : memref<2x1x128x64xf32, #tpu.memory_space<vmem>> -> memref<1x1x128x64xf32, #tpu.memory_space<vmem>>
      %dma_start3A_45 = tpu.memref_squeeze %dma_start3A_44 : memref<1x1x128x64xf32, #tpu.memory_space<vmem>> -> memref<128x64xf32, #tpu.memory_space<vmem>>
      %dma_start3A_46 = arith.constant 0 : i32
      %dma_start3A_47 = tpu.memref_slice %arg6[%rem3A_35, %dma_start3A, %dma_start3A_46] : memref<2x1x128xi32, #tpu.memory_space<vmem>> -> memref<1x1x128xi32, #tpu.memory_space<vmem>>
      %dma_start3A_48 = tpu.memref_squeeze %dma_start3A_47 : memref<1x1x128xi32, #tpu.memory_space<vmem>> -> memref<128xi32, #tpu.memory_space<vmem>>
      %dma_start3A_49 = arith.constant 0 : i32
      %dma_start3A_50 = arith.constant 0 : i32
      %dma_start3A_51 = tpu.memref_slice %arg2[%dma_start3A_49, %dma_start3A_50] : memref<50048x64xf32, #tpu.memory_space<hbm>> -> memref<50048x64xf32, #tpu.memory_space<hbm>>
      tpu.enqueue_indirect_dma source(%dma_start3A_51 : memref<50048x64xf32, #tpu.memory_space<hbm>>) target(%dma_start3A_45 : memref<128x64xf32, #tpu.memory_space<vmem>>) offsets(%dma_start3A_48 : memref<128xi32, #tpu.memory_space<vmem>>) semaphore(%arg11 : memref<!tpu.dma_semaphore, #tpu.memory_space<semaphore_mem>>)
      %get3A = arith.constant 0 : i32
      %get3A_52 = arith.index_cast %rem3A_35 : i32 to index
      %get3A_53 = arith.index_cast %get3A : i32 to index
      %get3A_54 = arith.constant 0 : index
      %get3A_55 = tpu.vector_load %arg7[%get3A_52, %get3A_53, %get3A_54] {strides = array<i32>} : memref<2x1x128xi32, #tpu.memory_space<vmem>>, vector<1x1x16xi32>,
      %get3A_56 = vector.shape_cast %get3A_55 : vector<1x1x16xi32> to vector<16xi32>
      %ge3A = vector.broadcast %mul3A_0 : i32 to vector<16xi32>
      %ge3A_57 = arith.cmpi sge, %get3A_56, %ge3A : vector<16xi32>
      %add3A_58 = arith.constant 25024 : i32
      %add3A_59 = arith.addi %mul3A_0, %add3A_58 : i32
      %lt3A_60 = vector.broadcast %add3A_59 : i32 to vector<16xi32>
      %lt3A_61 = arith.cmpi slt, %get3A_56, %lt3A_60 : vector<16xi32>
      %and3A = arith.andi %ge3A_57, %lt3A_61 : vector<16xi1>
      %sub3A = vector.broadcast %mul3A_0 : i32 to vector<16xi32>
      %sub3A_62 = arith.subi %get3A_56, %sub3A : vector<16xi32>
      %jit3A = arith.constant 25024 : i32
      %broadcast_in_dim3A_63 = vector.broadcast %jit3A : i32 to vector<16xi32>
      %select_n3A = arith.select %and3A, %sub3A_62, %broadcast_in_dim3A_63 : vector<16xi1>, vector<16xi32>
      %swap3A = arith.constant 0 : i32
      %swap3A_64 = arith.index_cast %rem3A_35 : i32 to index
      %swap3A_65 = arith.index_cast %swap3A : i32 to index
      %swap3A_66 = arith.constant 0 : index
      %swap3A_67 = tpu.vector_load %arg8[%swap3A_64, %swap3A_65, %swap3A_66] {strides = array<i32>} : memref<2x1x128xi32, #tpu.memory_space<vmem>>, vector<1x1x16xi32>,
      %swap3A_68 = vector.shape_cast %swap3A_67 : vector<1x1x16xi32> to vector<16xi32>
      %swap3A_69 = vector.shape_cast %select_n3A : vector<16xi32> to vector<1x1x16xi32>
      tpu.vector_store %arg8[%swap3A_64, %swap3A_65, %swap3A_66], %swap3A_69 {strides = array<i32>} : memref<2x1x128xi32, #tpu.memory_space<vmem>>, vector<1x1x16xi32>,
      %get3A_70 = arith.constant 0 : i32
      %get3A_71 = arith.index_cast %rem3A_35 : i32 to index
      %get3A_72 = arith.index_cast %get3A_70 : i32 to index
      %get3A_73 = arith.constant 16 : index
      %get3A_74 = tpu.vector_load %arg7[%get3A_71, %get3A_72, %get3A_73] {strides = array<i32>} : memref<2x1x128xi32, #tpu.memory_space<vmem>>, vector<1x1x16xi32>,
      %get3A_75 = vector.shape_cast %get3A_74 : vector<1x1x16xi32> to vector<16xi32>
      %ge3A_76 = vector.broadcast %mul3A_0 : i32 to vector<16xi32>
      %ge3A_77 = arith.cmpi sge, %get3A_75, %ge3A_76 : vector<16xi32>
      %add3A_78 = arith.constant 25024 : i32
      %add3A_79 = arith.addi %mul3A_0, %add3A_78 : i32
      %lt3A_80 = vector.broadcast %add3A_79 : i32 to vector<16xi32>
      %lt3A_81 = arith.cmpi slt, %get3A_75, %lt3A_80 : vector<16xi32>
      %and3A_82 = arith.andi %ge3A_77, %lt3A_81 : vector<16xi1>
      %sub3A_83 = vector.broadcast %mul3A_0 : i32 to vector<16xi32>
      %sub3A_84 = arith.subi %get3A_75, %sub3A_83 : vector<16xi32>
      %jit3A_85 = arith.constant 25024 : i32
      %broadcast_in_dim3A_86 = vector.broadcast %jit3A_85 : i32 to vector<16xi32>
      %select_n3A_87 = arith.select %and3A_82, %sub3A_84, %broadcast_in_dim3A_86 : vector<16xi1>, vector<16xi32>
      %swap3A_88 = arith.constant 0 : i32
      %swap3A_89 = arith.index_cast %rem3A_35 : i32 to index
      %swap3A_90 = arith.index_cast %swap3A_88 : i32 to index
      %swap3A_91 = arith.constant 16 : index
      %swap3A_92 = tpu.vector_load %arg8[%swap3A_89, %swap3A_90, %swap3A_91] {strides = array<i32>} : memref<2x1x128xi32, #tpu.memory_space<vmem>>, vector<1x1x16xi32>,
      %swap3A_93 = vector.shape_cast %swap3A_92 : vector<1x1x16xi32> to vector<16xi32>
      %swap3A_94 = vector.shape_cast %select_n3A_87 : vector<16xi32> to vector<1x1x16xi32>
      tpu.vector_store %arg8[%swap3A_89, %swap3A_90, %swap3A_91], %swap3A_94 {strides = array<i32>} : memref<2x1x128xi32, #tpu.memory_space<vmem>>, vector<1x1x16xi32>,
      %get3A_95 = arith.constant 0 : i32
      %get3A_96 = arith.index_cast %rem3A_35 : i32 to index
      %get3A_97 = arith.index_cast %get3A_95 : i32 to index
      %get3A_98 = arith.constant 32 : index
      %get3A_99 = tpu.vector_load %arg7[%get3A_96, %get3A_97, %get3A_98] {strides = array<i32>} : memref<2x1x128xi32, #tpu.memory_space<vmem>>, vector<1x1x16xi32>,
      %get3A_100 = vector.shape_cast %get3A_99 : vector<1x1x16xi32> to vector<16xi32>
      %ge3A_101 = vector.broadcast %mul3A_0 : i32 to vector<16xi32>
      %ge3A_102 = arith.cmpi sge, %get3A_100, %ge3A_101 : vector<16xi32>
      %add3A_103 = arith.constant 25024 : i32
      %add3A_104 = arith.addi %mul3A_0, %add3A_103 : i32
      %lt3A_105 = vector.broadcast %add3A_104 : i32 to vector<16xi32>
      %lt3A_106 = arith.cmpi slt, %get3A_100, %lt3A_105 : vector<16xi32>
      %and3A_107 = arith.andi %ge3A_102, %lt3A_106 : vector<16xi1>
      %sub3A_108 = vector.broadcast %mul3A_0 : i32 to vector<16xi32>
      %sub3A_109 = arith.subi %get3A_100, %sub3A_108 : vector<16xi32>
      %jit3A_110 = arith.constant 25024 : i32
      %broadcast_in_dim3A_111 = vector.broadcast %jit3A_110 : i32 to vector<16xi32>
      %select_n3A_112 = arith.select %and3A_107, %sub3A_109, %broadcast_in_dim3A_111 : vector<16xi1>, vector<16xi32>
      %swap3A_113 = arith.constant 0 : i32
      %swap3A_114 = arith.index_cast %rem3A_35 : i32 to index
      %swap3A_115 = arith.index_cast %swap3A_113 : i32 to index
      %swap3A_116 = arith.constant 32 : index
      %swap3A_117 = tpu.vector_load %arg8[%swap3A_114, %swap3A_115, %swap3A_116] {strides = array<i32>} : memref<2x1x128xi32, #tpu.memory_space<vmem>>, vector<1x1x16xi32>,
      %swap3A_118 = vector.shape_cast %swap3A_117 : vector<1x1x16xi32> to vector<16xi32>
      %swap3A_119 = vector.shape_cast %select_n3A_112 : vector<16xi32> to vector<1x1x16xi32>
      tpu.vector_store %arg8[%swap3A_114, %swap3A_115, %swap3A_116], %swap3A_119 {strides = array<i32>} : memref<2x1x128xi32, #tpu.memory_space<vmem>>, vector<1x1x16xi32>,
      %get3A_120 = arith.constant 0 : i32
      %get3A_121 = arith.index_cast %rem3A_35 : i32 to index
      %get3A_122 = arith.index_cast %get3A_120 : i32 to index
      %get3A_123 = arith.constant 48 : index
      %get3A_124 = tpu.vector_load %arg7[%get3A_121, %get3A_122, %get3A_123] {strides = array<i32>} : memref<2x1x128xi32, #tpu.memory_space<vmem>>, vector<1x1x16xi32>,
      %get3A_125 = vector.shape_cast %get3A_124 : vector<1x1x16xi32> to vector<16xi32>
      %ge3A_126 = vector.broadcast %mul3A_0 : i32 to vector<16xi32>
      %ge3A_127 = arith.cmpi sge, %get3A_125, %ge3A_126 : vector<16xi32>
      %add3A_128 = arith.constant 25024 : i32
      %add3A_129 = arith.addi %mul3A_0, %add3A_128 : i32
      %lt3A_130 = vector.broadcast %add3A_129 : i32 to vector<16xi32>
      %lt3A_131 = arith.cmpi slt, %get3A_125, %lt3A_130 : vector<16xi32>
      %and3A_132 = arith.andi %ge3A_127, %lt3A_131 : vector<16xi1>
      %sub3A_133 = vector.broadcast %mul3A_0 : i32 to vector<16xi32>
      %sub3A_134 = arith.subi %get3A_125, %sub3A_133 : vector<16xi32>
      %jit3A_135 = arith.constant 25024 : i32
      %broadcast_in_dim3A_136 = vector.broadcast %jit3A_135 : i32 to vector<16xi32>
      %select_n3A_137 = arith.select %and3A_132, %sub3A_134, %broadcast_in_dim3A_136 : vector<16xi1>, vector<16xi32>
      %swap3A_138 = arith.constant 0 : i32
      %swap3A_139 = arith.index_cast %rem3A_35 : i32 to index
      %swap3A_140 = arith.index_cast %swap3A_138 : i32 to index
      %swap3A_141 = arith.constant 48 : index
      %swap3A_142 = tpu.vector_load %arg8[%swap3A_139, %swap3A_140, %swap3A_141] {strides = array<i32>} : memref<2x1x128xi32, #tpu.memory_space<vmem>>, vector<1x1x16xi32>,
      %swap3A_143 = vector.shape_cast %swap3A_142 : vector<1x1x16xi32> to vector<16xi32>
      %swap3A_144 = vector.shape_cast %select_n3A_137 : vector<16xi32> to vector<1x1x16xi32>
      tpu.vector_store %arg8[%swap3A_139, %swap3A_140, %swap3A_141], %swap3A_144 {strides = array<i32>} : memref<2x1x128xi32, #tpu.memory_space<vmem>>, vector<1x1x16xi32>,
      %get3A_145 = arith.constant 0 : i32
      %get3A_146 = arith.index_cast %rem3A_35 : i32 to index
      %get3A_147 = arith.index_cast %get3A_145 : i32 to index
      %get3A_148 = arith.constant 64 : index
      %get3A_149 = tpu.vector_load %arg7[%get3A_146, %get3A_147, %get3A_148] {strides = array<i32>} : memref<2x1x128xi32, #tpu.memory_space<vmem>>, vector<1x1x16xi32>,
      %get3A_150 = vector.shape_cast %get3A_149 : vector<1x1x16xi32> to vector<16xi32>
      %ge3A_151 = vector.broadcast %mul3A_0 : i32 to vector<16xi32>
      %ge3A_152 = arith.cmpi sge, %get3A_150, %ge3A_151 : vector<16xi32>
      %add3A_153 = arith.constant 25024 : i32
      %add3A_154 = arith.addi %mul3A_0, %add3A_153 : i32
      %lt3A_155 = vector.broadcast %add3A_154 : i32 to vector<16xi32>
      %lt3A_156 = arith.cmpi slt, %get3A_150, %lt3A_155 : vector<16xi32>
      %and3A_157 = arith.andi %ge3A_152, %lt3A_156 : vector<16xi1>
      %sub3A_158 = vector.broadcast %mul3A_0 : i32 to vector<16xi32>
      %sub3A_159 = arith.subi %get3A_150, %sub3A_158 : vector<16xi32>
      %jit3A_160 = arith.constant 25024 : i32
      %broadcast_in_dim3A_161 = vector.broadcast %jit3A_160 : i32 to vector<16xi32>
      %select_n3A_162 = arith.select %and3A_157, %sub3A_159, %broadcast_in_dim3A_161 : vector<16xi1>, vector<16xi32>
      %swap3A_163 = arith.constant 0 : i32
      %swap3A_164 = arith.index_cast %rem3A_35 : i32 to index
      %swap3A_165 = arith.index_cast %swap3A_163 : i32 to index
      %swap3A_166 = arith.constant 64 : index
      %swap3A_167 = tpu.vector_load %arg8[%swap3A_164, %swap3A_165, %swap3A_166] {strides = array<i32>} : memref<2x1x128xi32, #tpu.memory_space<vmem>>, vector<1x1x16xi32>,
      %swap3A_168 = vector.shape_cast %swap3A_167 : vector<1x1x16xi32> to vector<16xi32>
      %swap3A_169 = vector.shape_cast %select_n3A_162 : vector<16xi32> to vector<1x1x16xi32>
      tpu.vector_store %arg8[%swap3A_164, %swap3A_165, %swap3A_166], %swap3A_169 {strides = array<i32>} : memref<2x1x128xi32, #tpu.memory_space<vmem>>, vector<1x1x16xi32>,
      %get3A_170 = arith.constant 0 : i32
      %get3A_171 = arith.index_cast %rem3A_35 : i32 to index
      %get3A_172 = arith.index_cast %get3A_170 : i32 to index
      %get3A_173 = arith.constant 80 : index
      %get3A_174 = tpu.vector_load %arg7[%get3A_171, %get3A_172, %get3A_173] {strides = array<i32>} : memref<2x1x128xi32, #tpu.memory_space<vmem>>, vector<1x1x16xi32>,
      %get3A_175 = vector.shape_cast %get3A_174 : vector<1x1x16xi32> to vector<16xi32>
      %ge3A_176 = vector.broadcast %mul3A_0 : i32 to vector<16xi32>
      %ge3A_177 = arith.cmpi sge, %get3A_175, %ge3A_176 : vector<16xi32>
      %add3A_178 = arith.constant 25024 : i32
      %add3A_179 = arith.addi %mul3A_0, %add3A_178 : i32
      %lt3A_180 = vector.broadcast %add3A_179 : i32 to vector<16xi32>
      %lt3A_181 = arith.cmpi slt, %get3A_175, %lt3A_180 : vector<16xi32>
      %and3A_182 = arith.andi %ge3A_177, %lt3A_181 : vector<16xi1>
      %sub3A_183 = vector.broadcast %mul3A_0 : i32 to vector<16xi32>
      %sub3A_184 = arith.subi %get3A_175, %sub3A_183 : vector<16xi32>
      %jit3A_185 = arith.constant 25024 : i32
      %broadcast_in_dim3A_186 = vector.broadcast %jit3A_185 : i32 to vector<16xi32>
      %select_n3A_187 = arith.select %and3A_182, %sub3A_184, %broadcast_in_dim3A_186 : vector<16xi1>, vector<16xi32>
      %swap3A_188 = arith.constant 0 : i32
      %swap3A_189 = arith.index_cast %rem3A_35 : i32 to index
      %swap3A_190 = arith.index_cast %swap3A_188 : i32 to index
      %swap3A_191 = arith.constant 80 : index
      %swap3A_192 = tpu.vector_load %arg8[%swap3A_189, %swap3A_190, %swap3A_191] {strides = array<i32>} : memref<2x1x128xi32, #tpu.memory_space<vmem>>, vector<1x1x16xi32>,
      %swap3A_193 = vector.shape_cast %swap3A_192 : vector<1x1x16xi32> to vector<16xi32>
      %swap3A_194 = vector.shape_cast %select_n3A_187 : vector<16xi32> to vector<1x1x16xi32>
      tpu.vector_store %arg8[%swap3A_189, %swap3A_190, %swap3A_191], %swap3A_194 {strides = array<i32>} : memref<2x1x128xi32, #tpu.memory_space<vmem>>, vector<1x1x16xi32>,
      %get3A_195 = arith.constant 0 : i32
      %get3A_196 = arith.index_cast %rem3A_35 : i32 to index
      %get3A_197 = arith.index_cast %get3A_195 : i32 to index
      %get3A_198 = arith.constant 96 : index
      %get3A_199 = tpu.vector_load %arg7[%get3A_196, %get3A_197, %get3A_198] {strides = array<i32>} : memref<2x1x128xi32, #tpu.memory_space<vmem>>, vector<1x1x16xi32>,
      %get3A_200 = vector.shape_cast %get3A_199 : vector<1x1x16xi32> to vector<16xi32>
      %ge3A_201 = vector.broadcast %mul3A_0 : i32 to vector<16xi32>
      %ge3A_202 = arith.cmpi sge, %get3A_200, %ge3A_201 : vector<16xi32>
      %add3A_203 = arith.constant 25024 : i32
      %add3A_204 = arith.addi %mul3A_0, %add3A_203 : i32
      %lt3A_205 = vector.broadcast %add3A_204 : i32 to vector<16xi32>
      %lt3A_206 = arith.cmpi slt, %get3A_200, %lt3A_205 : vector<16xi32>
      %and3A_207 = arith.andi %ge3A_202, %lt3A_206 : vector<16xi1>
      %sub3A_208 = vector.broadcast %mul3A_0 : i32 to vector<16xi32>
      %sub3A_209 = arith.subi %get3A_200, %sub3A_208 : vector<16xi32>
      %jit3A_210 = arith.constant 25024 : i32
      %broadcast_in_dim3A_211 = vector.broadcast %jit3A_210 : i32 to vector<16xi32>
      %select_n3A_212 = arith.select %and3A_207, %sub3A_209, %broadcast_in_dim3A_211 : vector<16xi1>, vector<16xi32>
      %swap3A_213 = arith.constant 0 : i32
      %swap3A_214 = arith.index_cast %rem3A_35 : i32 to index
      %swap3A_215 = arith.index_cast %swap3A_213 : i32 to index
      %swap3A_216 = arith.constant 96 : index
      %swap3A_217 = tpu.vector_load %arg8[%swap3A_214, %swap3A_215, %swap3A_216] {strides = array<i32>} : memref<2x1x128xi32, #tpu.memory_space<vmem>>, vector<1x1x16xi32>,
      %swap3A_218 = vector.shape_cast %swap3A_217 : vector<1x1x16xi32> to vector<16xi32>
      %swap3A_219 = vector.shape_cast %select_n3A_212 : vector<16xi32> to vector<1x1x16xi32>
      tpu.vector_store %arg8[%swap3A_214, %swap3A_215, %swap3A_216], %swap3A_219 {strides = array<i32>} : memref<2x1x128xi32, #tpu.memory_space<vmem>>, vector<1x1x16xi32>,
      %get3A_220 = arith.constant 0 : i32
      %get3A_221 = arith.index_cast %rem3A_35 : i32 to index
      %get3A_222 = arith.index_cast %get3A_220 : i32 to index
      %get3A_223 = arith.constant 112 : index
      %get3A_224 = tpu.vector_load %arg7[%get3A_221, %get3A_222, %get3A_223] {strides = array<i32>} : memref<2x1x128xi32, #tpu.memory_space<vmem>>, vector<1x1x16xi32>,
      %get3A_225 = vector.shape_cast %get3A_224 : vector<1x1x16xi32> to vector<16xi32>
      %ge3A_226 = vector.broadcast %mul3A_0 : i32 to vector<16xi32>
      %ge3A_227 = arith.cmpi sge, %get3A_225, %ge3A_226 : vector<16xi32>
      %add3A_228 = arith.constant 25024 : i32
      %add3A_229 = arith.addi %mul3A_0, %add3A_228 : i32
      %lt3A_230 = vector.broadcast %add3A_229 : i32 to vector<16xi32>
      %lt3A_231 = arith.cmpi slt, %get3A_225, %lt3A_230 : vector<16xi32>
      %and3A_232 = arith.andi %ge3A_227, %lt3A_231 : vector<16xi1>
      %sub3A_233 = vector.broadcast %mul3A_0 : i32 to vector<16xi32>
      %sub3A_234 = arith.subi %get3A_225, %sub3A_233 : vector<16xi32>
      %jit3A_235 = arith.constant 25024 : i32
      %broadcast_in_dim3A_236 = vector.broadcast %jit3A_235 : i32 to vector<16xi32>
      %select_n3A_237 = arith.select %and3A_232, %sub3A_234, %broadcast_in_dim3A_236 : vector<16xi1>, vector<16xi32>
      %swap3A_238 = arith.constant 0 : i32
      %swap3A_239 = arith.index_cast %rem3A_35 : i32 to index
      %swap3A_240 = arith.index_cast %swap3A_238 : i32 to index
      %swap3A_241 = arith.constant 112 : index
      %swap3A_242 = tpu.vector_load %arg8[%swap3A_239, %swap3A_240, %swap3A_241] {strides = array<i32>} : memref<2x1x128xi32, #tpu.memory_space<vmem>>, vector<1x1x16xi32>,
      %swap3A_243 = vector.shape_cast %swap3A_242 : vector<1x1x16xi32> to vector<16xi32>
      %swap3A_244 = vector.shape_cast %select_n3A_237 : vector<16xi32> to vector<1x1x16xi32>
      tpu.vector_store %arg8[%swap3A_239, %swap3A_240, %swap3A_241], %swap3A_244 {strides = array<i32>} : memref<2x1x128xi32, #tpu.memory_space<vmem>>, vector<1x1x16xi32>,
      %dma_wait3A = arith.constant 0 : i32
      %dma_wait3A_245 = arith.constant 0 : i32
      %dma_wait3A_246 = arith.constant 0 : i32
      %dma_wait3A_247 = arith.constant 0 : i32
      %dma_wait3A_248 = tpu.memref_slice %arg9[%rem3A_35, %dma_wait3A_245, %dma_wait3A_246, %dma_wait3A_247] : memref<2x1x128x64xf32, #tpu.memory_space<vmem>> -> memref<1x1x128x64xf32, #tpu.memory_space<vmem>>
      %dma_wait3A_249 = tpu.memref_squeeze %dma_wait3A_248 : memref<1x1x128x64xf32, #tpu.memory_space<vmem>> -> memref<128x64xf32, #tpu.memory_space<vmem>>
      %dma_wait3A_250 = arith.constant 0 : i32
      %dma_wait3A_251 = tpu.memref_slice %arg6[%rem3A_35, %dma_wait3A, %dma_wait3A_250] : memref<2x1x128xi32, #tpu.memory_space<vmem>> -> memref<1x1x128xi32, #tpu.memory_space<vmem>>
      %dma_wait3A_252 = tpu.memref_squeeze %dma_wait3A_251 : memref<1x1x128xi32, #tpu.memory_space<vmem>> -> memref<128xi32, #tpu.memory_space<vmem>>
      %dma_wait3A_253 = arith.constant 0 : i32
      %dma_wait3A_254 = arith.constant 0 : i32
      %dma_wait3A_255 = tpu.memref_slice %arg2[%dma_wait3A_253, %dma_wait3A_254] : memref<50048x64xf32, #tpu.memory_space<hbm>> -> memref<50048x64xf32, #tpu.memory_space<hbm>>
      tpu.wait_indirect_dma semaphore(%arg11 : memref<!tpu.dma_semaphore, #tpu.memory_space<semaphore_mem>>) src(%dma_wait3A_255 : memref<50048x64xf32, #tpu.memory_space<hbm>>) dst(%dma_wait3A_249 : memref<128x64xf32, #tpu.memory_space<vmem>>)
      %run_scoped3A_256 = arith.constant 0 : i32
      %run_scoped3A_257 = arith.constant 0 : i32
      "tpu.region"() ({
        %run_scoped3A_264 = tpu.sem_alloc : memref<!tpu.dma_semaphore, #tpu.memory_space<semaphore_mem>>
        %dma_start3A_265 = arith.constant 0 : i32
        %dma_start3A_266 = arith.constant 0 : i32
        %dma_start3A_267 = tpu.memref_slice %arg9[%rem3A_35, %run_scoped3A_256, %dma_start3A_265, %dma_start3A_266] : memref<2x1x128x64xf32, #tpu.memory_space<vmem>> -> memref<1x1x128x64xf32, #tpu.memory_space<vmem>>
        %dma_start3A_268 = tpu.memref_squeeze %dma_start3A_267 : memref<1x1x128x64xf32, #tpu.memory_space<vmem>> -> memref<128x64xf32, #tpu.memory_space<vmem>>
        %dma_start3A_269 = arith.constant 0 : i32
        %dma_start3A_270 = tpu.memref_slice %arg8[%rem3A_35, %run_scoped3A_257, %dma_start3A_269] : memref<2x1x128xi32, #tpu.memory_space<vmem>> -> memref<1x1x128xi32, #tpu.memory_space<vmem>>
        %dma_start3A_271 = tpu.memref_squeeze %dma_start3A_270 : memref<1x1x128xi32, #tpu.memory_space<vmem>> -> memref<128xi32, #tpu.memory_space<vmem>>
        %dma_start3A_272 = arith.constant 0 : i32
        %dma_start3A_273 = arith.constant 0 : i32
        %dma_start3A_274 = tpu.memref_slice %arg10[%dma_start3A_272, %dma_start3A_273] : memref<25088x64xf32, #tpu.memory_space<vmem_shared>> -> memref<25088x64xf32, #tpu.memory_space<vmem_shared>>
        tpu.enqueue_indirect_dma source(%dma_start3A_268 : memref<128x64xf32, #tpu.memory_space<vmem>>) target(%dma_start3A_274 : memref<25088x64xf32, #tpu.memory_space<vmem_shared>>) offsets(%dma_start3A_271 : memref<128xi32, #tpu.memory_space<vmem>>) semaphore(%run_scoped3A_264 : memref<!tpu.dma_semaphore, #tpu.memory_space<semaphore_mem>>) {add = true}
        %dma_wait3A_275 = arith.constant 0 : i32
        %dma_wait3A_276 = arith.constant 0 : i32
        %dma_wait3A_277 = tpu.memref_slice %arg9[%rem3A_35, %run_scoped3A_256, %dma_wait3A_275, %dma_wait3A_276] : memref<2x1x128x64xf32, #tpu.memory_space<vmem>> -> memref<1x1x128x64xf32, #tpu.memory_space<vmem>>
        %dma_wait3A_278 = tpu.memref_squeeze %dma_wait3A_277 : memref<1x1x128x64xf32, #tpu.memory_space<vmem>> -> memref<128x64xf32, #tpu.memory_space<vmem>>
        %dma_wait3A_279 = arith.constant 0 : i32
        %dma_wait3A_280 = tpu.memref_slice %arg8[%rem3A_35, %run_scoped3A_257, %dma_wait3A_279] : memref<2x1x128xi32, #tpu.memory_space<vmem>> -> memref<1x1x128xi32, #tpu.memory_space<vmem>>
        %dma_wait3A_281 = tpu.memref_squeeze %dma_wait3A_280 : memref<1x1x128xi32, #tpu.memory_space<vmem>> -> memref<128xi32, #tpu.memory_space<vmem>>
        %dma_wait3A_282 = arith.constant 0 : i32
        %dma_wait3A_283 = arith.constant 0 : i32
        %dma_wait3A_284 = tpu.memref_slice %arg10[%dma_wait3A_282, %dma_wait3A_283] : memref<25088x64xf32, #tpu.memory_space<vmem_shared>> -> memref<25088x64xf32, #tpu.memory_space<vmem_shared>>
        tpu.wait_indirect_dma semaphore(%run_scoped3A_264 : memref<!tpu.dma_semaphore, #tpu.memory_space<semaphore_mem>>) src(%dma_wait3A_278 : memref<128x64xf32, #tpu.memory_space<vmem>>) dst(%dma_wait3A_284 : memref<25088x64xf32, #tpu.memory_space<vmem_shared>>)
        tpu.yield
      }) : () -> ()
      %lt3A_258 = arith.constant 399 : i32
      %lt3A_259 = arith.cmpi slt, %scan3A_33, %lt3A_258 : i32
      %convert_element_type3A_260 = arith.extui %lt3A_259 : i1 to i32
      %cond3A_261 = arith.constant 0 : i32
      %cond3A_262 = arith.cmpi ne, %convert_element_type3A_260, %cond3A_261 : i32
      scf.if %cond3A_262 {
        %add3A_264 = arith.constant 1 : i32
        %add3A_265 = arith.addi %scan3A_33, %add3A_264 : i32
        %mul3A_266 = arith.constant 1 : i32
        %mul3A_267 = arith.muli %mul3A_266, %add3A_265 : i32
        %add3A_268 = arith.addi %mul3A_16, %mul3A_267 : i32
        %dma_wait3A_269 = arith.constant 0 : i32
        %dma_wait3A_270 = arith.constant 0 : i32
        %dma_wait3A_271 = tpu.memref_slice %arg6[%rem3A_38, %dma_wait3A_269, %dma_wait3A_270] : memref<2x1x128xi32, #tpu.memory_space<vmem>> -> memref<1x1x128xi32, #tpu.memory_space<vmem>>
        %dma_wait3A_272 = tpu.memref_squeeze %dma_wait3A_271 : memref<1x1x128xi32, #tpu.memory_space<vmem>> -> memref<1x128xi32, #tpu.memory_space<vmem>>
        %dma_wait3A_273 = arith.constant 0 : i32
        %dma_wait3A_274 = tpu.memref_slice %arg3[%add3A_268, %dma_wait3A_273] : memref<6400x128xi32, #tpu.memory_space<hbm>> -> memref<1x128xi32, #tpu.memory_space<hbm>>
        %dma_wait3A_275 = arith.constant 0 : i32
        %dma_wait3A_276 = arith.constant 0 : i32
        %dma_wait3A_277 = tpu.memref_slice %arg6[%rem3A_38, %dma_wait3A_275, %dma_wait3A_276] : memref<2x1x128xi32, #tpu.memory_space<vmem>> -> memref<1x1x128xi32, #tpu.memory_space<vmem>>
        %dma_wait3A_278 = tpu.memref_squeeze %dma_wait3A_277 : memref<1x1x128xi32, #tpu.memory_space<vmem>> -> memref<1x128xi32, #tpu.memory_space<vmem>>
        %dma_wait3A_279 = arith.constant 0 : i32
        %dma_wait3A_280 = tpu.memref_slice %arg3[%add3A_268, %dma_wait3A_279] : memref<6400x128xi32, #tpu.memory_space<hbm>> -> memref<1x128xi32, #tpu.memory_space<hbm>>
        tpu.wait_dma2 semaphore(%arg12 : memref<!tpu.dma_semaphore, #tpu.memory_space<semaphore_mem>>) src(%dma_wait3A_280 : memref<1x128xi32, #tpu.memory_space<hbm>>) dst(%dma_wait3A_278 : memref<1x128xi32, #tpu.memory_space<vmem>>)
        %add3A_281 = arith.constant 1 : i32
        %add3A_282 = arith.addi %scan3A_33, %add3A_281 : i32
        %mul3A_283 = arith.constant 1 : i32
        %mul3A_284 = arith.muli %mul3A_283, %add3A_282 : i32
        %add3A_285 = arith.addi %mul3A_16, %mul3A_284 : i32
        %dma_wait3A_286 = arith.constant 0 : i32
        %dma_wait3A_287 = arith.constant 0 : i32
        %dma_wait3A_288 = tpu.memref_slice %arg7[%rem3A_38, %dma_wait3A_286, %dma_wait3A_287] : memref<2x1x128xi32, #tpu.memory_space<vmem>> -> memref<1x1x128xi32, #tpu.memory_space<vmem>>
        %dma_wait3A_289 = tpu.memref_squeeze %dma_wait3A_288 : memref<1x1x128xi32, #tpu.memory_space<vmem>> -> memref<1x128xi32, #tpu.memory_space<vmem>>
        %dma_wait3A_290 = arith.constant 0 : i32
        %dma_wait3A_291 = tpu.memref_slice %arg4[%add3A_285, %dma_wait3A_290] : memref<6400x128xi32, #tpu.memory_space<hbm>> -> memref<1x128xi32, #tpu.memory_space<hbm>>
        %dma_wait3A_292 = arith.constant 0 : i32
        %dma_wait3A_293 = arith.constant 0 : i32
        %dma_wait3A_294 = tpu.memref_slice %arg7[%rem3A_38, %dma_wait3A_292, %dma_wait3A_293] : memref<2x1x128xi32, #tpu.memory_space<vmem>> -> memref<1x1x128xi32, #tpu.memory_space<vmem>>
        %dma_wait3A_295 = tpu.memref_squeeze %dma_wait3A_294 : memref<1x1x128xi32, #tpu.memory_space<vmem>> -> memref<1x128xi32, #tpu.memory_space<vmem>>
        %dma_wait3A_296 = arith.constant 0 : i32
        %dma_wait3A_297 = tpu.memref_slice %arg4[%add3A_285, %dma_wait3A_296] : memref<6400x128xi32, #tpu.memory_space<hbm>> -> memref<1x128xi32, #tpu.memory_space<hbm>>
        tpu.wait_dma2 semaphore(%arg12 : memref<!tpu.dma_semaphore, #tpu.memory_space<semaphore_mem>>) src(%dma_wait3A_297 : memref<1x128xi32, #tpu.memory_space<hbm>>) dst(%dma_wait3A_295 : memref<1x128xi32, #tpu.memory_space<vmem>>)
      } else {
      }
      %scan3A_263 = arith.constant 0 : i32
      scf.yield %scan3A_263 : i32
    }
    %scan3A_24 = arith.constant 400 : i32
    %barrier3A_25 = arith.constant 0 : index
    tpu.barrier barrier_id(%barrier3A_25)
    %scan3A_26 = arith.constant 0 : i32
    %scan3A_27 = arith.constant 0 : i32
    %scan3A_28 = arith.constant 13 : i32
    %scan3A_29 = arith.addi %scan3A_27, %scan3A_28 : i32
    %scan3A_30 = arith.constant 1 : i32
    %scan3A_31 = scf.for %scan3A_33 = %scan3A_27 to %scan3A_29 step %scan3A_30 iter_args(%scan3A_34 = %scan3A_26) -> (i32)  : i32 {
      %mul3A_35 = arith.constant 16 : i32
      %mul3A_36 = arith.muli %mul3A_35, %scan3A_33 : i32
      %add3A = arith.addi %arg1, %mul3A_36 : i32
      %lt3A = arith.constant 195 : i32
      %lt3A_37 = arith.cmpi slt, %add3A, %lt3A : i32
      %convert_element_type3A = arith.extui %lt3A_37 : i1 to i32
      %cond3A = arith.constant 0 : i32
      %cond3A_38 = arith.cmpi ne, %convert_element_type3A, %cond3A : i32
      scf.if %cond3A_38 {
        %mul3A_44 = arith.constant 128 : i32
        %mul3A_45 = arith.muli %add3A, %mul3A_44 : i32
        %run_scoped3A_46 = arith.constant 0 : i32
        %run_scoped3A_47 = arith.constant 0 : i32
        "tpu.region"() ({
          %run_scoped3A_55 = tpu.sem_alloc : memref<!tpu.dma_semaphore, #tpu.memory_space<semaphore_mem>>
          %dma_start3A = arith.constant 0 : i32
          %dma_start3A_56 = arith.constant 0 : i32
          %dma_start3A_57 = tpu.memref_slice %arg9[%run_scoped3A_46, %run_scoped3A_47, %dma_start3A, %dma_start3A_56] : memref<2x1x128x64xf32, #tpu.memory_space<vmem>> -> memref<1x1x128x64xf32, #tpu.memory_space<vmem>>
          %dma_start3A_58 = tpu.memref_squeeze %dma_start3A_57 : memref<1x1x128x64xf32, #tpu.memory_space<vmem>> -> memref<128x64xf32, #tpu.memory_space<vmem>>
          %dma_start3A_59 = arith.constant 0 : i32
          %dma_start3A_60 = tpu.memref_slice %arg10[%mul3A_45, %dma_start3A_59] : memref<25088x64xf32, #tpu.memory_space<vmem_shared>> -> memref<128x64xf32, #tpu.memory_space<vmem_shared>>
          %dma_start3A_61 = arith.constant 0 : i32
          %dma_start3A_62 = arith.constant 0 : i32
          %dma_start3A_63 = tpu.memref_slice %arg9[%run_scoped3A_46, %run_scoped3A_47, %dma_start3A_61, %dma_start3A_62] : memref<2x1x128x64xf32, #tpu.memory_space<vmem>> -> memref<1x1x128x64xf32, #tpu.memory_space<vmem>>
          %dma_start3A_64 = tpu.memref_squeeze %dma_start3A_63 : memref<1x1x128x64xf32, #tpu.memory_space<vmem>> -> memref<128x64xf32, #tpu.memory_space<vmem>>
          %dma_start3A_65 = arith.constant 0 : i32
          %dma_start3A_66 = tpu.memref_slice %arg10[%mul3A_45, %dma_start3A_65] : memref<25088x64xf32, #tpu.memory_space<vmem_shared>> -> memref<128x64xf32, #tpu.memory_space<vmem_shared>>
          tpu.enqueue_dma source(%dma_start3A_66 : memref<128x64xf32, #tpu.memory_space<vmem_shared>>) target(%dma_start3A_64 : memref<128x64xf32, #tpu.memory_space<vmem>>) target_semaphore(%run_scoped3A_55 : memref<!tpu.dma_semaphore, #tpu.memory_space<semaphore_mem>>)
          %dma_wait3A = arith.constant 0 : i32
          %dma_wait3A_67 = arith.constant 0 : i32
          %dma_wait3A_68 = tpu.memref_slice %arg9[%run_scoped3A_46, %run_scoped3A_47, %dma_wait3A, %dma_wait3A_67] : memref<2x1x128x64xf32, #tpu.memory_space<vmem>> -> memref<1x1x128x64xf32, #tpu.memory_space<vmem>>
          %dma_wait3A_69 = tpu.memref_squeeze %dma_wait3A_68 : memref<1x1x128x64xf32, #tpu.memory_space<vmem>> -> memref<128x64xf32, #tpu.memory_space<vmem>>
          %dma_wait3A_70 = arith.constant 0 : i32
          %dma_wait3A_71 = tpu.memref_slice %arg10[%mul3A_45, %dma_wait3A_70] : memref<25088x64xf32, #tpu.memory_space<vmem_shared>> -> memref<128x64xf32, #tpu.memory_space<vmem_shared>>
          %dma_wait3A_72 = arith.constant 0 : i32
          %dma_wait3A_73 = arith.constant 0 : i32
          %dma_wait3A_74 = tpu.memref_slice %arg9[%run_scoped3A_46, %run_scoped3A_47, %dma_wait3A_72, %dma_wait3A_73] : memref<2x1x128x64xf32, #tpu.memory_space<vmem>> -> memref<1x1x128x64xf32, #tpu.memory_space<vmem>>
          %dma_wait3A_75 = tpu.memref_squeeze %dma_wait3A_74 : memref<1x1x128x64xf32, #tpu.memory_space<vmem>> -> memref<128x64xf32, #tpu.memory_space<vmem>>
          %dma_wait3A_76 = arith.constant 0 : i32
          %dma_wait3A_77 = tpu.memref_slice %arg10[%mul3A_45, %dma_wait3A_76] : memref<25088x64xf32, #tpu.memory_space<vmem_shared>> -> memref<128x64xf32, #tpu.memory_space<vmem_shared>>
          tpu.wait_dma2 semaphore(%run_scoped3A_55 : memref<!tpu.dma_semaphore, #tpu.memory_space<semaphore_mem>>) src(%dma_wait3A_77 : memref<128x64xf32, #tpu.memory_space<vmem_shared>>) dst(%dma_wait3A_75 : memref<128x64xf32, #tpu.memory_space<vmem>>)
          tpu.yield
        }) : () -> ()
        %mul3A_48 = arith.constant 25024 : i32
        %mul3A_49 = arith.muli %arg0, %mul3A_48 : i32
        %mul3A_50 = arith.constant 128 : i32
        %mul3A_51 = arith.muli %add3A, %mul3A_50 : i32
        %add3A_52 = arith.addi %mul3A_49, %mul3A_51 : i32
        %run_scoped3A_53 = arith.constant 0 : i32
        %run_scoped3A_54 = arith.constant 0 : i32
        "tpu.region"() ({
          %run_scoped3A_55 = tpu.sem_alloc : memref<!tpu.dma_semaphore, #tpu.memory_space<semaphore_mem>>
          %dma_start3A = arith.constant 0 : i32
          %dma_start3A_56 = arith.constant 0 : i32
          %dma_start3A_57 = tpu.memref_slice %arg9[%run_scoped3A_53, %run_scoped3A_54, %dma_start3A, %dma_start3A_56] : memref<2x1x128x64xf32, #tpu.memory_space<vmem>> -> memref<1x1x128x64xf32, #tpu.memory_space<vmem>>
          %dma_start3A_58 = tpu.memref_squeeze %dma_start3A_57 : memref<1x1x128x64xf32, #tpu.memory_space<vmem>> -> memref<128x64xf32, #tpu.memory_space<vmem>>
          %dma_start3A_59 = arith.constant 0 : i32
          %dma_start3A_60 = tpu.memref_slice %arg5[%add3A_52, %dma_start3A_59] : memref<50048x64xf32, #tpu.memory_space<hbm>> -> memref<128x64xf32, #tpu.memory_space<hbm>>
          %dma_start3A_61 = arith.constant 0 : i32
          %dma_start3A_62 = tpu.memref_slice %arg5[%add3A_52, %dma_start3A_61] : memref<50048x64xf32, #tpu.memory_space<hbm>> -> memref<128x64xf32, #tpu.memory_space<hbm>>
          %dma_start3A_63 = arith.constant 0 : i32
          %dma_start3A_64 = arith.constant 0 : i32
          %dma_start3A_65 = tpu.memref_slice %arg9[%run_scoped3A_53, %run_scoped3A_54, %dma_start3A_63, %dma_start3A_64] : memref<2x1x128x64xf32, #tpu.memory_space<vmem>> -> memref<1x1x128x64xf32, #tpu.memory_space<vmem>>
          %dma_start3A_66 = tpu.memref_squeeze %dma_start3A_65 : memref<1x1x128x64xf32, #tpu.memory_space<vmem>> -> memref<128x64xf32, #tpu.memory_space<vmem>>
          tpu.enqueue_dma source(%dma_start3A_66 : memref<128x64xf32, #tpu.memory_space<vmem>>) target(%dma_start3A_62 : memref<128x64xf32, #tpu.memory_space<hbm>>) target_semaphore(%run_scoped3A_55 : memref<!tpu.dma_semaphore, #tpu.memory_space<semaphore_mem>>)
          %dma_wait3A = arith.constant 0 : i32
          %dma_wait3A_67 = arith.constant 0 : i32
          %dma_wait3A_68 = tpu.memref_slice %arg9[%run_scoped3A_53, %run_scoped3A_54, %dma_wait3A, %dma_wait3A_67] : memref<2x1x128x64xf32, #tpu.memory_space<vmem>> -> memref<1x1x128x64xf32, #tpu.memory_space<vmem>>
          %dma_wait3A_69 = tpu.memref_squeeze %dma_wait3A_68 : memref<1x1x128x64xf32, #tpu.memory_space<vmem>> -> memref<128x64xf32, #tpu.memory_space<vmem>>
          %dma_wait3A_70 = arith.constant 0 : i32
          %dma_wait3A_71 = tpu.memref_slice %arg5[%add3A_52, %dma_wait3A_70] : memref<50048x64xf32, #tpu.memory_space<hbm>> -> memref<128x64xf32, #tpu.memory_space<hbm>>
          %dma_wait3A_72 = arith.constant 0 : i32
          %dma_wait3A_73 = tpu.memref_slice %arg5[%add3A_52, %dma_wait3A_72] : memref<50048x64xf32, #tpu.memory_space<hbm>> -> memref<128x64xf32, #tpu.memory_space<hbm>>
          %dma_wait3A_74 = arith.constant 0 : i32
          %dma_wait3A_75 = arith.constant 0 : i32
          %dma_wait3A_76 = tpu.memref_slice %arg9[%run_scoped3A_53, %run_scoped3A_54, %dma_wait3A_74, %dma_wait3A_75] : memref<2x1x128x64xf32, #tpu.memory_space<vmem>> -> memref<1x1x128x64xf32, #tpu.memory_space<vmem>>
          %dma_wait3A_77 = tpu.memref_squeeze %dma_wait3A_76 : memref<1x1x128x64xf32, #tpu.memory_space<vmem>> -> memref<128x64xf32, #tpu.memory_space<vmem>>
          tpu.wait_dma2 semaphore(%run_scoped3A_55 : memref<!tpu.dma_semaphore, #tpu.memory_space<semaphore_mem>>) src(%dma_wait3A_77 : memref<128x64xf32, #tpu.memory_space<vmem>>) dst(%dma_wait3A_73 : memref<128x64xf32, #tpu.memory_space<hbm>>)
          tpu.yield
        }) : () -> ()
      } else {
      }
      %eq3A = arith.constant 195 : i32
      %eq3A_39 = arith.cmpi eq, %add3A, %eq3A : i32
      %convert_element_type3A_40 = arith.extui %eq3A_39 : i1 to i32
      %cond3A_41 = arith.constant 0 : i32
      %cond3A_42 = arith.cmpi ne, %convert_element_type3A_40, %cond3A_41 : i32
      scf.if %cond3A_42 {
        %mul3A_44 = arith.constant 128 : i32
        %mul3A_45 = arith.muli %add3A, %mul3A_44 : i32
        %run_scoped3A_46 = arith.constant 0 : i32
        %run_scoped3A_47 = arith.constant 0 : i32
        "tpu.region"() ({
          %run_scoped3A_55 = tpu.sem_alloc : memref<!tpu.dma_semaphore, #tpu.memory_space<semaphore_mem>>
          %dma_start3A = arith.constant 0 : i32
          %dma_start3A_56 = arith.constant 0 : i32
          %dma_start3A_57 = tpu.memref_slice %arg9[%run_scoped3A_46, %run_scoped3A_47, %dma_start3A, %dma_start3A_56] : memref<2x1x128x64xf32, #tpu.memory_space<vmem>> -> memref<1x1x64x64xf32, #tpu.memory_space<vmem>>
          %dma_start3A_58 = tpu.memref_squeeze %dma_start3A_57 : memref<1x1x64x64xf32, #tpu.memory_space<vmem>> -> memref<64x64xf32, #tpu.memory_space<vmem>>
          %dma_start3A_59 = arith.constant 0 : i32
          %dma_start3A_60 = tpu.memref_slice %arg10[%mul3A_45, %dma_start3A_59] : memref<25088x64xf32, #tpu.memory_space<vmem_shared>> -> memref<64x64xf32, #tpu.memory_space<vmem_shared>>
          %dma_start3A_61 = arith.constant 0 : i32
          %dma_start3A_62 = arith.constant 0 : i32
          %dma_start3A_63 = tpu.memref_slice %arg9[%run_scoped3A_46, %run_scoped3A_47, %dma_start3A_61, %dma_start3A_62] : memref<2x1x128x64xf32, #tpu.memory_space<vmem>> -> memref<1x1x64x64xf32, #tpu.memory_space<vmem>>
          %dma_start3A_64 = tpu.memref_squeeze %dma_start3A_63 : memref<1x1x64x64xf32, #tpu.memory_space<vmem>> -> memref<64x64xf32, #tpu.memory_space<vmem>>
          %dma_start3A_65 = arith.constant 0 : i32
          %dma_start3A_66 = tpu.memref_slice %arg10[%mul3A_45, %dma_start3A_65] : memref<25088x64xf32, #tpu.memory_space<vmem_shared>> -> memref<64x64xf32, #tpu.memory_space<vmem_shared>>
          tpu.enqueue_dma source(%dma_start3A_66 : memref<64x64xf32, #tpu.memory_space<vmem_shared>>) target(%dma_start3A_64 : memref<64x64xf32, #tpu.memory_space<vmem>>) target_semaphore(%run_scoped3A_55 : memref<!tpu.dma_semaphore, #tpu.memory_space<semaphore_mem>>)
          %dma_wait3A = arith.constant 0 : i32
          %dma_wait3A_67 = arith.constant 0 : i32
          %dma_wait3A_68 = tpu.memref_slice %arg9[%run_scoped3A_46, %run_scoped3A_47, %dma_wait3A, %dma_wait3A_67] : memref<2x1x128x64xf32, #tpu.memory_space<vmem>> -> memref<1x1x64x64xf32, #tpu.memory_space<vmem>>
          %dma_wait3A_69 = tpu.memref_squeeze %dma_wait3A_68 : memref<1x1x64x64xf32, #tpu.memory_space<vmem>> -> memref<64x64xf32, #tpu.memory_space<vmem>>
          %dma_wait3A_70 = arith.constant 0 : i32
          %dma_wait3A_71 = tpu.memref_slice %arg10[%mul3A_45, %dma_wait3A_70] : memref<25088x64xf32, #tpu.memory_space<vmem_shared>> -> memref<64x64xf32, #tpu.memory_space<vmem_shared>>
          %dma_wait3A_72 = arith.constant 0 : i32
          %dma_wait3A_73 = arith.constant 0 : i32
          %dma_wait3A_74 = tpu.memref_slice %arg9[%run_scoped3A_46, %run_scoped3A_47, %dma_wait3A_72, %dma_wait3A_73] : memref<2x1x128x64xf32, #tpu.memory_space<vmem>> -> memref<1x1x64x64xf32, #tpu.memory_space<vmem>>
          %dma_wait3A_75 = tpu.memref_squeeze %dma_wait3A_74 : memref<1x1x64x64xf32, #tpu.memory_space<vmem>> -> memref<64x64xf32, #tpu.memory_space<vmem>>
          %dma_wait3A_76 = arith.constant 0 : i32
          %dma_wait3A_77 = tpu.memref_slice %arg10[%mul3A_45, %dma_wait3A_76] : memref<25088x64xf32, #tpu.memory_space<vmem_shared>> -> memref<64x64xf32, #tpu.memory_space<vmem_shared>>
          tpu.wait_dma2 semaphore(%run_scoped3A_55 : memref<!tpu.dma_semaphore, #tpu.memory_space<semaphore_mem>>) src(%dma_wait3A_77 : memref<64x64xf32, #tpu.memory_space<vmem_shared>>) dst(%dma_wait3A_75 : memref<64x64xf32, #tpu.memory_space<vmem>>)
          tpu.yield
        }) : () -> ()
        %mul3A_48 = arith.constant 25024 : i32
        %mul3A_49 = arith.muli %arg0, %mul3A_48 : i32
        %mul3A_50 = arith.constant 128 : i32
        %mul3A_51 = arith.muli %add3A, %mul3A_50 : i32
        %add3A_52 = arith.addi %mul3A_49, %mul3A_51 : i32
        %run_scoped3A_53 = arith.constant 0 : i32
        %run_scoped3A_54 = arith.constant 0 : i32
        "tpu.region"() ({
          %run_scoped3A_55 = tpu.sem_alloc : memref<!tpu.dma_semaphore, #tpu.memory_space<semaphore_mem>>
          %dma_start3A = arith.constant 0 : i32
          %dma_start3A_56 = arith.constant 0 : i32
          %dma_start3A_57 = tpu.memref_slice %arg9[%run_scoped3A_53, %run_scoped3A_54, %dma_start3A, %dma_start3A_56] : memref<2x1x128x64xf32, #tpu.memory_space<vmem>> -> memref<1x1x64x64xf32, #tpu.memory_space<vmem>>
          %dma_start3A_58 = tpu.memref_squeeze %dma_start3A_57 : memref<1x1x64x64xf32, #tpu.memory_space<vmem>> -> memref<64x64xf32, #tpu.memory_space<vmem>>
          %dma_start3A_59 = arith.constant 0 : i32
          %dma_start3A_60 = tpu.memref_slice %arg5[%add3A_52, %dma_start3A_59] : memref<50048x64xf32, #tpu.memory_space<hbm>> -> memref<64x64xf32, #tpu.memory_space<hbm>>
          %dma_start3A_61 = arith.constant 0 : i32
          %dma_start3A_62 = tpu.memref_slice %arg5[%add3A_52, %dma_start3A_61] : memref<50048x64xf32, #tpu.memory_space<hbm>> -> memref<64x64xf32, #tpu.memory_space<hbm>>
          %dma_start3A_63 = arith.constant 0 : i32
          %dma_start3A_64 = arith.constant 0 : i32
          %dma_start3A_65 = tpu.memref_slice %arg9[%run_scoped3A_53, %run_scoped3A_54, %dma_start3A_63, %dma_start3A_64] : memref<2x1x128x64xf32, #tpu.memory_space<vmem>> -> memref<1x1x64x64xf32, #tpu.memory_space<vmem>>
          %dma_start3A_66 = tpu.memref_squeeze %dma_start3A_65 : memref<1x1x64x64xf32, #tpu.memory_space<vmem>> -> memref<64x64xf32, #tpu.memory_space<vmem>>
          tpu.enqueue_dma source(%dma_start3A_66 : memref<64x64xf32, #tpu.memory_space<vmem>>) target(%dma_start3A_62 : memref<64x64xf32, #tpu.memory_space<hbm>>) target_semaphore(%run_scoped3A_55 : memref<!tpu.dma_semaphore, #tpu.memory_space<semaphore_mem>>)
          %dma_wait3A = arith.constant 0 : i32
          %dma_wait3A_67 = arith.constant 0 : i32
          %dma_wait3A_68 = tpu.memref_slice %arg9[%run_scoped3A_53, %run_scoped3A_54, %dma_wait3A, %dma_wait3A_67] : memref<2x1x128x64xf32, #tpu.memory_space<vmem>> -> memref<1x1x64x64xf32, #tpu.memory_space<vmem>>
          %dma_wait3A_69 = tpu.memref_squeeze %dma_wait3A_68 : memref<1x1x64x64xf32, #tpu.memory_space<vmem>> -> memref<64x64xf32, #tpu.memory_space<vmem>>
          %dma_wait3A_70 = arith.constant 0 : i32
          %dma_wait3A_71 = tpu.memref_slice %arg5[%add3A_52, %dma_wait3A_70] : memref<50048x64xf32, #tpu.memory_space<hbm>> -> memref<64x64xf32, #tpu.memory_space<hbm>>
          %dma_wait3A_72 = arith.constant 0 : i32
          %dma_wait3A_73 = tpu.memref_slice %arg5[%add3A_52, %dma_wait3A_72] : memref<50048x64xf32, #tpu.memory_space<hbm>> -> memref<64x64xf32, #tpu.memory_space<hbm>>
          %dma_wait3A_74 = arith.constant 0 : i32
          %dma_wait3A_75 = arith.constant 0 : i32
          %dma_wait3A_76 = tpu.memref_slice %arg9[%run_scoped3A_53, %run_scoped3A_54, %dma_wait3A_74, %dma_wait3A_75] : memref<2x1x128x64xf32, #tpu.memory_space<vmem>> -> memref<1x1x64x64xf32, #tpu.memory_space<vmem>>
          %dma_wait3A_77 = tpu.memref_squeeze %dma_wait3A_76 : memref<1x1x64x64xf32, #tpu.memory_space<vmem>> -> memref<64x64xf32, #tpu.memory_space<vmem>>
          tpu.wait_dma2 semaphore(%run_scoped3A_55 : memref<!tpu.dma_semaphore, #tpu.memory_space<semaphore_mem>>) src(%dma_wait3A_77 : memref<64x64xf32, #tpu.memory_space<vmem>>) dst(%dma_wait3A_73 : memref<64x64xf32, #tpu.memory_space<hbm>>)
          tpu.yield
        }) : () -> ()
      } else {
      }
      %scan3A_43 = arith.constant 0 : i32
      scf.yield %scan3A_43 : i32
    }
    %scan3A_32 = arith.constant 13 : i32
    return
  }
}

#map = affine_map<(d0, d1) -> (0, 0)>
#map1 = affine_map<(d0, d1) -> (0)>
module attributes {stable_mosaic.version = 14 : i64} {
  func.func @_deg_body(%arg0: i32, %arg1: i32, %arg2: memref<6400x128xi32, #tpu.memory_space<hbm>>, %arg3: memref<100096xf32, #tpu.memory_space<hbm>>, %arg4: memref<128xf32, #tpu.memory_space<vmem>>, %arg5: memref<3136xf32, #tpu.memory_space<vmem>>, %arg6: memref<3x8x128xi32, #tpu.memory_space<vmem>>, %arg7: memref<50048xf32, #tpu.memory_space<vmem_shared>>, %arg8: memref<!tpu.dma_semaphore, #tpu.memory_space<semaphore_mem>>, %arg9: memref<!tpu.dma_semaphore, #tpu.memory_space<semaphore_mem>>) attributes {dimension_semantics = [#tpu.dimension_semantics<core_parallel>, #tpu.dimension_semantics<subcore_parallel>], iteration_bounds = array<i64: 2, 16>, scalar_prefetch = 0 : i64, scratch_operands = 6 : i64, tpu.core_type = #tpu.core_type<sc_vector_subcore>, window_params = [{transform_indices = #map}, {transform_indices = #map1}]} {
    %broadcast_in_dim3A = arith.constant 0.000000e+00 : f32
    %broadcast_in_dim3A_0 = vector.broadcast %broadcast_in_dim3A : f32 to vector<16xf32>
    %broadcast_in_dim3A_1 = arith.constant 1.000000e+00 : f32
    %broadcast_in_dim3A_2 = vector.broadcast %broadcast_in_dim3A_1 : f32 to vector<16xf32>
    %swap3A = arith.constant 0 : index
    %swap3A_3 = tpu.vector_load %arg4[%swap3A] {strides = array<i32>} : memref<128xf32, #tpu.memory_space<vmem>>, vector<16xf32>,
    %swap3A_4 = vector.shape_cast %swap3A_3 : vector<16xf32> to vector<16xf32>
    %swap3A_5 = vector.shape_cast %broadcast_in_dim3A_2 : vector<16xf32> to vector<16xf32>
    tpu.vector_store %arg4[%swap3A], %swap3A_5 {strides = array<i32>} : memref<128xf32, #tpu.memory_space<vmem>>, vector<16xf32>,
    %swap3A_6 = arith.constant 16 : index
    %swap3A_7 = tpu.vector_load %arg4[%swap3A_6] {strides = array<i32>} : memref<128xf32, #tpu.memory_space<vmem>>, vector<16xf32>,
    %swap3A_8 = vector.shape_cast %swap3A_7 : vector<16xf32> to vector<16xf32>
    %swap3A_9 = vector.shape_cast %broadcast_in_dim3A_2 : vector<16xf32> to vector<16xf32>
    tpu.vector_store %arg4[%swap3A_6], %swap3A_9 {strides = array<i32>} : memref<128xf32, #tpu.memory_space<vmem>>, vector<16xf32>,
    %swap3A_10 = arith.constant 32 : index
    %swap3A_11 = tpu.vector_load %arg4[%swap3A_10] {strides = array<i32>} : memref<128xf32, #tpu.memory_space<vmem>>, vector<16xf32>,
    %swap3A_12 = vector.shape_cast %swap3A_11 : vector<16xf32> to vector<16xf32>
    %swap3A_13 = vector.shape_cast %broadcast_in_dim3A_2 : vector<16xf32> to vector<16xf32>
    tpu.vector_store %arg4[%swap3A_10], %swap3A_13 {strides = array<i32>} : memref<128xf32, #tpu.memory_space<vmem>>, vector<16xf32>,
    %swap3A_14 = arith.constant 48 : index
    %swap3A_15 = tpu.vector_load %arg4[%swap3A_14] {strides = array<i32>} : memref<128xf32, #tpu.memory_space<vmem>>, vector<16xf32>,
    %swap3A_16 = vector.shape_cast %swap3A_15 : vector<16xf32> to vector<16xf32>
    %swap3A_17 = vector.shape_cast %broadcast_in_dim3A_2 : vector<16xf32> to vector<16xf32>
    tpu.vector_store %arg4[%swap3A_14], %swap3A_17 {strides = array<i32>} : memref<128xf32, #tpu.memory_space<vmem>>, vector<16xf32>,
    %swap3A_18 = arith.constant 64 : index
    %swap3A_19 = tpu.vector_load %arg4[%swap3A_18] {strides = array<i32>} : memref<128xf32, #tpu.memory_space<vmem>>, vector<16xf32>,
    %swap3A_20 = vector.shape_cast %swap3A_19 : vector<16xf32> to vector<16xf32>
    %swap3A_21 = vector.shape_cast %broadcast_in_dim3A_2 : vector<16xf32> to vector<16xf32>
    tpu.vector_store %arg4[%swap3A_18], %swap3A_21 {strides = array<i32>} : memref<128xf32, #tpu.memory_space<vmem>>, vector<16xf32>,
    %swap3A_22 = arith.constant 80 : index
    %swap3A_23 = tpu.vector_load %arg4[%swap3A_22] {strides = array<i32>} : memref<128xf32, #tpu.memory_space<vmem>>, vector<16xf32>,
    %swap3A_24 = vector.shape_cast %swap3A_23 : vector<16xf32> to vector<16xf32>
    %swap3A_25 = vector.shape_cast %broadcast_in_dim3A_2 : vector<16xf32> to vector<16xf32>
    tpu.vector_store %arg4[%swap3A_22], %swap3A_25 {strides = array<i32>} : memref<128xf32, #tpu.memory_space<vmem>>, vector<16xf32>,
    %swap3A_26 = arith.constant 96 : index
    %swap3A_27 = tpu.vector_load %arg4[%swap3A_26] {strides = array<i32>} : memref<128xf32, #tpu.memory_space<vmem>>, vector<16xf32>,
    %swap3A_28 = vector.shape_cast %swap3A_27 : vector<16xf32> to vector<16xf32>
    %swap3A_29 = vector.shape_cast %broadcast_in_dim3A_2 : vector<16xf32> to vector<16xf32>
    tpu.vector_store %arg4[%swap3A_26], %swap3A_29 {strides = array<i32>} : memref<128xf32, #tpu.memory_space<vmem>>, vector<16xf32>,
    %swap3A_30 = arith.constant 112 : index
    %swap3A_31 = tpu.vector_load %arg4[%swap3A_30] {strides = array<i32>} : memref<128xf32, #tpu.memory_space<vmem>>, vector<16xf32>,
    %swap3A_32 = vector.shape_cast %swap3A_31 : vector<16xf32> to vector<16xf32>
    %swap3A_33 = vector.shape_cast %broadcast_in_dim3A_2 : vector<16xf32> to vector<16xf32>
    tpu.vector_store %arg4[%swap3A_30], %swap3A_33 {strides = array<i32>} : memref<128xf32, #tpu.memory_space<vmem>>, vector<16xf32>,
    %scan3A = arith.constant 0 : i32
    %scan3A_34 = arith.constant 0 : i32
    %scan3A_35 = arith.constant 196 : i32
    %scan3A_36 = arith.addi %scan3A_34, %scan3A_35 : i32
    %scan3A_37 = arith.constant 1 : i32
    %scan3A_38 = scf.for %scan3A_125 = %scan3A_34 to %scan3A_36 step %scan3A_37 iter_args(%scan3A_126 = %scan3A) -> (i32)  : i32 {
      %mul3A_127 = arith.constant 16 : i32
      %mul3A_128 = arith.muli %scan3A_125, %mul3A_127 : i32
      %swap3A_129 = arith.index_cast %mul3A_128 : i32 to index
      %swap3A_130 = tpu.vector_load %arg5[%swap3A_129] {strides = array<i32>} : memref<3136xf32, #tpu.memory_space<vmem>>, vector<16xf32>,
      %swap3A_131 = vector.shape_cast %swap3A_130 : vector<16xf32> to vector<16xf32>
      %swap3A_132 = vector.shape_cast %broadcast_in_dim3A_0 : vector<16xf32> to vector<16xf32>
      tpu.vector_store %arg5[%swap3A_129], %swap3A_132 {strides = array<i32>} : memref<3136xf32, #tpu.memory_space<vmem>>, vector<16xf32>,
      %scan3A_133 = arith.constant 0 : i32
      scf.yield %scan3A_133 : i32
    }
    %scan3A_39 = arith.constant 196 : i32
    %mul3A = arith.constant 3128 : i32
    %mul3A_40 = arith.muli %arg1, %mul3A : i32
    "tpu.region"() ({
      %run_scoped3A_125 = tpu.sem_alloc : memref<!tpu.dma_semaphore, #tpu.memory_space<semaphore_mem>>
      %dma_start3A_126 = arith.constant 0 : i32
      %dma_start3A_127 = tpu.memref_slice %arg5[%dma_start3A_126] : memref<3136xf32, #tpu.memory_space<vmem>> -> memref<3128xf32, #tpu.memory_space<vmem>>
      %dma_start3A_128 = tpu.memref_slice %arg7[%mul3A_40] : memref<50048xf32, #tpu.memory_space<vmem_shared>> -> memref<3128xf32, #tpu.memory_space<vmem_shared>>
      %dma_start3A_129 = tpu.memref_slice %arg7[%mul3A_40] : memref<50048xf32, #tpu.memory_space<vmem_shared>> -> memref<3128xf32, #tpu.memory_space<vmem_shared>>
      %dma_start3A_130 = arith.constant 0 : i32
      %dma_start3A_131 = tpu.memref_slice %arg5[%dma_start3A_130] : memref<3136xf32, #tpu.memory_space<vmem>> -> memref<3128xf32, #tpu.memory_space<vmem>>
      tpu.enqueue_dma source(%dma_start3A_131 : memref<3128xf32, #tpu.memory_space<vmem>>) target(%dma_start3A_129 : memref<3128xf32, #tpu.memory_space<vmem_shared>>) target_semaphore(%run_scoped3A_125 : memref<!tpu.dma_semaphore, #tpu.memory_space<semaphore_mem>>)
      %dma_wait3A_132 = arith.constant 0 : i32
      %dma_wait3A_133 = tpu.memref_slice %arg5[%dma_wait3A_132] : memref<3136xf32, #tpu.memory_space<vmem>> -> memref<3128xf32, #tpu.memory_space<vmem>>
      %dma_wait3A_134 = tpu.memref_slice %arg7[%mul3A_40] : memref<50048xf32, #tpu.memory_space<vmem_shared>> -> memref<3128xf32, #tpu.memory_space<vmem_shared>>
      %dma_wait3A_135 = tpu.memref_slice %arg7[%mul3A_40] : memref<50048xf32, #tpu.memory_space<vmem_shared>> -> memref<3128xf32, #tpu.memory_space<vmem_shared>>
      %dma_wait3A_136 = arith.constant 0 : i32
      %dma_wait3A_137 = tpu.memref_slice %arg5[%dma_wait3A_136] : memref<3136xf32, #tpu.memory_space<vmem>> -> memref<3128xf32, #tpu.memory_space<vmem>>
      tpu.wait_dma2 semaphore(%run_scoped3A_125 : memref<!tpu.dma_semaphore, #tpu.memory_space<semaphore_mem>>) src(%dma_wait3A_137 : memref<3128xf32, #tpu.memory_space<vmem>>) dst(%dma_wait3A_135 : memref<3128xf32, #tpu.memory_space<vmem_shared>>)
      tpu.yield
    }) : () -> ()
    %barrier3A = arith.constant 0 : index
    tpu.barrier barrier_id(%barrier3A)
    %mul3A_41 = arith.constant 3200 : i32
    %mul3A_42 = arith.muli %arg0, %mul3A_41 : i32
    %mul3A_43 = arith.constant 200 : i32
    %mul3A_44 = arith.muli %arg1, %mul3A_43 : i32
    %add3A = arith.addi %mul3A_42, %mul3A_44 : i32
    %add3A_45 = arith.constant 0 : i32
    %add3A_46 = arith.addi %add3A, %add3A_45 : i32
    %run_scoped3A = arith.constant 0 : i32
    "tpu.region"() ({
      %run_scoped3A_125 = tpu.sem_alloc : memref<!tpu.dma_semaphore, #tpu.memory_space<semaphore_mem>>
      %dma_start3A_126 = arith.constant 0 : i32
      %dma_start3A_127 = arith.constant 0 : i32
      %dma_start3A_128 = tpu.memref_slice %arg6[%run_scoped3A, %dma_start3A_126, %dma_start3A_127] : memref<3x8x128xi32, #tpu.memory_space<vmem>> -> memref<1x8x128xi32, #tpu.memory_space<vmem>>
      %dma_start3A_129 = tpu.memref_squeeze %dma_start3A_128 : memref<1x8x128xi32, #tpu.memory_space<vmem>> -> memref<8x128xi32, #tpu.memory_space<vmem>>
      %dma_start3A_130 = arith.constant 0 : i32
      %dma_start3A_131 = tpu.memref_slice %arg2[%add3A_46, %dma_start3A_130] : memref<6400x128xi32, #tpu.memory_space<hbm>> -> memref<8x128xi32, #tpu.memory_space<hbm>>
      %dma_start3A_132 = arith.constant 0 : i32
      %dma_start3A_133 = arith.constant 0 : i32
      %dma_start3A_134 = tpu.memref_slice %arg6[%run_scoped3A, %dma_start3A_132, %dma_start3A_133] : memref<3x8x128xi32, #tpu.memory_space<vmem>> -> memref<1x8x128xi32, #tpu.memory_space<vmem>>
      %dma_start3A_135 = tpu.memref_squeeze %dma_start3A_134 : memref<1x8x128xi32, #tpu.memory_space<vmem>> -> memref<8x128xi32, #tpu.memory_space<vmem>>
      %dma_start3A_136 = arith.constant 0 : i32
      %dma_start3A_137 = tpu.memref_slice %arg2[%add3A_46, %dma_start3A_136] : memref<6400x128xi32, #tpu.memory_space<hbm>> -> memref<8x128xi32, #tpu.memory_space<hbm>>
      tpu.enqueue_dma source(%dma_start3A_137 : memref<8x128xi32, #tpu.memory_space<hbm>>) target(%dma_start3A_135 : memref<8x128xi32, #tpu.memory_space<vmem>>) target_semaphore(%run_scoped3A_125 : memref<!tpu.dma_semaphore, #tpu.memory_space<semaphore_mem>>)
      %dma_wait3A_138 = arith.constant 0 : i32
      %dma_wait3A_139 = arith.constant 0 : i32
      %dma_wait3A_140 = tpu.memref_slice %arg6[%run_scoped3A, %dma_wait3A_138, %dma_wait3A_139] : memref<3x8x128xi32, #tpu.memory_space<vmem>> -> memref<1x8x128xi32, #tpu.memory_space<vmem>>
      %dma_wait3A_141 = tpu.memref_squeeze %dma_wait3A_140 : memref<1x8x128xi32, #tpu.memory_space<vmem>> -> memref<8x128xi32, #tpu.memory_space<vmem>>
      %dma_wait3A_142 = arith.constant 0 : i32
      %dma_wait3A_143 = tpu.memref_slice %arg2[%add3A_46, %dma_wait3A_142] : memref<6400x128xi32, #tpu.memory_space<hbm>> -> memref<8x128xi32, #tpu.memory_space<hbm>>
      %dma_wait3A_144 = arith.constant 0 : i32
      %dma_wait3A_145 = arith.constant 0 : i32
      %dma_wait3A_146 = tpu.memref_slice %arg6[%run_scoped3A, %dma_wait3A_144, %dma_wait3A_145] : memref<3x8x128xi32, #tpu.memory_space<vmem>> -> memref<1x8x128xi32, #tpu.memory_space<vmem>>
      %dma_wait3A_147 = tpu.memref_squeeze %dma_wait3A_146 : memref<1x8x128xi32, #tpu.memory_space<vmem>> -> memref<8x128xi32, #tpu.memory_space<vmem>>
      %dma_wait3A_148 = arith.constant 0 : i32
      %dma_wait3A_149 = tpu.memref_slice %arg2[%add3A_46, %dma_wait3A_148] : memref<6400x128xi32, #tpu.memory_space<hbm>> -> memref<8x128xi32, #tpu.memory_space<hbm>>
      tpu.wait_dma2 semaphore(%run_scoped3A_125 : memref<!tpu.dma_semaphore, #tpu.memory_space<semaphore_mem>>) src(%dma_wait3A_149 : memref<8x128xi32, #tpu.memory_space<hbm>>) dst(%dma_wait3A_147 : memref<8x128xi32, #tpu.memory_space<vmem>>)
      tpu.yield
    }) : () -> ()
    %add3A_47 = arith.constant 8 : i32
    %add3A_48 = arith.addi %add3A, %add3A_47 : i32
    %dma_start3A = arith.constant 1 : i32
    %dma_start3A_49 = arith.constant 0 : i32
    %dma_start3A_50 = arith.constant 0 : i32
    %dma_start3A_51 = tpu.memref_slice %arg6[%dma_start3A, %dma_start3A_49, %dma_start3A_50] : memref<3x8x128xi32, #tpu.memory_space<vmem>> -> memref<1x8x128xi32, #tpu.memory_space<vmem>>
    %dma_start3A_52 = tpu.memref_squeeze %dma_start3A_51 : memref<1x8x128xi32, #tpu.memory_space<vmem>> -> memref<8x128xi32, #tpu.memory_space<vmem>>
    %dma_start3A_53 = arith.constant 0 : i32
    %dma_start3A_54 = tpu.memref_slice %arg2[%add3A_48, %dma_start3A_53] : memref<6400x128xi32, #tpu.memory_space<hbm>> -> memref<8x128xi32, #tpu.memory_space<hbm>>
    %dma_start3A_55 = arith.constant 0 : i32
    %dma_start3A_56 = arith.constant 0 : i32
    %dma_start3A_57 = tpu.memref_slice %arg6[%dma_start3A, %dma_start3A_55, %dma_start3A_56] : memref<3x8x128xi32, #tpu.memory_space<vmem>> -> memref<1x8x128xi32, #tpu.memory_space<vmem>>
    %dma_start3A_58 = tpu.memref_squeeze %dma_start3A_57 : memref<1x8x128xi32, #tpu.memory_space<vmem>> -> memref<8x128xi32, #tpu.memory_space<vmem>>
    %dma_start3A_59 = arith.constant 0 : i32
    %dma_start3A_60 = tpu.memref_slice %arg2[%add3A_48, %dma_start3A_59] : memref<6400x128xi32, #tpu.memory_space<hbm>> -> memref<8x128xi32, #tpu.memory_space<hbm>>
    tpu.enqueue_dma source(%dma_start3A_60 : memref<8x128xi32, #tpu.memory_space<hbm>>) target(%dma_start3A_58 : memref<8x128xi32, #tpu.memory_space<vmem>>) target_semaphore(%arg9 : memref<!tpu.dma_semaphore, #tpu.memory_space<semaphore_mem>>)
    %scan3A_61 = arith.constant 0 : i32
    %scan3A_62 = arith.constant 0 : i32
    %scan3A_63 = arith.constant 25 : i32
    %scan3A_64 = arith.addi %scan3A_62, %scan3A_63 : i32
    %scan3A_65 = arith.constant 1 : i32
    %scan3A_66 = scf.for %scan3A_125 = %scan3A_62 to %scan3A_64 step %scan3A_65 iter_args(%scan3A_126 = %scan3A_61) -> (i32)  : i32 {
      %rem3A_127 = arith.constant 3 : i32
      %rem3A_128 = arith.remsi %scan3A_125, %rem3A_127 : i32
      %add3A_129 = arith.constant 2 : i32
      %add3A_130 = arith.addi %scan3A_125, %add3A_129 : i32
      %rem3A_131 = arith.constant 3 : i32
      %rem3A_132 = arith.remsi %add3A_130, %rem3A_131 : i32
      %dma_start3A_133 = arith.constant 0 : i32
      %dma_start3A_134 = arith.constant 0 : i32
      %dma_start3A_135 = tpu.memref_slice %arg6[%rem3A_128, %dma_start3A_133, %dma_start3A_134] : memref<3x8x128xi32, #tpu.memory_space<vmem>> -> memref<1x1x128xi32, #tpu.memory_space<vmem>>
      %dma_start3A_136 = tpu.memref_squeeze %dma_start3A_135 : memref<1x1x128xi32, #tpu.memory_space<vmem>> -> memref<128xi32, #tpu.memory_space<vmem>>
      %dma_start3A_137 = arith.constant 0 : i32
      %dma_start3A_138 = tpu.memref_slice %arg7[%dma_start3A_137] : memref<50048xf32, #tpu.memory_space<vmem_shared>> -> memref<50048xf32, #tpu.memory_space<vmem_shared>>
      tpu.enqueue_indirect_dma source(%arg4 : memref<128xf32, #tpu.memory_space<vmem>>) target(%dma_start3A_138 : memref<50048xf32, #tpu.memory_space<vmem_shared>>) offsets(%dma_start3A_136 : memref<128xi32, #tpu.memory_space<vmem>>) semaphore(%arg8 : memref<!tpu.dma_semaphore, #tpu.memory_space<semaphore_mem>>) {add = true}
      %dma_start3A_139 = arith.constant 1 : i32
      %dma_start3A_140 = arith.constant 0 : i32
      %dma_start3A_141 = tpu.memref_slice %arg6[%rem3A_128, %dma_start3A_139, %dma_start3A_140] : memref<3x8x128xi32, #tpu.memory_space<vmem>> -> memref<1x1x128xi32, #tpu.memory_space<vmem>>
      %dma_start3A_142 = tpu.memref_squeeze %dma_start3A_141 : memref<1x1x128xi32, #tpu.memory_space<vmem>> -> memref<128xi32, #tpu.memory_space<vmem>>
      %dma_start3A_143 = arith.constant 0 : i32
      %dma_start3A_144 = tpu.memref_slice %arg7[%dma_start3A_143] : memref<50048xf32, #tpu.memory_space<vmem_shared>> -> memref<50048xf32, #tpu.memory_space<vmem_shared>>
      tpu.enqueue_indirect_dma source(%arg4 : memref<128xf32, #tpu.memory_space<vmem>>) target(%dma_start3A_144 : memref<50048xf32, #tpu.memory_space<vmem_shared>>) offsets(%dma_start3A_142 : memref<128xi32, #tpu.memory_space<vmem>>) semaphore(%arg8 : memref<!tpu.dma_semaphore, #tpu.memory_space<semaphore_mem>>) {add = true}
      %dma_start3A_145 = arith.constant 2 : i32
      %dma_start3A_146 = arith.constant 0 : i32
      %dma_start3A_147 = tpu.memref_slice %arg6[%rem3A_128, %dma_start3A_145, %dma_start3A_146] : memref<3x8x128xi32, #tpu.memory_space<vmem>> -> memref<1x1x128xi32, #tpu.memory_space<vmem>>
      %dma_start3A_148 = tpu.memref_squeeze %dma_start3A_147 : memref<1x1x128xi32, #tpu.memory_space<vmem>> -> memref<128xi32, #tpu.memory_space<vmem>>
      %dma_start3A_149 = arith.constant 0 : i32
      %dma_start3A_150 = tpu.memref_slice %arg7[%dma_start3A_149] : memref<50048xf32, #tpu.memory_space<vmem_shared>> -> memref<50048xf32, #tpu.memory_space<vmem_shared>>
      tpu.enqueue_indirect_dma source(%arg4 : memref<128xf32, #tpu.memory_space<vmem>>) target(%dma_start3A_150 : memref<50048xf32, #tpu.memory_space<vmem_shared>>) offsets(%dma_start3A_148 : memref<128xi32, #tpu.memory_space<vmem>>) semaphore(%arg8 : memref<!tpu.dma_semaphore, #tpu.memory_space<semaphore_mem>>) {add = true}
      %dma_start3A_151 = arith.constant 3 : i32
      %dma_start3A_152 = arith.constant 0 : i32
      %dma_start3A_153 = tpu.memref_slice %arg6[%rem3A_128, %dma_start3A_151, %dma_start3A_152] : memref<3x8x128xi32, #tpu.memory_space<vmem>> -> memref<1x1x128xi32, #tpu.memory_space<vmem>>
      %dma_start3A_154 = tpu.memref_squeeze %dma_start3A_153 : memref<1x1x128xi32, #tpu.memory_space<vmem>> -> memref<128xi32, #tpu.memory_space<vmem>>
      %dma_start3A_155 = arith.constant 0 : i32
      %dma_start3A_156 = tpu.memref_slice %arg7[%dma_start3A_155] : memref<50048xf32, #tpu.memory_space<vmem_shared>> -> memref<50048xf32, #tpu.memory_space<vmem_shared>>
      tpu.enqueue_indirect_dma source(%arg4 : memref<128xf32, #tpu.memory_space<vmem>>) target(%dma_start3A_156 : memref<50048xf32, #tpu.memory_space<vmem_shared>>) offsets(%dma_start3A_154 : memref<128xi32, #tpu.memory_space<vmem>>) semaphore(%arg8 : memref<!tpu.dma_semaphore, #tpu.memory_space<semaphore_mem>>) {add = true}
      %dma_start3A_157 = arith.constant 4 : i32
      %dma_start3A_158 = arith.constant 0 : i32
      %dma_start3A_159 = tpu.memref_slice %arg6[%rem3A_128, %dma_start3A_157, %dma_start3A_158] : memref<3x8x128xi32, #tpu.memory_space<vmem>> -> memref<1x1x128xi32, #tpu.memory_space<vmem>>
      %dma_start3A_160 = tpu.memref_squeeze %dma_start3A_159 : memref<1x1x128xi32, #tpu.memory_space<vmem>> -> memref<128xi32, #tpu.memory_space<vmem>>
      %dma_start3A_161 = arith.constant 0 : i32
      %dma_start3A_162 = tpu.memref_slice %arg7[%dma_start3A_161] : memref<50048xf32, #tpu.memory_space<vmem_shared>> -> memref<50048xf32, #tpu.memory_space<vmem_shared>>
      tpu.enqueue_indirect_dma source(%arg4 : memref<128xf32, #tpu.memory_space<vmem>>) target(%dma_start3A_162 : memref<50048xf32, #tpu.memory_space<vmem_shared>>) offsets(%dma_start3A_160 : memref<128xi32, #tpu.memory_space<vmem>>) semaphore(%arg8 : memref<!tpu.dma_semaphore, #tpu.memory_space<semaphore_mem>>) {add = true}
      %dma_start3A_163 = arith.constant 5 : i32
      %dma_start3A_164 = arith.constant 0 : i32
      %dma_start3A_165 = tpu.memref_slice %arg6[%rem3A_128, %dma_start3A_163, %dma_start3A_164] : memref<3x8x128xi32, #tpu.memory_space<vmem>> -> memref<1x1x128xi32, #tpu.memory_space<vmem>>
      %dma_start3A_166 = tpu.memref_squeeze %dma_start3A_165 : memref<1x1x128xi32, #tpu.memory_space<vmem>> -> memref<128xi32, #tpu.memory_space<vmem>>
      %dma_start3A_167 = arith.constant 0 : i32
      %dma_start3A_168 = tpu.memref_slice %arg7[%dma_start3A_167] : memref<50048xf32, #tpu.memory_space<vmem_shared>> -> memref<50048xf32, #tpu.memory_space<vmem_shared>>
      tpu.enqueue_indirect_dma source(%arg4 : memref<128xf32, #tpu.memory_space<vmem>>) target(%dma_start3A_168 : memref<50048xf32, #tpu.memory_space<vmem_shared>>) offsets(%dma_start3A_166 : memref<128xi32, #tpu.memory_space<vmem>>) semaphore(%arg8 : memref<!tpu.dma_semaphore, #tpu.memory_space<semaphore_mem>>) {add = true}
      %dma_start3A_169 = arith.constant 6 : i32
      %dma_start3A_170 = arith.constant 0 : i32
      %dma_start3A_171 = tpu.memref_slice %arg6[%rem3A_128, %dma_start3A_169, %dma_start3A_170] : memref<3x8x128xi32, #tpu.memory_space<vmem>> -> memref<1x1x128xi32, #tpu.memory_space<vmem>>
      %dma_start3A_172 = tpu.memref_squeeze %dma_start3A_171 : memref<1x1x128xi32, #tpu.memory_space<vmem>> -> memref<128xi32, #tpu.memory_space<vmem>>
      %dma_start3A_173 = arith.constant 0 : i32
      %dma_start3A_174 = tpu.memref_slice %arg7[%dma_start3A_173] : memref<50048xf32, #tpu.memory_space<vmem_shared>> -> memref<50048xf32, #tpu.memory_space<vmem_shared>>
      tpu.enqueue_indirect_dma source(%arg4 : memref<128xf32, #tpu.memory_space<vmem>>) target(%dma_start3A_174 : memref<50048xf32, #tpu.memory_space<vmem_shared>>) offsets(%dma_start3A_172 : memref<128xi32, #tpu.memory_space<vmem>>) semaphore(%arg8 : memref<!tpu.dma_semaphore, #tpu.memory_space<semaphore_mem>>) {add = true}
      %dma_start3A_175 = arith.constant 7 : i32
      %dma_start3A_176 = arith.constant 0 : i32
      %dma_start3A_177 = tpu.memref_slice %arg6[%rem3A_128, %dma_start3A_175, %dma_start3A_176] : memref<3x8x128xi32, #tpu.memory_space<vmem>> -> memref<1x1x128xi32, #tpu.memory_space<vmem>>
      %dma_start3A_178 = tpu.memref_squeeze %dma_start3A_177 : memref<1x1x128xi32, #tpu.memory_space<vmem>> -> memref<128xi32, #tpu.memory_space<vmem>>
      %dma_start3A_179 = arith.constant 0 : i32
      %dma_start3A_180 = tpu.memref_slice %arg7[%dma_start3A_179] : memref<50048xf32, #tpu.memory_space<vmem_shared>> -> memref<50048xf32, #tpu.memory_space<vmem_shared>>
      tpu.enqueue_indirect_dma source(%arg4 : memref<128xf32, #tpu.memory_space<vmem>>) target(%dma_start3A_180 : memref<50048xf32, #tpu.memory_space<vmem_shared>>) offsets(%dma_start3A_178 : memref<128xi32, #tpu.memory_space<vmem>>) semaphore(%arg8 : memref<!tpu.dma_semaphore, #tpu.memory_space<semaphore_mem>>) {add = true}
      %gt3A = arith.constant 0 : i32
      %gt3A_181 = arith.cmpi sgt, %scan3A_125, %gt3A : i32
      %convert_element_type3A = arith.extui %gt3A_181 : i1 to i32
      %cond3A = arith.constant 0 : i32
      %cond3A_182 = arith.cmpi ne, %convert_element_type3A, %cond3A : i32
      scf.if %cond3A_182 {
        %dma_wait3A_193 = arith.constant 0 : i32
        %dma_wait3A_194 = arith.constant 0 : i32
        %dma_wait3A_195 = tpu.memref_slice %arg6[%rem3A_132, %dma_wait3A_193, %dma_wait3A_194] : memref<3x8x128xi32, #tpu.memory_space<vmem>> -> memref<1x1x128xi32, #tpu.memory_space<vmem>>
        %dma_wait3A_196 = tpu.memref_squeeze %dma_wait3A_195 : memref<1x1x128xi32, #tpu.memory_space<vmem>> -> memref<128xi32, #tpu.memory_space<vmem>>
        %dma_wait3A_197 = arith.constant 0 : i32
        %dma_wait3A_198 = tpu.memref_slice %arg7[%dma_wait3A_197] : memref<50048xf32, #tpu.memory_space<vmem_shared>> -> memref<50048xf32, #tpu.memory_space<vmem_shared>>
        tpu.wait_indirect_dma semaphore(%arg8 : memref<!tpu.dma_semaphore, #tpu.memory_space<semaphore_mem>>) src(%arg4 : memref<128xf32, #tpu.memory_space<vmem>>) dst(%dma_wait3A_198 : memref<50048xf32, #tpu.memory_space<vmem_shared>>)
        %dma_wait3A_199 = arith.constant 1 : i32
        %dma_wait3A_200 = arith.constant 0 : i32
        %dma_wait3A_201 = tpu.memref_slice %arg6[%rem3A_132, %dma_wait3A_199, %dma_wait3A_200] : memref<3x8x128xi32, #tpu.memory_space<vmem>> -> memref<1x1x128xi32, #tpu.memory_space<vmem>>
        %dma_wait3A_202 = tpu.memref_squeeze %dma_wait3A_201 : memref<1x1x128xi32, #tpu.memory_space<vmem>> -> memref<128xi32, #tpu.memory_space<vmem>>
        %dma_wait3A_203 = arith.constant 0 : i32
        %dma_wait3A_204 = tpu.memref_slice %arg7[%dma_wait3A_203] : memref<50048xf32, #tpu.memory_space<vmem_shared>> -> memref<50048xf32, #tpu.memory_space<vmem_shared>>
        tpu.wait_indirect_dma semaphore(%arg8 : memref<!tpu.dma_semaphore, #tpu.memory_space<semaphore_mem>>) src(%arg4 : memref<128xf32, #tpu.memory_space<vmem>>) dst(%dma_wait3A_204 : memref<50048xf32, #tpu.memory_space<vmem_shared>>)
        %dma_wait3A_205 = arith.constant 2 : i32
        %dma_wait3A_206 = arith.constant 0 : i32
        %dma_wait3A_207 = tpu.memref_slice %arg6[%rem3A_132, %dma_wait3A_205, %dma_wait3A_206] : memref<3x8x128xi32, #tpu.memory_space<vmem>> -> memref<1x1x128xi32, #tpu.memory_space<vmem>>
        %dma_wait3A_208 = tpu.memref_squeeze %dma_wait3A_207 : memref<1x1x128xi32, #tpu.memory_space<vmem>> -> memref<128xi32, #tpu.memory_space<vmem>>
        %dma_wait3A_209 = arith.constant 0 : i32
        %dma_wait3A_210 = tpu.memref_slice %arg7[%dma_wait3A_209] : memref<50048xf32, #tpu.memory_space<vmem_shared>> -> memref<50048xf32, #tpu.memory_space<vmem_shared>>
        tpu.wait_indirect_dma semaphore(%arg8 : memref<!tpu.dma_semaphore, #tpu.memory_space<semaphore_mem>>) src(%arg4 : memref<128xf32, #tpu.memory_space<vmem>>) dst(%dma_wait3A_210 : memref<50048xf32, #tpu.memory_space<vmem_shared>>)
        %dma_wait3A_211 = arith.constant 3 : i32
        %dma_wait3A_212 = arith.constant 0 : i32
        %dma_wait3A_213 = tpu.memref_slice %arg6[%rem3A_132, %dma_wait3A_211, %dma_wait3A_212] : memref<3x8x128xi32, #tpu.memory_space<vmem>> -> memref<1x1x128xi32, #tpu.memory_space<vmem>>
        %dma_wait3A_214 = tpu.memref_squeeze %dma_wait3A_213 : memref<1x1x128xi32, #tpu.memory_space<vmem>> -> memref<128xi32, #tpu.memory_space<vmem>>
        %dma_wait3A_215 = arith.constant 0 : i32
        %dma_wait3A_216 = tpu.memref_slice %arg7[%dma_wait3A_215] : memref<50048xf32, #tpu.memory_space<vmem_shared>> -> memref<50048xf32, #tpu.memory_space<vmem_shared>>
        tpu.wait_indirect_dma semaphore(%arg8 : memref<!tpu.dma_semaphore, #tpu.memory_space<semaphore_mem>>) src(%arg4 : memref<128xf32, #tpu.memory_space<vmem>>) dst(%dma_wait3A_216 : memref<50048xf32, #tpu.memory_space<vmem_shared>>)
        %dma_wait3A_217 = arith.constant 4 : i32
        %dma_wait3A_218 = arith.constant 0 : i32
        %dma_wait3A_219 = tpu.memref_slice %arg6[%rem3A_132, %dma_wait3A_217, %dma_wait3A_218] : memref<3x8x128xi32, #tpu.memory_space<vmem>> -> memref<1x1x128xi32, #tpu.memory_space<vmem>>
        %dma_wait3A_220 = tpu.memref_squeeze %dma_wait3A_219 : memref<1x1x128xi32, #tpu.memory_space<vmem>> -> memref<128xi32, #tpu.memory_space<vmem>>
        %dma_wait3A_221 = arith.constant 0 : i32
        %dma_wait3A_222 = tpu.memref_slice %arg7[%dma_wait3A_221] : memref<50048xf32, #tpu.memory_space<vmem_shared>> -> memref<50048xf32, #tpu.memory_space<vmem_shared>>
        tpu.wait_indirect_dma semaphore(%arg8 : memref<!tpu.dma_semaphore, #tpu.memory_space<semaphore_mem>>) src(%arg4 : memref<128xf32, #tpu.memory_space<vmem>>) dst(%dma_wait3A_222 : memref<50048xf32, #tpu.memory_space<vmem_shared>>)
        %dma_wait3A_223 = arith.constant 5 : i32
        %dma_wait3A_224 = arith.constant 0 : i32
        %dma_wait3A_225 = tpu.memref_slice %arg6[%rem3A_132, %dma_wait3A_223, %dma_wait3A_224] : memref<3x8x128xi32, #tpu.memory_space<vmem>> -> memref<1x1x128xi32, #tpu.memory_space<vmem>>
        %dma_wait3A_226 = tpu.memref_squeeze %dma_wait3A_225 : memref<1x1x128xi32, #tpu.memory_space<vmem>> -> memref<128xi32, #tpu.memory_space<vmem>>
        %dma_wait3A_227 = arith.constant 0 : i32
        %dma_wait3A_228 = tpu.memref_slice %arg7[%dma_wait3A_227] : memref<50048xf32, #tpu.memory_space<vmem_shared>> -> memref<50048xf32, #tpu.memory_space<vmem_shared>>
        tpu.wait_indirect_dma semaphore(%arg8 : memref<!tpu.dma_semaphore, #tpu.memory_space<semaphore_mem>>) src(%arg4 : memref<128xf32, #tpu.memory_space<vmem>>) dst(%dma_wait3A_228 : memref<50048xf32, #tpu.memory_space<vmem_shared>>)
        %dma_wait3A_229 = arith.constant 6 : i32
        %dma_wait3A_230 = arith.constant 0 : i32
        %dma_wait3A_231 = tpu.memref_slice %arg6[%rem3A_132, %dma_wait3A_229, %dma_wait3A_230] : memref<3x8x128xi32, #tpu.memory_space<vmem>> -> memref<1x1x128xi32, #tpu.memory_space<vmem>>
        %dma_wait3A_232 = tpu.memref_squeeze %dma_wait3A_231 : memref<1x1x128xi32, #tpu.memory_space<vmem>> -> memref<128xi32, #tpu.memory_space<vmem>>
        %dma_wait3A_233 = arith.constant 0 : i32
        %dma_wait3A_234 = tpu.memref_slice %arg7[%dma_wait3A_233] : memref<50048xf32, #tpu.memory_space<vmem_shared>> -> memref<50048xf32, #tpu.memory_space<vmem_shared>>
        tpu.wait_indirect_dma semaphore(%arg8 : memref<!tpu.dma_semaphore, #tpu.memory_space<semaphore_mem>>) src(%arg4 : memref<128xf32, #tpu.memory_space<vmem>>) dst(%dma_wait3A_234 : memref<50048xf32, #tpu.memory_space<vmem_shared>>)
        %dma_wait3A_235 = arith.constant 7 : i32
        %dma_wait3A_236 = arith.constant 0 : i32
        %dma_wait3A_237 = tpu.memref_slice %arg6[%rem3A_132, %dma_wait3A_235, %dma_wait3A_236] : memref<3x8x128xi32, #tpu.memory_space<vmem>> -> memref<1x1x128xi32, #tpu.memory_space<vmem>>
        %dma_wait3A_238 = tpu.memref_squeeze %dma_wait3A_237 : memref<1x1x128xi32, #tpu.memory_space<vmem>> -> memref<128xi32, #tpu.memory_space<vmem>>
        %dma_wait3A_239 = arith.constant 0 : i32
        %dma_wait3A_240 = tpu.memref_slice %arg7[%dma_wait3A_239] : memref<50048xf32, #tpu.memory_space<vmem_shared>> -> memref<50048xf32, #tpu.memory_space<vmem_shared>>
        tpu.wait_indirect_dma semaphore(%arg8 : memref<!tpu.dma_semaphore, #tpu.memory_space<semaphore_mem>>) src(%arg4 : memref<128xf32, #tpu.memory_space<vmem>>) dst(%dma_wait3A_240 : memref<50048xf32, #tpu.memory_space<vmem_shared>>)
      } else {
      }
      %lt3A = arith.constant 24 : i32
      %lt3A_183 = arith.cmpi slt, %scan3A_125, %lt3A : i32
      %convert_element_type3A_184 = arith.extui %lt3A_183 : i1 to i32
      %cond3A_185 = arith.constant 0 : i32
      %cond3A_186 = arith.cmpi ne, %convert_element_type3A_184, %cond3A_185 : i32
      scf.if %cond3A_186 {
        %add3A_193 = arith.constant 1 : i32
        %add3A_194 = arith.addi %scan3A_125, %add3A_193 : i32
        %mul3A_195 = arith.constant 8 : i32
        %mul3A_196 = arith.muli %mul3A_195, %add3A_194 : i32
        %add3A_197 = arith.addi %add3A, %mul3A_196 : i32
        %add3A_198 = arith.constant 1 : i32
        %add3A_199 = arith.addi %scan3A_125, %add3A_198 : i32
        %rem3A_200 = arith.constant 3 : i32
        %rem3A_201 = arith.remsi %add3A_199, %rem3A_200 : i32
        %dma_wait3A_202 = arith.constant 0 : i32
        %dma_wait3A_203 = arith.constant 0 : i32
        %dma_wait3A_204 = tpu.memref_slice %arg6[%rem3A_201, %dma_wait3A_202, %dma_wait3A_203] : memref<3x8x128xi32, #tpu.memory_space<vmem>> -> memref<1x8x128xi32, #tpu.memory_space<vmem>>
        %dma_wait3A_205 = tpu.memref_squeeze %dma_wait3A_204 : memref<1x8x128xi32, #tpu.memory_space<vmem>> -> memref<8x128xi32, #tpu.memory_space<vmem>>
        %dma_wait3A_206 = arith.constant 0 : i32
        %dma_wait3A_207 = tpu.memref_slice %arg2[%add3A_197, %dma_wait3A_206] : memref<6400x128xi32, #tpu.memory_space<hbm>> -> memref<8x128xi32, #tpu.memory_space<hbm>>
        %dma_wait3A_208 = arith.constant 0 : i32
        %dma_wait3A_209 = arith.constant 0 : i32
        %dma_wait3A_210 = tpu.memref_slice %arg6[%rem3A_201, %dma_wait3A_208, %dma_wait3A_209] : memref<3x8x128xi32, #tpu.memory_space<vmem>> -> memref<1x8x128xi32, #tpu.memory_space<vmem>>
        %dma_wait3A_211 = tpu.memref_squeeze %dma_wait3A_210 : memref<1x8x128xi32, #tpu.memory_space<vmem>> -> memref<8x128xi32, #tpu.memory_space<vmem>>
        %dma_wait3A_212 = arith.constant 0 : i32
        %dma_wait3A_213 = tpu.memref_slice %arg2[%add3A_197, %dma_wait3A_212] : memref<6400x128xi32, #tpu.memory_space<hbm>> -> memref<8x128xi32, #tpu.memory_space<hbm>>
        tpu.wait_dma2 semaphore(%arg9 : memref<!tpu.dma_semaphore, #tpu.memory_space<semaphore_mem>>) src(%dma_wait3A_213 : memref<8x128xi32, #tpu.memory_space<hbm>>) dst(%dma_wait3A_211 : memref<8x128xi32, #tpu.memory_space<vmem>>)
      } else {
      }
      %lt3A_187 = arith.constant 23 : i32
      %lt3A_188 = arith.cmpi slt, %scan3A_125, %lt3A_187 : i32
      %convert_element_type3A_189 = arith.extui %lt3A_188 : i1 to i32
      %cond3A_190 = arith.constant 0 : i32
      %cond3A_191 = arith.cmpi ne, %convert_element_type3A_189, %cond3A_190 : i32
      scf.if %cond3A_191 {
        %add3A_193 = arith.constant 2 : i32
        %add3A_194 = arith.addi %scan3A_125, %add3A_193 : i32
        %mul3A_195 = arith.constant 8 : i32
        %mul3A_196 = arith.muli %mul3A_195, %add3A_194 : i32
        %add3A_197 = arith.addi %add3A, %mul3A_196 : i32
        %dma_start3A_198 = arith.constant 0 : i32
        %dma_start3A_199 = arith.constant 0 : i32
        %dma_start3A_200 = tpu.memref_slice %arg6[%rem3A_132, %dma_start3A_198, %dma_start3A_199] : memref<3x8x128xi32, #tpu.memory_space<vmem>> -> memref<1x8x128xi32, #tpu.memory_space<vmem>>
        %dma_start3A_201 = tpu.memref_squeeze %dma_start3A_200 : memref<1x8x128xi32, #tpu.memory_space<vmem>> -> memref<8x128xi32, #tpu.memory_space<vmem>>
        %dma_start3A_202 = arith.constant 0 : i32
        %dma_start3A_203 = tpu.memref_slice %arg2[%add3A_197, %dma_start3A_202] : memref<6400x128xi32, #tpu.memory_space<hbm>> -> memref<8x128xi32, #tpu.memory_space<hbm>>
        %dma_start3A_204 = arith.constant 0 : i32
        %dma_start3A_205 = arith.constant 0 : i32
        %dma_start3A_206 = tpu.memref_slice %arg6[%rem3A_132, %dma_start3A_204, %dma_start3A_205] : memref<3x8x128xi32, #tpu.memory_space<vmem>> -> memref<1x8x128xi32, #tpu.memory_space<vmem>>
        %dma_start3A_207 = tpu.memref_squeeze %dma_start3A_206 : memref<1x8x128xi32, #tpu.memory_space<vmem>> -> memref<8x128xi32, #tpu.memory_space<vmem>>
        %dma_start3A_208 = arith.constant 0 : i32
        %dma_start3A_209 = tpu.memref_slice %arg2[%add3A_197, %dma_start3A_208] : memref<6400x128xi32, #tpu.memory_space<hbm>> -> memref<8x128xi32, #tpu.memory_space<hbm>>
        tpu.enqueue_dma source(%dma_start3A_209 : memref<8x128xi32, #tpu.memory_space<hbm>>) target(%dma_start3A_207 : memref<8x128xi32, #tpu.memory_space<vmem>>) target_semaphore(%arg9 : memref<!tpu.dma_semaphore, #tpu.memory_space<semaphore_mem>>)
      } else {
      }
      %scan3A_192 = arith.constant 0 : i32
      scf.yield %scan3A_192 : i32
    }
    %scan3A_67 = arith.constant 25 : i32
    %rem3A = arith.constant 24 : i32
    %rem3A_68 = arith.constant 3 : i32
    %rem3A_69 = arith.remsi %rem3A, %rem3A_68 : i32
    %dma_wait3A = arith.constant 0 : i32
    %dma_wait3A_70 = arith.constant 0 : i32
    %dma_wait3A_71 = tpu.memref_slice %arg6[%rem3A_69, %dma_wait3A, %dma_wait3A_70] : memref<3x8x128xi32, #tpu.memory_space<vmem>> -> memref<1x1x128xi32, #tpu.memory_space<vmem>>
    %dma_wait3A_72 = tpu.memref_squeeze %dma_wait3A_71 : memref<1x1x128xi32, #tpu.memory_space<vmem>> -> memref<128xi32, #tpu.memory_space<vmem>>
    %dma_wait3A_73 = arith.constant 0 : i32
    %dma_wait3A_74 = tpu.memref_slice %arg7[%dma_wait3A_73] : memref<50048xf32, #tpu.memory_space<vmem_shared>> -> memref<50048xf32, #tpu.memory_space<vmem_shared>>
    tpu.wait_indirect_dma semaphore(%arg8 : memref<!tpu.dma_semaphore, #tpu.memory_space<semaphore_mem>>) src(%arg4 : memref<128xf32, #tpu.memory_space<vmem>>) dst(%dma_wait3A_74 : memref<50048xf32, #tpu.memory_space<vmem_shared>>)
    %dma_wait3A_75 = arith.constant 1 : i32
    %dma_wait3A_76 = arith.constant 0 : i32
    %dma_wait3A_77 = tpu.memref_slice %arg6[%rem3A_69, %dma_wait3A_75, %dma_wait3A_76] : memref<3x8x128xi32, #tpu.memory_space<vmem>> -> memref<1x1x128xi32, #tpu.memory_space<vmem>>
    %dma_wait3A_78 = tpu.memref_squeeze %dma_wait3A_77 : memref<1x1x128xi32, #tpu.memory_space<vmem>> -> memref<128xi32, #tpu.memory_space<vmem>>
    %dma_wait3A_79 = arith.constant 0 : i32
    %dma_wait3A_80 = tpu.memref_slice %arg7[%dma_wait3A_79] : memref<50048xf32, #tpu.memory_space<vmem_shared>> -> memref<50048xf32, #tpu.memory_space<vmem_shared>>
    tpu.wait_indirect_dma semaphore(%arg8 : memref<!tpu.dma_semaphore, #tpu.memory_space<semaphore_mem>>) src(%arg4 : memref<128xf32, #tpu.memory_space<vmem>>) dst(%dma_wait3A_80 : memref<50048xf32, #tpu.memory_space<vmem_shared>>)
    %dma_wait3A_81 = arith.constant 2 : i32
    %dma_wait3A_82 = arith.constant 0 : i32
    %dma_wait3A_83 = tpu.memref_slice %arg6[%rem3A_69, %dma_wait3A_81, %dma_wait3A_82] : memref<3x8x128xi32, #tpu.memory_space<vmem>> -> memref<1x1x128xi32, #tpu.memory_space<vmem>>
    %dma_wait3A_84 = tpu.memref_squeeze %dma_wait3A_83 : memref<1x1x128xi32, #tpu.memory_space<vmem>> -> memref<128xi32, #tpu.memory_space<vmem>>
    %dma_wait3A_85 = arith.constant 0 : i32
    %dma_wait3A_86 = tpu.memref_slice %arg7[%dma_wait3A_85] : memref<50048xf32, #tpu.memory_space<vmem_shared>> -> memref<50048xf32, #tpu.memory_space<vmem_shared>>
    tpu.wait_indirect_dma semaphore(%arg8 : memref<!tpu.dma_semaphore, #tpu.memory_space<semaphore_mem>>) src(%arg4 : memref<128xf32, #tpu.memory_space<vmem>>) dst(%dma_wait3A_86 : memref<50048xf32, #tpu.memory_space<vmem_shared>>)
    %dma_wait3A_87 = arith.constant 3 : i32
    %dma_wait3A_88 = arith.constant 0 : i32
    %dma_wait3A_89 = tpu.memref_slice %arg6[%rem3A_69, %dma_wait3A_87, %dma_wait3A_88] : memref<3x8x128xi32, #tpu.memory_space<vmem>> -> memref<1x1x128xi32, #tpu.memory_space<vmem>>
    %dma_wait3A_90 = tpu.memref_squeeze %dma_wait3A_89 : memref<1x1x128xi32, #tpu.memory_space<vmem>> -> memref<128xi32, #tpu.memory_space<vmem>>
    %dma_wait3A_91 = arith.constant 0 : i32
    %dma_wait3A_92 = tpu.memref_slice %arg7[%dma_wait3A_91] : memref<50048xf32, #tpu.memory_space<vmem_shared>> -> memref<50048xf32, #tpu.memory_space<vmem_shared>>
    tpu.wait_indirect_dma semaphore(%arg8 : memref<!tpu.dma_semaphore, #tpu.memory_space<semaphore_mem>>) src(%arg4 : memref<128xf32, #tpu.memory_space<vmem>>) dst(%dma_wait3A_92 : memref<50048xf32, #tpu.memory_space<vmem_shared>>)
    %dma_wait3A_93 = arith.constant 4 : i32
    %dma_wait3A_94 = arith.constant 0 : i32
    %dma_wait3A_95 = tpu.memref_slice %arg6[%rem3A_69, %dma_wait3A_93, %dma_wait3A_94] : memref<3x8x128xi32, #tpu.memory_space<vmem>> -> memref<1x1x128xi32, #tpu.memory_space<vmem>>
    %dma_wait3A_96 = tpu.memref_squeeze %dma_wait3A_95 : memref<1x1x128xi32, #tpu.memory_space<vmem>> -> memref<128xi32, #tpu.memory_space<vmem>>
    %dma_wait3A_97 = arith.constant 0 : i32
    %dma_wait3A_98 = tpu.memref_slice %arg7[%dma_wait3A_97] : memref<50048xf32, #tpu.memory_space<vmem_shared>> -> memref<50048xf32, #tpu.memory_space<vmem_shared>>
    tpu.wait_indirect_dma semaphore(%arg8 : memref<!tpu.dma_semaphore, #tpu.memory_space<semaphore_mem>>) src(%arg4 : memref<128xf32, #tpu.memory_space<vmem>>) dst(%dma_wait3A_98 : memref<50048xf32, #tpu.memory_space<vmem_shared>>)
    %dma_wait3A_99 = arith.constant 5 : i32
    %dma_wait3A_100 = arith.constant 0 : i32
    %dma_wait3A_101 = tpu.memref_slice %arg6[%rem3A_69, %dma_wait3A_99, %dma_wait3A_100] : memref<3x8x128xi32, #tpu.memory_space<vmem>> -> memref<1x1x128xi32, #tpu.memory_space<vmem>>
    %dma_wait3A_102 = tpu.memref_squeeze %dma_wait3A_101 : memref<1x1x128xi32, #tpu.memory_space<vmem>> -> memref<128xi32, #tpu.memory_space<vmem>>
    %dma_wait3A_103 = arith.constant 0 : i32
    %dma_wait3A_104 = tpu.memref_slice %arg7[%dma_wait3A_103] : memref<50048xf32, #tpu.memory_space<vmem_shared>> -> memref<50048xf32, #tpu.memory_space<vmem_shared>>
    tpu.wait_indirect_dma semaphore(%arg8 : memref<!tpu.dma_semaphore, #tpu.memory_space<semaphore_mem>>) src(%arg4 : memref<128xf32, #tpu.memory_space<vmem>>) dst(%dma_wait3A_104 : memref<50048xf32, #tpu.memory_space<vmem_shared>>)
    %dma_wait3A_105 = arith.constant 6 : i32
    %dma_wait3A_106 = arith.constant 0 : i32
    %dma_wait3A_107 = tpu.memref_slice %arg6[%rem3A_69, %dma_wait3A_105, %dma_wait3A_106] : memref<3x8x128xi32, #tpu.memory_space<vmem>> -> memref<1x1x128xi32, #tpu.memory_space<vmem>>
    %dma_wait3A_108 = tpu.memref_squeeze %dma_wait3A_107 : memref<1x1x128xi32, #tpu.memory_space<vmem>> -> memref<128xi32, #tpu.memory_space<vmem>>
    %dma_wait3A_109 = arith.constant 0 : i32
    %dma_wait3A_110 = tpu.memref_slice %arg7[%dma_wait3A_109] : memref<50048xf32, #tpu.memory_space<vmem_shared>> -> memref<50048xf32, #tpu.memory_space<vmem_shared>>
    tpu.wait_indirect_dma semaphore(%arg8 : memref<!tpu.dma_semaphore, #tpu.memory_space<semaphore_mem>>) src(%arg4 : memref<128xf32, #tpu.memory_space<vmem>>) dst(%dma_wait3A_110 : memref<50048xf32, #tpu.memory_space<vmem_shared>>)
    %dma_wait3A_111 = arith.constant 7 : i32
    %dma_wait3A_112 = arith.constant 0 : i32
    %dma_wait3A_113 = tpu.memref_slice %arg6[%rem3A_69, %dma_wait3A_111, %dma_wait3A_112] : memref<3x8x128xi32, #tpu.memory_space<vmem>> -> memref<1x1x128xi32, #tpu.memory_space<vmem>>
    %dma_wait3A_114 = tpu.memref_squeeze %dma_wait3A_113 : memref<1x1x128xi32, #tpu.memory_space<vmem>> -> memref<128xi32, #tpu.memory_space<vmem>>
    %dma_wait3A_115 = arith.constant 0 : i32
    %dma_wait3A_116 = tpu.memref_slice %arg7[%dma_wait3A_115] : memref<50048xf32, #tpu.memory_space<vmem_shared>> -> memref<50048xf32, #tpu.memory_space<vmem_shared>>
    tpu.wait_indirect_dma semaphore(%arg8 : memref<!tpu.dma_semaphore, #tpu.memory_space<semaphore_mem>>) src(%arg4 : memref<128xf32, #tpu.memory_space<vmem>>) dst(%dma_wait3A_116 : memref<50048xf32, #tpu.memory_space<vmem_shared>>)
    %barrier3A_117 = arith.constant 0 : index
    tpu.barrier barrier_id(%barrier3A_117)
    %mul3A_118 = arith.constant 3128 : i32
    %mul3A_119 = arith.muli %arg1, %mul3A_118 : i32
    "tpu.region"() ({
      %run_scoped3A_125 = tpu.sem_alloc : memref<!tpu.dma_semaphore, #tpu.memory_space<semaphore_mem>>
      %dma_start3A_126 = arith.constant 0 : i32
      %dma_start3A_127 = tpu.memref_slice %arg5[%dma_start3A_126] : memref<3136xf32, #tpu.memory_space<vmem>> -> memref<3128xf32, #tpu.memory_space<vmem>>
      %dma_start3A_128 = tpu.memref_slice %arg7[%mul3A_119] : memref<50048xf32, #tpu.memory_space<vmem_shared>> -> memref<3128xf32, #tpu.memory_space<vmem_shared>>
      %dma_start3A_129 = arith.constant 0 : i32
      %dma_start3A_130 = tpu.memref_slice %arg5[%dma_start3A_129] : memref<3136xf32, #tpu.memory_space<vmem>> -> memref<3128xf32, #tpu.memory_space<vmem>>
      %dma_start3A_131 = tpu.memref_slice %arg7[%mul3A_119] : memref<50048xf32, #tpu.memory_space<vmem_shared>> -> memref<3128xf32, #tpu.memory_space<vmem_shared>>
      tpu.enqueue_dma source(%dma_start3A_131 : memref<3128xf32, #tpu.memory_space<vmem_shared>>) target(%dma_start3A_130 : memref<3128xf32, #tpu.memory_space<vmem>>) target_semaphore(%run_scoped3A_125 : memref<!tpu.dma_semaphore, #tpu.memory_space<semaphore_mem>>)
      %dma_wait3A_132 = arith.constant 0 : i32
      %dma_wait3A_133 = tpu.memref_slice %arg5[%dma_wait3A_132] : memref<3136xf32, #tpu.memory_space<vmem>> -> memref<3128xf32, #tpu.memory_space<vmem>>
      %dma_wait3A_134 = tpu.memref_slice %arg7[%mul3A_119] : memref<50048xf32, #tpu.memory_space<vmem_shared>> -> memref<3128xf32, #tpu.memory_space<vmem_shared>>
      %dma_wait3A_135 = arith.constant 0 : i32
      %dma_wait3A_136 = tpu.memref_slice %arg5[%dma_wait3A_135] : memref<3136xf32, #tpu.memory_space<vmem>> -> memref<3128xf32, #tpu.memory_space<vmem>>
      %dma_wait3A_137 = tpu.memref_slice %arg7[%mul3A_119] : memref<50048xf32, #tpu.memory_space<vmem_shared>> -> memref<3128xf32, #tpu.memory_space<vmem_shared>>
      tpu.wait_dma2 semaphore(%run_scoped3A_125 : memref<!tpu.dma_semaphore, #tpu.memory_space<semaphore_mem>>) src(%dma_wait3A_137 : memref<3128xf32, #tpu.memory_space<vmem_shared>>) dst(%dma_wait3A_136 : memref<3128xf32, #tpu.memory_space<vmem>>)
      tpu.yield
    }) : () -> ()
    %mul3A_120 = arith.constant 50048 : i32
    %mul3A_121 = arith.muli %arg0, %mul3A_120 : i32
    %mul3A_122 = arith.constant 3128 : i32
    %mul3A_123 = arith.muli %arg1, %mul3A_122 : i32
    %add3A_124 = arith.addi %mul3A_121, %mul3A_123 : i32
    "tpu.region"() ({
      %run_scoped3A_125 = tpu.sem_alloc : memref<!tpu.dma_semaphore, #tpu.memory_space<semaphore_mem>>
      %dma_start3A_126 = arith.constant 0 : i32
      %dma_start3A_127 = tpu.memref_slice %arg5[%dma_start3A_126] : memref<3136xf32, #tpu.memory_space<vmem>> -> memref<3128xf32, #tpu.memory_space<vmem>>
      %dma_start3A_128 = tpu.memref_slice %arg3[%add3A_124] : memref<100096xf32, #tpu.memory_space<hbm>> -> memref<3128xf32, #tpu.memory_space<hbm>>
      %dma_start3A_129 = tpu.memref_slice %arg3[%add3A_124] : memref<100096xf32, #tpu.memory_space<hbm>> -> memref<3128xf32, #tpu.memory_space<hbm>>
      %dma_start3A_130 = arith.constant 0 : i32
      %dma_start3A_131 = tpu.memref_slice %arg5[%dma_start3A_130] : memref<3136xf32, #tpu.memory_space<vmem>> -> memref<3128xf32, #tpu.memory_space<vmem>>
      tpu.enqueue_dma source(%dma_start3A_131 : memref<3128xf32, #tpu.memory_space<vmem>>) target(%dma_start3A_129 : memref<3128xf32, #tpu.memory_space<hbm>>) target_semaphore(%run_scoped3A_125 : memref<!tpu.dma_semaphore, #tpu.memory_space<semaphore_mem>>)
      %dma_wait3A_132 = arith.constant 0 : i32
      %dma_wait3A_133 = tpu.memref_slice %arg5[%dma_wait3A_132] : memref<3136xf32, #tpu.memory_space<vmem>> -> memref<3128xf32, #tpu.memory_space<vmem>>
      %dma_wait3A_134 = tpu.memref_slice %arg3[%add3A_124] : memref<100096xf32, #tpu.memory_space<hbm>> -> memref<3128xf32, #tpu.memory_space<hbm>>
      %dma_wait3A_135 = tpu.memref_slice %arg3[%add3A_124] : memref<100096xf32, #tpu.memory_space<hbm>> -> memref<3128xf32, #tpu.memory_space<hbm>>
      %dma_wait3A_136 = arith.constant 0 : i32
      %dma_wait3A_137 = tpu.memref_slice %arg5[%dma_wait3A_136] : memref<3136xf32, #tpu.memory_space<vmem>> -> memref<3128xf32, #tpu.memory_space<vmem>>
      tpu.wait_dma2 semaphore(%run_scoped3A_125 : memref<!tpu.dma_semaphore, #tpu.memory_space<semaphore_mem>>) src(%dma_wait3A_137 : memref<3128xf32, #tpu.memory_space<vmem>>) dst(%dma_wait3A_135 : memref<3128xf32, #tpu.memory_space<hbm>>)
      tpu.yield
    }) : () -> ()
    return
  }
}

#map = affine_map<(d0, d1) -> (0, 0)>
module attributes {stable_mosaic.version = 14 : i64} {
  func.func @_agg_body(%arg0: i32, %arg1: i32, %arg2: memref<50048x64xf32, #tpu.memory_space<hbm>>, %arg3: memref<6400x128xi32, #tpu.memory_space<hbm>>, %arg4: memref<6400x128xi32, #tpu.memory_space<hbm>>, %arg5: memref<50048x64xf32, #tpu.memory_space<hbm>>, %arg6: memref<2x1x128xi32, #tpu.memory_space<vmem>>, %arg7: memref<2x1x128xi32, #tpu.memory_space<vmem>>, %arg8: memref<2x1x128xi32, #tpu.memory_space<vmem>>, %arg9: memref<2x1x128x64xf32, #tpu.memory_space<vmem>>, %arg10: memref<25088x64xf32, #tpu.memory_space<vmem_shared>>, %arg11: memref<!tpu.dma_semaphore, #tpu.memory_space<semaphore_mem>>, %arg12: memref<!tpu.dma_semaphore, #tpu.memory_space<semaphore_mem>>) attributes {dimension_semantics = [#tpu.dimension_semantics<core_parallel>, #tpu.dimension_semantics<subcore_parallel>], iteration_bounds = array<i64: 2, 16>, scalar_prefetch = 0 : i64, scratch_operands = 7 : i64, tpu.core_type = #tpu.core_type<sc_vector_subcore>, window_params = [{transform_indices = #map}, {transform_indices = #map}, {transform_indices = #map}, {transform_indices = #map}]} {
    %mul3A = arith.constant 25024 : i32
    %mul3A_0 = arith.muli %arg0, %mul3A : i32
    %broadcast_in_dim3A = arith.constant 0.000000e+00 : f32
    %broadcast_in_dim3A_1 = vector.broadcast %broadcast_in_dim3A : f32 to vector<16xf32>
    %scan3A = arith.constant 0 : i32
    %scan3A_2 = arith.constant 0 : i32
    %scan3A_3 = arith.constant 128 : i32
    %scan3A_4 = arith.addi %scan3A_2, %scan3A_3 : i32
    %scan3A_5 = arith.constant 1 : i32
    %scan3A_6 = scf.for %scan3A_33 = %scan3A_2 to %scan3A_4 step %scan3A_5 iter_args(%scan3A_34 = %scan3A) -> (i32)  : i32 {
      %swap3A = arith.constant 0 : i32
      %swap3A_35 = arith.constant 0 : i32
      %swap3A_36 = arith.index_cast %swap3A : i32 to index
      %swap3A_37 = arith.index_cast %swap3A_35 : i32 to index
      %swap3A_38 = arith.index_cast %scan3A_33 : i32 to index
      %swap3A_39 = arith.constant 0 : index
      %swap3A_40 = tpu.vector_load %arg9[%swap3A_36, %swap3A_37, %swap3A_38, %swap3A_39] {strides = array<i32>} : memref<2x1x128x64xf32, #tpu.memory_space<vmem>>, vector<1x1x1x16xf32>,
      %swap3A_41 = vector.shape_cast %swap3A_40 : vector<1x1x1x16xf32> to vector<16xf32>
      %swap3A_42 = vector.shape_cast %broadcast_in_dim3A_1 : vector<16xf32> to vector<1x1x1x16xf32>
      tpu.vector_store %arg9[%swap3A_36, %swap3A_37, %swap3A_38, %swap3A_39], %swap3A_42 {strides = array<i32>} : memref<2x1x128x64xf32, #tpu.memory_space<vmem>>, vector<1x1x1x16xf32>,
      %swap3A_43 = arith.constant 0 : i32
      %swap3A_44 = arith.constant 0 : i32
      %swap3A_45 = arith.index_cast %swap3A_43 : i32 to index
      %swap3A_46 = arith.index_cast %swap3A_44 : i32 to index
      %swap3A_47 = arith.index_cast %scan3A_33 : i32 to index
      %swap3A_48 = arith.constant 16 : index
      %swap3A_49 = tpu.vector_load %arg9[%swap3A_45, %swap3A_46, %swap3A_47, %swap3A_48] {strides = array<i32>} : memref<2x1x128x64xf32, #tpu.memory_space<vmem>>, vector<1x1x1x16xf32>,
      %swap3A_50 = vector.shape_cast %swap3A_49 : vector<1x1x1x16xf32> to vector<16xf32>
      %swap3A_51 = vector.shape_cast %broadcast_in_dim3A_1 : vector<16xf32> to vector<1x1x1x16xf32>
      tpu.vector_store %arg9[%swap3A_45, %swap3A_46, %swap3A_47, %swap3A_48], %swap3A_51 {strides = array<i32>} : memref<2x1x128x64xf32, #tpu.memory_space<vmem>>, vector<1x1x1x16xf32>,
      %swap3A_52 = arith.constant 0 : i32
      %swap3A_53 = arith.constant 0 : i32
      %swap3A_54 = arith.index_cast %swap3A_52 : i32 to index
      %swap3A_55 = arith.index_cast %swap3A_53 : i32 to index
      %swap3A_56 = arith.index_cast %scan3A_33 : i32 to index
      %swap3A_57 = arith.constant 32 : index
      %swap3A_58 = tpu.vector_load %arg9[%swap3A_54, %swap3A_55, %swap3A_56, %swap3A_57] {strides = array<i32>} : memref<2x1x128x64xf32, #tpu.memory_space<vmem>>, vector<1x1x1x16xf32>,
      %swap3A_59 = vector.shape_cast %swap3A_58 : vector<1x1x1x16xf32> to vector<16xf32>
      %swap3A_60 = vector.shape_cast %broadcast_in_dim3A_1 : vector<16xf32> to vector<1x1x1x16xf32>
      tpu.vector_store %arg9[%swap3A_54, %swap3A_55, %swap3A_56, %swap3A_57], %swap3A_60 {strides = array<i32>} : memref<2x1x128x64xf32, #tpu.memory_space<vmem>>, vector<1x1x1x16xf32>,
      %swap3A_61 = arith.constant 0 : i32
      %swap3A_62 = arith.constant 0 : i32
      %swap3A_63 = arith.index_cast %swap3A_61 : i32 to index
      %swap3A_64 = arith.index_cast %swap3A_62 : i32 to index
      %swap3A_65 = arith.index_cast %scan3A_33 : i32 to index
      %swap3A_66 = arith.constant 48 : index
      %swap3A_67 = tpu.vector_load %arg9[%swap3A_63, %swap3A_64, %swap3A_65, %swap3A_66] {strides = array<i32>} : memref<2x1x128x64xf32, #tpu.memory_space<vmem>>, vector<1x1x1x16xf32>,
      %swap3A_68 = vector.shape_cast %swap3A_67 : vector<1x1x1x16xf32> to vector<16xf32>
      %swap3A_69 = vector.shape_cast %broadcast_in_dim3A_1 : vector<16xf32> to vector<1x1x1x16xf32>
      tpu.vector_store %arg9[%swap3A_63, %swap3A_64, %swap3A_65, %swap3A_66], %swap3A_69 {strides = array<i32>} : memref<2x1x128x64xf32, #tpu.memory_space<vmem>>, vector<1x1x1x16xf32>,
      %scan3A_70 = arith.constant 0 : i32
      scf.yield %scan3A_70 : i32
    }
    %scan3A_7 = arith.constant 128 : i32
    %scan3A_8 = arith.constant 0 : i32
    %scan3A_9 = arith.constant 0 : i32
    %scan3A_10 = arith.constant 13 : i32
    %scan3A_11 = arith.addi %scan3A_9, %scan3A_10 : i32
    %scan3A_12 = arith.constant 1 : i32
    %scan3A_13 = scf.for %scan3A_33 = %scan3A_9 to %scan3A_11 step %scan3A_12 iter_args(%scan3A_34 = %scan3A_8) -> (i32)  : i32 {
      %mul3A_35 = arith.constant 16 : i32
      %mul3A_36 = arith.muli %mul3A_35, %scan3A_33 : i32
      %add3A = arith.addi %arg1, %mul3A_36 : i32
      %lt3A = arith.constant 196 : i32
      %lt3A_37 = arith.cmpi slt, %add3A, %lt3A : i32
      %convert_element_type3A = arith.extui %lt3A_37 : i1 to i32
      %cond3A = arith.constant 0 : i32
      %cond3A_38 = arith.cmpi ne, %convert_element_type3A, %cond3A : i32
      scf.if %cond3A_38 {
        %mul3A_40 = arith.constant 128 : i32
        %mul3A_41 = arith.muli %add3A, %mul3A_40 : i32
        %run_scoped3A_42 = arith.constant 0 : i32
        %run_scoped3A_43 = arith.constant 0 : i32
        "tpu.region"() ({
          %run_scoped3A_44 = tpu.sem_alloc : memref<!tpu.dma_semaphore, #tpu.memory_space<semaphore_mem>>
          %dma_start3A = arith.constant 0 : i32
          %dma_start3A_45 = arith.constant 0 : i32
          %dma_start3A_46 = tpu.memref_slice %arg9[%run_scoped3A_42, %run_scoped3A_43, %dma_start3A, %dma_start3A_45] : memref<2x1x128x64xf32, #tpu.memory_space<vmem>> -> memref<1x1x128x64xf32, #tpu.memory_space<vmem>>
          %dma_start3A_47 = tpu.memref_squeeze %dma_start3A_46 : memref<1x1x128x64xf32, #tpu.memory_space<vmem>> -> memref<128x64xf32, #tpu.memory_space<vmem>>
          %dma_start3A_48 = arith.constant 0 : i32
          %dma_start3A_49 = tpu.memref_slice %arg10[%mul3A_41, %dma_start3A_48] : memref<25088x64xf32, #tpu.memory_space<vmem_shared>> -> memref<128x64xf32, #tpu.memory_space<vmem_shared>>
          %dma_start3A_50 = arith.constant 0 : i32
          %dma_start3A_51 = tpu.memref_slice %arg10[%mul3A_41, %dma_start3A_50] : memref<25088x64xf32, #tpu.memory_space<vmem_shared>> -> memref<128x64xf32, #tpu.memory_space<vmem_shared>>
          %dma_start3A_52 = arith.constant 0 : i32
          %dma_start3A_53 = arith.constant 0 : i32
          %dma_start3A_54 = tpu.memref_slice %arg9[%run_scoped3A_42, %run_scoped3A_43, %dma_start3A_52, %dma_start3A_53] : memref<2x1x128x64xf32, #tpu.memory_space<vmem>> -> memref<1x1x128x64xf32, #tpu.memory_space<vmem>>
          %dma_start3A_55 = tpu.memref_squeeze %dma_start3A_54 : memref<1x1x128x64xf32, #tpu.memory_space<vmem>> -> memref<128x64xf32, #tpu.memory_space<vmem>>
          tpu.enqueue_dma source(%dma_start3A_55 : memref<128x64xf32, #tpu.memory_space<vmem>>) target(%dma_start3A_51 : memref<128x64xf32, #tpu.memory_space<vmem_shared>>) target_semaphore(%run_scoped3A_44 : memref<!tpu.dma_semaphore, #tpu.memory_space<semaphore_mem>>)
          %dma_wait3A = arith.constant 0 : i32
          %dma_wait3A_56 = arith.constant 0 : i32
          %dma_wait3A_57 = tpu.memref_slice %arg9[%run_scoped3A_42, %run_scoped3A_43, %dma_wait3A, %dma_wait3A_56] : memref<2x1x128x64xf32, #tpu.memory_space<vmem>> -> memref<1x1x128x64xf32, #tpu.memory_space<vmem>>
          %dma_wait3A_58 = tpu.memref_squeeze %dma_wait3A_57 : memref<1x1x128x64xf32, #tpu.memory_space<vmem>> -> memref<128x64xf32, #tpu.memory_space<vmem>>
          %dma_wait3A_59 = arith.constant 0 : i32
          %dma_wait3A_60 = tpu.memref_slice %arg10[%mul3A_41, %dma_wait3A_59] : memref<25088x64xf32, #tpu.memory_space<vmem_shared>> -> memref<128x64xf32, #tpu.memory_space<vmem_shared>>
          %dma_wait3A_61 = arith.constant 0 : i32
          %dma_wait3A_62 = tpu.memref_slice %arg10[%mul3A_41, %dma_wait3A_61] : memref<25088x64xf32, #tpu.memory_space<vmem_shared>> -> memref<128x64xf32, #tpu.memory_space<vmem_shared>>
          %dma_wait3A_63 = arith.constant 0 : i32
          %dma_wait3A_64 = arith.constant 0 : i32
          %dma_wait3A_65 = tpu.memref_slice %arg9[%run_scoped3A_42, %run_scoped3A_43, %dma_wait3A_63, %dma_wait3A_64] : memref<2x1x128x64xf32, #tpu.memory_space<vmem>> -> memref<1x1x128x64xf32, #tpu.memory_space<vmem>>
          %dma_wait3A_66 = tpu.memref_squeeze %dma_wait3A_65 : memref<1x1x128x64xf32, #tpu.memory_space<vmem>> -> memref<128x64xf32, #tpu.memory_space<vmem>>
          tpu.wait_dma2 semaphore(%run_scoped3A_44 : memref<!tpu.dma_semaphore, #tpu.memory_space<semaphore_mem>>) src(%dma_wait3A_66 : memref<128x64xf32, #tpu.memory_space<vmem>>) dst(%dma_wait3A_62 : memref<128x64xf32, #tpu.memory_space<vmem_shared>>)
          tpu.yield
        }) : () -> ()
      } else {
      }
      %scan3A_39 = arith.constant 0 : i32
      scf.yield %scan3A_39 : i32
    }
    %scan3A_14 = arith.constant 13 : i32
    %barrier3A = arith.constant 0 : index
    tpu.barrier barrier_id(%barrier3A)
    %mul3A_15 = arith.constant 400 : i32
    %mul3A_16 = arith.muli %arg1, %mul3A_15 : i32
    %run_scoped3A = arith.constant 0 : i32
    "tpu.region"() ({
      %run_scoped3A_33 = tpu.sem_alloc : memref<!tpu.dma_semaphore, #tpu.memory_space<semaphore_mem>>
      %dma_start3A = arith.constant 0 : i32
      %dma_start3A_34 = arith.constant 0 : i32
      %dma_start3A_35 = tpu.memref_slice %arg6[%run_scoped3A, %dma_start3A, %dma_start3A_34] : memref<2x1x128xi32, #tpu.memory_space<vmem>> -> memref<1x1x128xi32, #tpu.memory_space<vmem>>
      %dma_start3A_36 = tpu.memref_squeeze %dma_start3A_35 : memref<1x1x128xi32, #tpu.memory_space<vmem>> -> memref<1x128xi32, #tpu.memory_space<vmem>>
      %dma_start3A_37 = arith.constant 0 : i32
      %dma_start3A_38 = tpu.memref_slice %arg3[%mul3A_16, %dma_start3A_37] : memref<6400x128xi32, #tpu.memory_space<hbm>> -> memref<1x128xi32, #tpu.memory_space<hbm>>
      %dma_start3A_39 = arith.constant 0 : i32
      %dma_start3A_40 = arith.constant 0 : i32
      %dma_start3A_41 = tpu.memref_slice %arg6[%run_scoped3A, %dma_start3A_39, %dma_start3A_40] : memref<2x1x128xi32, #tpu.memory_space<vmem>> -> memref<1x1x128xi32, #tpu.memory_space<vmem>>
      %dma_start3A_42 = tpu.memref_squeeze %dma_start3A_41 : memref<1x1x128xi32, #tpu.memory_space<vmem>> -> memref<1x128xi32, #tpu.memory_space<vmem>>
      %dma_start3A_43 = arith.constant 0 : i32
      %dma_start3A_44 = tpu.memref_slice %arg3[%mul3A_16, %dma_start3A_43] : memref<6400x128xi32, #tpu.memory_space<hbm>> -> memref<1x128xi32, #tpu.memory_space<hbm>>
      tpu.enqueue_dma source(%dma_start3A_44 : memref<1x128xi32, #tpu.memory_space<hbm>>) target(%dma_start3A_42 : memref<1x128xi32, #tpu.memory_space<vmem>>) target_semaphore(%run_scoped3A_33 : memref<!tpu.dma_semaphore, #tpu.memory_space<semaphore_mem>>)
      %dma_wait3A = arith.constant 0 : i32
      %dma_wait3A_45 = arith.constant 0 : i32
      %dma_wait3A_46 = tpu.memref_slice %arg6[%run_scoped3A, %dma_wait3A, %dma_wait3A_45] : memref<2x1x128xi32, #tpu.memory_space<vmem>> -> memref<1x1x128xi32, #tpu.memory_space<vmem>>
      %dma_wait3A_47 = tpu.memref_squeeze %dma_wait3A_46 : memref<1x1x128xi32, #tpu.memory_space<vmem>> -> memref<1x128xi32, #tpu.memory_space<vmem>>
      %dma_wait3A_48 = arith.constant 0 : i32
      %dma_wait3A_49 = tpu.memref_slice %arg3[%mul3A_16, %dma_wait3A_48] : memref<6400x128xi32, #tpu.memory_space<hbm>> -> memref<1x128xi32, #tpu.memory_space<hbm>>
      %dma_wait3A_50 = arith.constant 0 : i32
      %dma_wait3A_51 = arith.constant 0 : i32
      %dma_wait3A_52 = tpu.memref_slice %arg6[%run_scoped3A, %dma_wait3A_50, %dma_wait3A_51] : memref<2x1x128xi32, #tpu.memory_space<vmem>> -> memref<1x1x128xi32, #tpu.memory_space<vmem>>
      %dma_wait3A_53 = tpu.memref_squeeze %dma_wait3A_52 : memref<1x1x128xi32, #tpu.memory_space<vmem>> -> memref<1x128xi32, #tpu.memory_space<vmem>>
      %dma_wait3A_54 = arith.constant 0 : i32
      %dma_wait3A_55 = tpu.memref_slice %arg3[%mul3A_16, %dma_wait3A_54] : memref<6400x128xi32, #tpu.memory_space<hbm>> -> memref<1x128xi32, #tpu.memory_space<hbm>>
      tpu.wait_dma2 semaphore(%run_scoped3A_33 : memref<!tpu.dma_semaphore, #tpu.memory_space<semaphore_mem>>) src(%dma_wait3A_55 : memref<1x128xi32, #tpu.memory_space<hbm>>) dst(%dma_wait3A_53 : memref<1x128xi32, #tpu.memory_space<vmem>>)
      tpu.yield
    }) : () -> ()
    %run_scoped3A_17 = arith.constant 0 : i32
    "tpu.region"() ({
      %run_scoped3A_33 = tpu.sem_alloc : memref<!tpu.dma_semaphore, #tpu.memory_space<semaphore_mem>>
      %dma_start3A = arith.constant 0 : i32
      %dma_start3A_34 = arith.constant 0 : i32
      %dma_start3A_35 = tpu.memref_slice %arg7[%run_scoped3A_17, %dma_start3A, %dma_start3A_34] : memref<2x1x128xi32, #tpu.memory_space<vmem>> -> memref<1x1x128xi32, #tpu.memory_space<vmem>>
      %dma_start3A_36 = tpu.memref_squeeze %dma_start3A_35 : memref<1x1x128xi32, #tpu.memory_space<vmem>> -> memref<1x128xi32, #tpu.memory_space<vmem>>
      %dma_start3A_37 = arith.constant 0 : i32
      %dma_start3A_38 = tpu.memref_slice %arg4[%mul3A_16, %dma_start3A_37] : memref<6400x128xi32, #tpu.memory_space<hbm>> -> memref<1x128xi32, #tpu.memory_space<hbm>>
      %dma_start3A_39 = arith.constant 0 : i32
      %dma_start3A_40 = arith.constant 0 : i32
      %dma_start3A_41 = tpu.memref_slice %arg7[%run_scoped3A_17, %dma_start3A_39, %dma_start3A_40] : memref<2x1x128xi32, #tpu.memory_space<vmem>> -> memref<1x1x128xi32, #tpu.memory_space<vmem>>
      %dma_start3A_42 = tpu.memref_squeeze %dma_start3A_41 : memref<1x1x128xi32, #tpu.memory_space<vmem>> -> memref<1x128xi32, #tpu.memory_space<vmem>>
      %dma_start3A_43 = arith.constant 0 : i32
      %dma_start3A_44 = tpu.memref_slice %arg4[%mul3A_16, %dma_start3A_43] : memref<6400x128xi32, #tpu.memory_space<hbm>> -> memref<1x128xi32, #tpu.memory_space<hbm>>
      tpu.enqueue_dma source(%dma_start3A_44 : memref<1x128xi32, #tpu.memory_space<hbm>>) target(%dma_start3A_42 : memref<1x128xi32, #tpu.memory_space<vmem>>) target_semaphore(%run_scoped3A_33 : memref<!tpu.dma_semaphore, #tpu.memory_space<semaphore_mem>>)
      %dma_wait3A = arith.constant 0 : i32
      %dma_wait3A_45 = arith.constant 0 : i32
      %dma_wait3A_46 = tpu.memref_slice %arg7[%run_scoped3A_17, %dma_wait3A, %dma_wait3A_45] : memref<2x1x128xi32, #tpu.memory_space<vmem>> -> memref<1x1x128xi32, #tpu.memory_space<vmem>>
      %dma_wait3A_47 = tpu.memref_squeeze %dma_wait3A_46 : memref<1x1x128xi32, #tpu.memory_space<vmem>> -> memref<1x128xi32, #tpu.memory_space<vmem>>
      %dma_wait3A_48 = arith.constant 0 : i32
      %dma_wait3A_49 = tpu.memref_slice %arg4[%mul3A_16, %dma_wait3A_48] : memref<6400x128xi32, #tpu.memory_space<hbm>> -> memref<1x128xi32, #tpu.memory_space<hbm>>
      %dma_wait3A_50 = arith.constant 0 : i32
      %dma_wait3A_51 = arith.constant 0 : i32
      %dma_wait3A_52 = tpu.memref_slice %arg7[%run_scoped3A_17, %dma_wait3A_50, %dma_wait3A_51] : memref<2x1x128xi32, #tpu.memory_space<vmem>> -> memref<1x1x128xi32, #tpu.memory_space<vmem>>
      %dma_wait3A_53 = tpu.memref_squeeze %dma_wait3A_52 : memref<1x1x128xi32, #tpu.memory_space<vmem>> -> memref<1x128xi32, #tpu.memory_space<vmem>>
      %dma_wait3A_54 = arith.constant 0 : i32
      %dma_wait3A_55 = tpu.memref_slice %arg4[%mul3A_16, %dma_wait3A_54] : memref<6400x128xi32, #tpu.memory_space<hbm>> -> memref<1x128xi32, #tpu.memory_space<hbm>>
      tpu.wait_dma2 semaphore(%run_scoped3A_33 : memref<!tpu.dma_semaphore, #tpu.memory_space<semaphore_mem>>) src(%dma_wait3A_55 : memref<1x128xi32, #tpu.memory_space<hbm>>) dst(%dma_wait3A_53 : memref<1x128xi32, #tpu.memory_space<vmem>>)
      tpu.yield
    }) : () -> ()
    %scan3A_18 = arith.constant 0 : i32
    %scan3A_19 = arith.constant 0 : i32
    %scan3A_20 = arith.constant 400 : i32
    %scan3A_21 = arith.addi %scan3A_19, %scan3A_20 : i32
    %scan3A_22 = arith.constant 1 : i32
    %scan3A_23 = scf.for %scan3A_33 = %scan3A_19 to %scan3A_21 step %scan3A_22 iter_args(%scan3A_34 = %scan3A_18) -> (i32)  : i32 {
      %rem3A = arith.constant 2 : i32
      %rem3A_35 = arith.remsi %scan3A_33, %rem3A : i32
      %add3A = arith.constant 1 : i32
      %add3A_36 = arith.addi %scan3A_33, %add3A : i32
      %rem3A_37 = arith.constant 2 : i32
      %rem3A_38 = arith.remsi %add3A_36, %rem3A_37 : i32
      %lt3A = arith.constant 399 : i32
      %lt3A_39 = arith.cmpi slt, %scan3A_33, %lt3A : i32
      %convert_element_type3A = arith.extui %lt3A_39 : i1 to i32
      %cond3A = arith.constant 0 : i32
      %cond3A_40 = arith.cmpi ne, %convert_element_type3A, %cond3A : i32
      scf.if %cond3A_40 {
        %add3A_264 = arith.constant 1 : i32
        %add3A_265 = arith.addi %scan3A_33, %add3A_264 : i32
        %mul3A_266 = arith.constant 1 : i32
        %mul3A_267 = arith.muli %mul3A_266, %add3A_265 : i32
        %add3A_268 = arith.addi %mul3A_16, %mul3A_267 : i32
        %dma_start3A_269 = arith.constant 0 : i32
        %dma_start3A_270 = arith.constant 0 : i32
        %dma_start3A_271 = tpu.memref_slice %arg6[%rem3A_38, %dma_start3A_269, %dma_start3A_270] : memref<2x1x128xi32, #tpu.memory_space<vmem>> -> memref<1x1x128xi32, #tpu.memory_space<vmem>>
        %dma_start3A_272 = tpu.memref_squeeze %dma_start3A_271 : memref<1x1x128xi32, #tpu.memory_space<vmem>> -> memref<1x128xi32, #tpu.memory_space<vmem>>
        %dma_start3A_273 = arith.constant 0 : i32
        %dma_start3A_274 = tpu.memref_slice %arg3[%add3A_268, %dma_start3A_273] : memref<6400x128xi32, #tpu.memory_space<hbm>> -> memref<1x128xi32, #tpu.memory_space<hbm>>
        %dma_start3A_275 = arith.constant 0 : i32
        %dma_start3A_276 = arith.constant 0 : i32
        %dma_start3A_277 = tpu.memref_slice %arg6[%rem3A_38, %dma_start3A_275, %dma_start3A_276] : memref<2x1x128xi32, #tpu.memory_space<vmem>> -> memref<1x1x128xi32, #tpu.memory_space<vmem>>
        %dma_start3A_278 = tpu.memref_squeeze %dma_start3A_277 : memref<1x1x128xi32, #tpu.memory_space<vmem>> -> memref<1x128xi32, #tpu.memory_space<vmem>>
        %dma_start3A_279 = arith.constant 0 : i32
        %dma_start3A_280 = tpu.memref_slice %arg3[%add3A_268, %dma_start3A_279] : memref<6400x128xi32, #tpu.memory_space<hbm>> -> memref<1x128xi32, #tpu.memory_space<hbm>>
        tpu.enqueue_dma source(%dma_start3A_280 : memref<1x128xi32, #tpu.memory_space<hbm>>) target(%dma_start3A_278 : memref<1x128xi32, #tpu.memory_space<vmem>>) target_semaphore(%arg12 : memref<!tpu.dma_semaphore, #tpu.memory_space<semaphore_mem>>)
        %add3A_281 = arith.constant 1 : i32
        %add3A_282 = arith.addi %scan3A_33, %add3A_281 : i32
        %mul3A_283 = arith.constant 1 : i32
        %mul3A_284 = arith.muli %mul3A_283, %add3A_282 : i32
        %add3A_285 = arith.addi %mul3A_16, %mul3A_284 : i32
        %dma_start3A_286 = arith.constant 0 : i32
        %dma_start3A_287 = arith.constant 0 : i32
        %dma_start3A_288 = tpu.memref_slice %arg7[%rem3A_38, %dma_start3A_286, %dma_start3A_287] : memref<2x1x128xi32, #tpu.memory_space<vmem>> -> memref<1x1x128xi32, #tpu.memory_space<vmem>>
        %dma_start3A_289 = tpu.memref_squeeze %dma_start3A_288 : memref<1x1x128xi32, #tpu.memory_space<vmem>> -> memref<1x128xi32, #tpu.memory_space<vmem>>
        %dma_start3A_290 = arith.constant 0 : i32
        %dma_start3A_291 = tpu.memref_slice %arg4[%add3A_285, %dma_start3A_290] : memref<6400x128xi32, #tpu.memory_space<hbm>> -> memref<1x128xi32, #tpu.memory_space<hbm>>
        %dma_start3A_292 = arith.constant 0 : i32
        %dma_start3A_293 = arith.constant 0 : i32
        %dma_start3A_294 = tpu.memref_slice %arg7[%rem3A_38, %dma_start3A_292, %dma_start3A_293] : memref<2x1x128xi32, #tpu.memory_space<vmem>> -> memref<1x1x128xi32, #tpu.memory_space<vmem>>
        %dma_start3A_295 = tpu.memref_squeeze %dma_start3A_294 : memref<1x1x128xi32, #tpu.memory_space<vmem>> -> memref<1x128xi32, #tpu.memory_space<vmem>>
        %dma_start3A_296 = arith.constant 0 : i32
        %dma_start3A_297 = tpu.memref_slice %arg4[%add3A_285, %dma_start3A_296] : memref<6400x128xi32, #tpu.memory_space<hbm>> -> memref<1x128xi32, #tpu.memory_space<hbm>>
        tpu.enqueue_dma source(%dma_start3A_297 : memref<1x128xi32, #tpu.memory_space<hbm>>) target(%dma_start3A_295 : memref<1x128xi32, #tpu.memory_space<vmem>>) target_semaphore(%arg12 : memref<!tpu.dma_semaphore, #tpu.memory_space<semaphore_mem>>)
      } else {
      }
      %dma_start3A = arith.constant 0 : i32
      %dma_start3A_41 = arith.constant 0 : i32
      %dma_start3A_42 = arith.constant 0 : i32
      %dma_start3A_43 = arith.constant 0 : i32
      %dma_start3A_44 = tpu.memref_slice %arg9[%rem3A_35, %dma_start3A_41, %dma_start3A_42, %dma_start3A_43] : memref<2x1x128x64xf32, #tpu.memory_space<vmem>> -> memref<1x1x128x64xf32, #tpu.memory_space<vmem>>
      %dma_start3A_45 = tpu.memref_squeeze %dma_start3A_44 : memref<1x1x128x64xf32, #tpu.memory_space<vmem>> -> memref<128x64xf32, #tpu.memory_space<vmem>>
      %dma_start3A_46 = arith.constant 0 : i32
      %dma_start3A_47 = tpu.memref_slice %arg6[%rem3A_35, %dma_start3A, %dma_start3A_46] : memref<2x1x128xi32, #tpu.memory_space<vmem>> -> memref<1x1x128xi32, #tpu.memory_space<vmem>>
      %dma_start3A_48 = tpu.memref_squeeze %dma_start3A_47 : memref<1x1x128xi32, #tpu.memory_space<vmem>> -> memref<128xi32, #tpu.memory_space<vmem>>
      %dma_start3A_49 = arith.constant 0 : i32
      %dma_start3A_50 = arith.constant 0 : i32
      %dma_start3A_51 = tpu.memref_slice %arg2[%dma_start3A_49, %dma_start3A_50] : memref<50048x64xf32, #tpu.memory_space<hbm>> -> memref<50048x64xf32, #tpu.memory_space<hbm>>
      tpu.enqueue_indirect_dma source(%dma_start3A_51 : memref<50048x64xf32, #tpu.memory_space<hbm>>) target(%dma_start3A_45 : memref<128x64xf32, #tpu.memory_space<vmem>>) offsets(%dma_start3A_48 : memref<128xi32, #tpu.memory_space<vmem>>) semaphore(%arg11 : memref<!tpu.dma_semaphore, #tpu.memory_space<semaphore_mem>>)
      %get3A = arith.constant 0 : i32
      %get3A_52 = arith.index_cast %rem3A_35 : i32 to index
      %get3A_53 = arith.index_cast %get3A : i32 to index
      %get3A_54 = arith.constant 0 : index
      %get3A_55 = tpu.vector_load %arg7[%get3A_52, %get3A_53, %get3A_54] {strides = array<i32>} : memref<2x1x128xi32, #tpu.memory_space<vmem>>, vector<1x1x16xi32>,
      %get3A_56 = vector.shape_cast %get3A_55 : vector<1x1x16xi32> to vector<16xi32>
      %ge3A = vector.broadcast %mul3A_0 : i32 to vector<16xi32>
      %ge3A_57 = arith.cmpi sge, %get3A_56, %ge3A : vector<16xi32>
      %add3A_58 = arith.constant 25024 : i32
      %add3A_59 = arith.addi %mul3A_0, %add3A_58 : i32
      %lt3A_60 = vector.broadcast %add3A_59 : i32 to vector<16xi32>
      %lt3A_61 = arith.cmpi slt, %get3A_56, %lt3A_60 : vector<16xi32>
      %and3A = arith.andi %ge3A_57, %lt3A_61 : vector<16xi1>
      %sub3A = vector.broadcast %mul3A_0 : i32 to vector<16xi32>
      %sub3A_62 = arith.subi %get3A_56, %sub3A : vector<16xi32>
      %jit3A = arith.constant 25024 : i32
      %broadcast_in_dim3A_63 = vector.broadcast %jit3A : i32 to vector<16xi32>
      %select_n3A = arith.select %and3A, %sub3A_62, %broadcast_in_dim3A_63 : vector<16xi1>, vector<16xi32>
      %swap3A = arith.constant 0 : i32
      %swap3A_64 = arith.index_cast %rem3A_35 : i32 to index
      %swap3A_65 = arith.index_cast %swap3A : i32 to index
      %swap3A_66 = arith.constant 0 : index
      %swap3A_67 = tpu.vector_load %arg8[%swap3A_64, %swap3A_65, %swap3A_66] {strides = array<i32>} : memref<2x1x128xi32, #tpu.memory_space<vmem>>, vector<1x1x16xi32>,
      %swap3A_68 = vector.shape_cast %swap3A_67 : vector<1x1x16xi32> to vector<16xi32>
      %swap3A_69 = vector.shape_cast %select_n3A : vector<16xi32> to vector<1x1x16xi32>
      tpu.vector_store %arg8[%swap3A_64, %swap3A_65, %swap3A_66], %swap3A_69 {strides = array<i32>} : memref<2x1x128xi32, #tpu.memory_space<vmem>>, vector<1x1x16xi32>,
      %get3A_70 = arith.constant 0 : i32
      %get3A_71 = arith.index_cast %rem3A_35 : i32 to index
      %get3A_72 = arith.index_cast %get3A_70 : i32 to index
      %get3A_73 = arith.constant 16 : index
      %get3A_74 = tpu.vector_load %arg7[%get3A_71, %get3A_72, %get3A_73] {strides = array<i32>} : memref<2x1x128xi32, #tpu.memory_space<vmem>>, vector<1x1x16xi32>,
      %get3A_75 = vector.shape_cast %get3A_74 : vector<1x1x16xi32> to vector<16xi32>
      %ge3A_76 = vector.broadcast %mul3A_0 : i32 to vector<16xi32>
      %ge3A_77 = arith.cmpi sge, %get3A_75, %ge3A_76 : vector<16xi32>
      %add3A_78 = arith.constant 25024 : i32
      %add3A_79 = arith.addi %mul3A_0, %add3A_78 : i32
      %lt3A_80 = vector.broadcast %add3A_79 : i32 to vector<16xi32>
      %lt3A_81 = arith.cmpi slt, %get3A_75, %lt3A_80 : vector<16xi32>
      %and3A_82 = arith.andi %ge3A_77, %lt3A_81 : vector<16xi1>
      %sub3A_83 = vector.broadcast %mul3A_0 : i32 to vector<16xi32>
      %sub3A_84 = arith.subi %get3A_75, %sub3A_83 : vector<16xi32>
      %jit3A_85 = arith.constant 25024 : i32
      %broadcast_in_dim3A_86 = vector.broadcast %jit3A_85 : i32 to vector<16xi32>
      %select_n3A_87 = arith.select %and3A_82, %sub3A_84, %broadcast_in_dim3A_86 : vector<16xi1>, vector<16xi32>
      %swap3A_88 = arith.constant 0 : i32
      %swap3A_89 = arith.index_cast %rem3A_35 : i32 to index
      %swap3A_90 = arith.index_cast %swap3A_88 : i32 to index
      %swap3A_91 = arith.constant 16 : index
      %swap3A_92 = tpu.vector_load %arg8[%swap3A_89, %swap3A_90, %swap3A_91] {strides = array<i32>} : memref<2x1x128xi32, #tpu.memory_space<vmem>>, vector<1x1x16xi32>,
      %swap3A_93 = vector.shape_cast %swap3A_92 : vector<1x1x16xi32> to vector<16xi32>
      %swap3A_94 = vector.shape_cast %select_n3A_87 : vector<16xi32> to vector<1x1x16xi32>
      tpu.vector_store %arg8[%swap3A_89, %swap3A_90, %swap3A_91], %swap3A_94 {strides = array<i32>} : memref<2x1x128xi32, #tpu.memory_space<vmem>>, vector<1x1x16xi32>,
      %get3A_95 = arith.constant 0 : i32
      %get3A_96 = arith.index_cast %rem3A_35 : i32 to index
      %get3A_97 = arith.index_cast %get3A_95 : i32 to index
      %get3A_98 = arith.constant 32 : index
      %get3A_99 = tpu.vector_load %arg7[%get3A_96, %get3A_97, %get3A_98] {strides = array<i32>} : memref<2x1x128xi32, #tpu.memory_space<vmem>>, vector<1x1x16xi32>,
      %get3A_100 = vector.shape_cast %get3A_99 : vector<1x1x16xi32> to vector<16xi32>
      %ge3A_101 = vector.broadcast %mul3A_0 : i32 to vector<16xi32>
      %ge3A_102 = arith.cmpi sge, %get3A_100, %ge3A_101 : vector<16xi32>
      %add3A_103 = arith.constant 25024 : i32
      %add3A_104 = arith.addi %mul3A_0, %add3A_103 : i32
      %lt3A_105 = vector.broadcast %add3A_104 : i32 to vector<16xi32>
      %lt3A_106 = arith.cmpi slt, %get3A_100, %lt3A_105 : vector<16xi32>
      %and3A_107 = arith.andi %ge3A_102, %lt3A_106 : vector<16xi1>
      %sub3A_108 = vector.broadcast %mul3A_0 : i32 to vector<16xi32>
      %sub3A_109 = arith.subi %get3A_100, %sub3A_108 : vector<16xi32>
      %jit3A_110 = arith.constant 25024 : i32
      %broadcast_in_dim3A_111 = vector.broadcast %jit3A_110 : i32 to vector<16xi32>
      %select_n3A_112 = arith.select %and3A_107, %sub3A_109, %broadcast_in_dim3A_111 : vector<16xi1>, vector<16xi32>
      %swap3A_113 = arith.constant 0 : i32
      %swap3A_114 = arith.index_cast %rem3A_35 : i32 to index
      %swap3A_115 = arith.index_cast %swap3A_113 : i32 to index
      %swap3A_116 = arith.constant 32 : index
      %swap3A_117 = tpu.vector_load %arg8[%swap3A_114, %swap3A_115, %swap3A_116] {strides = array<i32>} : memref<2x1x128xi32, #tpu.memory_space<vmem>>, vector<1x1x16xi32>,
      %swap3A_118 = vector.shape_cast %swap3A_117 : vector<1x1x16xi32> to vector<16xi32>
      %swap3A_119 = vector.shape_cast %select_n3A_112 : vector<16xi32> to vector<1x1x16xi32>
      tpu.vector_store %arg8[%swap3A_114, %swap3A_115, %swap3A_116], %swap3A_119 {strides = array<i32>} : memref<2x1x128xi32, #tpu.memory_space<vmem>>, vector<1x1x16xi32>,
      %get3A_120 = arith.constant 0 : i32
      %get3A_121 = arith.index_cast %rem3A_35 : i32 to index
      %get3A_122 = arith.index_cast %get3A_120 : i32 to index
      %get3A_123 = arith.constant 48 : index
      %get3A_124 = tpu.vector_load %arg7[%get3A_121, %get3A_122, %get3A_123] {strides = array<i32>} : memref<2x1x128xi32, #tpu.memory_space<vmem>>, vector<1x1x16xi32>,
      %get3A_125 = vector.shape_cast %get3A_124 : vector<1x1x16xi32> to vector<16xi32>
      %ge3A_126 = vector.broadcast %mul3A_0 : i32 to vector<16xi32>
      %ge3A_127 = arith.cmpi sge, %get3A_125, %ge3A_126 : vector<16xi32>
      %add3A_128 = arith.constant 25024 : i32
      %add3A_129 = arith.addi %mul3A_0, %add3A_128 : i32
      %lt3A_130 = vector.broadcast %add3A_129 : i32 to vector<16xi32>
      %lt3A_131 = arith.cmpi slt, %get3A_125, %lt3A_130 : vector<16xi32>
      %and3A_132 = arith.andi %ge3A_127, %lt3A_131 : vector<16xi1>
      %sub3A_133 = vector.broadcast %mul3A_0 : i32 to vector<16xi32>
      %sub3A_134 = arith.subi %get3A_125, %sub3A_133 : vector<16xi32>
      %jit3A_135 = arith.constant 25024 : i32
      %broadcast_in_dim3A_136 = vector.broadcast %jit3A_135 : i32 to vector<16xi32>
      %select_n3A_137 = arith.select %and3A_132, %sub3A_134, %broadcast_in_dim3A_136 : vector<16xi1>, vector<16xi32>
      %swap3A_138 = arith.constant 0 : i32
      %swap3A_139 = arith.index_cast %rem3A_35 : i32 to index
      %swap3A_140 = arith.index_cast %swap3A_138 : i32 to index
      %swap3A_141 = arith.constant 48 : index
      %swap3A_142 = tpu.vector_load %arg8[%swap3A_139, %swap3A_140, %swap3A_141] {strides = array<i32>} : memref<2x1x128xi32, #tpu.memory_space<vmem>>, vector<1x1x16xi32>,
      %swap3A_143 = vector.shape_cast %swap3A_142 : vector<1x1x16xi32> to vector<16xi32>
      %swap3A_144 = vector.shape_cast %select_n3A_137 : vector<16xi32> to vector<1x1x16xi32>
      tpu.vector_store %arg8[%swap3A_139, %swap3A_140, %swap3A_141], %swap3A_144 {strides = array<i32>} : memref<2x1x128xi32, #tpu.memory_space<vmem>>, vector<1x1x16xi32>,
      %get3A_145 = arith.constant 0 : i32
      %get3A_146 = arith.index_cast %rem3A_35 : i32 to index
      %get3A_147 = arith.index_cast %get3A_145 : i32 to index
      %get3A_148 = arith.constant 64 : index
      %get3A_149 = tpu.vector_load %arg7[%get3A_146, %get3A_147, %get3A_148] {strides = array<i32>} : memref<2x1x128xi32, #tpu.memory_space<vmem>>, vector<1x1x16xi32>,
      %get3A_150 = vector.shape_cast %get3A_149 : vector<1x1x16xi32> to vector<16xi32>
      %ge3A_151 = vector.broadcast %mul3A_0 : i32 to vector<16xi32>
      %ge3A_152 = arith.cmpi sge, %get3A_150, %ge3A_151 : vector<16xi32>
      %add3A_153 = arith.constant 25024 : i32
      %add3A_154 = arith.addi %mul3A_0, %add3A_153 : i32
      %lt3A_155 = vector.broadcast %add3A_154 : i32 to vector<16xi32>
      %lt3A_156 = arith.cmpi slt, %get3A_150, %lt3A_155 : vector<16xi32>
      %and3A_157 = arith.andi %ge3A_152, %lt3A_156 : vector<16xi1>
      %sub3A_158 = vector.broadcast %mul3A_0 : i32 to vector<16xi32>
      %sub3A_159 = arith.subi %get3A_150, %sub3A_158 : vector<16xi32>
      %jit3A_160 = arith.constant 25024 : i32
      %broadcast_in_dim3A_161 = vector.broadcast %jit3A_160 : i32 to vector<16xi32>
      %select_n3A_162 = arith.select %and3A_157, %sub3A_159, %broadcast_in_dim3A_161 : vector<16xi1>, vector<16xi32>
      %swap3A_163 = arith.constant 0 : i32
      %swap3A_164 = arith.index_cast %rem3A_35 : i32 to index
      %swap3A_165 = arith.index_cast %swap3A_163 : i32 to index
      %swap3A_166 = arith.constant 64 : index
      %swap3A_167 = tpu.vector_load %arg8[%swap3A_164, %swap3A_165, %swap3A_166] {strides = array<i32>} : memref<2x1x128xi32, #tpu.memory_space<vmem>>, vector<1x1x16xi32>,
      %swap3A_168 = vector.shape_cast %swap3A_167 : vector<1x1x16xi32> to vector<16xi32>
      %swap3A_169 = vector.shape_cast %select_n3A_162 : vector<16xi32> to vector<1x1x16xi32>
      tpu.vector_store %arg8[%swap3A_164, %swap3A_165, %swap3A_166], %swap3A_169 {strides = array<i32>} : memref<2x1x128xi32, #tpu.memory_space<vmem>>, vector<1x1x16xi32>,
      %get3A_170 = arith.constant 0 : i32
      %get3A_171 = arith.index_cast %rem3A_35 : i32 to index
      %get3A_172 = arith.index_cast %get3A_170 : i32 to index
      %get3A_173 = arith.constant 80 : index
      %get3A_174 = tpu.vector_load %arg7[%get3A_171, %get3A_172, %get3A_173] {strides = array<i32>} : memref<2x1x128xi32, #tpu.memory_space<vmem>>, vector<1x1x16xi32>,
      %get3A_175 = vector.shape_cast %get3A_174 : vector<1x1x16xi32> to vector<16xi32>
      %ge3A_176 = vector.broadcast %mul3A_0 : i32 to vector<16xi32>
      %ge3A_177 = arith.cmpi sge, %get3A_175, %ge3A_176 : vector<16xi32>
      %add3A_178 = arith.constant 25024 : i32
      %add3A_179 = arith.addi %mul3A_0, %add3A_178 : i32
      %lt3A_180 = vector.broadcast %add3A_179 : i32 to vector<16xi32>
      %lt3A_181 = arith.cmpi slt, %get3A_175, %lt3A_180 : vector<16xi32>
      %and3A_182 = arith.andi %ge3A_177, %lt3A_181 : vector<16xi1>
      %sub3A_183 = vector.broadcast %mul3A_0 : i32 to vector<16xi32>
      %sub3A_184 = arith.subi %get3A_175, %sub3A_183 : vector<16xi32>
      %jit3A_185 = arith.constant 25024 : i32
      %broadcast_in_dim3A_186 = vector.broadcast %jit3A_185 : i32 to vector<16xi32>
      %select_n3A_187 = arith.select %and3A_182, %sub3A_184, %broadcast_in_dim3A_186 : vector<16xi1>, vector<16xi32>
      %swap3A_188 = arith.constant 0 : i32
      %swap3A_189 = arith.index_cast %rem3A_35 : i32 to index
      %swap3A_190 = arith.index_cast %swap3A_188 : i32 to index
      %swap3A_191 = arith.constant 80 : index
      %swap3A_192 = tpu.vector_load %arg8[%swap3A_189, %swap3A_190, %swap3A_191] {strides = array<i32>} : memref<2x1x128xi32, #tpu.memory_space<vmem>>, vector<1x1x16xi32>,
      %swap3A_193 = vector.shape_cast %swap3A_192 : vector<1x1x16xi32> to vector<16xi32>
      %swap3A_194 = vector.shape_cast %select_n3A_187 : vector<16xi32> to vector<1x1x16xi32>
      tpu.vector_store %arg8[%swap3A_189, %swap3A_190, %swap3A_191], %swap3A_194 {strides = array<i32>} : memref<2x1x128xi32, #tpu.memory_space<vmem>>, vector<1x1x16xi32>,
      %get3A_195 = arith.constant 0 : i32
      %get3A_196 = arith.index_cast %rem3A_35 : i32 to index
      %get3A_197 = arith.index_cast %get3A_195 : i32 to index
      %get3A_198 = arith.constant 96 : index
      %get3A_199 = tpu.vector_load %arg7[%get3A_196, %get3A_197, %get3A_198] {strides = array<i32>} : memref<2x1x128xi32, #tpu.memory_space<vmem>>, vector<1x1x16xi32>,
      %get3A_200 = vector.shape_cast %get3A_199 : vector<1x1x16xi32> to vector<16xi32>
      %ge3A_201 = vector.broadcast %mul3A_0 : i32 to vector<16xi32>
      %ge3A_202 = arith.cmpi sge, %get3A_200, %ge3A_201 : vector<16xi32>
      %add3A_203 = arith.constant 25024 : i32
      %add3A_204 = arith.addi %mul3A_0, %add3A_203 : i32
      %lt3A_205 = vector.broadcast %add3A_204 : i32 to vector<16xi32>
      %lt3A_206 = arith.cmpi slt, %get3A_200, %lt3A_205 : vector<16xi32>
      %and3A_207 = arith.andi %ge3A_202, %lt3A_206 : vector<16xi1>
      %sub3A_208 = vector.broadcast %mul3A_0 : i32 to vector<16xi32>
      %sub3A_209 = arith.subi %get3A_200, %sub3A_208 : vector<16xi32>
      %jit3A_210 = arith.constant 25024 : i32
      %broadcast_in_dim3A_211 = vector.broadcast %jit3A_210 : i32 to vector<16xi32>
      %select_n3A_212 = arith.select %and3A_207, %sub3A_209, %broadcast_in_dim3A_211 : vector<16xi1>, vector<16xi32>
      %swap3A_213 = arith.constant 0 : i32
      %swap3A_214 = arith.index_cast %rem3A_35 : i32 to index
      %swap3A_215 = arith.index_cast %swap3A_213 : i32 to index
      %swap3A_216 = arith.constant 96 : index
      %swap3A_217 = tpu.vector_load %arg8[%swap3A_214, %swap3A_215, %swap3A_216] {strides = array<i32>} : memref<2x1x128xi32, #tpu.memory_space<vmem>>, vector<1x1x16xi32>,
      %swap3A_218 = vector.shape_cast %swap3A_217 : vector<1x1x16xi32> to vector<16xi32>
      %swap3A_219 = vector.shape_cast %select_n3A_212 : vector<16xi32> to vector<1x1x16xi32>
      tpu.vector_store %arg8[%swap3A_214, %swap3A_215, %swap3A_216], %swap3A_219 {strides = array<i32>} : memref<2x1x128xi32, #tpu.memory_space<vmem>>, vector<1x1x16xi32>,
      %get3A_220 = arith.constant 0 : i32
      %get3A_221 = arith.index_cast %rem3A_35 : i32 to index
      %get3A_222 = arith.index_cast %get3A_220 : i32 to index
      %get3A_223 = arith.constant 112 : index
      %get3A_224 = tpu.vector_load %arg7[%get3A_221, %get3A_222, %get3A_223] {strides = array<i32>} : memref<2x1x128xi32, #tpu.memory_space<vmem>>, vector<1x1x16xi32>,
      %get3A_225 = vector.shape_cast %get3A_224 : vector<1x1x16xi32> to vector<16xi32>
      %ge3A_226 = vector.broadcast %mul3A_0 : i32 to vector<16xi32>
      %ge3A_227 = arith.cmpi sge, %get3A_225, %ge3A_226 : vector<16xi32>
      %add3A_228 = arith.constant 25024 : i32
      %add3A_229 = arith.addi %mul3A_0, %add3A_228 : i32
      %lt3A_230 = vector.broadcast %add3A_229 : i32 to vector<16xi32>
      %lt3A_231 = arith.cmpi slt, %get3A_225, %lt3A_230 : vector<16xi32>
      %and3A_232 = arith.andi %ge3A_227, %lt3A_231 : vector<16xi1>
      %sub3A_233 = vector.broadcast %mul3A_0 : i32 to vector<16xi32>
      %sub3A_234 = arith.subi %get3A_225, %sub3A_233 : vector<16xi32>
      %jit3A_235 = arith.constant 25024 : i32
      %broadcast_in_dim3A_236 = vector.broadcast %jit3A_235 : i32 to vector<16xi32>
      %select_n3A_237 = arith.select %and3A_232, %sub3A_234, %broadcast_in_dim3A_236 : vector<16xi1>, vector<16xi32>
      %swap3A_238 = arith.constant 0 : i32
      %swap3A_239 = arith.index_cast %rem3A_35 : i32 to index
      %swap3A_240 = arith.index_cast %swap3A_238 : i32 to index
      %swap3A_241 = arith.constant 112 : index
      %swap3A_242 = tpu.vector_load %arg8[%swap3A_239, %swap3A_240, %swap3A_241] {strides = array<i32>} : memref<2x1x128xi32, #tpu.memory_space<vmem>>, vector<1x1x16xi32>,
      %swap3A_243 = vector.shape_cast %swap3A_242 : vector<1x1x16xi32> to vector<16xi32>
      %swap3A_244 = vector.shape_cast %select_n3A_237 : vector<16xi32> to vector<1x1x16xi32>
      tpu.vector_store %arg8[%swap3A_239, %swap3A_240, %swap3A_241], %swap3A_244 {strides = array<i32>} : memref<2x1x128xi32, #tpu.memory_space<vmem>>, vector<1x1x16xi32>,
      %dma_wait3A = arith.constant 0 : i32
      %dma_wait3A_245 = arith.constant 0 : i32
      %dma_wait3A_246 = arith.constant 0 : i32
      %dma_wait3A_247 = arith.constant 0 : i32
      %dma_wait3A_248 = tpu.memref_slice %arg9[%rem3A_35, %dma_wait3A_245, %dma_wait3A_246, %dma_wait3A_247] : memref<2x1x128x64xf32, #tpu.memory_space<vmem>> -> memref<1x1x128x64xf32, #tpu.memory_space<vmem>>
      %dma_wait3A_249 = tpu.memref_squeeze %dma_wait3A_248 : memref<1x1x128x64xf32, #tpu.memory_space<vmem>> -> memref<128x64xf32, #tpu.memory_space<vmem>>
      %dma_wait3A_250 = arith.constant 0 : i32
      %dma_wait3A_251 = tpu.memref_slice %arg6[%rem3A_35, %dma_wait3A, %dma_wait3A_250] : memref<2x1x128xi32, #tpu.memory_space<vmem>> -> memref<1x1x128xi32, #tpu.memory_space<vmem>>
      %dma_wait3A_252 = tpu.memref_squeeze %dma_wait3A_251 : memref<1x1x128xi32, #tpu.memory_space<vmem>> -> memref<128xi32, #tpu.memory_space<vmem>>
      %dma_wait3A_253 = arith.constant 0 : i32
      %dma_wait3A_254 = arith.constant 0 : i32
      %dma_wait3A_255 = tpu.memref_slice %arg2[%dma_wait3A_253, %dma_wait3A_254] : memref<50048x64xf32, #tpu.memory_space<hbm>> -> memref<50048x64xf32, #tpu.memory_space<hbm>>
      tpu.wait_indirect_dma semaphore(%arg11 : memref<!tpu.dma_semaphore, #tpu.memory_space<semaphore_mem>>) src(%dma_wait3A_255 : memref<50048x64xf32, #tpu.memory_space<hbm>>) dst(%dma_wait3A_249 : memref<128x64xf32, #tpu.memory_space<vmem>>)
      %run_scoped3A_256 = arith.constant 0 : i32
      %run_scoped3A_257 = arith.constant 0 : i32
      "tpu.region"() ({
        %run_scoped3A_264 = tpu.sem_alloc : memref<!tpu.dma_semaphore, #tpu.memory_space<semaphore_mem>>
        %dma_start3A_265 = arith.constant 0 : i32
        %dma_start3A_266 = arith.constant 0 : i32
        %dma_start3A_267 = tpu.memref_slice %arg9[%rem3A_35, %run_scoped3A_256, %dma_start3A_265, %dma_start3A_266] : memref<2x1x128x64xf32, #tpu.memory_space<vmem>> -> memref<1x1x128x64xf32, #tpu.memory_space<vmem>>
        %dma_start3A_268 = tpu.memref_squeeze %dma_start3A_267 : memref<1x1x128x64xf32, #tpu.memory_space<vmem>> -> memref<128x64xf32, #tpu.memory_space<vmem>>
        %dma_start3A_269 = arith.constant 0 : i32
        %dma_start3A_270 = tpu.memref_slice %arg8[%rem3A_35, %run_scoped3A_257, %dma_start3A_269] : memref<2x1x128xi32, #tpu.memory_space<vmem>> -> memref<1x1x128xi32, #tpu.memory_space<vmem>>
        %dma_start3A_271 = tpu.memref_squeeze %dma_start3A_270 : memref<1x1x128xi32, #tpu.memory_space<vmem>> -> memref<128xi32, #tpu.memory_space<vmem>>
        %dma_start3A_272 = arith.constant 0 : i32
        %dma_start3A_273 = arith.constant 0 : i32
        %dma_start3A_274 = tpu.memref_slice %arg10[%dma_start3A_272, %dma_start3A_273] : memref<25088x64xf32, #tpu.memory_space<vmem_shared>> -> memref<25088x64xf32, #tpu.memory_space<vmem_shared>>
        tpu.enqueue_indirect_dma source(%dma_start3A_268 : memref<128x64xf32, #tpu.memory_space<vmem>>) target(%dma_start3A_274 : memref<25088x64xf32, #tpu.memory_space<vmem_shared>>) offsets(%dma_start3A_271 : memref<128xi32, #tpu.memory_space<vmem>>) semaphore(%run_scoped3A_264 : memref<!tpu.dma_semaphore, #tpu.memory_space<semaphore_mem>>) {add = true}
        %dma_wait3A_275 = arith.constant 0 : i32
        %dma_wait3A_276 = arith.constant 0 : i32
        %dma_wait3A_277 = tpu.memref_slice %arg9[%rem3A_35, %run_scoped3A_256, %dma_wait3A_275, %dma_wait3A_276] : memref<2x1x128x64xf32, #tpu.memory_space<vmem>> -> memref<1x1x128x64xf32, #tpu.memory_space<vmem>>
        %dma_wait3A_278 = tpu.memref_squeeze %dma_wait3A_277 : memref<1x1x128x64xf32, #tpu.memory_space<vmem>> -> memref<128x64xf32, #tpu.memory_space<vmem>>
        %dma_wait3A_279 = arith.constant 0 : i32
        %dma_wait3A_280 = tpu.memref_slice %arg8[%rem3A_35, %run_scoped3A_257, %dma_wait3A_279] : memref<2x1x128xi32, #tpu.memory_space<vmem>> -> memref<1x1x128xi32, #tpu.memory_space<vmem>>
        %dma_wait3A_281 = tpu.memref_squeeze %dma_wait3A_280 : memref<1x1x128xi32, #tpu.memory_space<vmem>> -> memref<128xi32, #tpu.memory_space<vmem>>
        %dma_wait3A_282 = arith.constant 0 : i32
        %dma_wait3A_283 = arith.constant 0 : i32
        %dma_wait3A_284 = tpu.memref_slice %arg10[%dma_wait3A_282, %dma_wait3A_283] : memref<25088x64xf32, #tpu.memory_space<vmem_shared>> -> memref<25088x64xf32, #tpu.memory_space<vmem_shared>>
        tpu.wait_indirect_dma semaphore(%run_scoped3A_264 : memref<!tpu.dma_semaphore, #tpu.memory_space<semaphore_mem>>) src(%dma_wait3A_278 : memref<128x64xf32, #tpu.memory_space<vmem>>) dst(%dma_wait3A_284 : memref<25088x64xf32, #tpu.memory_space<vmem_shared>>)
        tpu.yield
      }) : () -> ()
      %lt3A_258 = arith.constant 399 : i32
      %lt3A_259 = arith.cmpi slt, %scan3A_33, %lt3A_258 : i32
      %convert_element_type3A_260 = arith.extui %lt3A_259 : i1 to i32
      %cond3A_261 = arith.constant 0 : i32
      %cond3A_262 = arith.cmpi ne, %convert_element_type3A_260, %cond3A_261 : i32
      scf.if %cond3A_262 {
        %add3A_264 = arith.constant 1 : i32
        %add3A_265 = arith.addi %scan3A_33, %add3A_264 : i32
        %mul3A_266 = arith.constant 1 : i32
        %mul3A_267 = arith.muli %mul3A_266, %add3A_265 : i32
        %add3A_268 = arith.addi %mul3A_16, %mul3A_267 : i32
        %dma_wait3A_269 = arith.constant 0 : i32
        %dma_wait3A_270 = arith.constant 0 : i32
        %dma_wait3A_271 = tpu.memref_slice %arg6[%rem3A_38, %dma_wait3A_269, %dma_wait3A_270] : memref<2x1x128xi32, #tpu.memory_space<vmem>> -> memref<1x1x128xi32, #tpu.memory_space<vmem>>
        %dma_wait3A_272 = tpu.memref_squeeze %dma_wait3A_271 : memref<1x1x128xi32, #tpu.memory_space<vmem>> -> memref<1x128xi32, #tpu.memory_space<vmem>>
        %dma_wait3A_273 = arith.constant 0 : i32
        %dma_wait3A_274 = tpu.memref_slice %arg3[%add3A_268, %dma_wait3A_273] : memref<6400x128xi32, #tpu.memory_space<hbm>> -> memref<1x128xi32, #tpu.memory_space<hbm>>
        %dma_wait3A_275 = arith.constant 0 : i32
        %dma_wait3A_276 = arith.constant 0 : i32
        %dma_wait3A_277 = tpu.memref_slice %arg6[%rem3A_38, %dma_wait3A_275, %dma_wait3A_276] : memref<2x1x128xi32, #tpu.memory_space<vmem>> -> memref<1x1x128xi32, #tpu.memory_space<vmem>>
        %dma_wait3A_278 = tpu.memref_squeeze %dma_wait3A_277 : memref<1x1x128xi32, #tpu.memory_space<vmem>> -> memref<1x128xi32, #tpu.memory_space<vmem>>
        %dma_wait3A_279 = arith.constant 0 : i32
        %dma_wait3A_280 = tpu.memref_slice %arg3[%add3A_268, %dma_wait3A_279] : memref<6400x128xi32, #tpu.memory_space<hbm>> -> memref<1x128xi32, #tpu.memory_space<hbm>>
        tpu.wait_dma2 semaphore(%arg12 : memref<!tpu.dma_semaphore, #tpu.memory_space<semaphore_mem>>) src(%dma_wait3A_280 : memref<1x128xi32, #tpu.memory_space<hbm>>) dst(%dma_wait3A_278 : memref<1x128xi32, #tpu.memory_space<vmem>>)
        %add3A_281 = arith.constant 1 : i32
        %add3A_282 = arith.addi %scan3A_33, %add3A_281 : i32
        %mul3A_283 = arith.constant 1 : i32
        %mul3A_284 = arith.muli %mul3A_283, %add3A_282 : i32
        %add3A_285 = arith.addi %mul3A_16, %mul3A_284 : i32
        %dma_wait3A_286 = arith.constant 0 : i32
        %dma_wait3A_287 = arith.constant 0 : i32
        %dma_wait3A_288 = tpu.memref_slice %arg7[%rem3A_38, %dma_wait3A_286, %dma_wait3A_287] : memref<2x1x128xi32, #tpu.memory_space<vmem>> -> memref<1x1x128xi32, #tpu.memory_space<vmem>>
        %dma_wait3A_289 = tpu.memref_squeeze %dma_wait3A_288 : memref<1x1x128xi32, #tpu.memory_space<vmem>> -> memref<1x128xi32, #tpu.memory_space<vmem>>
        %dma_wait3A_290 = arith.constant 0 : i32
        %dma_wait3A_291 = tpu.memref_slice %arg4[%add3A_285, %dma_wait3A_290] : memref<6400x128xi32, #tpu.memory_space<hbm>> -> memref<1x128xi32, #tpu.memory_space<hbm>>
        %dma_wait3A_292 = arith.constant 0 : i32
        %dma_wait3A_293 = arith.constant 0 : i32
        %dma_wait3A_294 = tpu.memref_slice %arg7[%rem3A_38, %dma_wait3A_292, %dma_wait3A_293] : memref<2x1x128xi32, #tpu.memory_space<vmem>> -> memref<1x1x128xi32, #tpu.memory_space<vmem>>
        %dma_wait3A_295 = tpu.memref_squeeze %dma_wait3A_294 : memref<1x1x128xi32, #tpu.memory_space<vmem>> -> memref<1x128xi32, #tpu.memory_space<vmem>>
        %dma_wait3A_296 = arith.constant 0 : i32
        %dma_wait3A_297 = tpu.memref_slice %arg4[%add3A_285, %dma_wait3A_296] : memref<6400x128xi32, #tpu.memory_space<hbm>> -> memref<1x128xi32, #tpu.memory_space<hbm>>
        tpu.wait_dma2 semaphore(%arg12 : memref<!tpu.dma_semaphore, #tpu.memory_space<semaphore_mem>>) src(%dma_wait3A_297 : memref<1x128xi32, #tpu.memory_space<hbm>>) dst(%dma_wait3A_295 : memref<1x128xi32, #tpu.memory_space<vmem>>)
      } else {
      }
      %scan3A_263 = arith.constant 0 : i32
      scf.yield %scan3A_263 : i32
    }
    %scan3A_24 = arith.constant 400 : i32
    %barrier3A_25 = arith.constant 0 : index
    tpu.barrier barrier_id(%barrier3A_25)
    %scan3A_26 = arith.constant 0 : i32
    %scan3A_27 = arith.constant 0 : i32
    %scan3A_28 = arith.constant 13 : i32
    %scan3A_29 = arith.addi %scan3A_27, %scan3A_28 : i32
    %scan3A_30 = arith.constant 1 : i32
    %scan3A_31 = scf.for %scan3A_33 = %scan3A_27 to %scan3A_29 step %scan3A_30 iter_args(%scan3A_34 = %scan3A_26) -> (i32)  : i32 {
      %mul3A_35 = arith.constant 16 : i32
      %mul3A_36 = arith.muli %mul3A_35, %scan3A_33 : i32
      %add3A = arith.addi %arg1, %mul3A_36 : i32
      %lt3A = arith.constant 195 : i32
      %lt3A_37 = arith.cmpi slt, %add3A, %lt3A : i32
      %convert_element_type3A = arith.extui %lt3A_37 : i1 to i32
      %cond3A = arith.constant 0 : i32
      %cond3A_38 = arith.cmpi ne, %convert_element_type3A, %cond3A : i32
      scf.if %cond3A_38 {
        %mul3A_44 = arith.constant 128 : i32
        %mul3A_45 = arith.muli %add3A, %mul3A_44 : i32
        %run_scoped3A_46 = arith.constant 0 : i32
        %run_scoped3A_47 = arith.constant 0 : i32
        "tpu.region"() ({
          %run_scoped3A_55 = tpu.sem_alloc : memref<!tpu.dma_semaphore, #tpu.memory_space<semaphore_mem>>
          %dma_start3A = arith.constant 0 : i32
          %dma_start3A_56 = arith.constant 0 : i32
          %dma_start3A_57 = tpu.memref_slice %arg9[%run_scoped3A_46, %run_scoped3A_47, %dma_start3A, %dma_start3A_56] : memref<2x1x128x64xf32, #tpu.memory_space<vmem>> -> memref<1x1x128x64xf32, #tpu.memory_space<vmem>>
          %dma_start3A_58 = tpu.memref_squeeze %dma_start3A_57 : memref<1x1x128x64xf32, #tpu.memory_space<vmem>> -> memref<128x64xf32, #tpu.memory_space<vmem>>
          %dma_start3A_59 = arith.constant 0 : i32
          %dma_start3A_60 = tpu.memref_slice %arg10[%mul3A_45, %dma_start3A_59] : memref<25088x64xf32, #tpu.memory_space<vmem_shared>> -> memref<128x64xf32, #tpu.memory_space<vmem_shared>>
          %dma_start3A_61 = arith.constant 0 : i32
          %dma_start3A_62 = arith.constant 0 : i32
          %dma_start3A_63 = tpu.memref_slice %arg9[%run_scoped3A_46, %run_scoped3A_47, %dma_start3A_61, %dma_start3A_62] : memref<2x1x128x64xf32, #tpu.memory_space<vmem>> -> memref<1x1x128x64xf32, #tpu.memory_space<vmem>>
          %dma_start3A_64 = tpu.memref_squeeze %dma_start3A_63 : memref<1x1x128x64xf32, #tpu.memory_space<vmem>> -> memref<128x64xf32, #tpu.memory_space<vmem>>
          %dma_start3A_65 = arith.constant 0 : i32
          %dma_start3A_66 = tpu.memref_slice %arg10[%mul3A_45, %dma_start3A_65] : memref<25088x64xf32, #tpu.memory_space<vmem_shared>> -> memref<128x64xf32, #tpu.memory_space<vmem_shared>>
          tpu.enqueue_dma source(%dma_start3A_66 : memref<128x64xf32, #tpu.memory_space<vmem_shared>>) target(%dma_start3A_64 : memref<128x64xf32, #tpu.memory_space<vmem>>) target_semaphore(%run_scoped3A_55 : memref<!tpu.dma_semaphore, #tpu.memory_space<semaphore_mem>>)
          %dma_wait3A = arith.constant 0 : i32
          %dma_wait3A_67 = arith.constant 0 : i32
          %dma_wait3A_68 = tpu.memref_slice %arg9[%run_scoped3A_46, %run_scoped3A_47, %dma_wait3A, %dma_wait3A_67] : memref<2x1x128x64xf32, #tpu.memory_space<vmem>> -> memref<1x1x128x64xf32, #tpu.memory_space<vmem>>
          %dma_wait3A_69 = tpu.memref_squeeze %dma_wait3A_68 : memref<1x1x128x64xf32, #tpu.memory_space<vmem>> -> memref<128x64xf32, #tpu.memory_space<vmem>>
          %dma_wait3A_70 = arith.constant 0 : i32
          %dma_wait3A_71 = tpu.memref_slice %arg10[%mul3A_45, %dma_wait3A_70] : memref<25088x64xf32, #tpu.memory_space<vmem_shared>> -> memref<128x64xf32, #tpu.memory_space<vmem_shared>>
          %dma_wait3A_72 = arith.constant 0 : i32
          %dma_wait3A_73 = arith.constant 0 : i32
          %dma_wait3A_74 = tpu.memref_slice %arg9[%run_scoped3A_46, %run_scoped3A_47, %dma_wait3A_72, %dma_wait3A_73] : memref<2x1x128x64xf32, #tpu.memory_space<vmem>> -> memref<1x1x128x64xf32, #tpu.memory_space<vmem>>
          %dma_wait3A_75 = tpu.memref_squeeze %dma_wait3A_74 : memref<1x1x128x64xf32, #tpu.memory_space<vmem>> -> memref<128x64xf32, #tpu.memory_space<vmem>>
          %dma_wait3A_76 = arith.constant 0 : i32
          %dma_wait3A_77 = tpu.memref_slice %arg10[%mul3A_45, %dma_wait3A_76] : memref<25088x64xf32, #tpu.memory_space<vmem_shared>> -> memref<128x64xf32, #tpu.memory_space<vmem_shared>>
          tpu.wait_dma2 semaphore(%run_scoped3A_55 : memref<!tpu.dma_semaphore, #tpu.memory_space<semaphore_mem>>) src(%dma_wait3A_77 : memref<128x64xf32, #tpu.memory_space<vmem_shared>>) dst(%dma_wait3A_75 : memref<128x64xf32, #tpu.memory_space<vmem>>)
          tpu.yield
        }) : () -> ()
        %mul3A_48 = arith.constant 25024 : i32
        %mul3A_49 = arith.muli %arg0, %mul3A_48 : i32
        %mul3A_50 = arith.constant 128 : i32
        %mul3A_51 = arith.muli %add3A, %mul3A_50 : i32
        %add3A_52 = arith.addi %mul3A_49, %mul3A_51 : i32
        %run_scoped3A_53 = arith.constant 0 : i32
        %run_scoped3A_54 = arith.constant 0 : i32
        "tpu.region"() ({
          %run_scoped3A_55 = tpu.sem_alloc : memref<!tpu.dma_semaphore, #tpu.memory_space<semaphore_mem>>
          %dma_start3A = arith.constant 0 : i32
          %dma_start3A_56 = arith.constant 0 : i32
          %dma_start3A_57 = tpu.memref_slice %arg9[%run_scoped3A_53, %run_scoped3A_54, %dma_start3A, %dma_start3A_56] : memref<2x1x128x64xf32, #tpu.memory_space<vmem>> -> memref<1x1x128x64xf32, #tpu.memory_space<vmem>>
          %dma_start3A_58 = tpu.memref_squeeze %dma_start3A_57 : memref<1x1x128x64xf32, #tpu.memory_space<vmem>> -> memref<128x64xf32, #tpu.memory_space<vmem>>
          %dma_start3A_59 = arith.constant 0 : i32
          %dma_start3A_60 = tpu.memref_slice %arg5[%add3A_52, %dma_start3A_59] : memref<50048x64xf32, #tpu.memory_space<hbm>> -> memref<128x64xf32, #tpu.memory_space<hbm>>
          %dma_start3A_61 = arith.constant 0 : i32
          %dma_start3A_62 = tpu.memref_slice %arg5[%add3A_52, %dma_start3A_61] : memref<50048x64xf32, #tpu.memory_space<hbm>> -> memref<128x64xf32, #tpu.memory_space<hbm>>
          %dma_start3A_63 = arith.constant 0 : i32
          %dma_start3A_64 = arith.constant 0 : i32
          %dma_start3A_65 = tpu.memref_slice %arg9[%run_scoped3A_53, %run_scoped3A_54, %dma_start3A_63, %dma_start3A_64] : memref<2x1x128x64xf32, #tpu.memory_space<vmem>> -> memref<1x1x128x64xf32, #tpu.memory_space<vmem>>
          %dma_start3A_66 = tpu.memref_squeeze %dma_start3A_65 : memref<1x1x128x64xf32, #tpu.memory_space<vmem>> -> memref<128x64xf32, #tpu.memory_space<vmem>>
          tpu.enqueue_dma source(%dma_start3A_66 : memref<128x64xf32, #tpu.memory_space<vmem>>) target(%dma_start3A_62 : memref<128x64xf32, #tpu.memory_space<hbm>>) target_semaphore(%run_scoped3A_55 : memref<!tpu.dma_semaphore, #tpu.memory_space<semaphore_mem>>)
          %dma_wait3A = arith.constant 0 : i32
          %dma_wait3A_67 = arith.constant 0 : i32
          %dma_wait3A_68 = tpu.memref_slice %arg9[%run_scoped3A_53, %run_scoped3A_54, %dma_wait3A, %dma_wait3A_67] : memref<2x1x128x64xf32, #tpu.memory_space<vmem>> -> memref<1x1x128x64xf32, #tpu.memory_space<vmem>>
          %dma_wait3A_69 = tpu.memref_squeeze %dma_wait3A_68 : memref<1x1x128x64xf32, #tpu.memory_space<vmem>> -> memref<128x64xf32, #tpu.memory_space<vmem>>
          %dma_wait3A_70 = arith.constant 0 : i32
          %dma_wait3A_71 = tpu.memref_slice %arg5[%add3A_52, %dma_wait3A_70] : memref<50048x64xf32, #tpu.memory_space<hbm>> -> memref<128x64xf32, #tpu.memory_space<hbm>>
          %dma_wait3A_72 = arith.constant 0 : i32
          %dma_wait3A_73 = tpu.memref_slice %arg5[%add3A_52, %dma_wait3A_72] : memref<50048x64xf32, #tpu.memory_space<hbm>> -> memref<128x64xf32, #tpu.memory_space<hbm>>
          %dma_wait3A_74 = arith.constant 0 : i32
          %dma_wait3A_75 = arith.constant 0 : i32
          %dma_wait3A_76 = tpu.memref_slice %arg9[%run_scoped3A_53, %run_scoped3A_54, %dma_wait3A_74, %dma_wait3A_75] : memref<2x1x128x64xf32, #tpu.memory_space<vmem>> -> memref<1x1x128x64xf32, #tpu.memory_space<vmem>>
          %dma_wait3A_77 = tpu.memref_squeeze %dma_wait3A_76 : memref<1x1x128x64xf32, #tpu.memory_space<vmem>> -> memref<128x64xf32, #tpu.memory_space<vmem>>
          tpu.wait_dma2 semaphore(%run_scoped3A_55 : memref<!tpu.dma_semaphore, #tpu.memory_space<semaphore_mem>>) src(%dma_wait3A_77 : memref<128x64xf32, #tpu.memory_space<vmem>>) dst(%dma_wait3A_73 : memref<128x64xf32, #tpu.memory_space<hbm>>)
          tpu.yield
        }) : () -> ()
      } else {
      }
      %eq3A = arith.constant 195 : i32
      %eq3A_39 = arith.cmpi eq, %add3A, %eq3A : i32
      %convert_element_type3A_40 = arith.extui %eq3A_39 : i1 to i32
      %cond3A_41 = arith.constant 0 : i32
      %cond3A_42 = arith.cmpi ne, %convert_element_type3A_40, %cond3A_41 : i32
      scf.if %cond3A_42 {
        %mul3A_44 = arith.constant 128 : i32
        %mul3A_45 = arith.muli %add3A, %mul3A_44 : i32
        %run_scoped3A_46 = arith.constant 0 : i32
        %run_scoped3A_47 = arith.constant 0 : i32
        "tpu.region"() ({
          %run_scoped3A_55 = tpu.sem_alloc : memref<!tpu.dma_semaphore, #tpu.memory_space<semaphore_mem>>
          %dma_start3A = arith.constant 0 : i32
          %dma_start3A_56 = arith.constant 0 : i32
          %dma_start3A_57 = tpu.memref_slice %arg9[%run_scoped3A_46, %run_scoped3A_47, %dma_start3A, %dma_start3A_56] : memref<2x1x128x64xf32, #tpu.memory_space<vmem>> -> memref<1x1x64x64xf32, #tpu.memory_space<vmem>>
          %dma_start3A_58 = tpu.memref_squeeze %dma_start3A_57 : memref<1x1x64x64xf32, #tpu.memory_space<vmem>> -> memref<64x64xf32, #tpu.memory_space<vmem>>
          %dma_start3A_59 = arith.constant 0 : i32
          %dma_start3A_60 = tpu.memref_slice %arg10[%mul3A_45, %dma_start3A_59] : memref<25088x64xf32, #tpu.memory_space<vmem_shared>> -> memref<64x64xf32, #tpu.memory_space<vmem_shared>>
          %dma_start3A_61 = arith.constant 0 : i32
          %dma_start3A_62 = arith.constant 0 : i32
          %dma_start3A_63 = tpu.memref_slice %arg9[%run_scoped3A_46, %run_scoped3A_47, %dma_start3A_61, %dma_start3A_62] : memref<2x1x128x64xf32, #tpu.memory_space<vmem>> -> memref<1x1x64x64xf32, #tpu.memory_space<vmem>>
          %dma_start3A_64 = tpu.memref_squeeze %dma_start3A_63 : memref<1x1x64x64xf32, #tpu.memory_space<vmem>> -> memref<64x64xf32, #tpu.memory_space<vmem>>
          %dma_start3A_65 = arith.constant 0 : i32
          %dma_start3A_66 = tpu.memref_slice %arg10[%mul3A_45, %dma_start3A_65] : memref<25088x64xf32, #tpu.memory_space<vmem_shared>> -> memref<64x64xf32, #tpu.memory_space<vmem_shared>>
          tpu.enqueue_dma source(%dma_start3A_66 : memref<64x64xf32, #tpu.memory_space<vmem_shared>>) target(%dma_start3A_64 : memref<64x64xf32, #tpu.memory_space<vmem>>) target_semaphore(%run_scoped3A_55 : memref<!tpu.dma_semaphore, #tpu.memory_space<semaphore_mem>>)
          %dma_wait3A = arith.constant 0 : i32
          %dma_wait3A_67 = arith.constant 0 : i32
          %dma_wait3A_68 = tpu.memref_slice %arg9[%run_scoped3A_46, %run_scoped3A_47, %dma_wait3A, %dma_wait3A_67] : memref<2x1x128x64xf32, #tpu.memory_space<vmem>> -> memref<1x1x64x64xf32, #tpu.memory_space<vmem>>
          %dma_wait3A_69 = tpu.memref_squeeze %dma_wait3A_68 : memref<1x1x64x64xf32, #tpu.memory_space<vmem>> -> memref<64x64xf32, #tpu.memory_space<vmem>>
          %dma_wait3A_70 = arith.constant 0 : i32
          %dma_wait3A_71 = tpu.memref_slice %arg10[%mul3A_45, %dma_wait3A_70] : memref<25088x64xf32, #tpu.memory_space<vmem_shared>> -> memref<64x64xf32, #tpu.memory_space<vmem_shared>>
          %dma_wait3A_72 = arith.constant 0 : i32
          %dma_wait3A_73 = arith.constant 0 : i32
          %dma_wait3A_74 = tpu.memref_slice %arg9[%run_scoped3A_46, %run_scoped3A_47, %dma_wait3A_72, %dma_wait3A_73] : memref<2x1x128x64xf32, #tpu.memory_space<vmem>> -> memref<1x1x64x64xf32, #tpu.memory_space<vmem>>
          %dma_wait3A_75 = tpu.memref_squeeze %dma_wait3A_74 : memref<1x1x64x64xf32, #tpu.memory_space<vmem>> -> memref<64x64xf32, #tpu.memory_space<vmem>>
          %dma_wait3A_76 = arith.constant 0 : i32
          %dma_wait3A_77 = tpu.memref_slice %arg10[%mul3A_45, %dma_wait3A_76] : memref<25088x64xf32, #tpu.memory_space<vmem_shared>> -> memref<64x64xf32, #tpu.memory_space<vmem_shared>>
          tpu.wait_dma2 semaphore(%run_scoped3A_55 : memref<!tpu.dma_semaphore, #tpu.memory_space<semaphore_mem>>) src(%dma_wait3A_77 : memref<64x64xf32, #tpu.memory_space<vmem_shared>>) dst(%dma_wait3A_75 : memref<64x64xf32, #tpu.memory_space<vmem>>)
          tpu.yield
        }) : () -> ()
        %mul3A_48 = arith.constant 25024 : i32
        %mul3A_49 = arith.muli %arg0, %mul3A_48 : i32
        %mul3A_50 = arith.constant 128 : i32
        %mul3A_51 = arith.muli %add3A, %mul3A_50 : i32
        %add3A_52 = arith.addi %mul3A_49, %mul3A_51 : i32
        %run_scoped3A_53 = arith.constant 0 : i32
        %run_scoped3A_54 = arith.constant 0 : i32
        "tpu.region"() ({
          %run_scoped3A_55 = tpu.sem_alloc : memref<!tpu.dma_semaphore, #tpu.memory_space<semaphore_mem>>
          %dma_start3A = arith.constant 0 : i32
          %dma_start3A_56 = arith.constant 0 : i32
          %dma_start3A_57 = tpu.memref_slice %arg9[%run_scoped3A_53, %run_scoped3A_54, %dma_start3A, %dma_start3A_56] : memref<2x1x128x64xf32, #tpu.memory_space<vmem>> -> memref<1x1x64x64xf32, #tpu.memory_space<vmem>>
          %dma_start3A_58 = tpu.memref_squeeze %dma_start3A_57 : memref<1x1x64x64xf32, #tpu.memory_space<vmem>> -> memref<64x64xf32, #tpu.memory_space<vmem>>
          %dma_start3A_59 = arith.constant 0 : i32
          %dma_start3A_60 = tpu.memref_slice %arg5[%add3A_52, %dma_start3A_59] : memref<50048x64xf32, #tpu.memory_space<hbm>> -> memref<64x64xf32, #tpu.memory_space<hbm>>
          %dma_start3A_61 = arith.constant 0 : i32
          %dma_start3A_62 = tpu.memref_slice %arg5[%add3A_52, %dma_start3A_61] : memref<50048x64xf32, #tpu.memory_space<hbm>> -> memref<64x64xf32, #tpu.memory_space<hbm>>
          %dma_start3A_63 = arith.constant 0 : i32
          %dma_start3A_64 = arith.constant 0 : i32
          %dma_start3A_65 = tpu.memref_slice %arg9[%run_scoped3A_53, %run_scoped3A_54, %dma_start3A_63, %dma_start3A_64] : memref<2x1x128x64xf32, #tpu.memory_space<vmem>> -> memref<1x1x64x64xf32, #tpu.memory_space<vmem>>
          %dma_start3A_66 = tpu.memref_squeeze %dma_start3A_65 : memref<1x1x64x64xf32, #tpu.memory_space<vmem>> -> memref<64x64xf32, #tpu.memory_space<vmem>>
          tpu.enqueue_dma source(%dma_start3A_66 : memref<64x64xf32, #tpu.memory_space<vmem>>) target(%dma_start3A_62 : memref<64x64xf32, #tpu.memory_space<hbm>>) target_semaphore(%run_scoped3A_55 : memref<!tpu.dma_semaphore, #tpu.memory_space<semaphore_mem>>)
          %dma_wait3A = arith.constant 0 : i32
          %dma_wait3A_67 = arith.constant 0 : i32
          %dma_wait3A_68 = tpu.memref_slice %arg9[%run_scoped3A_53, %run_scoped3A_54, %dma_wait3A, %dma_wait3A_67] : memref<2x1x128x64xf32, #tpu.memory_space<vmem>> -> memref<1x1x64x64xf32, #tpu.memory_space<vmem>>
          %dma_wait3A_69 = tpu.memref_squeeze %dma_wait3A_68 : memref<1x1x64x64xf32, #tpu.memory_space<vmem>> -> memref<64x64xf32, #tpu.memory_space<vmem>>
          %dma_wait3A_70 = arith.constant 0 : i32
          %dma_wait3A_71 = tpu.memref_slice %arg5[%add3A_52, %dma_wait3A_70] : memref<50048x64xf32, #tpu.memory_space<hbm>> -> memref<64x64xf32, #tpu.memory_space<hbm>>
          %dma_wait3A_72 = arith.constant 0 : i32
          %dma_wait3A_73 = tpu.memref_slice %arg5[%add3A_52, %dma_wait3A_72] : memref<50048x64xf32, #tpu.memory_space<hbm>> -> memref<64x64xf32, #tpu.memory_space<hbm>>
          %dma_wait3A_74 = arith.constant 0 : i32
          %dma_wait3A_75 = arith.constant 0 : i32
          %dma_wait3A_76 = tpu.memref_slice %arg9[%run_scoped3A_53, %run_scoped3A_54, %dma_wait3A_74, %dma_wait3A_75] : memref<2x1x128x64xf32, #tpu.memory_space<vmem>> -> memref<1x1x64x64xf32, #tpu.memory_space<vmem>>
          %dma_wait3A_77 = tpu.memref_squeeze %dma_wait3A_76 : memref<1x1x64x64xf32, #tpu.memory_space<vmem>> -> memref<64x64xf32, #tpu.memory_space<vmem>>
          tpu.wait_dma2 semaphore(%run_scoped3A_55 : memref<!tpu.dma_semaphore, #tpu.memory_space<semaphore_mem>>) src(%dma_wait3A_77 : memref<64x64xf32, #tpu.memory_space<vmem>>) dst(%dma_wait3A_73 : memref<64x64xf32, #tpu.memory_space<hbm>>)
          tpu.yield
        }) : () -> ()
      } else {
      }
      %scan3A_43 = arith.constant 0 : i32
      scf.yield %scan3A_43 : i32
    }
    %scan3A_32 = arith.constant 13 : i32
    return
  }
}

module attributes {stable_mosaic.version = 14 : i64} {
  func.func @_dinv_body(%arg0: memref<391x128xf32, #tpu.memory_space<vmem>>, %arg1: memref<391x128xf32, #tpu.memory_space<vmem>>, %arg2: memref<391x128xf32, #tpu.memory_space<vmem>>) attributes {dimension_semantics = [], scalar_prefetch = 0 : i64, scratch_operands = 0 : i64, tpu.core_type = #tpu.core_type<tc>} {
    %get3A = arith.constant 0 : index
    %get3A_0 = arith.constant 0 : index
    %get3A_1 = vector.load %arg0[%get3A, %get3A_0] : memref<391x128xf32, #tpu.memory_space<vmem>>, vector<391x128xf32>
    %get3A_2 = arith.constant 0 : index
    %get3A_3 = arith.constant 0 : index
    %get3A_4 = vector.load %arg1[%get3A_2, %get3A_3] : memref<391x128xf32, #tpu.memory_space<vmem>>, vector<391x128xf32>
    %add3A = arith.addf %get3A_1, %get3A_4 : vector<391x128xf32>
    %add3A_5 = arith.constant 1.000000e+00 : f32
    %add3A_6 = vector.broadcast %add3A_5 : f32 to vector<391x128xf32>
    %add3A_7 = arith.addf %add3A, %add3A_6 : vector<391x128xf32>
    %rsqrt3A = math.rsqrt %add3A_7 : vector<391x128xf32>
    %swap3A = arith.constant 0 : index
    %swap3A_8 = arith.constant 0 : index
    %swap3A_9 = vector.load %arg2[%swap3A, %swap3A_8] : memref<391x128xf32, #tpu.memory_space<vmem>>, vector<391x128xf32>
    tpu.vector_store %arg2[%swap3A, %swap3A_8], %rsqrt3A {strides = array<i32>} : memref<391x128xf32, #tpu.memory_space<vmem>>, vector<391x128xf32>,
    return
  }
}

module attributes {stable_mosaic.version = 14 : i64} {
  func.func @_fused_in_body(%arg0: i32, %arg1: memref<3128x128xf32, #tpu.memory_space<vmem>>, %arg2: memref<128x64xf32, #tpu.memory_space<vmem>>, %arg3: memref<1x64xf32, #tpu.memory_space<vmem>>, %arg4: memref<64x64xf32, #tpu.memory_space<vmem>>, %arg5: memref<3128x1xf32, #tpu.memory_space<vmem>>, %arg6: memref<3128x64xf32, #tpu.memory_space<vmem>>, %arg7: memref<3128x64xf32, #tpu.memory_space<vmem>>) attributes {dimension_semantics = [#tpu.dimension_semantics<arbitrary>], iteration_bounds = array<i64: 16>, scalar_prefetch = 0 : i64, scratch_operands = 0 : i64, tpu.core_type = #tpu.core_type<tc>, window_params = [{transform_indices = @transform_0, window_bounds = array<i64: 3128, 128>}, {pipeline_mode = #tpu.pipeline_mode<synchronous>, transform_indices = @transform_1, window_bounds = array<i64: 128, 64>}, {pipeline_mode = #tpu.pipeline_mode<synchronous>, transform_indices = @transform_2, window_bounds = array<i64: 1, 64>}, {pipeline_mode = #tpu.pipeline_mode<synchronous>, transform_indices = @transform_3, window_bounds = array<i64: 64, 64>}, {transform_indices = @transform_4, window_bounds = array<i64: 3128, 1>}, {transform_indices = @transform_5, window_bounds = array<i64: 3128, 64>}, {transform_indices = @transform_6, window_bounds = array<i64: 3128, 64>}]} {
    %get3A = arith.constant 0 : index
    %get3A_0 = arith.constant 0 : index
    %get3A_1 = vector.load %arg1[%get3A, %get3A_0] : memref<3128x128xf32, #tpu.memory_space<vmem>>, vector<3128x128xf32>
    %get3A_2 = arith.constant 0 : index
    %get3A_3 = arith.constant 0 : index
    %get3A_4 = vector.load %arg2[%get3A_2, %get3A_3] : memref<128x64xf32, #tpu.memory_space<vmem>>, vector<128x64xf32>
    %dot_general3A = arith.constant dense<0.000000e+00> : vector<3128x64xf32>
    %dot_general3A_5 = tpu.matmul %get3A_1, %get3A_4, %dot_general3A {dimension_numbers = #tpu.dot_dimension_numbers<[1], [0], [0], [1], [0, 0, 1, 1], [], []>, transpose_lhs_hint = false} : vector<3128x128xf32>, vector<128x64xf32>, vector<3128x64xf32> -> vector<3128x64xf32>
    %get3A_6 = arith.constant 0 : index
    %get3A_7 = arith.constant 0 : index
    %get3A_8 = vector.load %arg3[%get3A_6, %get3A_7] : memref<1x64xf32, #tpu.memory_space<vmem>>, vector<1x64xf32>
    %add3A = vector.broadcast %get3A_8 : vector<1x64xf32> to vector<3128x64xf32>
    %add3A_9 = arith.addf %dot_general3A_5, %add3A : vector<3128x64xf32>
    %swap3A = arith.constant 0 : index
    %swap3A_10 = arith.constant 0 : index
    %swap3A_11 = vector.load %arg6[%swap3A, %swap3A_10] : memref<3128x64xf32, #tpu.memory_space<vmem>>, vector<3128x64xf32>
    tpu.vector_store %arg6[%swap3A, %swap3A_10], %add3A_9 {strides = array<i32>} : memref<3128x64xf32, #tpu.memory_space<vmem>>, vector<3128x64xf32>,
    %get3A_12 = arith.constant 0 : index
    %get3A_13 = arith.constant 0 : index
    %get3A_14 = vector.load %arg5[%get3A_12, %get3A_13] : memref<3128x1xf32, #tpu.memory_space<vmem>>, vector<3128x1xf32>
    %get3A_15 = arith.constant 0 : index
    %get3A_16 = arith.constant 0 : index
    %get3A_17 = vector.load %arg4[%get3A_15, %get3A_16] : memref<64x64xf32, #tpu.memory_space<vmem>>, vector<64x64xf32>
    %dot_general3A_18 = arith.constant dense<0.000000e+00> : vector<3128x64xf32>
    %dot_general3A_19 = tpu.matmul %add3A_9, %get3A_17, %dot_general3A_18 {dimension_numbers = #tpu.dot_dimension_numbers<[1], [0], [0], [1], [0, 0, 1, 1], [], []>, transpose_lhs_hint = false} : vector<3128x64xf32>, vector<64x64xf32>, vector<3128x64xf32> -> vector<3128x64xf32>
    %mul3A = vector.broadcast %get3A_14 : vector<3128x1xf32> to vector<3128x64xf32>
    %mul3A_20 = arith.mulf %mul3A, %dot_general3A_19 : vector<3128x64xf32>
    %swap3A_21 = arith.constant 0 : index
    %swap3A_22 = arith.constant 0 : index
    %swap3A_23 = vector.load %arg7[%swap3A_21, %swap3A_22] : memref<3128x64xf32, #tpu.memory_space<vmem>>, vector<3128x64xf32>
    tpu.vector_store %arg7[%swap3A_21, %swap3A_22], %mul3A_20 {strides = array<i32>} : memref<3128x64xf32, #tpu.memory_space<vmem>>, vector<3128x64xf32>,
    return
  }
  func.func @transform_0(%arg0: i32) -> (i32, i32) {
    %c0_i32 = arith.constant 0 : i32
    %c0_i32_0 = arith.constant 0 : i32
    return %arg0, %c0_i32 : i32, i32
  }
  func.func @transform_1(%arg0: i32) -> (i32, i32) {
    %c0_i32 = arith.constant 0 : i32
    %c0_i32_0 = arith.constant 0 : i32
    %c0_i32_1 = arith.constant 0 : i32
    return %c0_i32, %c0_i32_0 : i32, i32
  }
  func.func @transform_2(%arg0: i32) -> (i32, i32) {
    %c0_i32 = arith.constant 0 : i32
    %c0_i32_0 = arith.constant 0 : i32
    %c0_i32_1 = arith.constant 0 : i32
    return %c0_i32, %c0_i32_0 : i32, i32
  }
  func.func @transform_3(%arg0: i32) -> (i32, i32) {
    %c0_i32 = arith.constant 0 : i32
    %c0_i32_0 = arith.constant 0 : i32
    %c0_i32_1 = arith.constant 0 : i32
    return %c0_i32, %c0_i32_0 : i32, i32
  }
  func.func @transform_4(%arg0: i32) -> (i32, i32) {
    %c0_i32 = arith.constant 0 : i32
    %c0_i32_0 = arith.constant 0 : i32
    return %arg0, %c0_i32 : i32, i32
  }
  func.func @transform_5(%arg0: i32) -> (i32, i32) {
    %c0_i32 = arith.constant 0 : i32
    %c0_i32_0 = arith.constant 0 : i32
    return %arg0, %c0_i32 : i32, i32
  }
  func.func @transform_6(%arg0: i32) -> (i32, i32) {
    %c0_i32 = arith.constant 0 : i32
    %c0_i32_0 = arith.constant 0 : i32
    return %arg0, %c0_i32 : i32, i32
  }
}

module attributes {stable_mosaic.version = 14 : i64} {
  func.func @_post_body(%arg0: i32, %arg1: memref<3128x64xf32, #tpu.memory_space<vmem>>, %arg2: memref<3128x64xf32, #tpu.memory_space<vmem>>, %arg3: memref<3128x1xf32, #tpu.memory_space<vmem>>, %arg4: memref<1x64xf32, #tpu.memory_space<vmem>>, %arg5: memref<3128x64xf32, #tpu.memory_space<vmem>>, %arg6: memref<2x64xf32, #tpu.memory_space<vmem>>) attributes {dimension_semantics = [#tpu.dimension_semantics<arbitrary>], iteration_bounds = array<i64: 16>, scalar_prefetch = 0 : i64, scratch_operands = 0 : i64, tpu.core_type = #tpu.core_type<tc>, window_params = [{transform_indices = @transform_0, window_bounds = array<i64: 3128, 64>}, {transform_indices = @transform_1, window_bounds = array<i64: 3128, 64>}, {transform_indices = @transform_2, window_bounds = array<i64: 3128, 1>}, {pipeline_mode = #tpu.pipeline_mode<synchronous>, transform_indices = @transform_3, window_bounds = array<i64: 1, 64>}, {transform_indices = @transform_4, window_bounds = array<i64: 3128, 64>}, {pipeline_mode = #tpu.pipeline_mode<synchronous>, transform_indices = @transform_5, window_bounds = array<i64: 2, 64>}]} {
    %get3A = arith.constant 0 : index
    %get3A_0 = arith.constant 0 : index
    %get3A_1 = vector.load %arg3[%get3A, %get3A_0] : memref<3128x1xf32, #tpu.memory_space<vmem>>, vector<3128x1xf32>
    %get3A_2 = arith.constant 0 : index
    %get3A_3 = arith.constant 0 : index
    %get3A_4 = vector.load %arg1[%get3A_2, %get3A_3] : memref<3128x64xf32, #tpu.memory_space<vmem>>, vector<3128x64xf32>
    %get3A_5 = arith.constant 0 : index
    %get3A_6 = arith.constant 0 : index
    %get3A_7 = vector.load %arg2[%get3A_5, %get3A_6] : memref<3128x64xf32, #tpu.memory_space<vmem>>, vector<3128x64xf32>
    %add3A = arith.addf %get3A_4, %get3A_7 : vector<3128x64xf32>
    %mul3A = vector.broadcast %get3A_1 : vector<3128x1xf32> to vector<3128x64xf32>
    %mul3A_8 = arith.mulf %mul3A, %add3A : vector<3128x64xf32>
    %get3A_9 = arith.constant 0 : index
    %get3A_10 = arith.constant 0 : index
    %get3A_11 = vector.load %arg4[%get3A_9, %get3A_10] : memref<1x64xf32, #tpu.memory_space<vmem>>, vector<1x64xf32>
    %add3A_12 = vector.broadcast %get3A_11 : vector<1x64xf32> to vector<3128x64xf32>
    %add3A_13 = arith.addf %mul3A_8, %add3A_12 : vector<3128x64xf32>
    %swap3A = arith.constant 0 : index
    %swap3A_14 = arith.constant 0 : index
    %swap3A_15 = vector.load %arg5[%swap3A, %swap3A_14] : memref<3128x64xf32, #tpu.memory_space<vmem>>, vector<3128x64xf32>
    tpu.vector_store %arg5[%swap3A, %swap3A_14], %add3A_13 {strides = array<i32>} : memref<3128x64xf32, #tpu.memory_space<vmem>>, vector<3128x64xf32>,
    %mul3A_16 = arith.constant 3128 : i32
    %mul3A_17 = arith.muli %arg0, %mul3A_16 : i32
    %iota3A = tpu.iota {dimensions = array<i32: 0>} : vector<3128x1xi32>
    %add3A_18 = vector.broadcast %mul3A_17 : i32 to vector<3128x1xi32>
    %add3A_19 = arith.addi %add3A_18, %iota3A : vector<3128x1xi32>
    %lt3A = arith.constant 50000 : i32
    %lt3A_20 = vector.broadcast %lt3A : i32 to vector<3128x1xi32>
    %lt3A_21 = arith.cmpi slt, %add3A_19, %lt3A_20 : vector<3128x1xi32>
    %jit3A = arith.constant 0.000000e+00 : f32
    %broadcast_in_dim3A = vector.shape_cast %lt3A_21 : vector<3128x1xi1> to vector<3128x1xi1>
    %broadcast_in_dim3A_22 = vector.broadcast %broadcast_in_dim3A : vector<3128x1xi1> to vector<3128x64xi1>
    %broadcast_in_dim3A_23 = vector.broadcast %jit3A : f32 to vector<3128x64xf32>
    %select_n3A = arith.select %broadcast_in_dim3A_22, %add3A_13, %broadcast_in_dim3A_23 : vector<3128x64xi1>, vector<3128x64xf32>
    %eq3A = arith.constant 0 : i32
    %eq3A_24 = arith.cmpi eq, %arg0, %eq3A : i32
    %convert_element_type3A = arith.extui %eq3A_24 : i1 to i32
    %cond3A = arith.constant 0 : i32
    %cond3A_25 = arith.cmpi ne, %convert_element_type3A, %cond3A : i32
    scf.if %cond3A_25 {
      %broadcast_in_dim3A_50 = arith.constant 0.000000e+00 : f32
      %broadcast_in_dim3A_51 = vector.broadcast %broadcast_in_dim3A_50 : f32 to vector<2x64xf32>
      %swap3A_52 = arith.constant 0 : index
      %swap3A_53 = arith.constant 0 : index
      %swap3A_54 = vector.load %arg6[%swap3A_52, %swap3A_53] : memref<2x64xf32, #tpu.memory_space<vmem>>, vector<2x64xf32>
      tpu.vector_store %arg6[%swap3A_52, %swap3A_53], %broadcast_in_dim3A_51 {strides = array<i32>} : memref<2x64xf32, #tpu.memory_space<vmem>>, vector<2x64xf32>,
    } else {
    }
    %get3A_26 = arith.constant 0 : index
    %get3A_27 = arith.constant 0 : index
    %get3A_28 = vector.load %arg6[%get3A_26, %get3A_27] : memref<2x64xf32, #tpu.memory_space<vmem>>, vector<1x64xf32>
    %get3A_29 = vector.shape_cast %get3A_28 : vector<1x64xf32> to vector<64xf32>
    %reduce_sum3A = arith.constant dense<0.000000e+00> : vector<64xf32>
    %reduce_sum3A_30 = vector.multi_reduction <add>, %select_n3A, %reduce_sum3A [0] : vector<3128x64xf32> to vector<64xf32>
    %add3A_31 = arith.addf %get3A_29, %reduce_sum3A_30 : vector<64xf32>
    %swap3A_32 = arith.constant 0 : index
    %swap3A_33 = arith.constant 0 : index
    %swap3A_34 = vector.load %arg6[%swap3A_32, %swap3A_33] : memref<2x64xf32, #tpu.memory_space<vmem>>, vector<1x64xf32>
    %swap3A_35 = vector.shape_cast %swap3A_34 : vector<1x64xf32> to vector<64xf32>
    %swap3A_36 = vector.shape_cast %add3A_31 : vector<64xf32> to vector<1x64xf32>
    tpu.vector_store %arg6[%swap3A_32, %swap3A_33], %swap3A_36 {strides = array<i32>} : memref<2x64xf32, #tpu.memory_space<vmem>>, vector<1x64xf32>,
    %get3A_37 = arith.constant 1 : index
    %get3A_38 = arith.constant 0 : index
    %get3A_39 = vector.load %arg6[%get3A_37, %get3A_38] : memref<2x64xf32, #tpu.memory_space<vmem>>, vector<1x64xf32>
    %get3A_40 = vector.shape_cast %get3A_39 : vector<1x64xf32> to vector<64xf32>
    %mul3A_41 = arith.mulf %select_n3A, %add3A_13 : vector<3128x64xf32>
    %reduce_sum3A_42 = arith.constant dense<0.000000e+00> : vector<64xf32>
    %reduce_sum3A_43 = vector.multi_reduction <add>, %mul3A_41, %reduce_sum3A_42 [0] : vector<3128x64xf32> to vector<64xf32>
    %add3A_44 = arith.addf %get3A_40, %reduce_sum3A_43 : vector<64xf32>
    %swap3A_45 = arith.constant 1 : index
    %swap3A_46 = arith.constant 0 : index
    %swap3A_47 = vector.load %arg6[%swap3A_45, %swap3A_46] : memref<2x64xf32, #tpu.memory_space<vmem>>, vector<1x64xf32>
    %swap3A_48 = vector.shape_cast %swap3A_47 : vector<1x64xf32> to vector<64xf32>
    %swap3A_49 = vector.shape_cast %add3A_44 : vector<64xf32> to vector<1x64xf32>
    tpu.vector_store %arg6[%swap3A_45, %swap3A_46], %swap3A_49 {strides = array<i32>} : memref<2x64xf32, #tpu.memory_space<vmem>>, vector<1x64xf32>,
    return
  }
  func.func @transform_0(%arg0: i32) -> (i32, i32) {
    %c0_i32 = arith.constant 0 : i32
    %c0_i32_0 = arith.constant 0 : i32
    return %arg0, %c0_i32 : i32, i32
  }
  func.func @transform_1(%arg0: i32) -> (i32, i32) {
    %c0_i32 = arith.constant 0 : i32
    %c0_i32_0 = arith.constant 0 : i32
    return %arg0, %c0_i32 : i32, i32
  }
  func.func @transform_2(%arg0: i32) -> (i32, i32) {
    %c0_i32 = arith.constant 0 : i32
    %c0_i32_0 = arith.constant 0 : i32
    return %arg0, %c0_i32 : i32, i32
  }
  func.func @transform_3(%arg0: i32) -> (i32, i32) {
    %c0_i32 = arith.constant 0 : i32
    %c0_i32_0 = arith.constant 0 : i32
    %c0_i32_1 = arith.constant 0 : i32
    return %c0_i32, %c0_i32_0 : i32, i32
  }
  func.func @transform_4(%arg0: i32) -> (i32, i32) {
    %c0_i32 = arith.constant 0 : i32
    %c0_i32_0 = arith.constant 0 : i32
    return %arg0, %c0_i32 : i32, i32
  }
  func.func @transform_5(%arg0: i32) -> (i32, i32) {
    %c0_i32 = arith.constant 0 : i32
    %c0_i32_0 = arith.constant 0 : i32
    %c0_i32_1 = arith.constant 0 : i32
    return %c0_i32, %c0_i32_0 : i32, i32
  }
}

module attributes {stable_mosaic.version = 14 : i64} {
  func.func @_next_body(%arg0: i32, %arg1: memref<3128x64xf32, #tpu.memory_space<vmem>>, %arg2: memref<2x64xf32, #tpu.memory_space<vmem>>, %arg3: memref<3128x64xf32, #tpu.memory_space<vmem>>, %arg4: memref<3128x1xf32, #tpu.memory_space<vmem>>, %arg5: memref<64x64xf32, #tpu.memory_space<vmem>>, %arg6: memref<1x64xf32, #tpu.memory_space<vmem>>, %arg7: memref<1x64xf32, #tpu.memory_space<vmem>>, %arg8: memref<1x64xf32, #tpu.memory_space<vmem>>, %arg9: memref<3128x64xf32, #tpu.memory_space<vmem>>, %arg10: memref<3128x64xf32, #tpu.memory_space<vmem>>) attributes {dimension_semantics = [#tpu.dimension_semantics<arbitrary>], iteration_bounds = array<i64: 16>, scalar_prefetch = 0 : i64, scratch_operands = 0 : i64, tpu.core_type = #tpu.core_type<tc>, window_params = [{transform_indices = @transform_0, window_bounds = array<i64: 3128, 64>}, {pipeline_mode = #tpu.pipeline_mode<synchronous>, transform_indices = @transform_1, window_bounds = array<i64: 2, 64>}, {transform_indices = @transform_2, window_bounds = array<i64: 3128, 64>}, {transform_indices = @transform_3, window_bounds = array<i64: 3128, 1>}, {pipeline_mode = #tpu.pipeline_mode<synchronous>, transform_indices = @transform_4, window_bounds = array<i64: 64, 64>}, {pipeline_mode = #tpu.pipeline_mode<synchronous>, transform_indices = @transform_5, window_bounds = array<i64: 1, 64>}, {pipeline_mode = #tpu.pipeline_mode<synchronous>, transform_indices = @transform_6, window_bounds = array<i64: 1, 64>}, {pipeline_mode = #tpu.pipeline_mode<synchronous>, transform_indices = @transform_7, window_bounds = array<i64: 1, 64>}, {transform_indices = @transform_8, window_bounds = array<i64: 3128, 64>}, {transform_indices = @transform_9, window_bounds = array<i64: 3128, 64>}]} {
    %get3A = arith.constant 0 : index
    %get3A_0 = arith.constant 0 : index
    %get3A_1 = vector.load %arg3[%get3A, %get3A_0] : memref<3128x64xf32, #tpu.memory_space<vmem>>, vector<3128x64xf32>
    %get3A_2 = arith.constant 0 : index
    %get3A_3 = arith.constant 0 : index
    %get3A_4 = vector.load %arg1[%get3A_2, %get3A_3] : memref<3128x64xf32, #tpu.memory_space<vmem>>, vector<3128x64xf32>
    %get3A_5 = arith.constant 0 : index
    %get3A_6 = arith.constant 0 : index
    %get3A_7 = vector.load %arg2[%get3A_5, %get3A_6] : memref<2x64xf32, #tpu.memory_space<vmem>>, vector<2x64xf32>
    %get3A_8 = arith.constant 0 : index
    %get3A_9 = arith.constant 0 : index
    %get3A_10 = vector.load %arg6[%get3A_8, %get3A_9] : memref<1x64xf32, #tpu.memory_space<vmem>>, vector<1x64xf32>
    %get3A_11 = arith.constant 0 : index
    %get3A_12 = arith.constant 0 : index
    %get3A_13 = vector.load %arg7[%get3A_11, %get3A_12] : memref<1x64xf32, #tpu.memory_space<vmem>>, vector<1x64xf32>
    %get3A_14 = arith.constant 0 : index
    %get3A_15 = arith.constant 0 : index
    %get3A_16 = vector.load %arg8[%get3A_14, %get3A_15] : memref<1x64xf32, #tpu.memory_space<vmem>>, vector<1x64xf32>
    %slice3A = vector.extract_strided_slice %get3A_7 {offsets = [0, 0], sizes = [1, 64], strides = [1, 1]} : vector<2x64xf32> to vector<1x64xf32>
    %mul3A = arith.constant 2.000000e-05 : f32
    %mul3A_17 = vector.broadcast %mul3A : f32 to vector<1x64xf32>
    %mul3A_18 = arith.mulf %slice3A, %mul3A_17 : vector<1x64xf32>
    %slice3A_19 = vector.extract_strided_slice %get3A_7 {offsets = [1, 0], sizes = [1, 64], strides = [1, 1]} : vector<2x64xf32> to vector<1x64xf32>
    %mul3A_20 = arith.constant 2.000000e-05 : f32
    %mul3A_21 = vector.broadcast %mul3A_20 : f32 to vector<1x64xf32>
    %mul3A_22 = arith.mulf %slice3A_19, %mul3A_21 : vector<1x64xf32>
    %mul3A_23 = arith.mulf %mul3A_18, %mul3A_18 : vector<1x64xf32>
    %mul3A_24 = arith.mulf %mul3A_23, %get3A_16 : vector<1x64xf32>
    %sub3A = arith.constant 2.000000e+00 : f32
    %sub3A_25 = vector.broadcast %sub3A : f32 to vector<1x64xf32>
    %sub3A_26 = arith.subf %sub3A_25, %get3A_16 : vector<1x64xf32>
    %mul3A_27 = arith.mulf %mul3A_24, %sub3A_26 : vector<1x64xf32>
    %sub3A_28 = arith.subf %mul3A_22, %mul3A_27 : vector<1x64xf32>
    %add3A = arith.constant 9.99999974E-6 : f32
    %add3A_29 = vector.broadcast %add3A : f32 to vector<1x64xf32>
    %add3A_30 = arith.addf %sub3A_28, %add3A_29 : vector<1x64xf32>
    %rsqrt3A = math.rsqrt %add3A_30 : vector<1x64xf32>
    %mul3A_31 = arith.mulf %mul3A_18, %get3A_16 : vector<1x64xf32>
    %sub3A_32 = vector.broadcast %mul3A_31 : vector<1x64xf32> to vector<3128x64xf32>
    %sub3A_33 = arith.subf %get3A_4, %sub3A_32 : vector<3128x64xf32>
    %mul3A_34 = vector.broadcast %get3A_10 : vector<1x64xf32> to vector<3128x64xf32>
    %mul3A_35 = arith.mulf %mul3A_34, %sub3A_33 : vector<3128x64xf32>
    %mul3A_36 = vector.broadcast %rsqrt3A : vector<1x64xf32> to vector<3128x64xf32>
    %mul3A_37 = arith.mulf %mul3A_35, %mul3A_36 : vector<3128x64xf32>
    %add3A_38 = vector.broadcast %get3A_13 : vector<1x64xf32> to vector<3128x64xf32>
    %add3A_39 = arith.addf %mul3A_37, %add3A_38 : vector<3128x64xf32>
    %max3A = arith.constant 0.000000e+00 : f32
    %max3A_40 = vector.broadcast %max3A : f32 to vector<3128x64xf32>
    %max3A_41 = arith.maximumf %add3A_39, %max3A_40 : vector<3128x64xf32>
    %add3A_42 = arith.addf %get3A_1, %max3A_41 : vector<3128x64xf32>
    %swap3A = arith.constant 0 : index
    %swap3A_43 = arith.constant 0 : index
    %swap3A_44 = vector.load %arg9[%swap3A, %swap3A_43] : memref<3128x64xf32, #tpu.memory_space<vmem>>, vector<3128x64xf32>
    tpu.vector_store %arg9[%swap3A, %swap3A_43], %add3A_42 {strides = array<i32>} : memref<3128x64xf32, #tpu.memory_space<vmem>>, vector<3128x64xf32>,
    %get3A_45 = arith.constant 0 : index
    %get3A_46 = arith.constant 0 : index
    %get3A_47 = vector.load %arg4[%get3A_45, %get3A_46] : memref<3128x1xf32, #tpu.memory_space<vmem>>, vector<3128x1xf32>
    %get3A_48 = arith.constant 0 : index
    %get3A_49 = arith.constant 0 : index
    %get3A_50 = vector.load %arg5[%get3A_48, %get3A_49] : memref<64x64xf32, #tpu.memory_space<vmem>>, vector<64x64xf32>
    %dot_general3A = arith.constant dense<0.000000e+00> : vector<3128x64xf32>
    %dot_general3A_51 = tpu.matmul %add3A_42, %get3A_50, %dot_general3A {dimension_numbers = #tpu.dot_dimension_numbers<[1], [0], [0], [1], [0, 0, 1, 1], [], []>, transpose_lhs_hint = false} : vector<3128x64xf32>, vector<64x64xf32>, vector<3128x64xf32> -> vector<3128x64xf32>
    %mul3A_52 = vector.broadcast %get3A_47 : vector<3128x1xf32> to vector<3128x64xf32>
    %mul3A_53 = arith.mulf %mul3A_52, %dot_general3A_51 : vector<3128x64xf32>
    %swap3A_54 = arith.constant 0 : index
    %swap3A_55 = arith.constant 0 : index
    %swap3A_56 = vector.load %arg10[%swap3A_54, %swap3A_55] : memref<3128x64xf32, #tpu.memory_space<vmem>>, vector<3128x64xf32>
    tpu.vector_store %arg10[%swap3A_54, %swap3A_55], %mul3A_53 {strides = array<i32>} : memref<3128x64xf32, #tpu.memory_space<vmem>>, vector<3128x64xf32>,
    return
  }
  func.func @transform_0(%arg0: i32) -> (i32, i32) {
    %c0_i32 = arith.constant 0 : i32
    %c0_i32_0 = arith.constant 0 : i32
    return %arg0, %c0_i32 : i32, i32
  }
  func.func @transform_1(%arg0: i32) -> (i32, i32) {
    %c0_i32 = arith.constant 0 : i32
    %c0_i32_0 = arith.constant 0 : i32
    %c0_i32_1 = arith.constant 0 : i32
    return %c0_i32, %c0_i32_0 : i32, i32
  }
  func.func @transform_2(%arg0: i32) -> (i32, i32) {
    %c0_i32 = arith.constant 0 : i32
    %c0_i32_0 = arith.constant 0 : i32
    return %arg0, %c0_i32 : i32, i32
  }
  func.func @transform_3(%arg0: i32) -> (i32, i32) {
    %c0_i32 = arith.constant 0 : i32
    %c0_i32_0 = arith.constant 0 : i32
    return %arg0, %c0_i32 : i32, i32
  }
  func.func @transform_4(%arg0: i32) -> (i32, i32) {
    %c0_i32 = arith.constant 0 : i32
    %c0_i32_0 = arith.constant 0 : i32
    %c0_i32_1 = arith.constant 0 : i32
    return %c0_i32, %c0_i32_0 : i32, i32
  }
  func.func @transform_5(%arg0: i32) -> (i32, i32) {
    %c0_i32 = arith.constant 0 : i32
    %c0_i32_0 = arith.constant 0 : i32
    %c0_i32_1 = arith.constant 0 : i32
    return %c0_i32, %c0_i32_0 : i32, i32
  }
  func.func @transform_6(%arg0: i32) -> (i32, i32) {
    %c0_i32 = arith.constant 0 : i32
    %c0_i32_0 = arith.constant 0 : i32
    %c0_i32_1 = arith.constant 0 : i32
    return %c0_i32, %c0_i32_0 : i32, i32
  }
  func.func @transform_7(%arg0: i32) -> (i32, i32) {
    %c0_i32 = arith.constant 0 : i32
    %c0_i32_0 = arith.constant 0 : i32
    %c0_i32_1 = arith.constant 0 : i32
    return %c0_i32, %c0_i32_0 : i32, i32
  }
  func.func @transform_8(%arg0: i32) -> (i32, i32) {
    %c0_i32 = arith.constant 0 : i32
    %c0_i32_0 = arith.constant 0 : i32
    return %arg0, %c0_i32 : i32, i32
  }
  func.func @transform_9(%arg0: i32) -> (i32, i32) {
    %c0_i32 = arith.constant 0 : i32
    %c0_i32_0 = arith.constant 0 : i32
    return %arg0, %c0_i32 : i32, i32
  }
}

module attributes {stable_mosaic.version = 14 : i64} {
  func.func @_last_body(%arg0: i32, %arg1: memref<3128x64xf32, #tpu.memory_space<vmem>>, %arg2: memref<2x64xf32, #tpu.memory_space<vmem>>, %arg3: memref<3128x64xf32, #tpu.memory_space<vmem>>, %arg4: memref<1x64xf32, #tpu.memory_space<vmem>>, %arg5: memref<1x64xf32, #tpu.memory_space<vmem>>, %arg6: memref<1x64xf32, #tpu.memory_space<vmem>>, %arg7: memref<64x32xf32, #tpu.memory_space<vmem>>, %arg8: memref<1x32xf32, #tpu.memory_space<vmem>>, %arg9: memref<32x1xf32, #tpu.memory_space<vmem>>, %arg10: memref<1x1xf32, #tpu.memory_space<vmem>>, %arg11: memref<3128x64xf32, #tpu.memory_space<vmem>>, %arg12: memref<1x64xf32, #tpu.memory_space<vmem>>, %arg13: memref<3128x1xf32, #tpu.memory_space<vmem>>) attributes {dimension_semantics = [#tpu.dimension_semantics<arbitrary>], iteration_bounds = array<i64: 16>, scalar_prefetch = 0 : i64, scratch_operands = 0 : i64, tpu.core_type = #tpu.core_type<tc>, window_params = [{transform_indices = @transform_0, window_bounds = array<i64: 3128, 64>}, {pipeline_mode = #tpu.pipeline_mode<synchronous>, transform_indices = @transform_1, window_bounds = array<i64: 2, 64>}, {transform_indices = @transform_2, window_bounds = array<i64: 3128, 64>}, {pipeline_mode = #tpu.pipeline_mode<synchronous>, transform_indices = @transform_3, window_bounds = array<i64: 1, 64>}, {pipeline_mode = #tpu.pipeline_mode<synchronous>, transform_indices = @transform_4, window_bounds = array<i64: 1, 64>}, {pipeline_mode = #tpu.pipeline_mode<synchronous>, transform_indices = @transform_5, window_bounds = array<i64: 1, 64>}, {pipeline_mode = #tpu.pipeline_mode<synchronous>, transform_indices = @transform_6, window_bounds = array<i64: 64, 32>}, {pipeline_mode = #tpu.pipeline_mode<synchronous>, transform_indices = @transform_7, window_bounds = array<i64: 1, 32>}, {pipeline_mode = #tpu.pipeline_mode<synchronous>, transform_indices = @transform_8, window_bounds = array<i64: 32, 1>}, {pipeline_mode = #tpu.pipeline_mode<synchronous>, transform_indices = @transform_9, window_bounds = array<i64: 1, 1>}, {transform_indices = @transform_10, window_bounds = array<i64: 3128, 64>}, {pipeline_mode = #tpu.pipeline_mode<synchronous>, transform_indices = @transform_11, window_bounds = array<i64: 1, 64>}, {transform_indices = @transform_12, window_bounds = array<i64: 3128, 1>}]} {
    %get3A = arith.constant 0 : index
    %get3A_0 = arith.constant 0 : index
    %get3A_1 = vector.load %arg3[%get3A, %get3A_0] : memref<3128x64xf32, #tpu.memory_space<vmem>>, vector<3128x64xf32>
    %get3A_2 = arith.constant 0 : index
    %get3A_3 = arith.constant 0 : index
    %get3A_4 = vector.load %arg1[%get3A_2, %get3A_3] : memref<3128x64xf32, #tpu.memory_space<vmem>>, vector<3128x64xf32>
    %get3A_5 = arith.constant 0 : index
    %get3A_6 = arith.constant 0 : index
    %get3A_7 = vector.load %arg2[%get3A_5, %get3A_6] : memref<2x64xf32, #tpu.memory_space<vmem>>, vector<2x64xf32>
    %get3A_8 = arith.constant 0 : index
    %get3A_9 = arith.constant 0 : index
    %get3A_10 = vector.load %arg4[%get3A_8, %get3A_9] : memref<1x64xf32, #tpu.memory_space<vmem>>, vector<1x64xf32>
    %get3A_11 = arith.constant 0 : index
    %get3A_12 = arith.constant 0 : index
    %get3A_13 = vector.load %arg5[%get3A_11, %get3A_12] : memref<1x64xf32, #tpu.memory_space<vmem>>, vector<1x64xf32>
    %get3A_14 = arith.constant 0 : index
    %get3A_15 = arith.constant 0 : index
    %get3A_16 = vector.load %arg6[%get3A_14, %get3A_15] : memref<1x64xf32, #tpu.memory_space<vmem>>, vector<1x64xf32>
    %slice3A = vector.extract_strided_slice %get3A_7 {offsets = [0, 0], sizes = [1, 64], strides = [1, 1]} : vector<2x64xf32> to vector<1x64xf32>
    %mul3A = arith.constant 2.000000e-05 : f32
    %mul3A_17 = vector.broadcast %mul3A : f32 to vector<1x64xf32>
    %mul3A_18 = arith.mulf %slice3A, %mul3A_17 : vector<1x64xf32>
    %slice3A_19 = vector.extract_strided_slice %get3A_7 {offsets = [1, 0], sizes = [1, 64], strides = [1, 1]} : vector<2x64xf32> to vector<1x64xf32>
    %mul3A_20 = arith.constant 2.000000e-05 : f32
    %mul3A_21 = vector.broadcast %mul3A_20 : f32 to vector<1x64xf32>
    %mul3A_22 = arith.mulf %slice3A_19, %mul3A_21 : vector<1x64xf32>
    %mul3A_23 = arith.mulf %mul3A_18, %mul3A_18 : vector<1x64xf32>
    %mul3A_24 = arith.mulf %mul3A_23, %get3A_16 : vector<1x64xf32>
    %sub3A = arith.constant 2.000000e+00 : f32
    %sub3A_25 = vector.broadcast %sub3A : f32 to vector<1x64xf32>
    %sub3A_26 = arith.subf %sub3A_25, %get3A_16 : vector<1x64xf32>
    %mul3A_27 = arith.mulf %mul3A_24, %sub3A_26 : vector<1x64xf32>
    %sub3A_28 = arith.subf %mul3A_22, %mul3A_27 : vector<1x64xf32>
    %add3A = arith.constant 9.99999974E-6 : f32
    %add3A_29 = vector.broadcast %add3A : f32 to vector<1x64xf32>
    %add3A_30 = arith.addf %sub3A_28, %add3A_29 : vector<1x64xf32>
    %rsqrt3A = math.rsqrt %add3A_30 : vector<1x64xf32>
    %mul3A_31 = arith.mulf %mul3A_18, %get3A_16 : vector<1x64xf32>
    %sub3A_32 = vector.broadcast %mul3A_31 : vector<1x64xf32> to vector<3128x64xf32>
    %sub3A_33 = arith.subf %get3A_4, %sub3A_32 : vector<3128x64xf32>
    %mul3A_34 = vector.broadcast %get3A_10 : vector<1x64xf32> to vector<3128x64xf32>
    %mul3A_35 = arith.mulf %mul3A_34, %sub3A_33 : vector<3128x64xf32>
    %mul3A_36 = vector.broadcast %rsqrt3A : vector<1x64xf32> to vector<3128x64xf32>
    %mul3A_37 = arith.mulf %mul3A_35, %mul3A_36 : vector<3128x64xf32>
    %add3A_38 = vector.broadcast %get3A_13 : vector<1x64xf32> to vector<3128x64xf32>
    %add3A_39 = arith.addf %mul3A_37, %add3A_38 : vector<3128x64xf32>
    %max3A = arith.constant 0.000000e+00 : f32
    %max3A_40 = vector.broadcast %max3A : f32 to vector<3128x64xf32>
    %max3A_41 = arith.maximumf %add3A_39, %max3A_40 : vector<3128x64xf32>
    %add3A_42 = arith.addf %get3A_1, %max3A_41 : vector<3128x64xf32>
    %swap3A = arith.constant 0 : index
    %swap3A_43 = arith.constant 0 : index
    %swap3A_44 = vector.load %arg11[%swap3A, %swap3A_43] : memref<3128x64xf32, #tpu.memory_space<vmem>>, vector<3128x64xf32>
    tpu.vector_store %arg11[%swap3A, %swap3A_43], %add3A_42 {strides = array<i32>} : memref<3128x64xf32, #tpu.memory_space<vmem>>, vector<3128x64xf32>,
    %mul3A_45 = arith.constant 3128 : i32
    %mul3A_46 = arith.muli %arg0, %mul3A_45 : i32
    %iota3A = tpu.iota {dimensions = array<i32: 0>} : vector<3128x1xi32>
    %add3A_47 = vector.broadcast %mul3A_46 : i32 to vector<3128x1xi32>
    %add3A_48 = arith.addi %add3A_47, %iota3A : vector<3128x1xi32>
    %eq3A = arith.constant 0 : i32
    %eq3A_49 = arith.cmpi eq, %arg0, %eq3A : i32
    %convert_element_type3A = arith.extui %eq3A_49 : i1 to i32
    %cond3A = arith.constant 0 : i32
    %cond3A_50 = arith.cmpi ne, %convert_element_type3A, %cond3A : i32
    scf.if %cond3A_50 {
      %broadcast_in_dim3A_96 = arith.constant 0.000000e+00 : f32
      %broadcast_in_dim3A_97 = vector.broadcast %broadcast_in_dim3A_96 : f32 to vector<1x64xf32>
      %swap3A_98 = arith.constant 0 : index
      %swap3A_99 = arith.constant 0 : index
      %swap3A_100 = vector.load %arg12[%swap3A_98, %swap3A_99] : memref<1x64xf32, #tpu.memory_space<vmem>>, vector<1x64xf32>
      tpu.vector_store %arg12[%swap3A_98, %swap3A_99], %broadcast_in_dim3A_97 {strides = array<i32>} : memref<1x64xf32, #tpu.memory_space<vmem>>, vector<1x64xf32>,
    } else {
    }
    %get3A_51 = arith.constant 0 : index
    %get3A_52 = arith.constant 0 : index
    %get3A_53 = vector.load %arg12[%get3A_51, %get3A_52] : memref<1x64xf32, #tpu.memory_space<vmem>>, vector<1x64xf32>
    %get3A_54 = vector.shape_cast %get3A_53 : vector<1x64xf32> to vector<64xf32>
    %lt3A = arith.constant 50000 : i32
    %lt3A_55 = vector.broadcast %lt3A : i32 to vector<3128x1xi32>
    %lt3A_56 = arith.cmpi slt, %add3A_48, %lt3A_55 : vector<3128x1xi32>
    %jit3A = arith.constant 0.000000e+00 : f32
    %broadcast_in_dim3A = vector.shape_cast %lt3A_56 : vector<3128x1xi1> to vector<3128x1xi1>
    %broadcast_in_dim3A_57 = vector.broadcast %broadcast_in_dim3A : vector<3128x1xi1> to vector<3128x64xi1>
    %broadcast_in_dim3A_58 = vector.broadcast %jit3A : f32 to vector<3128x64xf32>
    %select_n3A = arith.select %broadcast_in_dim3A_57, %add3A_42, %broadcast_in_dim3A_58 : vector<3128x64xi1>, vector<3128x64xf32>
    %reduce_sum3A = arith.constant dense<0.000000e+00> : vector<64xf32>
    %reduce_sum3A_59 = vector.multi_reduction <add>, %select_n3A, %reduce_sum3A [0] : vector<3128x64xf32> to vector<64xf32>
    %add3A_60 = arith.addf %get3A_54, %reduce_sum3A_59 : vector<64xf32>
    %swap3A_61 = arith.constant 0 : index
    %swap3A_62 = arith.constant 0 : index
    %swap3A_63 = vector.load %arg12[%swap3A_61, %swap3A_62] : memref<1x64xf32, #tpu.memory_space<vmem>>, vector<1x64xf32>
    %swap3A_64 = vector.shape_cast %swap3A_63 : vector<1x64xf32> to vector<64xf32>
    %swap3A_65 = vector.shape_cast %add3A_60 : vector<64xf32> to vector<1x64xf32>
    tpu.vector_store %arg12[%swap3A_61, %swap3A_62], %swap3A_65 {strides = array<i32>} : memref<1x64xf32, #tpu.memory_space<vmem>>, vector<1x64xf32>,
    %get3A_66 = arith.constant 0 : index
    %get3A_67 = arith.constant 0 : index
    %get3A_68 = vector.load %arg7[%get3A_66, %get3A_67] : memref<64x32xf32, #tpu.memory_space<vmem>>, vector<64x32xf32>
    %dot_general3A = arith.constant dense<0.000000e+00> : vector<3128x32xf32>
    %dot_general3A_69 = tpu.matmul %add3A_42, %get3A_68, %dot_general3A {dimension_numbers = #tpu.dot_dimension_numbers<[1], [0], [0], [1], [0, 0, 1, 1], [], []>, transpose_lhs_hint = false} : vector<3128x64xf32>, vector<64x32xf32>, vector<3128x32xf32> -> vector<3128x32xf32>
    %get3A_70 = arith.constant 0 : index
    %get3A_71 = arith.constant 0 : index
    %get3A_72 = vector.load %arg8[%get3A_70, %get3A_71] : memref<1x32xf32, #tpu.memory_space<vmem>>, vector<1x32xf32>
    %add3A_73 = vector.broadcast %get3A_72 : vector<1x32xf32> to vector<3128x32xf32>
    %add3A_74 = arith.addf %dot_general3A_69, %add3A_73 : vector<3128x32xf32>
    %max3A_75 = arith.constant 0.000000e+00 : f32
    %max3A_76 = vector.broadcast %max3A_75 : f32 to vector<3128x32xf32>
    %max3A_77 = arith.maximumf %add3A_74, %max3A_76 : vector<3128x32xf32>
    %get3A_78 = arith.constant 0 : index
    %get3A_79 = arith.constant 0 : index
    %get3A_80 = vector.load %arg9[%get3A_78, %get3A_79] : memref<32x1xf32, #tpu.memory_space<vmem>>, vector<32x1xf32>
    %dot_general3A_81 = arith.constant dense<0.000000e+00> : vector<3128x1xf32>
    %dot_general3A_82 = tpu.matmul %max3A_77, %get3A_80, %dot_general3A_81 {dimension_numbers = #tpu.dot_dimension_numbers<[1], [0], [0], [1], [0, 0, 1, 1], [], []>, transpose_lhs_hint = false} : vector<3128x32xf32>, vector<32x1xf32>, vector<3128x1xf32> -> vector<3128x1xf32>
    %get3A_83 = arith.constant 0 : index
    %get3A_84 = arith.constant 0 : index
    %get3A_85 = vector.load %arg10[%get3A_83, %get3A_84] : memref<1x1xf32, #tpu.memory_space<vmem>>, vector<1x1xf32>
    %add3A_86 = vector.broadcast %get3A_85 : vector<1x1xf32> to vector<3128x1xf32>
    %add3A_87 = arith.addf %dot_general3A_82, %add3A_86 : vector<3128x1xf32>
    %logistic3A = arith.negf %add3A_87 : vector<3128x1xf32>
    %logistic3A_88 = math.exp %logistic3A : vector<3128x1xf32>
    %logistic3A_89 = arith.constant 1.000000e+00 : f32
    %logistic3A_90 = vector.broadcast %logistic3A_89 : f32 to vector<3128x1xf32>
    %logistic3A_91 = arith.addf %logistic3A_90, %logistic3A_88 : vector<3128x1xf32>
    %logistic3A_92 = arith.divf %logistic3A_90, %logistic3A_91 : vector<3128x1xf32>
    %swap3A_93 = arith.constant 0 : index
    %swap3A_94 = arith.constant 0 : index
    %swap3A_95 = vector.load %arg13[%swap3A_93, %swap3A_94] : memref<3128x1xf32, #tpu.memory_space<vmem>>, vector<3128x1xf32>
    tpu.vector_store %arg13[%swap3A_93, %swap3A_94], %logistic3A_92 {strides = array<i32>} : memref<3128x1xf32, #tpu.memory_space<vmem>>, vector<3128x1xf32>,
    return
  }
  func.func @transform_0(%arg0: i32) -> (i32, i32) {
    %c0_i32 = arith.constant 0 : i32
    %c0_i32_0 = arith.constant 0 : i32
    return %arg0, %c0_i32 : i32, i32
  }
  func.func @transform_1(%arg0: i32) -> (i32, i32) {
    %c0_i32 = arith.constant 0 : i32
    %c0_i32_0 = arith.constant 0 : i32
    %c0_i32_1 = arith.constant 0 : i32
    return %c0_i32, %c0_i32_0 : i32, i32
  }
  func.func @transform_2(%arg0: i32) -> (i32, i32) {
    %c0_i32 = arith.constant 0 : i32
    %c0_i32_0 = arith.constant 0 : i32
    return %arg0, %c0_i32 : i32, i32
  }
  func.func @transform_3(%arg0: i32) -> (i32, i32) {
    %c0_i32 = arith.constant 0 : i32
    %c0_i32_0 = arith.constant 0 : i32
    %c0_i32_1 = arith.constant 0 : i32
    return %c0_i32, %c0_i32_0 : i32, i32
  }
  func.func @transform_4(%arg0: i32) -> (i32, i32) {
    %c0_i32 = arith.constant 0 : i32
    %c0_i32_0 = arith.constant 0 : i32
    %c0_i32_1 = arith.constant 0 : i32
    return %c0_i32, %c0_i32_0 : i32, i32
  }
  func.func @transform_5(%arg0: i32) -> (i32, i32) {
    %c0_i32 = arith.constant 0 : i32
    %c0_i32_0 = arith.constant 0 : i32
    %c0_i32_1 = arith.constant 0 : i32
    return %c0_i32, %c0_i32_0 : i32, i32
  }
  func.func @transform_6(%arg0: i32) -> (i32, i32) {
    %c0_i32 = arith.constant 0 : i32
    %c0_i32_0 = arith.constant 0 : i32
    %c0_i32_1 = arith.constant 0 : i32
    return %c0_i32, %c0_i32_0 : i32, i32
  }
  func.func @transform_7(%arg0: i32) -> (i32, i32) {
    %c0_i32 = arith.constant 0 : i32
    %c0_i32_0 = arith.constant 0 : i32
    %c0_i32_1 = arith.constant 0 : i32
    return %c0_i32, %c0_i32_0 : i32, i32
  }
  func.func @transform_8(%arg0: i32) -> (i32, i32) {
    %c0_i32 = arith.constant 0 : i32
    %c0_i32_0 = arith.constant 0 : i32
    %c0_i32_1 = arith.constant 0 : i32
    return %c0_i32, %c0_i32_0 : i32, i32
  }
  func.func @transform_9(%arg0: i32) -> (i32, i32) {
    %c0_i32 = arith.constant 0 : i32
    %c0_i32_0 = arith.constant 0 : i32
    %c0_i32_1 = arith.constant 0 : i32
    return %c0_i32, %c0_i32_0 : i32, i32
  }
  func.func @transform_10(%arg0: i32) -> (i32, i32) {
    %c0_i32 = arith.constant 0 : i32
    %c0_i32_0 = arith.constant 0 : i32
    return %arg0, %c0_i32 : i32, i32
  }
  func.func @transform_11(%arg0: i32) -> (i32, i32) {
    %c0_i32 = arith.constant 0 : i32
    %c0_i32_0 = arith.constant 0 : i32
    %c0_i32_1 = arith.constant 0 : i32
    return %c0_i32, %c0_i32_0 : i32, i32
  }
  func.func @transform_12(%arg0: i32) -> (i32, i32) {
    %c0_i32 = arith.constant 0 : i32
    %c0_i32_0 = arith.constant 0 : i32
    return %arg0, %c0_i32 : i32, i32
  }
}

module attributes {stable_mosaic.version = 14 : i64} {
  func.func @_heads_body(%arg0: memref<1x64xf32, #tpu.memory_space<vmem>>, %arg1: memref<64x64xf32, #tpu.memory_space<vmem>>, %arg2: memref<1x64xf32, #tpu.memory_space<vmem>>, %arg3: memref<64x32xf32, #tpu.memory_space<vmem>>, %arg4: memref<1x32xf32, #tpu.memory_space<vmem>>, %arg5: memref<32x2xf32, #tpu.memory_space<vmem>>, %arg6: memref<1x2xf32, #tpu.memory_space<vmem>>, %arg7: memref<1x2xf32, #tpu.memory_space<vmem>>, %arg8: memref<1x2xf32, #tpu.memory_space<vmem>>, %arg9: memref<1x64xf32, #tpu.memory_space<vmem>>) attributes {dimension_semantics = [], scalar_prefetch = 0 : i64, scratch_operands = 0 : i64, tpu.core_type = #tpu.core_type<tc>} {
    %get3A = arith.constant 0 : index
    %get3A_0 = arith.constant 0 : index
    %get3A_1 = vector.load %arg0[%get3A, %get3A_0] : memref<1x64xf32, #tpu.memory_space<vmem>>, vector<1x64xf32>
    %mul3A = arith.constant 2.000000e-05 : f32
    %mul3A_2 = vector.broadcast %mul3A : f32 to vector<1x64xf32>
    %mul3A_3 = arith.mulf %get3A_1, %mul3A_2 : vector<1x64xf32>
    %swap3A = arith.constant 0 : index
    %swap3A_4 = arith.constant 0 : index
    %swap3A_5 = vector.load %arg9[%swap3A, %swap3A_4] : memref<1x64xf32, #tpu.memory_space<vmem>>, vector<1x64xf32>
    tpu.vector_store %arg9[%swap3A, %swap3A_4], %mul3A_3 {strides = array<i32>} : memref<1x64xf32, #tpu.memory_space<vmem>>, vector<1x64xf32>,
    %get3A_6 = arith.constant 0 : index
    %get3A_7 = arith.constant 0 : index
    %get3A_8 = vector.load %arg1[%get3A_6, %get3A_7] : memref<64x64xf32, #tpu.memory_space<vmem>>, vector<64x64xf32>
    %dot_general3A = arith.constant dense<0.000000e+00> : vector<1x64xf32>
    %dot_general3A_9 = tpu.matmul %mul3A_3, %get3A_8, %dot_general3A {dimension_numbers = #tpu.dot_dimension_numbers<[1], [0], [0], [1], [0, 0, 1, 1], [], []>, transpose_lhs_hint = false} : vector<1x64xf32>, vector<64x64xf32>, vector<1x64xf32> -> vector<1x64xf32>
    %get3A_10 = arith.constant 0 : index
    %get3A_11 = arith.constant 0 : index
    %get3A_12 = vector.load %arg2[%get3A_10, %get3A_11] : memref<1x64xf32, #tpu.memory_space<vmem>>, vector<1x64xf32>
    %add3A = arith.addf %dot_general3A_9, %get3A_12 : vector<1x64xf32>
    %max3A = arith.constant 0.000000e+00 : f32
    %max3A_13 = vector.broadcast %max3A : f32 to vector<1x64xf32>
    %max3A_14 = arith.maximumf %add3A, %max3A_13 : vector<1x64xf32>
    %get3A_15 = arith.constant 0 : index
    %get3A_16 = arith.constant 0 : index
    %get3A_17 = vector.load %arg3[%get3A_15, %get3A_16] : memref<64x32xf32, #tpu.memory_space<vmem>>, vector<64x32xf32>
    %dot_general3A_18 = arith.constant dense<0.000000e+00> : vector<1x32xf32>
    %dot_general3A_19 = tpu.matmul %max3A_14, %get3A_17, %dot_general3A_18 {dimension_numbers = #tpu.dot_dimension_numbers<[1], [0], [0], [1], [0, 0, 1, 1], [], []>, transpose_lhs_hint = false} : vector<1x64xf32>, vector<64x32xf32>, vector<1x32xf32> -> vector<1x32xf32>
    %get3A_20 = arith.constant 0 : index
    %get3A_21 = arith.constant 0 : index
    %get3A_22 = vector.load %arg4[%get3A_20, %get3A_21] : memref<1x32xf32, #tpu.memory_space<vmem>>, vector<1x32xf32>
    %add3A_23 = arith.addf %dot_general3A_19, %get3A_22 : vector<1x32xf32>
    %max3A_24 = arith.constant 0.000000e+00 : f32
    %max3A_25 = vector.broadcast %max3A_24 : f32 to vector<1x32xf32>
    %max3A_26 = arith.maximumf %add3A_23, %max3A_25 : vector<1x32xf32>
    %get3A_27 = arith.constant 0 : index
    %get3A_28 = arith.constant 0 : index
    %get3A_29 = vector.load %arg5[%get3A_27, %get3A_28] : memref<32x2xf32, #tpu.memory_space<vmem>>, vector<32x2xf32>
    %dot_general3A_30 = arith.constant dense<0.000000e+00> : vector<1x2xf32>
    %dot_general3A_31 = tpu.matmul %max3A_26, %get3A_29, %dot_general3A_30 {dimension_numbers = #tpu.dot_dimension_numbers<[1], [0], [0], [1], [0, 0, 1, 1], [], []>, transpose_lhs_hint = false} : vector<1x32xf32>, vector<32x2xf32>, vector<1x2xf32> -> vector<1x2xf32>
    %get3A_32 = arith.constant 0 : index
    %get3A_33 = arith.constant 0 : index
    %get3A_34 = vector.load %arg6[%get3A_32, %get3A_33] : memref<1x2xf32, #tpu.memory_space<vmem>>, vector<1x2xf32>
    %add3A_35 = arith.addf %dot_general3A_31, %get3A_34 : vector<1x2xf32>
    %swap3A_36 = arith.constant 0 : index
    %swap3A_37 = arith.constant 0 : index
    %swap3A_38 = vector.load %arg7[%swap3A_36, %swap3A_37] : memref<1x2xf32, #tpu.memory_space<vmem>>, vector<1x2xf32>
    tpu.vector_store %arg7[%swap3A_36, %swap3A_37], %add3A_35 {strides = array<i32>} : memref<1x2xf32, #tpu.memory_space<vmem>>, vector<1x2xf32>,
    %reduce_max3A = arith.constant dense<0xFF800000> : vector<1xf32>
    %reduce_max3A_39 = vector.multi_reduction <maximumf>, %add3A_35, %reduce_max3A [1] : vector<1x2xf32> to vector<1xf32>
    %broadcast_in_dim3A = vector.shape_cast %reduce_max3A_39 : vector<1xf32> to vector<1x1xf32>
    %sub3A = vector.broadcast %broadcast_in_dim3A : vector<1x1xf32> to vector<1x2xf32>
    %sub3A_40 = arith.subf %add3A_35, %sub3A : vector<1x2xf32>
    %exp3A = math.exp %sub3A_40 : vector<1x2xf32>
    %reduce_sum3A = arith.constant dense<0.000000e+00> : vector<1xf32>
    %reduce_sum3A_41 = vector.multi_reduction <add>, %exp3A, %reduce_sum3A [1] : vector<1x2xf32> to vector<1xf32>
    %broadcast_in_dim3A_42 = vector.shape_cast %reduce_sum3A_41 : vector<1xf32> to vector<1x1xf32>
    %div3A = vector.broadcast %broadcast_in_dim3A_42 : vector<1x1xf32> to vector<1x2xf32>
    %div3A_43 = arith.divf %exp3A, %div3A : vector<1x2xf32>
    %swap3A_44 = arith.constant 0 : index
    %swap3A_45 = arith.constant 0 : index
    %swap3A_46 = vector.load %arg8[%swap3A_44, %swap3A_45] : memref<1x2xf32, #tpu.memory_space<vmem>>, vector<1x2xf32>
    tpu.vector_store %arg8[%swap3A_44, %swap3A_45], %div3A_43 {strides = array<i32>} : memref<1x2xf32, #tpu.memory_space<vmem>>, vector<1x2xf32>,
    return
  }
}

</mosaic_0001>

<sc_bundles>
// kernel: kernel.15.cloned.1.call-start
scs
__scs_entry_jumppad:
0x0: {  	(pc) =	sbr.rel $0x88, $3  }
0x1: {  	(tag) =	ssettag $0x0;
	lr =	simm.s32 $0x1  }
0x2: {  	[smem:$0x3F8E] =	sst lr;
	_ =	strace $0xD0000000  }
0x3: {  	_ = 	snop  }
0x4: {  	_ = 	snop  }
0x5: {  	_ = 	snop  }
0x6: {  	_ = 	snop  }
0x7: {  	_ = 	snop  }
__scs_overlays_trampoline_lowered:
0x8: {  	[smem:$0x3F9D] =	sst s0  }
0x9: {  	[smem:$0x3F9E] =	sst s1  }
0xa: {  	[smem:$0x3F9F] =	sst s2  }
0xb: {  	[smem:$0x3FA0] =	sst s3  }
0xc: {  	[smem:$0x3FA1] =	sst s4  }
0xd: {  	[smem:$0x3FA2] =	sst s5  }
0xe: {  	[smem:$0x3FA3] =	sst s6  }
0xf: {  	[smem:$0x3FA4] =	sst s7  }
0x10: {  	[smem:$0x3FA5] =	sst s8  }
0x11: {  	[smem:$0x3FA6] =	sst s9;
	s0 =	simm.s32 @!p0 $0x0  }
0x12: {  	s1 =	sld [smem:$0x3F8C];
	s0 =	simm.s32 @p0 $0x1  }
0x13: {  	[smem:$0x3FA7] =	sst s0;
	s0 =	simm.s32 @!p1 $0x0  }
0x14: {  	s2 =	sld [smem:$0x3F8B];
	s0 =	simm.s32 @p1 $0x1  }
0x15: {  	[smem:$0x3FA8] =	sst s0;
	s0 =	simm.s32 @!p2 $0x0  }
0x16: {  	s3 =	sld [smem:$0x3FDB];
	s0 =	simm.s32 @p2 $0x1  }
0x17: {  	s4 =	simm.s32 $0x1BF5;
	[smem:$0x3FAA] =	sst s0  }
0x18: {  	s0 =	sld [smem:$0x3F8D];
	_ =	swait.ge [sflag:s4], $0x0  }
0x19: {  	s7 =	sld [smem:$0x3F8E]  }
0x1a: {  	s8 =	sadd.s32 $0xFFFFE003, lr  }
0x1b: {  	s9 =	sadd.s32 $0xFFFFFEF7, lr;
	s5 =	simm.s32 $0xFFFFFFFF;
	p2 =	slt.u32 s8, $0xFFFFF086  }
0x1c: {  	p1 =	slt.u32 s9, $0xF7A;
	s5 =	simm.s32 @!p2 $0x0  }
0x1d: {  	s5 =	simm.s32 @p1 $0x1;
	p0 =	seq.s32 s7, s2  }
0x1e: {  	s7 =	smul.u32 @!p0 $0xF7A, s2;
	p2 =	seq.s32 @!p0 s5, $0x0  }
0x1f: {  	s9 =	smul.u32 $0xF7A, s1;
	s8 =	simm.s32 @!p0 $0x1BF5;
	p2 =	por !p2, p0  }
0x20: {  	[sflag:s8] =	ssyncset.s32 @!p0 $0xFFFFF086;
	s6 =	sadd.s32 @!p0 s3, s7;
	s7 =	simm.s32 @!p0 $0x108  }
0x21: {  	s3 =	sadd.s32 s3, s9;
	s6 =	sadd.s32 @!p0 $0x88, s6;
	s7 =	simm.s32 @p2 $0x1082  }
0x22: {  	[simem:s7], [sflag:s8] =	dma.local @!p0 [hbm:s6], $0xF7A  }
0x23: {  	s9 =	sor.u32 $0xD0000000, s2;
	s6 =	simm.s32 $0x108;
	_ =	swait.ge @!p0 [sflag:s8], $0x0  }
0x24: {  	s3 =	sadd.s32 $0x88, s3;
	s6 =	simm.s32 @!p1 $0x1082;
	[sflag:s4] =	ssyncset.s32 $0xFFFFF086  }
0x25: {  	[simem:s6], [sflag:s4] =	dma.local [hbm:s3], $0xF7A  }
0x26: {  	[smem:$0x3F8E] =	sst s1;
	(tag) =	ssettag s2;
	_ =	strace s9  }
0x27: {  	s1 =	sld [smem:$0x3F9E]  }
0x28: {  	s2 =	sld [smem:$0x3F9F]  }
0x29: {  	s4 =	sld [smem:$0x3FA1]  }
0x2a: {  	p0 =	seq.s32 s5, $0x0;
	s5 =	sld [smem:$0x3FA2]  }
0x2b: {  	s6 =	sld [smem:$0x3FA3]  }
0x2c: {  	s7 =	sld [smem:$0x3FA4]  }
0x2d: {  	s3 =	simm.s32 $0x108;
	s8 =	sld [smem:$0x3FA5]  }
0x2e: {  	s3 =	simm.s32 @!p0 $0x1082;
	s9 =	sld [smem:$0x3FA6]  }
0x2f: {  	lr =	sadd.s32 s0, s3;
	s0 =	sld [smem:$0x3F9D]  }
0x30: {  	s3 =	sld [smem:$0x3FA0]  }
0x31: {  	[smem:$0x3FA9] =	sst s10  }
0x32: {  	s10 =	sld [smem:$0x3FA7];
	_ =	sdelay $0x3  }
0x33: {  	p0 =	seq.s32 s10, $0x1;
	s10 =	sld [smem:$0x3FA9];
	_ =	sdelay $0x3  }
0x34: {  	[smem:$0x3FA9] =	sst s10  }
0x35: {  	s10 =	sld [smem:$0x3FA8];
	_ =	sdelay $0x3  }
0x36: {  	p1 =	seq.s32 s10, $0x1;
	s10 =	sld [smem:$0x3FA9];
	_ =	sdelay $0x3  }
0x37: {  	[smem:$0x3FA9] =	sst s10  }
0x38: {  	s10 =	sld [smem:$0x3FAA]  }
0x39: {  	_ = 	snop;
	(pc) =	sbr.ind lr, $3  }
0x3a: {  	_ = 	snop  }
0x3b: {  	_ = 	snop  }
0x3c: {  	p2 =	seq.s32 s10, $0x1;
	s10 =	sld [smem:$0x3FA9]  }
0x3d: {  	_ =	shalt  }
0x3e: {  	_ =	shalt  }
0x3f: {  	_ =	shalt  }
0x40: {  	_ =	shalt  }
0x41: {  	_ =	shalt  }
0x42: {  	_ =	shalt  }
0x43: {  	_ =	shalt  }
0x44: {  	_ =	shalt  }
0x45: {  	_ =	shalt  }
0x46: {  	_ =	shalt  }
0x47: {  	_ =	shalt  }
0x48: {  	_ =	shalt  }
0x49: {  	_ =	shalt  }
0x4a: {  	_ =	shalt  }
0x4b: {  	_ =	shalt  }
0x4c: {  	_ =	shalt  }
0x4d: {  	_ =	shalt  }
0x4e: {  	_ =	shalt  }
0x4f: {  	_ =	shalt  }
0x50: {  	_ =	shalt  }
0x51: {  	_ =	shalt  }
0x52: {  	_ =	shalt  }
0x53: {  	_ =	shalt  }
0x54: {  	_ =	shalt  }
0x55: {  	_ =	shalt  }
0x56: {  	_ =	shalt  }
0x57: {  	_ =	shalt  }
0x58: {  	_ =	shalt  }
0x59: {  	_ =	shalt  }
0x5a: {  	_ =	shalt  }
0x5b: {  	_ =	shalt  }
0x5c: {  	_ =	shalt  }
0x5d: {  	_ =	shalt  }
0x5e: {  	_ =	shalt  }
0x5f: {  	_ =	shalt  }
0x60: {  	_ =	shalt  }
0x61: {  	_ =	shalt  }
0x62: {  	_ =	shalt  }
0x63: {  	_ =	shalt  }
0x64: {  	_ =	shalt  }
0x65: {  	_ =	shalt  }
0x66: {  	_ =	shalt  }
0x67: {  	_ =	shalt  }
0x68: {  	_ =	shalt  }
0x69: {  	_ =	shalt  }
0x6a: {  	_ =	shalt  }
0x6b: {  	_ =	shalt  }
0x6c: {  	_ =	shalt  }
0x6d: {  	_ =	shalt  }
0x6e: {  	_ =	shalt  }
0x6f: {  	_ =	shalt  }
0x70: {  	_ =	shalt  }
0x71: {  	_ =	shalt  }
0x72: {  	_ =	shalt  }
0x73: {  	_ =	shalt  }
0x74: {  	_ =	shalt  }
0x75: {  	_ =	shalt  }
0x76: {  	_ =	shalt  }
0x77: {  	_ =	shalt  }
0x78: {  	_ =	shalt  }
0x79: {  	_ =	shalt  }
0x7a: {  	_ =	shalt  }
0x7b: {  	_ =	shalt  }
0x7c: {  	_ =	shalt  }
0x7d: {  	_ =	shalt  }
0x7e: {  	_ =	shalt  }
0x7f: {  	_ =	shalt  }
0x80: {  	_ =	shalt  }
0x81: {  	_ =	shalt  }
0x82: {  	_ =	shalt  }
0x83: {  	_ =	shalt  }
0x84: {  	_ =	shalt  }
0x85: {  	_ =	shalt  }
0x86: {  	_ =	shalt  }
0x87: {  	_ =	shalt  }
.Lfunc_end0:
.L_simem_size_0:
called_computation_lowered:
.L_overlay_start_0:
0x88: {  	s2 =	sld [smem:$0x3FD9]  }
0x89: {  	s3 =	sld [smem:$0x3FFE];
	_ =	sdelay $0x1  }
0x8a: {  	s1 =	srdreg.scid  }
0x8b: {  	s0 =	sand.u32 $0x1, s1  }
0x8c: {  	s14 =	sshll.u32 s0, $0xA;
	s2 =	sadd.s32 s3, s2  }
0x8d: {  	s2 =	sadd.s32 s2, s14  }
0x8e: {  	[smem:$0x3FB5] =	sst s2  }
0x8f: {  	_ = 	snop  }
0x90: {  	s2 =	sld [smem:$0x3FD0];
	_ =	sdelay $0x2  }
0x91: {  	s15 =	simm.s32 $0xA;
	s4 =	simm.s32 $0x10  }
0x92: {  	[smem:s4], [sflag:s15] =	dma.local [hbm:s2], $0x1  }
0x93: {  	_ =	swait.eq [sflag:s15], $0x1  }
0x94: {  	[sflag:s15] =	ssyncset.done $0x0  }
0x95: {  	[sflag:s15] =	ssyncadd.s32 $0xFFFFFFFF  }
0x96: {  	s16 =	sld [smem:$0x13];
	(tm) =	ssettm $0x1  }
0x97: {  	s17 =	sld [smem:$0x3FFB];
	_ =	sdelay $0x3  }
0x98: {  	_ =	strace s17  }
0x99: {  	s3 =	sld [smem:$0x3FFC];
	_ =	sdelay $0x3  }
0x9a: {  	_ =	strace s3  }
0x9b: {  	s3 =	sld [smem:$0x3FFD];
	_ =	sdelay $0x3  }
0x9c: {  	_ =	strace s3  }
0x9d: {  	_ =	strace $0x8FFFFFFF  }
0x9e: {  	s18 =	sld [smem:$0x3FDB];
	_ =	sdelay $0x1  }
0x9f: {  	s19 =	simm.s32 $_scs_section_size  }
0xa0: {  	s5 =	simm.s32 $_size__tile_overlayer_lowered;
	s6 =	simm.s32 $_tile_overlayer_lowered  }
0xa1: {  	s22 =	simm.s32 $0x1BFF;
	s21 =	sshll.u32 s6, $0x1;
	s3 =	sadd.s32 s19, s18  }
0xa2: {  	s7 =	simm.s32 $0x0;
	s20 =	sshll.u32 s5, $0x1;
	s5 =	sadd.s32 s21, s3  }
0xa3: {  	[timem:s7], [sflag:s22] =	dma.local [hbm:s5], s20  }
0xa4: {  	_ =	swait.ge [sflag:s22], s20  }
0xa5: {  	s4 =	ssub.s32 $0x0, s20;
	[sflag:s22] =	ssyncset.done $0x0  }
0xa6: {  	[sflag:s22] =	ssyncadd.s32 s4;
	_ =	sdelay $0x1  }
0xa7: {  	s23 =	simm.s32 $0x1B8B  }
0xa8: {  	_ =	swait.ge [sflag:s23], $0x1  }
0xa9: {  	[sflag:s23] =	ssyncset.done $0x0  }
0xaa: {  	s25 =	simm.s32 $0x1B8E;
	s24 =	sld [smem:$0x3FFE];
	[sflag:s23] =	ssyncadd.s32 $0xFFFFFFFF  }
0xab: {  	s26 =	simm.s32 $execute0_lowered;
	[smem:$0x3FD2] =	sst s25  }
0xac: {  	s5 =	sshll.u32 s26, $0x1;
	_ =	strace $0x80000046;
	[dreg:$0x1] =	wrdreg $0xFFFFFFFF  }
0xad: {  	s28 =	simm.s32 $_size_execute0_lowered;
	s3 =	sadd.s32 s3, s5;
	[dreg:$0x0] =	wrdreg $0x0  }
0xae: {  	s5 =	sshll.u32 s28, $0x1;
	[dreg:$0x2] =	wrdreg s3  }
0xaf: {  	[dreg:$0x3] =	wrdreg s5  }
0xb0: {  	[dreg:$0x4] =	wrdreg $0xC0  }
0xb1: {  	_ =	task [dreg:s7], $0x5FFFF  }
0xb2: {  	[dreg:$0x1] =	wrdreg $0xFFFFFFFF  }
0xb3: {  	[dreg:$0x0] =	wrdreg $0x60  }
0xb4: {  	[dreg:$0x2] =	wrdreg s24  }
0xb5: {  	[dreg:$0x3] =	wrdreg s16  }
0xb6: {  	[dreg:$0x4] =	wrdreg $0x18C00  }
0xb7: {  	[dreg:$0x5] =	wrdreg $0x9  }
0xb8: {  	_ =	task.clear_ibuf [dreg:s7], $0x6FFFF;
	_ =	strace $0x90000046  }
0xb9: {  	s29 =	simm.s32 $0x9;
	_ =	strace $0x80000048  }
0xba: {  	_ =	swait.ge [sflag:s29], $0x1  }
0xbb: {  	[sflag:s29] =	ssyncadd.s32 $0xFFFFFFFF  }
0xbc: {  	_ =	strace $0x90000048  }
0xbd: {  	_ =	sfence  }
0xbe: {  	s30 =	sld [smem:$0x0];
	_ =	sdelay $0x2  }
0xbf: {  	s31 =	sshll.u32 s1, $0xD;
	s1 =	sshrl.u32 s1, $0x2  }
0xc0: {  	s3 =	sand.u32 $0x4000, s31;
	s1 =	sadd.s32 s1, s30  }
0xc1: {  	s0 =	sor.u32 s3, s0;
	s1 =	sshll.u32 s1, $0x11  }
0xc2: {  	s0 =	sor.u32 s1, s0  }
0xc3: {  	s0 =	sadd.s32 $0x8F2B, s0  }
0xc4: {  	[sflag:s0] =	ssyncadd.remote.s32 $0x1  }
0xc5: {  	_ =	sfence.sel $0xFFFF  }
0xc6: {  	[dreg:$0x0] =	wrdreg $0xFFFFFFFF;
	(pc) =	sbr.abs _section_cstart, $3  }
0xc7: {  	[dreg:$0x1] =	wrdreg $0xFFFFFFFF  }
0xc8: {  	_ =	task.clear_ibuf [dreg:s7], $0x2FFFF;
	_ =	strace $0x9FFFFFFF  }
0xc9: {  	(tm) =	ssettm $0x7FFFFFFF  }
tec
execute0_lowered:
.L_overlay_start_1:
0x0: {  	(tag) =	ssettag $0x1  }
0x1: {  	s4 =	rddreg [dreg:$0x0]  }
0x2: {  	s7 =	rddreg [dreg:$0x1]  }
0x3: {  	s2 =	rddreg [dreg:$0x2]  }
0x4: {  	s0 =	rddreg [dreg:$0x3];
	s1 =	stileid.u32  }
0x5: {  	s5 =	srdreg.scid;
	s3 =	simm.s32 $0x0;
	s6 =	smul.u32 $0xC38, s1  }
0x6: {  	s13 =	simm.s32 $0x10C0;
	s14 =	simm.s32 $0x1;
	s10 =	smul.u32 $0xC8, s1  }
0x7: {  	s15 =	simm.s32 $0x0;
	s5 =	sand.u32 $0x1, s5;
	s30 =	smul.u32 $0xC80, s1  }
0x8: {  	[smem:$0x7FF] =	sst s3;
	s11 =	sadd.s32 $0x4600, s4;
	s8 =	smul.u32 $0xC80, s5  }
0x9: {  	_ =	strace $0x80000047;
	s9 =	ssub.s32 $0x2, s5;
	s12 =	smul.u32 $0xC380, s5  }
0xa: {  	s28 =	smul.u32 $0xC800, s5;
	s26 =	sshrl.u32 s9, $0x1;
	s4 =	sadd.s32 s6, s2  }
0xb: {  	s9 =	ssub.s32 s9, s26;
	s8 =	sadd.s32 s10, s8;
	s12 =	sadd.s32 s6, s12  }
0xc: {  	s10 =	sadd.s32 s28, s11;
	s29 =	sshll.u32 s8, $0x4;
	s31 =	sshrl.u32 s12, $0x3  }
0xd: {  	s10 =	sadd.s32 s30, s10;
	s8 =	smax.u32 s9, $0x1;
	s12 =	simm.s32 $0xCC0  }
0xe: {  	s5 =	sadd.s32 s11, s29;
	s7 =	sadd.s32 s7, s31;
	s9 =	sadd.s32 $0x100, s10  }
0xf: {  	v0 =	vimm.f32 $1.000000000e+00;
	v1 =	vimm.f32 $0.0e+00;
	s10 =	simm.s32 $0x80;
	s11 =	simm.s32 $0x3;
	s6 =	sadd.s32 $0x80, s5  }
.LBB2_1:
0x10: {  	[tilespmem:$0x0] =	vst v0  }
0x11: {  	[tilespmem:$0x10] =	vst v0  }
0x12: {  	[tilespmem:$0x20] =	vst v0  }
0x13: {  	[tilespmem:$0x30] =	vst v0  }
0x14: {  	[tilespmem:$0x40] =	vst v0  }
0x15: {  	[tilespmem:$0x50] =	vst v0  }
0x16: {  	[tilespmem:$0x60] =	vst v0  }
0x17: {  	[tilespmem:$0x70] =	vst v0;
	s16 =	simm.s32 $0x40;
	s17 =	simm.s32 $0x0  }
.LBB2_2:
0x18: {  	p0 =	sne.s32 s16, $0x30C0;
	[tilespmem:s17+$0x80] =	vst v1;
	s17 =	smov.u32 s16;
	s16 =	sadd.s32 $0x40, s16  }
.Ltmp0:
0x19: {  	(pc) =	sbr.rel @p0 .LBB2_2-.Ltmp0, $2  }
0x1a: {  	_ =	sdelay $0x2  }
0x1b: {  	s17 =	sshra.s32 s17, $0x2  }
0x1c: {  	[tilespmem:s17+$0x80] =	vst v1  }
0x1d: {  	[spmem:s4] =	stream.linear.scatter [tilespmem:s10], [sflag:$0x3], $0xC38, $0x38;
	[tilespmem:$0x24F8] =	vst v63  }
0x1e: {  	_ =	swait.ge [sflag:s11], $0xC38  }
0x1f: {  	[sflag:s11] =	ssyncset.done $0x0  }
0x20: {  	[sflag:s11] =	ssyncadd.s32 $0xFFFFF3C8  }
0x21: {  	s16 =	simm.s32 $0x0;
	[bflag:$0x0] =	sbarrier.arrive $0xFFFF  }
0x22: {  	[tilespmem:s12], [sflag:$0x3] =	stream.linear.gather [hbm4b:s5+s16], $0x400, $0x38;
	[tilespmem:$0x24F8] =	vst v63  }
0x23: {  	_ =	swait.ge [sflag:s11], $0x400  }
0x24: {  	[sflag:s11] =	ssyncset.done $0x0  }
0x25: {  	s17 =	smov.u32 s9;
	[sflag:s11] =	ssyncadd.s32 $0xFFFFFC00  }
0x26: {  	[tilespmem:s13], [sflag:$0x2] =	stream.linear.gather [hbm4b:s6+s16], $0x400, $0x38;
	[tilespmem:$0x24F8] =	vst v63  }
.LBB2_4:
0x27: {  	s18 =	smul.u32 $0xAB, s16;
	_ =	sdelay $0x1  }
0x28: {  	s19 =	sshrl.u32 s18, $0x9  }
0x29: {  	s19 =	sand.u32 $0x7F, s19  }
0x2a: {  	s19 =	smul.u32 $0x3, s19;
	_ =	sdelay $0x1  }
0x2b: {  	s19 =	ssub.s32 s16, s19  }
0x2c: {  	s19 =	sand.u32 $0xFF, s19  }
0x2d: {  	s19 =	sshll.u32 s19, $0xA  }
0x2e: {  	s20 =	sadd.s32 $0xCC0, s19  }
0x2f: {  	[spmem:s2] =	stream.indirect.scatter.add.f32 [tilespmem:s3], [sflag:$0x1], $0x1, s20, s10, $0xb8;
	[tilespmem:$0x24F8] =	vst v63  }
0x30: {  	s25 =	sadd.s32 $0xD40, s19  }
0x31: {  	[spmem:s2] =	stream.indirect.scatter.add.f32 [tilespmem:s3], [sflag:$0x1], $0x1, s25, s10, $0xb8;
	[tilespmem:$0x24F8] =	vst v63  }
0x32: {  	s26 =	sadd.s32 $0xDC0, s19  }
0x33: {  	[spmem:s2] =	stream.indirect.scatter.add.f32 [tilespmem:s3], [sflag:$0x1], $0x1, s26, s10, $0xb8;
	[tilespmem:$0x24F8] =	vst v63  }
0x34: {  	s28 =	sadd.s32 $0xE40, s19  }
0x35: {  	[spmem:s2] =	stream.indirect.scatter.add.f32 [tilespmem:s3], [sflag:$0x1], $0x1, s28, s10, $0xb8;
	[tilespmem:$0x24F8] =	vst v63  }
0x36: {  	s29 =	sadd.s32 $0xEC0, s19  }
0x37: {  	[spmem:s2] =	stream.indirect.scatter.add.f32 [tilespmem:s3], [sflag:$0x1], $0x1, s29, s10, $0xb8;
	[tilespmem:$0x24F8] =	vst v63  }
0x38: {  	s30 =	sadd.s32 $0xF40, s19  }
0x39: {  	[spmem:s2] =	stream.indirect.scatter.add.f32 [tilespmem:s3], [sflag:$0x1], $0x1, s30, s10, $0xb8;
	[tilespmem:$0x24F8] =	vst v63  }
0x3a: {  	s31 =	sadd.s32 $0xFC0, s19  }
0x3b: {  	[spmem:s2] =	stream.indirect.scatter.add.f32 [tilespmem:s3], [sflag:$0x1], $0x1, s31, s10, $0xb8;
	[tilespmem:$0x24F8] =	vst v63  }
0x3c: {  	p0 =	seq.s32 s16, $0x0;
	s19 =	sor.u32 $0x1040, s19  }
0x3d: {  	[spmem:s2] =	stream.indirect.scatter.add.f32 [tilespmem:s3], [sflag:$0x1], $0x1, s19, s10, $0xb8;
	[tilespmem:$0x24F8] =	vst v63  }
0x3e: {  	s19 =	simm.s32 @!p0 $0x1  }
0x3f: {  	_ =	swait.ge @!p0 [sflag:s19], $0x80  }
0x40: {  	[sflag:s19] =	ssyncset.done @!p0 $0x0  }
0x41: {  	[sflag:s19] =	ssyncadd.s32 @!p0 $0xFFFFFF80  }
0x42: {  	_ =	swait.ge @!p0 [sflag:s19], $0x80  }
0x43: {  	[sflag:s19] =	ssyncset.done @!p0 $0x0  }
0x44: {  	[sflag:s19] =	ssyncadd.s32 @!p0 $0xFFFFFF80  }
0x45: {  	_ =	swait.ge @!p0 [sflag:s19], $0x80  }
0x46: {  	[sflag:s19] =	ssyncset.done @!p0 $0x0  }
0x47: {  	[sflag:s19] =	ssyncadd.s32 @!p0 $0xFFFFFF80  }
0x48: {  	_ =	swait.ge @!p0 [sflag:s19], $0x80  }
0x49: {  	[sflag:s19] =	ssyncset.done @!p0 $0x0  }
0x4a: {  	[sflag:s19] =	ssyncadd.s32 @!p0 $0xFFFFFF80  }
0x4b: {  	_ =	swait.ge @!p0 [sflag:s19], $0x80  }
0x4c: {  	[sflag:s19] =	ssyncset.done @!p0 $0x0  }
0x4d: {  	[sflag:s19] =	ssyncadd.s32 @!p0 $0xFFFFFF80  }
0x4e: {  	_ =	swait.ge @!p0 [sflag:s19], $0x80  }
0x4f: {  	s18 =	sadd.s32 $0x156, s18;
	[sflag:s19] =	ssyncset.done @!p0 $0x0  }
0x50: {  	s18 =	sshrl.u32 s18, $0x9;
	[sflag:s19] =	ssyncadd.s32 @!p0 $0xFFFFFF80  }
0x51: {  	s18 =	sand.u32 $0x7F, s18;
	_ =	swait.ge @!p0 [sflag:s19], $0x80  }
0x52: {  	s18 =	smul.u32 $0x3, s18;
	[sflag:s19] =	ssyncset.done @!p0 $0x0  }
0x53: {  	[sflag:s19] =	ssyncadd.s32 @!p0 $0xFFFFFF80  }
0x54: {  	p1 =	seq.s32 @!p0 s16, $0x18;
	s18 =	ssub.s32 s16, s18;
	_ =	swait.ge @!p0 [sflag:s19], $0x80  }
0x55: {  	p1 =	por p0, !p1;
	s18 =	sadd.s32 $0x2, s18;
	[sflag:s19] =	ssyncset.done @!p0 $0x0  }
0x56: {  	[sflag:s19] =	ssyncadd.s32 @!p0 $0xFFFFFF80;
	s19 =	simm.s32 @p1 $0x2;
	p0 =	sgt.u32 @p1 s16, $0x16  }
0x57: {  	s18 =	sand.u32 $0xFF, s18;
	_ =	swait.ge @p1 [sflag:s19], $0x400;
	p0 =	por p0, !p1  }
0x58: {  	s16 =	sadd.s32 @p1 $0x1, s16;
	[sflag:s19] =	ssyncset.done @p1 $0x0;
	s18 =	sshll.u32 @!p0 s18, $0xA  }
0x59: {  	[sflag:s19] =	ssyncadd.s32 @p1 $0xFFFFFC00;
	s18 =	sadd.s32 @!p0 $0xCC0, s18;
	s19 =	simm.s32 @!p0 $0x0  }
0x5a: {  	[tilespmem:s18], [sflag:$0x2] =	stream.linear.gather @!p0 [hbm4b:s17+s19], $0x400, $0x38;
	[tilespmem:$0x24F8] =	vst v63  }
0x5b: {  	p0 =	sne.s32 @p1 s16, $0x19  }
0x5c: {  	p0 =	por !p1, !p0  }
.Ltmp1:
0x5d: {  	_ = 	snop;
	(pc) =	sbr.rel @!p0 .LBB2_4-.Ltmp1, $2  }
0x5e: {  	_ =	sdelay $0x2  }
0x5f: {  	s17 =	sadd.s32 @p1 $0x80, s17  }
0x60: {  	_ =	swait.ge [sflag:s14], $0x80  }
0x61: {  	[sflag:s14] =	ssyncset.done $0x0  }
0x62: {  	[sflag:s14] =	ssyncadd.s32 $0xFFFFFF80  }
0x63: {  	_ =	swait.ge [sflag:s14], $0x80  }
0x64: {  	[sflag:s14] =	ssyncset.done $0x0  }
0x65: {  	[sflag:s14] =	ssyncadd.s32 $0xFFFFFF80  }
0x66: {  	_ =	swait.ge [sflag:s14], $0x80  }
0x67: {  	[sflag:s14] =	ssyncset.done $0x0  }
0x68: {  	[sflag:s14] =	ssyncadd.s32 $0xFFFFFF80  }
0x69: {  	_ =	swait.ge [sflag:s14], $0x80  }
0x6a: {  	[sflag:s14] =	ssyncset.done $0x0  }
0x6b: {  	[sflag:s14] =	ssyncadd.s32 $0xFFFFFF80  }
0x6c: {  	_ =	swait.ge [sflag:s14], $0x80  }
0x6d: {  	[sflag:s14] =	ssyncset.done $0x0  }
0x6e: {  	[sflag:s14] =	ssyncadd.s32 $0xFFFFFF80  }
0x6f: {  	_ =	swait.ge [sflag:s14], $0x80  }
0x70: {  	[sflag:s14] =	ssyncset.done $0x0  }
0x71: {  	[sflag:s14] =	ssyncadd.s32 $0xFFFFFF80  }
0x72: {  	_ =	swait.ge [sflag:s14], $0x80  }
0x73: {  	[sflag:s14] =	ssyncset.done $0x0  }
0x74: {  	[sflag:s14] =	ssyncadd.s32 $0xFFFFFF80  }
0x75: {  	_ =	swait.ge [sflag:s14], $0x80  }
0x76: {  	[sflag:s14] =	ssyncset.done $0x0  }
0x77: {  	[sflag:s14] =	ssyncadd.s32 $0xFFFFFF80  }
0x78: {  	[bflag:$0x0] =	sbarrier.arrive $0xFFFF  }
0x79: {  	[tilespmem:s10], [sflag:$0x3] =	stream.linear.gather [spmem:s4], $0xC38, $0x38;
	[tilespmem:$0x24F8] =	vst v63  }
0x7a: {  	s15 =	sadd.s32 $0x1, s15;
	_ =	swait.ge [sflag:s11], $0xC38  }
0x7b: {  	p0 =	sne.s32 s15, s8;
	[sflag:s11] =	ssyncset.done $0x0  }
.Ltmp2:
0x7c: {  	[sflag:s11] =	ssyncadd.s32 $0xFFFFF3C8;
	(pc) =	sbr.rel @p0 .LBB2_1-.Ltmp2, $4  }
0x7d: {  	[hbm4b:s7+s3] =	stream.linear.scatter [tilespmem:s10], [sflag:$0x3], $0xC38, $0x38;
	[tilespmem:$0x24F8] =	vst v63  }
0x7e: {  	_ =	swait.ge [sflag:s11], $0xC38  }
0x7f: {  	[sflag:s11] =	ssyncset.done $0x0  }
0x80: {  	[sflag:s11] =	ssyncadd.s32 $0xFFFFF3C8  }
0x81: {  	_ =	sfence.sel $0x180000  }
0x82: {  	[bflag:$0x0] =	sbarrier.arrive $0xFFFF  }
0x83: {  	p0 =	sne.s32 s1, $0x0;
	_ =	strace $0x90000047  }
0x84: {  	s0 =	sadd.s32 @!p0 $0x100000, s0;
	[bflag:$0x2] =	sbarrier.arrive $0xFFFF  }
0x85: {  	[sflag:s0] =	ssyncadd.tile.s32 @!p0 $0x1;
	_ =	shalt  }
.Lfunc_end2:
_tile_overlayer_lowered:
.L_overlay_start_2:
0x86: {  	(tag) =	ssettag $0x2  }
0x87: {  	s0 =	rddreg [dreg:$0x0];
	s2 =	stileid.u32  }
0x88: {  	s1 =	rddreg [dreg:$0x1];
	p0 =	sne.s32 s2, $0x0  }
0x89: {  	s3 =	rddreg [dreg:$0x2];
	[bflag:$0x3] =	sbarrier.arrive $0xFFFF;
	s2 =	simm.s32 @!p0 $0x1C03  }
0x8a: {  	[timem:s3], [sflag:s2] =	dma.local @!p0 [hbm:s0], s1  }
0x8b: {  	s0 =	simm.s32 @!p0 $0x3  }
0x8c: {  	_ =	swait.ge @!p0 [sflag:s0], s1  }
0x8d: {  	s1 =	ssub.s32 @!p0 $0x0, s1;
	[sflag:s0] =	ssyncset.done @!p0 $0x0  }
0x8e: {  	[sflag:s0] =	ssyncadd.s32 @!p0 s1  }
0x8f: {  	[bflag:$0x3] =	sbarrier.arrive $0xFFFF  }
0x90: {  	_ =	shalt  }

// kernel: kernel.18.cloned.1.call-start
scs
__scs_entry_jumppad:
0x0: {  	(pc) =	sbr.rel $0x88, $3  }
0x1: {  	(tag) =	ssettag $0x0;
	lr =	simm.s32 $0x1  }
0x2: {  	[smem:$0x3F8E] =	sst lr;
	_ =	strace $0xD0000000  }
0x3: {  	_ = 	snop  }
0x4: {  	_ = 	snop  }
0x5: {  	_ = 	snop  }
0x6: {  	_ = 	snop  }
0x7: {  	_ = 	snop  }
__scs_overlays_trampoline_lowered:
0x8: {  	[smem:$0x3F9D] =	sst s0  }
0x9: {  	[smem:$0x3F9E] =	sst s1  }
0xa: {  	[smem:$0x3F9F] =	sst s2  }
0xb: {  	[smem:$0x3FA0] =	sst s3  }
0xc: {  	[smem:$0x3FA1] =	sst s4  }
0xd: {  	[smem:$0x3FA2] =	sst s5  }
0xe: {  	[smem:$0x3FA3] =	sst s6  }
0xf: {  	[smem:$0x3FA4] =	sst s7  }
0x10: {  	[smem:$0x3FA5] =	sst s8  }
0x11: {  	[smem:$0x3FA6] =	sst s9;
	s0 =	simm.s32 @!p0 $0x0  }
0x12: {  	s1 =	sld [smem:$0x3F8C];
	s0 =	simm.s32 @p0 $0x1  }
0x13: {  	[smem:$0x3FA7] =	sst s0;
	s0 =	simm.s32 @!p1 $0x0  }
0x14: {  	s2 =	sld [smem:$0x3F8B];
	s0 =	simm.s32 @p1 $0x1  }
0x15: {  	[smem:$0x3FA8] =	sst s0;
	s0 =	simm.s32 @!p2 $0x0  }
0x16: {  	s3 =	sld [smem:$0x3FDB];
	s0 =	simm.s32 @p2 $0x1  }
0x17: {  	s4 =	simm.s32 $0x1BF5;
	[smem:$0x3FAA] =	sst s0  }
0x18: {  	s0 =	sld [smem:$0x3F8D];
	_ =	swait.ge [sflag:s4], $0x0  }
0x19: {  	s7 =	sld [smem:$0x3F8E]  }
0x1a: {  	s8 =	sadd.s32 $0xFFFFE003, lr  }
0x1b: {  	s9 =	sadd.s32 $0xFFFFFEF7, lr;
	s5 =	simm.s32 $0xFFFFFFFF;
	p2 =	slt.u32 s8, $0xFFFFF086  }
0x1c: {  	p1 =	slt.u32 s9, $0xF7A;
	s5 =	simm.s32 @!p2 $0x0  }
0x1d: {  	s5 =	simm.s32 @p1 $0x1;
	p0 =	seq.s32 s7, s2  }
0x1e: {  	s7 =	smul.u32 @!p0 $0xF7A, s2;
	p2 =	seq.s32 @!p0 s5, $0x0  }
0x1f: {  	s9 =	smul.u32 $0xF7A, s1;
	s8 =	simm.s32 @!p0 $0x1BF5;
	p2 =	por !p2, p0  }
0x20: {  	[sflag:s8] =	ssyncset.s32 @!p0 $0xFFFFF086;
	s6 =	sadd.s32 @!p0 s3, s7;
	s7 =	simm.s32 @!p0 $0x108  }
0x21: {  	s3 =	sadd.s32 s3, s9;
	s6 =	sadd.s32 @!p0 $0x88, s6;
	s7 =	simm.s32 @p2 $0x1082  }
0x22: {  	[simem:s7], [sflag:s8] =	dma.local @!p0 [hbm:s6], $0xF7A  }
0x23: {  	s9 =	sor.u32 $0xD0000000, s2;
	s6 =	simm.s32 $0x108;
	_ =	swait.ge @!p0 [sflag:s8], $0x0  }
0x24: {  	s3 =	sadd.s32 $0x88, s3;
	s6 =	simm.s32 @!p1 $0x1082;
	[sflag:s4] =	ssyncset.s32 $0xFFFFF086  }
0x25: {  	[simem:s6], [sflag:s4] =	dma.local [hbm:s3], $0xF7A  }
0x26: {  	[smem:$0x3F8E] =	sst s1;
	(tag) =	ssettag s2;
	_ =	strace s9  }
0x27: {  	s1 =	sld [smem:$0x3F9E]  }
0x28: {  	s2 =	sld [smem:$0x3F9F]  }
0x29: {  	s4 =	sld [smem:$0x3FA1]  }
0x2a: {  	p0 =	seq.s32 s5, $0x0;
	s5 =	sld [smem:$0x3FA2]  }
0x2b: {  	s6 =	sld [smem:$0x3FA3]  }
0x2c: {  	s7 =	sld [smem:$0x3FA4]  }
0x2d: {  	s3 =	simm.s32 $0x108;
	s8 =	sld [smem:$0x3FA5]  }
0x2e: {  	s3 =	simm.s32 @!p0 $0x1082;
	s9 =	sld [smem:$0x3FA6]  }
0x2f: {  	lr =	sadd.s32 s0, s3;
	s0 =	sld [smem:$0x3F9D]  }
0x30: {  	s3 =	sld [smem:$0x3FA0]  }
0x31: {  	[smem:$0x3FA9] =	sst s10  }
0x32: {  	s10 =	sld [smem:$0x3FA7];
	_ =	sdelay $0x3  }
0x33: {  	p0 =	seq.s32 s10, $0x1;
	s10 =	sld [smem:$0x3FA9];
	_ =	sdelay $0x3  }
0x34: {  	[smem:$0x3FA9] =	sst s10  }
0x35: {  	s10 =	sld [smem:$0x3FA8];
	_ =	sdelay $0x3  }
0x36: {  	p1 =	seq.s32 s10, $0x1;
	s10 =	sld [smem:$0x3FA9];
	_ =	sdelay $0x3  }
0x37: {  	[smem:$0x3FA9] =	sst s10  }
0x38: {  	s10 =	sld [smem:$0x3FAA]  }
0x39: {  	_ = 	snop;
	(pc) =	sbr.ind lr, $3  }
0x3a: {  	_ = 	snop  }
0x3b: {  	_ = 	snop  }
0x3c: {  	p2 =	seq.s32 s10, $0x1;
	s10 =	sld [smem:$0x3FA9]  }
0x3d: {  	_ =	shalt  }
0x3e: {  	_ =	shalt  }
0x3f: {  	_ =	shalt  }
0x40: {  	_ =	shalt  }
0x41: {  	_ =	shalt  }
0x42: {  	_ =	shalt  }
0x43: {  	_ =	shalt  }
0x44: {  	_ =	shalt  }
0x45: {  	_ =	shalt  }
0x46: {  	_ =	shalt  }
0x47: {  	_ =	shalt  }
0x48: {  	_ =	shalt  }
0x49: {  	_ =	shalt  }
0x4a: {  	_ =	shalt  }
0x4b: {  	_ =	shalt  }
0x4c: {  	_ =	shalt  }
0x4d: {  	_ =	shalt  }
0x4e: {  	_ =	shalt  }
0x4f: {  	_ =	shalt  }
0x50: {  	_ =	shalt  }
0x51: {  	_ =	shalt  }
0x52: {  	_ =	shalt  }
0x53: {  	_ =	shalt  }
0x54: {  	_ =	shalt  }
0x55: {  	_ =	shalt  }
0x56: {  	_ =	shalt  }
0x57: {  	_ =	shalt  }
0x58: {  	_ =	shalt  }
0x59: {  	_ =	shalt  }
0x5a: {  	_ =	shalt  }
0x5b: {  	_ =	shalt  }
0x5c: {  	_ =	shalt  }
0x5d: {  	_ =	shalt  }
0x5e: {  	_ =	shalt  }
0x5f: {  	_ =	shalt  }
0x60: {  	_ =	shalt  }
0x61: {  	_ =	shalt  }
0x62: {  	_ =	shalt  }
0x63: {  	_ =	shalt  }
0x64: {  	_ =	shalt  }
0x65: {  	_ =	shalt  }
0x66: {  	_ =	shalt  }
0x67: {  	_ =	shalt  }
0x68: {  	_ =	shalt  }
0x69: {  	_ =	shalt  }
0x6a: {  	_ =	shalt  }
0x6b: {  	_ =	shalt  }
0x6c: {  	_ =	shalt  }
0x6d: {  	_ =	shalt  }
0x6e: {  	_ =	shalt  }
0x6f: {  	_ =	shalt  }
0x70: {  	_ =	shalt  }
0x71: {  	_ =	shalt  }
0x72: {  	_ =	shalt  }
0x73: {  	_ =	shalt  }
0x74: {  	_ =	shalt  }
0x75: {  	_ =	shalt  }
0x76: {  	_ =	shalt  }
0x77: {  	_ =	shalt  }
0x78: {  	_ =	shalt  }
0x79: {  	_ =	shalt  }
0x7a: {  	_ =	shalt  }
0x7b: {  	_ =	shalt  }
0x7c: {  	_ =	shalt  }
0x7d: {  	_ =	shalt  }
0x7e: {  	_ =	shalt  }
0x7f: {  	_ =	shalt  }
0x80: {  	_ =	shalt  }
0x81: {  	_ =	shalt  }
0x82: {  	_ =	shalt  }
0x83: {  	_ =	shalt  }
0x84: {  	_ =	shalt  }
0x85: {  	_ =	shalt  }
0x86: {  	_ =	shalt  }
0x87: {  	_ =	shalt  }
.Lfunc_end0:
.L_simem_size_0:
called_computation.1_lowered:
.L_overlay_start_0:
0x88: {  	s2 =	sld [smem:$0x3FD9]  }
0x89: {  	s3 =	sld [smem:$0x3FFE];
	_ =	sdelay $0x1  }
0x8a: {  	s1 =	srdreg.scid  }
0x8b: {  	s0 =	sand.u32 $0x1, s1  }
0x8c: {  	s14 =	sshll.u32 s0, $0xA;
	s2 =	sadd.s32 s3, s2  }
0x8d: {  	s2 =	sadd.s32 s2, s14  }
0x8e: {  	[smem:$0x3FB5] =	sst s2  }
0x8f: {  	_ = 	snop  }
0x90: {  	s2 =	sld [smem:$0x3FD0];
	_ =	sdelay $0x2  }
0x91: {  	s15 =	simm.s32 $0xA;
	s4 =	simm.s32 $0x10  }
0x92: {  	[smem:s4], [sflag:s15] =	dma.local [hbm:s2], $0x1  }
0x93: {  	_ =	swait.eq [sflag:s15], $0x1  }
0x94: {  	[sflag:s15] =	ssyncset.done $0x0  }
0x95: {  	[sflag:s15] =	ssyncadd.s32 $0xFFFFFFFF  }
0x96: {  	s16 =	sld [smem:$0x13];
	(tm) =	ssettm $0x1  }
0x97: {  	s17 =	sld [smem:$0x3FFB];
	_ =	sdelay $0x3  }
0x98: {  	_ =	strace s17  }
0x99: {  	s3 =	sld [smem:$0x3FFC];
	_ =	sdelay $0x3  }
0x9a: {  	_ =	strace s3  }
0x9b: {  	s3 =	sld [smem:$0x3FFD];
	_ =	sdelay $0x3  }
0x9c: {  	_ =	strace s3  }
0x9d: {  	_ =	strace $0x8FFFFFFF  }
0x9e: {  	s18 =	sld [smem:$0x3FDB];
	_ =	sdelay $0x1  }
0x9f: {  	s19 =	simm.s32 $_scs_section_size  }
0xa0: {  	s5 =	simm.s32 $_size__tile_overlayer_lowered;
	s6 =	simm.s32 $_tile_overlayer_lowered  }
0xa1: {  	s22 =	simm.s32 $0x1BFF;
	s21 =	sshll.u32 s6, $0x1;
	s3 =	sadd.s32 s19, s18  }
0xa2: {  	s7 =	simm.s32 $0x0;
	s20 =	sshll.u32 s5, $0x1;
	s5 =	sadd.s32 s21, s3  }
0xa3: {  	[timem:s7], [sflag:s22] =	dma.local [hbm:s5], s20  }
0xa4: {  	_ =	swait.ge [sflag:s22], s20  }
0xa5: {  	s4 =	ssub.s32 $0x0, s20;
	[sflag:s22] =	ssyncset.done $0x0  }
0xa6: {  	[sflag:s22] =	ssyncadd.s32 s4;
	_ =	sdelay $0x1  }
0xa7: {  	s23 =	simm.s32 $0x1B8B  }
0xa8: {  	_ =	swait.ge [sflag:s23], $0x1  }
0xa9: {  	[sflag:s23] =	ssyncset.done $0x0  }
0xaa: {  	s25 =	simm.s32 $0x1B8E;
	s24 =	sld [smem:$0x3FFE];
	[sflag:s23] =	ssyncadd.s32 $0xFFFFFFFF  }
0xab: {  	s26 =	simm.s32 $execute0_lowered;
	[smem:$0x3FD2] =	sst s25  }
0xac: {  	s5 =	sshll.u32 s26, $0x1;
	_ =	strace $0x80000049;
	[dreg:$0x1] =	wrdreg $0xFFFFFFFF  }
0xad: {  	s28 =	simm.s32 $_size_execute0_lowered;
	s3 =	sadd.s32 s3, s5;
	[dreg:$0x0] =	wrdreg $0x0  }
0xae: {  	s5 =	sshll.u32 s28, $0x1;
	[dreg:$0x2] =	wrdreg s3  }
0xaf: {  	[dreg:$0x3] =	wrdreg s5  }
0xb0: {  	[dreg:$0x4] =	wrdreg $0xC0  }
0xb1: {  	_ =	task [dreg:s7], $0x5FFFF  }
0xb2: {  	[dreg:$0x1] =	wrdreg $0xFFFFFFFF  }
0xb3: {  	[dreg:$0x0] =	wrdreg $0x60  }
0xb4: {  	[dreg:$0x2] =	wrdreg s16  }
0xb5: {  	[dreg:$0x3] =	wrdreg s24  }
0xb6: {  	[dreg:$0x4] =	wrdreg $0x43000  }
0xb7: {  	[dreg:$0x5] =	wrdreg $0x9  }
0xb8: {  	_ =	task.clear_ibuf [dreg:s7], $0x6FFFF;
	_ =	strace $0x90000049  }
0xb9: {  	s29 =	simm.s32 $0x9;
	_ =	strace $0x8000004B  }
0xba: {  	_ =	swait.ge [sflag:s29], $0x1  }
0xbb: {  	[sflag:s29] =	ssyncadd.s32 $0xFFFFFFFF  }
0xbc: {  	_ =	strace $0x9000004B  }
0xbd: {  	_ =	sfence  }
0xbe: {  	s30 =	sld [smem:$0x0];
	_ =	sdelay $0x2  }
0xbf: {  	s31 =	sshll.u32 s1, $0xD;
	s1 =	sshrl.u32 s1, $0x2  }
0xc0: {  	s3 =	sand.u32 $0x4000, s31;
	s1 =	sadd.s32 s1, s30  }
0xc1: {  	s0 =	sor.u32 s3, s0;
	s1 =	sshll.u32 s1, $0x11  }
0xc2: {  	s0 =	sor.u32 s1, s0  }
0xc3: {  	s0 =	sadd.s32 $0x8F2B, s0  }
0xc4: {  	[sflag:s0] =	ssyncadd.remote.s32 $0x1  }
0xc5: {  	_ =	sfence.sel $0xFFFF  }
0xc6: {  	[dreg:$0x0] =	wrdreg $0xFFFFFFFF;
	(pc) =	sbr.abs _section_cstart, $3  }
0xc7: {  	[dreg:$0x1] =	wrdreg $0xFFFFFFFF  }
0xc8: {  	_ =	task.clear_ibuf [dreg:s7], $0x2FFFF;
	_ =	strace $0x9FFFFFFF  }
0xc9: {  	(tm) =	ssettm $0x7FFFFFFF  }
tec
execute0_lowered:
.L_overlay_start_1:
0x0: {  	(tag) =	ssettag $0x1  }
0x1: {  	s1 =	rddreg [dreg:$0x0]  }
0x2: {  	s0 =	rddreg [dreg:$0x1]  }
0x3: {  	s3 =	rddreg [dreg:$0x2]  }
0x4: {  	s4 =	simm.s32 $0x0;
	s2 =	stileid.u32;
	s6 =	srdreg.scid  }
0x5: {  	s28 =	simm.s32 $0x3;
	s30 =	simm.s32 $0x80;
	s31 =	simm.s32 $0x1  }
0x6: {  	[smem:$0x7FF] =	sst s4;
	s5 =	smul.u32 $0x1900, s2;
	s6 =	sand.u32 $0x1, s6  }
0x7: {  	s17 =	sshll.u32 s2, $0xD;
	s19 =	sor.u32 $0xC0, s2;
	s11 =	smul.u32 $0x61C0, s6  }
0x8: {  	_ =	strace $0x8000004A;
	s7 =	ssub.s32 $0x2, s6;
	s6 =	smul.u32 $0x187000, s6  }
0x9: {  	s21 =	sshll.u32 s19, $0xD;
	p0 =	sgt.u32 s19, $0xC3;
	s5 =	sadd.s32 s5, s0  }
0xa: {  	s0 =	sadd.s32 $0x1D600, s0;
	s8 =	sshrl.u32 s7, $0x1;
	s21 =	sadd.s32 s21, s3  }
0xb: {  	s10 =	ssub.s32 s7, s8;
	s22 =	sadd.s32 $0xE0E00, s5;
	s23 =	sadd.s32 $0x4600, s5  }
0xc: {  	s12 =	sadd.s32 $0x61C0, s11;
	s24 =	sshrl.u32 s6, $0x3;
	s7 =	sadd.s32 $0x186000, s3  }
0xd: {  	s8 =	sadd.s32 s17, s3;
	s6 =	sadd.s32 s17, s6;
	[dreg:$0x4] =	wrdreg s22  }
0xe: {  	[dreg:$0x5] =	wrdreg s23;
	s9 =	sadd.s32 s0, s24;
	s10 =	smax.u32 s10, $0x1  }
0xf: {  	s25 =	sadd.s32 $0x20000, s8;
	s26 =	sadd.s32 $0x40000, s8;
	s29 =	sadd.s32 $0x60000, s8  }
0x10: {  	s14 =	sadd.s32 $0x80000, s8;
	s15 =	sadd.s32 $0xA0000, s8;
	s16 =	sadd.s32 $0xC0000, s8  }
0x11: {  	s17 =	sadd.s32 $0xE0000, s8;
	s6 =	sshrl.u32 s6, $0x3;
	[dreg:$0x6] =	wrdreg s10  }
0x12: {  	s18 =	sadd.s32 $0x100000, s8;
	s20 =	sadd.s32 $0x120000, s8;
	[dreg:$0x7] =	wrdreg s25  }
0x13: {  	s22 =	sadd.s32 $0x4610, s5;
	s23 =	sadd.s32 $0xE0E10, s5;
	[dreg:$0x8] =	wrdreg s26  }
0x14: {  	s24 =	sadd.s32 $0x140000, s8;
	s9 =	sadd.s32 $0x30C00, s9;
	[dreg:$0x9] =	wrdreg s29  }
0x15: {  	v2 =	vimm.f32 $0.0e+00;
	v0 =	vmov s11;
	v1 =	vmov s12;
	s10 =	sadd.s32 s6, s0;
	s25 =	sadd.s32 $0x160000, s8;
	s26 =	simm.s32 $0x300  }
.LBB2_1:
0x16: {  	s5 =	simm.s32 $0x100;
	s0 =	simm.s32 $0x0  }
.LBB2_2:
0x17: {  	p1 =	sne.s32 s5, $0x7F00;
	[tilespmem:s0+$0x330] =	vst v2;
	s6 =	smov.u32 s5;
	s5 =	sadd.s32 $0x100, s5  }
.Ltmp0:
0x18: {  	[tilespmem:s0+$0x320] =	vst v2;
	(pc) =	sbr.rel @p1 .LBB2_2-.Ltmp0, $3  }
0x19: {  	[tilespmem:s0+$0x300] =	vst v2  }
0x1a: {  	[tilespmem:s0+$0x310] =	vst v2;
	_ =	sdelay $0x1  }
0x1b: {  	s0 =	sshra.s32 s6, $0x2  }
0x1c: {  	[tilespmem:s0+$0x330] =	vst v2  }
0x1d: {  	[tilespmem:s0+$0x320] =	vst v2  }
0x1e: {  	[tilespmem:s0+$0x300] =	vst v2  }
0x1f: {  	[tilespmem:s0+$0x310] =	vst v2  }
0x20: {  	[spmem:s8] =	stream.linear.scatter [tilespmem:s26], [sflag:$0x3], $0x2000, $0x38;
	[tilespmem:$0x1CB00] =	vst v63  }
0x21: {  	_ =	swait.ge [sflag:s28], $0x2000  }
0x22: {  	[sflag:s28] =	ssyncset.done $0x0  }
0x23: {  	s11 =	rddreg [dreg:$0x7];
	[sflag:s28] =	ssyncadd.s32 $0xFFFFE000  }
0x24: {  	[spmem:s11] =	stream.linear.scatter [tilespmem:s26], [sflag:$0x3], $0x2000, $0x38;
	[tilespmem:$0x1CB00] =	vst v63  }
0x25: {  	_ =	swait.ge [sflag:s28], $0x2000  }
0x26: {  	[sflag:s28] =	ssyncset.done $0x0  }
0x27: {  	s12 =	rddreg [dreg:$0x8];
	[sflag:s28] =	ssyncadd.s32 $0xFFFFE000  }
0x28: {  	[spmem:s12] =	stream.linear.scatter [tilespmem:s26], [sflag:$0x3], $0x2000, $0x38;
	[tilespmem:$0x1CB00] =	vst v63  }
0x29: {  	_ =	swait.ge [sflag:s28], $0x2000  }
0x2a: {  	[sflag:s28] =	ssyncset.done $0x0  }
0x2b: {  	s13 =	rddreg [dreg:$0x9];
	[sflag:s28] =	ssyncadd.s32 $0xFFFFE000  }
0x2c: {  	[spmem:s13] =	stream.linear.scatter [tilespmem:s26], [sflag:$0x3], $0x2000, $0x38;
	[tilespmem:$0x1CB00] =	vst v63  }
0x2d: {  	_ =	swait.ge [sflag:s28], $0x2000  }
0x2e: {  	[sflag:s28] =	ssyncset.done $0x0  }
0x2f: {  	[sflag:s28] =	ssyncadd.s32 $0xFFFFE000  }
0x30: {  	[spmem:s14] =	stream.linear.scatter [tilespmem:s26], [sflag:$0x3], $0x2000, $0x38;
	[tilespmem:$0x1CB00] =	vst v63  }
0x31: {  	_ =	swait.ge [sflag:s28], $0x2000  }
0x32: {  	[sflag:s28] =	ssyncset.done $0x0  }
0x33: {  	[sflag:s28] =	ssyncadd.s32 $0xFFFFE000  }
0x34: {  	[spmem:s15] =	stream.linear.scatter [tilespmem:s26], [sflag:$0x3], $0x2000, $0x38;
	[tilespmem:$0x1CB00] =	vst v63  }
0x35: {  	_ =	swait.ge [sflag:s28], $0x2000  }
0x36: {  	[sflag:s28] =	ssyncset.done $0x0  }
0x37: {  	[sflag:s28] =	ssyncadd.s32 $0xFFFFE000  }
0x38: {  	[spmem:s16] =	stream.linear.scatter [tilespmem:s26], [sflag:$0x3], $0x2000, $0x38;
	[tilespmem:$0x1CB00] =	vst v63  }
0x39: {  	_ =	swait.ge [sflag:s28], $0x2000  }
0x3a: {  	[sflag:s28] =	ssyncset.done $0x0  }
0x3b: {  	[sflag:s28] =	ssyncadd.s32 $0xFFFFE000  }
0x3c: {  	[spmem:s17] =	stream.linear.scatter [tilespmem:s26], [sflag:$0x3], $0x2000, $0x38;
	[tilespmem:$0x1CB00] =	vst v63  }
0x3d: {  	_ =	swait.ge [sflag:s28], $0x2000  }
0x3e: {  	[sflag:s28] =	ssyncset.done $0x0  }
0x3f: {  	[sflag:s28] =	ssyncadd.s32 $0xFFFFE000  }
0x40: {  	[spmem:s18] =	stream.linear.scatter [tilespmem:s26], [sflag:$0x3], $0x2000, $0x38;
	[tilespmem:$0x1CB00] =	vst v63  }
0x41: {  	_ =	swait.ge [sflag:s28], $0x2000  }
0x42: {  	[sflag:s28] =	ssyncset.done $0x0  }
0x43: {  	[sflag:s28] =	ssyncadd.s32 $0xFFFFE000  }
0x44: {  	[spmem:s20] =	stream.linear.scatter [tilespmem:s26], [sflag:$0x3], $0x2000, $0x38;
	[tilespmem:$0x1CB00] =	vst v63  }
0x45: {  	_ =	swait.ge [sflag:s28], $0x2000  }
0x46: {  	[sflag:s28] =	ssyncset.done $0x0  }
0x47: {  	[sflag:s28] =	ssyncadd.s32 $0xFFFFE000  }
0x48: {  	[spmem:s24] =	stream.linear.scatter [tilespmem:s26], [sflag:$0x3], $0x2000, $0x38;
	[tilespmem:$0x1CB00] =	vst v63  }
0x49: {  	_ =	swait.ge [sflag:s28], $0x2000  }
0x4a: {  	[sflag:s28] =	ssyncset.done $0x0  }
0x4b: {  	[sflag:s28] =	ssyncadd.s32 $0xFFFFE000  }
0x4c: {  	[spmem:s25] =	stream.linear.scatter [tilespmem:s26], [sflag:$0x3], $0x2000, $0x38;
	[tilespmem:$0x1CB00] =	vst v63  }
0x4d: {  	_ =	swait.ge [sflag:s28], $0x2000  }
0x4e: {  	[sflag:s28] =	ssyncset.done $0x0  }
0x4f: {  	s0 =	simm.s32 @!p0 $0x300;
	[sflag:s28] =	ssyncadd.s32 $0xFFFFE000  }
0x50: {  	[spmem:s21] =	stream.linear.scatter @!p0 [tilespmem:s0], [sflag:$0x3], $0x2000, $0x38;
	[tilespmem:$0x1CB00] =	vst v63  }
0x51: {  	s0 =	simm.s32 @!p0 $0x3  }
0x52: {  	_ =	swait.ge @!p0 [sflag:s0], $0x2000  }
0x53: {  	[sflag:s0] =	ssyncset.done @!p0 $0x0  }
0x54: {  	[sflag:s0] =	ssyncadd.s32 @!p0 $0xFFFFE000  }
0x55: {  	[bflag:$0x0] =	sbarrier.arrive $0xFFFF  }
0x56: {  	s0 =	simm.s32 $0x0;
	s5 =	rddreg [dreg:$0x4]  }
0x57: {  	[tilespmem:s0], [sflag:$0x3] =	stream.linear.gather [hbm4b:s5+s0], $0x80, $0x38;
	[tilespmem:$0x1CB00] =	vst v63  }
0x58: {  	_ =	swait.ge [sflag:s28], $0x80  }
0x59: {  	[sflag:s28] =	ssyncset.done $0x0  }
0x5a: {  	s6 =	simm.s32 $0x100;
	s19 =	rddreg [dreg:$0x5];
	[sflag:s28] =	ssyncadd.s32 $0xFFFFFF80  }
0x5b: {  	[tilespmem:s6], [sflag:$0x3] =	stream.linear.gather [hbm4b:s19+s0], $0x80, $0x38;
	[tilespmem:$0x1CB00] =	vst v63  }
0x5c: {  	_ =	swait.ge [sflag:s28], $0x80  }
0x5d: {  	[sflag:s28] =	ssyncset.done $0x0  }
0x5e: {  	s29 =	simm.s32 $0x80;
	s5 =	simm.s32 $0x0;
	[sflag:s28] =	ssyncadd.s32 $0xFFFFFF80  }
.LBB2_4:
0x5f: {  	p1 =	seq.s32 s0, $0x18F0  }
0x60: {  	s6 =	sand.u32 @!p1 $0x80, s29;
	s11 =	sadd.s32 @!p1 s0, s23;
	s12 =	simm.s32 @!p1 $0x0  }
0x61: {  	[tilespmem:s6], [sflag:$0x2] =	stream.linear.gather @!p1 [hbm4b:s11+s12], $0x80, $0x38;
	[tilespmem:$0x1CB00] =	vst v63  }
0x62: {  	s13 =	sand.u32 $0x1, s5;
	s19 =	sadd.s32 @!p1 s0, s22;
	s6 =	sor.u32 @!p1 $0x100, s6  }
0x63: {  	[tilespmem:s6], [sflag:$0x2] =	stream.linear.gather @!p1 [hbm4b:s19+s12], $0x80, $0x38;
	[tilespmem:$0x1CB00] =	vst v63  }
0x64: {  	s19 =	sshll.u32 s13, $0xD  }
0x65: {  	s11 =	sshll.u32 s13, $0x7;
	s6 =	sor.u32 $0x300, s19  }
0x66: {  	[tilespmem:s6], [sflag:$0x1] =	stream.indirect.gather [hbm4b:s1+s30], $0x40, s11, s30, $0xb8;
	[tilespmem:$0x1CB00] =	vst v63  }
0x67: {  	v3 =	vld [tilespmem:s11+$0x100]  }
0x68: {  	v4 =	vld [tilespmem:s11+$0x110]  }
0x69: {  	v5 =	vld [tilespmem:s11+$0x120]  }
0x6a: {  	v6 =	vld [tilespmem:s11+$0x130]  }
0x6b: {  	v7 =	vld [tilespmem:s11+$0x140]  }
0x6c: {  	v8 =	vld [tilespmem:s11+$0x150]  }
0x6d: {  	vm0 =	vge.s32 v3, v0;
	vm1 =	vlt.s32 v3, v1;
	v3 =	vsub.s32 v3, v0  }
0x6e: {  	v9 =	vld [tilespmem:s11+$0x160];
	vm12 =	vge.s32 v4, v0;
	vm2 =	vlt.s32 v4, v1;
	v4 =	vsub.s32 v4, v0  }
0x6f: {  	vm14 =	vge.s32 v5, v0;
	vm15 =	vlt.s32 v5, v1;
	vm4 =	vge.s32 v6, v0  }
0x70: {  	vm5 =	vlt.s32 v6, v1;
	v5 =	vsub.s32 v5, v0;
	v6 =	vsub.s32 v6, v0  }
0x71: {  	vm6 =	vge.s32 v7, v0;
	vm7 =	vlt.s32 v7, v1;
	vm8 =	vge.s32 v8, v0  }
0x72: {  	v10 =	vld [tilespmem:s11+$0x170];
	vm3 =	vlt.s32 v8, v1;
	v62 =	vsub.s32 v8, v0;
	vm0 =	vmand vm0, vm1  }
0x73: {  	vm10 =	vge.s32 v9, v0;
	vm13 =	vmand vm12, vm2;
	v3 =	vnsel vm0, $0x61C0, v3  }
0x74: {  	vm11 =	vlt.s32 v9, v1;
	vm1 =	vmand vm4, vm5;
	v4 =	vnsel vm13, $0x61C0, v4;
	[tilespmem:s11+$0x200] =	vst v3  }
0x75: {  	vm9 =	vmand vm8, vm3;
	vm0 =	vmand vm14, vm15;
	v6 =	vnsel vm1, $0x61C0, v6;
	[tilespmem:s11+$0x210] =	vst v4  }
0x76: {  	v5 =	vnsel vm0, $0x61C0, v5;
	vm0 =	vmand vm6, vm7;
	v3 =	vsub.s32 v7, v0;
	[tilespmem:s11+$0x230] =	vst v6  }
0x77: {  	vm12 =	vmand vm10, vm11;
	vm13 =	vge.s32 v10, v0;
	[tilespmem:s11+$0x220] =	vst v5;
	v3 =	vnsel vm0, $0x61C0, v3  }
0x78: {  	vm14 =	vlt.s32 v10, v1;
	v4 =	vnsel vm9, $0x61C0, v62;
	[tilespmem:s11+$0x240] =	vst v3;
	v3 =	vsub.s32 v9, v0  }
0x79: {  	v63 =	vsub.s32 v10, v0;
	vm15 =	vmand vm13, vm14;
	[tilespmem:s11+$0x250] =	vst v4;
	v3 =	vnsel vm12, $0x61C0, v3  }
0x7a: {  	[tilespmem:s11+$0x260] =	vst v3;
	v3 =	vnsel vm15, $0x61C0, v63  }
0x7b: {  	[tilespmem:s11+$0x270] =	vst v3  }
0x7c: {  	_ =	swait.ge [sflag:s31], $0x2000  }
0x7d: {  	[sflag:s31] =	ssyncset.done $0x0  }
0x7e: {  	s11 =	sor.u32 $0x200, s11;
	[sflag:s31] =	ssyncadd.s32 $0xFFFFE000  }
0x7f: {  	[spmem:s3] =	stream.indirect.scatter.add.f32 [tilespmem:s6], [sflag:$0x3], $0x40, s11, s30, $0xb8;
	[tilespmem:$0x1CB00] =	vst v63  }
0x80: {  	_ =	swait.ge [sflag:s28], $0x2000  }
0x81: {  	s0 =	sadd.s32 @!p1 $0x10, s0;
	[sflag:s28] =	ssyncset.done $0x0  }
0x82: {  	p2 =	sne.s32 @!p1 s0, $0x1900;
	s6 =	simm.s32 @!p1 $0x2;
	[sflag:s28] =	ssyncadd.s32 $0xFFFFE000  }
0x83: {  	p2 =	por p1, !p2;
	_ =	swait.ge @!p1 [sflag:s6], $0x80  }
.Ltmp1:
0x84: {  	[sflag:s6] =	ssyncset.done @!p1 $0x0;
	(pc) =	sbr.rel @!p2 .LBB2_4-.Ltmp1, $4  }
0x85: {  	[sflag:s6] =	ssyncadd.s32 @!p1 $0xFFFFFF80  }
0x86: {  	_ =	swait.ge @!p1 [sflag:s6], $0x80  }
0x87: {  	[sflag:s6] =	ssyncset.done @!p1 $0x0  }
0x88: {  	s29 =	sadd.s32 @!p1 $0x80, s29;
	s5 =	sadd.s32 @!p1 $0x1, s5;
	[sflag:s6] =	ssyncadd.s32 @!p1 $0xFFFFFF80  }
0x89: {  	s0 =	sadd.s32 $0xFFFFFF30, s2  }
0x8a: {  	s5 =	sadd.s32 $0xD0, s0  }
0x8b: {  	p1 =	sgt.u32 s5, $0xC2  }
0x8c: {  	p2 =	sne.s32 @p1 s0, $0xFFFFFFF3  }
0x8d: {  	p2 =	por p2, !p1  }
0x8e: {  	[bflag:$0x0] =	sbarrier.arrive $0xFFFF;
	s0 =	simm.s32 @!p2 $0x300;
	s5 =	simm.s32 @!p2 $0x4  }
0x8f: {  	[tilespmem:s0], [sflag:$0x4] =	stream.linear.gather @!p2 [spmem:s7], $0x1000, $0x38;
	[tilespmem:$0x1CB00] =	vst v63  }
0x90: {  	_ =	swait.ge @!p2 [sflag:s5], $0x1000  }
0x91: {  	[sflag:s5] =	ssyncset.done @!p2 $0x0  }
0x92: {  	s11 =	simm.s32 @!p2 $0x3;
	[sflag:s5] =	ssyncadd.s32 @!p2 $0xFFFFF000;
	s5 =	simm.s32 @!p2 $0x0  }
0x93: {  	[hbm4b:s9+s5] =	stream.linear.scatter @!p2 [tilespmem:s0], [sflag:$0x3], $0x1000, $0x38;
	[tilespmem:$0x1CB00] =	vst v63  }
0x94: {  	s29 =	simm.s32 $0xFFFFFF50;
	p1 =	por p1, p1;
	_ =	swait.ge @!p2 [sflag:s11], $0x1000  }
0x95: {  	s6 =	simm.s32 @!p1 $0x4;
	s12 =	simm.s32 @!p1 $0x0;
	[sflag:s11] =	ssyncset.done @!p2 $0x0  }
0x96: {  	s5 =	sadd.s32 $0xFFFFFF40, s2;
	[sflag:s11] =	ssyncadd.s32 @!p2 $0xFFFFF000;
	s11 =	simm.s32 @!p1 $0x300  }
0x97: {  	[tilespmem:s11], [sflag:$0x4] =	stream.linear.gather @!p1 [spmem:s8], $0x2000, $0x38;
	[tilespmem:$0x1CB00] =	vst v63  }
0x98: {  	s0 =	sadd.s32 $0x4000, s10;
	s19 =	sadd.s32 $0xD0, s5;
	_ =	swait.ge @!p1 [sflag:s6], $0x2000  }
0x99: {  	p2 =	sgt.u32 s19, $0xC2;
	s19 =	smov.u32 s10;
	[sflag:s6] =	ssyncset.done @!p1 $0x0  }
0x9a: {  	p4 =	sne.s32 @p2 s5, $0xFFFFFFF3;
	s5 =	smov.u32 s8;
	[sflag:s6] =	ssyncadd.s32 @!p1 $0xFFFFE000  }
.LBB2_6:
0x9b: {  	p4 =	por p4, !p2  }
0x9c: {  	s5 =	sadd.s32 $0x20000, s5;
	s13 =	smov.u32 s29;
	s29 =	sadd.s32 $0x10, s29  }
0x9d: {  	[hbm4b:s19+s12] =	stream.linear.scatter @!p1 [tilespmem:s11], [sflag:$0x4], $0x2000, $0x38;
	[tilespmem:$0x1CB00] =	vst v63  }
0x9e: {  	p3 =	sne.s32 s29, $0x0;
	s19 =	smov.u32 s0;
	_ =	swait.ge @!p1 [sflag:s6], $0x2000  }
0x9f: {  	[sflag:s6] =	ssyncset.done @!p1 $0x0  }
0xa0: {  	s11 =	simm.s32 @!p4 $0x300;
	s12 =	simm.s32 @!p4 $0x4;
	[sflag:s6] =	ssyncadd.s32 @!p1 $0xFFFFE000  }
0xa1: {  	[tilespmem:s11], [sflag:$0x4] =	stream.linear.gather @!p4 [spmem:s7], $0x1000, $0x38;
	[tilespmem:$0x1CB00] =	vst v63  }
0xa2: {  	p1 =	por p2, p2;
	_ =	swait.ge @!p4 [sflag:s12], $0x1000  }
0xa3: {  	[sflag:s12] =	ssyncset.done @!p4 $0x0  }
0xa4: {  	s6 =	simm.s32 @!p4 $0x0;
	[sflag:s12] =	ssyncadd.s32 @!p4 $0xFFFFF000;
	s12 =	simm.s32 @!p4 $0x3  }
0xa5: {  	[hbm4b:s9+s6] =	stream.linear.scatter @!p4 [tilespmem:s11], [sflag:$0x3], $0x1000, $0x38;
	[tilespmem:$0x1CB00] =	vst v63  }
0xa6: {  	_ =	swait.ge @!p4 [sflag:s12], $0x1000  }
0xa7: {  	s13 =	sadd.s32 s13, s2;
	s6 =	simm.s32 @!p1 $0x4;
	[sflag:s12] =	ssyncset.done @!p4 $0x0  }
.Ltmp2:
0xa8: {  	s11 =	simm.s32 @!p1 $0x300;
	[sflag:s12] =	ssyncadd.s32 @!p4 $0xFFFFF000;
	(pc) =	sbr.rel @p3 .LBB2_6-.Ltmp2, $4  }
0xa9: {  	[tilespmem:s11], [sflag:$0x4] =	stream.linear.gather @!p1 [spmem:s5], $0x2000, $0x38;
	[tilespmem:$0x1CB00] =	vst v63  }
0xaa: {  	s12 =	sadd.s32 $0xD0, s13;
	_ =	swait.ge @!p1 [sflag:s6], $0x2000  }
0xab: {  	s0 =	sadd.s32 $0x4000, s0;
	p2 =	sgt.u32 s12, $0xC2;
	[sflag:s6] =	ssyncset.done @!p1 $0x0  }
0xac: {  	s12 =	simm.s32 @!p1 $0x0;
	p4 =	sne.s32 @p2 s13, $0xFFFFFFF3;
	[sflag:s6] =	ssyncadd.s32 @!p1 $0xFFFFE000  }
0xad: {  	[hbm4b:s19+s12] =	stream.linear.scatter @!p1 [tilespmem:s11], [sflag:$0x4], $0x2000, $0x38;
	[tilespmem:$0x1CB00] =	vst v63  }
0xae: {  	_ =	swait.ge @!p1 [sflag:s6], $0x2000  }
0xaf: {  	p3 =	por p4, !p2;
	[sflag:s6] =	ssyncset.done @!p1 $0x0  }
0xb0: {  	s11 =	simm.s32 @!p3 $0x300;
	s12 =	simm.s32 @!p3 $0x4;
	[sflag:s6] =	ssyncadd.s32 @!p1 $0xFFFFE000  }
0xb1: {  	[tilespmem:s11], [sflag:$0x4] =	stream.linear.gather @!p3 [spmem:s7], $0x1000, $0x38;
	[tilespmem:$0x1CB00] =	vst v63  }
0xb2: {  	_ =	swait.ge @!p3 [sflag:s12], $0x1000  }
0xb3: {  	[sflag:s12] =	ssyncset.done @!p3 $0x0  }
0xb4: {  	s6 =	simm.s32 @!p3 $0x0;
	[sflag:s12] =	ssyncadd.s32 @!p3 $0xFFFFF000;
	s12 =	simm.s32 @!p3 $0x3  }
0xb5: {  	[hbm4b:s9+s6] =	stream.linear.scatter @!p3 [tilespmem:s11], [sflag:$0x3], $0x1000, $0x38;
	[tilespmem:$0x1CB00] =	vst v63  }
0xb6: {  	_ =	swait.ge @!p3 [sflag:s12], $0x1000  }
0xb7: {  	s5 =	sadd.s32 $0x20000, s5;
	p1 =	por p2, p2;
	[sflag:s12] =	ssyncset.done @!p3 $0x0  }
0xb8: {  	s6 =	simm.s32 @!p1 $0x4;
	s11 =	simm.s32 @!p1 $0x300;
	[sflag:s12] =	ssyncadd.s32 @!p3 $0xFFFFF000  }
0xb9: {  	[tilespmem:s11], [sflag:$0x4] =	stream.linear.gather @!p1 [spmem:s5], $0x2000, $0x38;
	[tilespmem:$0x1CB00] =	vst v63  }
0xba: {  	_ =	swait.ge @!p1 [sflag:s6], $0x2000  }
0xbb: {  	[sflag:s6] =	ssyncset.done @!p1 $0x0  }
0xbc: {  	s5 =	simm.s32 @!p1 $0x0;
	[sflag:s6] =	ssyncadd.s32 @!p1 $0xFFFFE000  }
0xbd: {  	[hbm4b:s0+s5] =	stream.linear.scatter @!p1 [tilespmem:s11], [sflag:$0x4], $0x2000, $0x38;
	[tilespmem:$0x1CB00] =	vst v63  }
0xbe: {  	_ =	swait.ge @!p1 [sflag:s6], $0x2000  }
0xbf: {  	s4 =	sadd.s32 $0x1, s4;
	s29 =	rddreg [dreg:$0x6]  }
0xc0: {  	p2 =	sne.s32 s4, s29  }
.Ltmp3:
0xc1: {  	_ = 	snop;
	(pc) =	sbr.rel @p2 .LBB2_1-.Ltmp3, $3  }
0xc2: {  	_ =	sdelay $0x1  }
0xc3: {  	[sflag:s6] =	ssyncset.done @!p1 $0x0  }
0xc4: {  	[sflag:s6] =	ssyncadd.s32 @!p1 $0xFFFFE000  }
0xc5: {  	_ =	sfence.sel $0x180000  }
0xc6: {  	[bflag:$0x0] =	sbarrier.arrive $0xFFFF  }
0xc7: {  	_ =	strace $0x9000004A  }
0xc8: {  	[bflag:$0x2] =	sbarrier.arrive $0xFFFF  }
0xc9: {  	p0 =	sne.s32 s2, $0x0;
	s0 =	rddreg [dreg:$0x3]  }
0xca: {  	s0 =	sadd.s32 @!p0 $0x100000, s0  }
0xcb: {  	[sflag:s0] =	ssyncadd.tile.s32 @!p0 $0x1;
	_ =	shalt  }
.Lfunc_end2:
_tile_overlayer_lowered:
.L_overlay_start_2:
0xcc: {  	(tag) =	ssettag $0x2  }
0xcd: {  	s0 =	rddreg [dreg:$0x0];
	s2 =	stileid.u32  }
0xce: {  	s1 =	rddreg [dreg:$0x1];
	p0 =	sne.s32 s2, $0x0  }
0xcf: {  	s3 =	rddreg [dreg:$0x2];
	[bflag:$0x3] =	sbarrier.arrive $0xFFFF;
	s2 =	simm.s32 @!p0 $0x1C03  }
0xd0: {  	[timem:s3], [sflag:s2] =	dma.local @!p0 [hbm:s0], s1  }
0xd1: {  	s0 =	simm.s32 @!p0 $0x3  }
0xd2: {  	_ =	swait.ge @!p0 [sflag:s0], s1  }
0xd3: {  	s1 =	ssub.s32 @!p0 $0x0, s1;
	[sflag:s0] =	ssyncset.done @!p0 $0x0  }
0xd4: {  	[sflag:s0] =	ssyncadd.s32 @!p0 s1  }
0xd5: {  	[bflag:$0x3] =	sbarrier.arrive $0xFFFF  }
0xd6: {  	_ =	shalt  }

// kernel: kernel.21.cloned.1.call-start
scs
__scs_entry_jumppad:
0x0: {  	(pc) =	sbr.rel $0x88, $3  }
0x1: {  	(tag) =	ssettag $0x0;
	lr =	simm.s32 $0x1  }
0x2: {  	[smem:$0x3F8E] =	sst lr;
	_ =	strace $0xD0000000  }
0x3: {  	_ = 	snop  }
0x4: {  	_ = 	snop  }
0x5: {  	_ = 	snop  }
0x6: {  	_ = 	snop  }
0x7: {  	_ = 	snop  }
__scs_overlays_trampoline_lowered:
0x8: {  	[smem:$0x3F9D] =	sst s0  }
0x9: {  	[smem:$0x3F9E] =	sst s1  }
0xa: {  	[smem:$0x3F9F] =	sst s2  }
0xb: {  	[smem:$0x3FA0] =	sst s3  }
0xc: {  	[smem:$0x3FA1] =	sst s4  }
0xd: {  	[smem:$0x3FA2] =	sst s5  }
0xe: {  	[smem:$0x3FA3] =	sst s6  }
0xf: {  	[smem:$0x3FA4] =	sst s7  }
0x10: {  	[smem:$0x3FA5] =	sst s8  }
0x11: {  	[smem:$0x3FA6] =	sst s9;
	s0 =	simm.s32 @!p0 $0x0  }
0x12: {  	s1 =	sld [smem:$0x3F8C];
	s0 =	simm.s32 @p0 $0x1  }
0x13: {  	[smem:$0x3FA7] =	sst s0;
	s0 =	simm.s32 @!p1 $0x0  }
0x14: {  	s2 =	sld [smem:$0x3F8B];
	s0 =	simm.s32 @p1 $0x1  }
0x15: {  	[smem:$0x3FA8] =	sst s0;
	s0 =	simm.s32 @!p2 $0x0  }
0x16: {  	s3 =	sld [smem:$0x3FDB];
	s0 =	simm.s32 @p2 $0x1  }
0x17: {  	s4 =	simm.s32 $0x1BF5;
	[smem:$0x3FAA] =	sst s0  }
0x18: {  	s0 =	sld [smem:$0x3F8D];
	_ =	swait.ge [sflag:s4], $0x0  }
0x19: {  	s7 =	sld [smem:$0x3F8E]  }
0x1a: {  	s8 =	sadd.s32 $0xFFFFE003, lr  }
0x1b: {  	s9 =	sadd.s32 $0xFFFFFEF7, lr;
	s5 =	simm.s32 $0xFFFFFFFF;
	p2 =	slt.u32 s8, $0xFFFFF086  }
0x1c: {  	p1 =	slt.u32 s9, $0xF7A;
	s5 =	simm.s32 @!p2 $0x0  }
0x1d: {  	s5 =	simm.s32 @p1 $0x1;
	p0 =	seq.s32 s7, s2  }
0x1e: {  	s7 =	smul.u32 @!p0 $0xF7A, s2;
	p2 =	seq.s32 @!p0 s5, $0x0  }
0x1f: {  	s9 =	smul.u32 $0xF7A, s1;
	s8 =	simm.s32 @!p0 $0x1BF5;
	p2 =	por !p2, p0  }
0x20: {  	[sflag:s8] =	ssyncset.s32 @!p0 $0xFFFFF086;
	s6 =	sadd.s32 @!p0 s3, s7;
	s7 =	simm.s32 @!p0 $0x108  }
0x21: {  	s3 =	sadd.s32 s3, s9;
	s6 =	sadd.s32 @!p0 $0x88, s6;
	s7 =	simm.s32 @p2 $0x1082  }
0x22: {  	[simem:s7], [sflag:s8] =	dma.local @!p0 [hbm:s6], $0xF7A  }
0x23: {  	s9 =	sor.u32 $0xD0000000, s2;
	s6 =	simm.s32 $0x108;
	_ =	swait.ge @!p0 [sflag:s8], $0x0  }
0x24: {  	s3 =	sadd.s32 $0x88, s3;
	s6 =	simm.s32 @!p1 $0x1082;
	[sflag:s4] =	ssyncset.s32 $0xFFFFF086  }
0x25: {  	[simem:s6], [sflag:s4] =	dma.local [hbm:s3], $0xF7A  }
0x26: {  	[smem:$0x3F8E] =	sst s1;
	(tag) =	ssettag s2;
	_ =	strace s9  }
0x27: {  	s1 =	sld [smem:$0x3F9E]  }
0x28: {  	s2 =	sld [smem:$0x3F9F]  }
0x29: {  	s4 =	sld [smem:$0x3FA1]  }
0x2a: {  	p0 =	seq.s32 s5, $0x0;
	s5 =	sld [smem:$0x3FA2]  }
0x2b: {  	s6 =	sld [smem:$0x3FA3]  }
0x2c: {  	s7 =	sld [smem:$0x3FA4]  }
0x2d: {  	s3 =	simm.s32 $0x108;
	s8 =	sld [smem:$0x3FA5]  }
0x2e: {  	s3 =	simm.s32 @!p0 $0x1082;
	s9 =	sld [smem:$0x3FA6]  }
0x2f: {  	lr =	sadd.s32 s0, s3;
	s0 =	sld [smem:$0x3F9D]  }
0x30: {  	s3 =	sld [smem:$0x3FA0]  }
0x31: {  	[smem:$0x3FA9] =	sst s10  }
0x32: {  	s10 =	sld [smem:$0x3FA7];
	_ =	sdelay $0x3  }
0x33: {  	p0 =	seq.s32 s10, $0x1;
	s10 =	sld [smem:$0x3FA9];
	_ =	sdelay $0x3  }
0x34: {  	[smem:$0x3FA9] =	sst s10  }
0x35: {  	s10 =	sld [smem:$0x3FA8];
	_ =	sdelay $0x3  }
0x36: {  	p1 =	seq.s32 s10, $0x1;
	s10 =	sld [smem:$0x3FA9];
	_ =	sdelay $0x3  }
0x37: {  	[smem:$0x3FA9] =	sst s10  }
0x38: {  	s10 =	sld [smem:$0x3FAA]  }
0x39: {  	_ = 	snop;
	(pc) =	sbr.ind lr, $3  }
0x3a: {  	_ = 	snop  }
0x3b: {  	_ = 	snop  }
0x3c: {  	p2 =	seq.s32 s10, $0x1;
	s10 =	sld [smem:$0x3FA9]  }
0x3d: {  	_ =	shalt  }
0x3e: {  	_ =	shalt  }
0x3f: {  	_ =	shalt  }
0x40: {  	_ =	shalt  }
0x41: {  	_ =	shalt  }
0x42: {  	_ =	shalt  }
0x43: {  	_ =	shalt  }
0x44: {  	_ =	shalt  }
0x45: {  	_ =	shalt  }
0x46: {  	_ =	shalt  }
0x47: {  	_ =	shalt  }
0x48: {  	_ =	shalt  }
0x49: {  	_ =	shalt  }
0x4a: {  	_ =	shalt  }
0x4b: {  	_ =	shalt  }
0x4c: {  	_ =	shalt  }
0x4d: {  	_ =	shalt  }
0x4e: {  	_ =	shalt  }
0x4f: {  	_ =	shalt  }
0x50: {  	_ =	shalt  }
0x51: {  	_ =	shalt  }
0x52: {  	_ =	shalt  }
0x53: {  	_ =	shalt  }
0x54: {  	_ =	shalt  }
0x55: {  	_ =	shalt  }
0x56: {  	_ =	shalt  }
0x57: {  	_ =	shalt  }
0x58: {  	_ =	shalt  }
0x59: {  	_ =	shalt  }
0x5a: {  	_ =	shalt  }
0x5b: {  	_ =	shalt  }
0x5c: {  	_ =	shalt  }
0x5d: {  	_ =	shalt  }
0x5e: {  	_ =	shalt  }
0x5f: {  	_ =	shalt  }
0x60: {  	_ =	shalt  }
0x61: {  	_ =	shalt  }
0x62: {  	_ =	shalt  }
0x63: {  	_ =	shalt  }
0x64: {  	_ =	shalt  }
0x65: {  	_ =	shalt  }
0x66: {  	_ =	shalt  }
0x67: {  	_ =	shalt  }
0x68: {  	_ =	shalt  }
0x69: {  	_ =	shalt  }
0x6a: {  	_ =	shalt  }
0x6b: {  	_ =	shalt  }
0x6c: {  	_ =	shalt  }
0x6d: {  	_ =	shalt  }
0x6e: {  	_ =	shalt  }
0x6f: {  	_ =	shalt  }
0x70: {  	_ =	shalt  }
0x71: {  	_ =	shalt  }
0x72: {  	_ =	shalt  }
0x73: {  	_ =	shalt  }
0x74: {  	_ =	shalt  }
0x75: {  	_ =	shalt  }
0x76: {  	_ =	shalt  }
0x77: {  	_ =	shalt  }
0x78: {  	_ =	shalt  }
0x79: {  	_ =	shalt  }
0x7a: {  	_ =	shalt  }
0x7b: {  	_ =	shalt  }
0x7c: {  	_ =	shalt  }
0x7d: {  	_ =	shalt  }
0x7e: {  	_ =	shalt  }
0x7f: {  	_ =	shalt  }
0x80: {  	_ =	shalt  }
0x81: {  	_ =	shalt  }
0x82: {  	_ =	shalt  }
0x83: {  	_ =	shalt  }
0x84: {  	_ =	shalt  }
0x85: {  	_ =	shalt  }
0x86: {  	_ =	shalt  }
0x87: {  	_ =	shalt  }
.Lfunc_end0:
.L_simem_size_0:
called_computation.2_lowered:
.L_overlay_start_0:
0x88: {  	s2 =	sld [smem:$0x3FD9]  }
0x89: {  	s3 =	sld [smem:$0x3FFE];
	_ =	sdelay $0x1  }
0x8a: {  	s1 =	srdreg.scid  }
0x8b: {  	s0 =	sand.u32 $0x1, s1  }
0x8c: {  	s14 =	sshll.u32 s0, $0xA;
	s2 =	sadd.s32 s3, s2  }
0x8d: {  	s2 =	sadd.s32 s2, s14  }
0x8e: {  	[smem:$0x3FB5] =	sst s2  }
0x8f: {  	_ = 	snop  }
0x90: {  	s2 =	sld [smem:$0x3FD0];
	_ =	sdelay $0x2  }
0x91: {  	s15 =	simm.s32 $0xA;
	s4 =	simm.s32 $0x10  }
0x92: {  	[smem:s4], [sflag:s15] =	dma.local [hbm:s2], $0x1  }
0x93: {  	_ =	swait.eq [sflag:s15], $0x1  }
0x94: {  	[sflag:s15] =	ssyncset.done $0x0  }
0x95: {  	[sflag:s15] =	ssyncadd.s32 $0xFFFFFFFF  }
0x96: {  	s16 =	sld [smem:$0x13];
	(tm) =	ssettm $0x1  }
0x97: {  	s17 =	sld [smem:$0x3FFB];
	_ =	sdelay $0x3  }
0x98: {  	_ =	strace s17  }
0x99: {  	s3 =	sld [smem:$0x3FFC];
	_ =	sdelay $0x3  }
0x9a: {  	_ =	strace s3  }
0x9b: {  	s3 =	sld [smem:$0x3FFD];
	_ =	sdelay $0x3  }
0x9c: {  	_ =	strace s3  }
0x9d: {  	_ =	strace $0x8FFFFFFF  }
0x9e: {  	s18 =	sld [smem:$0x3FDB];
	_ =	sdelay $0x1  }
0x9f: {  	s19 =	simm.s32 $_scs_section_size  }
0xa0: {  	s5 =	simm.s32 $_size__tile_overlayer_lowered;
	s6 =	simm.s32 $_tile_overlayer_lowered  }
0xa1: {  	s22 =	simm.s32 $0x1BFF;
	s21 =	sshll.u32 s6, $0x1;
	s3 =	sadd.s32 s19, s18  }
0xa2: {  	s7 =	simm.s32 $0x0;
	s20 =	sshll.u32 s5, $0x1;
	s5 =	sadd.s32 s21, s3  }
0xa3: {  	[timem:s7], [sflag:s22] =	dma.local [hbm:s5], s20  }
0xa4: {  	_ =	swait.ge [sflag:s22], s20  }
0xa5: {  	s4 =	ssub.s32 $0x0, s20;
	[sflag:s22] =	ssyncset.done $0x0  }
0xa6: {  	[sflag:s22] =	ssyncadd.s32 s4;
	_ =	sdelay $0x1  }
0xa7: {  	s23 =	simm.s32 $0x1B8B  }
0xa8: {  	_ =	swait.ge [sflag:s23], $0x1  }
0xa9: {  	[sflag:s23] =	ssyncset.done $0x0  }
0xaa: {  	s25 =	simm.s32 $0x1B8E;
	s24 =	sld [smem:$0x3FFE];
	[sflag:s23] =	ssyncadd.s32 $0xFFFFFFFF  }
0xab: {  	s26 =	simm.s32 $execute0_lowered;
	[smem:$0x3FD2] =	sst s25  }
0xac: {  	s5 =	sshll.u32 s26, $0x1;
	_ =	strace $0x8000004C;
	[dreg:$0x1] =	wrdreg $0xFFFFFFFF  }
0xad: {  	s28 =	simm.s32 $_size_execute0_lowered;
	s3 =	sadd.s32 s3, s5;
	[dreg:$0x0] =	wrdreg $0x0  }
0xae: {  	s5 =	sshll.u32 s28, $0x1;
	[dreg:$0x2] =	wrdreg s3  }
0xaf: {  	[dreg:$0x3] =	wrdreg s5  }
0xb0: {  	[dreg:$0x4] =	wrdreg $0xC0  }
0xb1: {  	_ =	task [dreg:s7], $0x5FFFF  }
0xb2: {  	[dreg:$0x1] =	wrdreg $0xFFFFFFFF  }
0xb3: {  	[dreg:$0x0] =	wrdreg $0x60  }
0xb4: {  	[dreg:$0x2] =	wrdreg s16  }
0xb5: {  	[dreg:$0x3] =	wrdreg s24  }
0xb6: {  	[dreg:$0x4] =	wrdreg $0x43000  }
0xb7: {  	[dreg:$0x5] =	wrdreg $0x9  }
0xb8: {  	_ =	task.clear_ibuf [dreg:s7], $0x6FFFF;
	_ =	strace $0x9000004C  }
0xb9: {  	s29 =	simm.s32 $0x9;
	_ =	strace $0x8000004E  }
0xba: {  	_ =	swait.ge [sflag:s29], $0x1  }
0xbb: {  	[sflag:s29] =	ssyncadd.s32 $0xFFFFFFFF  }
0xbc: {  	_ =	strace $0x9000004E  }
0xbd: {  	_ =	sfence  }
0xbe: {  	s30 =	sld [smem:$0x0];
	_ =	sdelay $0x2  }
0xbf: {  	s31 =	sshll.u32 s1, $0xD;
	s1 =	sshrl.u32 s1, $0x2  }
0xc0: {  	s3 =	sand.u32 $0x4000, s31;
	s1 =	sadd.s32 s1, s30  }
0xc1: {  	s0 =	sor.u32 s3, s0;
	s1 =	sshll.u32 s1, $0x11  }
0xc2: {  	s0 =	sor.u32 s1, s0  }
0xc3: {  	s0 =	sadd.s32 $0x8F2B, s0  }
0xc4: {  	[sflag:s0] =	ssyncadd.remote.s32 $0x1  }
0xc5: {  	_ =	sfence.sel $0xFFFF  }
0xc6: {  	[dreg:$0x0] =	wrdreg $0xFFFFFFFF;
	(pc) =	sbr.abs _section_cstart, $3  }
0xc7: {  	[dreg:$0x1] =	wrdreg $0xFFFFFFFF  }
0xc8: {  	_ =	task.clear_ibuf [dreg:s7], $0x2FFFF;
	_ =	strace $0x9FFFFFFF  }
0xc9: {  	(tm) =	ssettm $0x7FFFFFFF  }
tec
execute0_lowered:
.L_overlay_start_1:
0x0: {  	(tag) =	ssettag $0x1  }
0x1: {  	s1 =	rddreg [dreg:$0x0]  }
0x2: {  	s0 =	rddreg [dreg:$0x1]  }
0x3: {  	s3 =	rddreg [dreg:$0x2]  }
0x4: {  	s4 =	simm.s32 $0x0;
	s2 =	stileid.u32;
	s6 =	srdreg.scid  }
0x5: {  	s28 =	simm.s32 $0x3;
	s30 =	simm.s32 $0x80;
	s31 =	simm.s32 $0x1  }
0x6: {  	[smem:$0x7FF] =	sst s4;
	s5 =	smul.u32 $0x1900, s2;
	s6 =	sand.u32 $0x1, s6  }
0x7: {  	s17 =	sshll.u32 s2, $0xD;
	s19 =	sor.u32 $0xC0, s2;
	s11 =	smul.u32 $0x61C0, s6  }
0x8: {  	_ =	strace $0x8000004D;
	s7 =	ssub.s32 $0x2, s6;
	s6 =	smul.u32 $0x187000, s6  }
0x9: {  	s21 =	sshll.u32 s19, $0xD;
	p0 =	sgt.u32 s19, $0xC3;
	s5 =	sadd.s32 s5, s0  }
0xa: {  	s0 =	sadd.s32 $0x1D600, s0;
	s8 =	sshrl.u32 s7, $0x1;
	s21 =	sadd.s32 s21, s3  }
0xb: {  	s10 =	ssub.s32 s7, s8;
	s22 =	sadd.s32 $0xE0E00, s5;
	s23 =	sadd.s32 $0x4600, s5  }
0xc: {  	s12 =	sadd.s32 $0x61C0, s11;
	s24 =	sshrl.u32 s6, $0x3;
	s7 =	sadd.s32 $0x186000, s3  }
0xd: {  	s8 =	sadd.s32 s17, s3;
	s6 =	sadd.s32 s17, s6;
	[dreg:$0x4] =	wrdreg s22  }
0xe: {  	[dreg:$0x5] =	wrdreg s23;
	s9 =	sadd.s32 s0, s24;
	s10 =	smax.u32 s10, $0x1  }
0xf: {  	s25 =	sadd.s32 $0x20000, s8;
	s26 =	sadd.s32 $0x40000, s8;
	s29 =	sadd.s32 $0x60000, s8  }
0x10: {  	s14 =	sadd.s32 $0x80000, s8;
	s15 =	sadd.s32 $0xA0000, s8;
	s16 =	sadd.s32 $0xC0000, s8  }
0x11: {  	s17 =	sadd.s32 $0xE0000, s8;
	s6 =	sshrl.u32 s6, $0x3;
	[dreg:$0x6] =	wrdreg s10  }
0x12: {  	s18 =	sadd.s32 $0x100000, s8;
	s20 =	sadd.s32 $0x120000, s8;
	[dreg:$0x7] =	wrdreg s25  }
0x13: {  	s22 =	sadd.s32 $0x4610, s5;
	s23 =	sadd.s32 $0xE0E10, s5;
	[dreg:$0x8] =	wrdreg s26  }
0x14: {  	s24 =	sadd.s32 $0x140000, s8;
	s9 =	sadd.s32 $0x30C00, s9;
	[dreg:$0x9] =	wrdreg s29  }
0x15: {  	v2 =	vimm.f32 $0.0e+00;
	v0 =	vmov s11;
	v1 =	vmov s12;
	s10 =	sadd.s32 s6, s0;
	s25 =	sadd.s32 $0x160000, s8;
	s26 =	simm.s32 $0x300  }
.LBB2_1:
0x16: {  	s5 =	simm.s32 $0x100;
	s0 =	simm.s32 $0x0  }
.LBB2_2:
0x17: {  	p1 =	sne.s32 s5, $0x7F00;
	[tilespmem:s0+$0x330] =	vst v2;
	s6 =	smov.u32 s5;
	s5 =	sadd.s32 $0x100, s5  }
.Ltmp0:
0x18: {  	[tilespmem:s0+$0x320] =	vst v2;
	(pc) =	sbr.rel @p1 .LBB2_2-.Ltmp0, $3  }
0x19: {  	[tilespmem:s0+$0x300] =	vst v2  }
0x1a: {  	[tilespmem:s0+$0x310] =	vst v2;
	_ =	sdelay $0x1  }
0x1b: {  	s0 =	sshra.s32 s6, $0x2  }
0x1c: {  	[tilespmem:s0+$0x330] =	vst v2  }
0x1d: {  	[tilespmem:s0+$0x320] =	vst v2  }
0x1e: {  	[tilespmem:s0+$0x300] =	vst v2  }
0x1f: {  	[tilespmem:s0+$0x310] =	vst v2  }
0x20: {  	[spmem:s8] =	stream.linear.scatter [tilespmem:s26], [sflag:$0x3], $0x2000, $0x38;
	[tilespmem:$0x1CB00] =	vst v63  }
0x21: {  	_ =	swait.ge [sflag:s28], $0x2000  }
0x22: {  	[sflag:s28] =	ssyncset.done $0x0  }
0x23: {  	s11 =	rddreg [dreg:$0x7];
	[sflag:s28] =	ssyncadd.s32 $0xFFFFE000  }
0x24: {  	[spmem:s11] =	stream.linear.scatter [tilespmem:s26], [sflag:$0x3], $0x2000, $0x38;
	[tilespmem:$0x1CB00] =	vst v63  }
0x25: {  	_ =	swait.ge [sflag:s28], $0x2000  }
0x26: {  	[sflag:s28] =	ssyncset.done $0x0  }
0x27: {  	s12 =	rddreg [dreg:$0x8];
	[sflag:s28] =	ssyncadd.s32 $0xFFFFE000  }
0x28: {  	[spmem:s12] =	stream.linear.scatter [tilespmem:s26], [sflag:$0x3], $0x2000, $0x38;
	[tilespmem:$0x1CB00] =	vst v63  }
0x29: {  	_ =	swait.ge [sflag:s28], $0x2000  }
0x2a: {  	[sflag:s28] =	ssyncset.done $0x0  }
0x2b: {  	s13 =	rddreg [dreg:$0x9];
	[sflag:s28] =	ssyncadd.s32 $0xFFFFE000  }
0x2c: {  	[spmem:s13] =	stream.linear.scatter [tilespmem:s26], [sflag:$0x3], $0x2000, $0x38;
	[tilespmem:$0x1CB00] =	vst v63  }
0x2d: {  	_ =	swait.ge [sflag:s28], $0x2000  }
0x2e: {  	[sflag:s28] =	ssyncset.done $0x0  }
0x2f: {  	[sflag:s28] =	ssyncadd.s32 $0xFFFFE000  }
0x30: {  	[spmem:s14] =	stream.linear.scatter [tilespmem:s26], [sflag:$0x3], $0x2000, $0x38;
	[tilespmem:$0x1CB00] =	vst v63  }
0x31: {  	_ =	swait.ge [sflag:s28], $0x2000  }
0x32: {  	[sflag:s28] =	ssyncset.done $0x0  }
0x33: {  	[sflag:s28] =	ssyncadd.s32 $0xFFFFE000  }
0x34: {  	[spmem:s15] =	stream.linear.scatter [tilespmem:s26], [sflag:$0x3], $0x2000, $0x38;
	[tilespmem:$0x1CB00] =	vst v63  }
0x35: {  	_ =	swait.ge [sflag:s28], $0x2000  }
0x36: {  	[sflag:s28] =	ssyncset.done $0x0  }
0x37: {  	[sflag:s28] =	ssyncadd.s32 $0xFFFFE000  }
0x38: {  	[spmem:s16] =	stream.linear.scatter [tilespmem:s26], [sflag:$0x3], $0x2000, $0x38;
	[tilespmem:$0x1CB00] =	vst v63  }
0x39: {  	_ =	swait.ge [sflag:s28], $0x2000  }
0x3a: {  	[sflag:s28] =	ssyncset.done $0x0  }
0x3b: {  	[sflag:s28] =	ssyncadd.s32 $0xFFFFE000  }
0x3c: {  	[spmem:s17] =	stream.linear.scatter [tilespmem:s26], [sflag:$0x3], $0x2000, $0x38;
	[tilespmem:$0x1CB00] =	vst v63  }
0x3d: {  	_ =	swait.ge [sflag:s28], $0x2000  }
0x3e: {  	[sflag:s28] =	ssyncset.done $0x0  }
0x3f: {  	[sflag:s28] =	ssyncadd.s32 $0xFFFFE000  }
0x40: {  	[spmem:s18] =	stream.linear.scatter [tilespmem:s26], [sflag:$0x3], $0x2000, $0x38;
	[tilespmem:$0x1CB00] =	vst v63  }
0x41: {  	_ =	swait.ge [sflag:s28], $0x2000  }
0x42: {  	[sflag:s28] =	ssyncset.done $0x0  }
0x43: {  	[sflag:s28] =	ssyncadd.s32 $0xFFFFE000  }
0x44: {  	[spmem:s20] =	stream.linear.scatter [tilespmem:s26], [sflag:$0x3], $0x2000, $0x38;
	[tilespmem:$0x1CB00] =	vst v63  }
0x45: {  	_ =	swait.ge [sflag:s28], $0x2000  }
0x46: {  	[sflag:s28] =	ssyncset.done $0x0  }
0x47: {  	[sflag:s28] =	ssyncadd.s32 $0xFFFFE000  }
0x48: {  	[spmem:s24] =	stream.linear.scatter [tilespmem:s26], [sflag:$0x3], $0x2000, $0x38;
	[tilespmem:$0x1CB00] =	vst v63  }
0x49: {  	_ =	swait.ge [sflag:s28], $0x2000  }
0x4a: {  	[sflag:s28] =	ssyncset.done $0x0  }
0x4b: {  	[sflag:s28] =	ssyncadd.s32 $0xFFFFE000  }
0x4c: {  	[spmem:s25] =	stream.linear.scatter [tilespmem:s26], [sflag:$0x3], $0x2000, $0x38;
	[tilespmem:$0x1CB00] =	vst v63  }
0x4d: {  	_ =	swait.ge [sflag:s28], $0x2000  }
0x4e: {  	[sflag:s28] =	ssyncset.done $0x0  }
0x4f: {  	s0 =	simm.s32 @!p0 $0x300;
	[sflag:s28] =	ssyncadd.s32 $0xFFFFE000  }
0x50: {  	[spmem:s21] =	stream.linear.scatter @!p0 [tilespmem:s0], [sflag:$0x3], $0x2000, $0x38;
	[tilespmem:$0x1CB00] =	vst v63  }
0x51: {  	s0 =	simm.s32 @!p0 $0x3  }
0x52: {  	_ =	swait.ge @!p0 [sflag:s0], $0x2000  }
0x53: {  	[sflag:s0] =	ssyncset.done @!p0 $0x0  }
0x54: {  	[sflag:s0] =	ssyncadd.s32 @!p0 $0xFFFFE000  }
0x55: {  	[bflag:$0x0] =	sbarrier.arrive $0xFFFF  }
0x56: {  	s0 =	simm.s32 $0x0;
	s5 =	rddreg [dreg:$0x4]  }
0x57: {  	[tilespmem:s0], [sflag:$0x3] =	stream.linear.gather [hbm4b:s5+s0], $0x80, $0x38;
	[tilespmem:$0x1CB00] =	vst v63  }
0x58: {  	_ =	swait.ge [sflag:s28], $0x80  }
0x59: {  	[sflag:s28] =	ssyncset.done $0x0  }
0x5a: {  	s6 =	simm.s32 $0x100;
	s19 =	rddreg [dreg:$0x5];
	[sflag:s28] =	ssyncadd.s32 $0xFFFFFF80  }
0x5b: {  	[tilespmem:s6], [sflag:$0x3] =	stream.linear.gather [hbm4b:s19+s0], $0x80, $0x38;
	[tilespmem:$0x1CB00] =	vst v63  }
0x5c: {  	_ =	swait.ge [sflag:s28], $0x80  }
0x5d: {  	[sflag:s28] =	ssyncset.done $0x0  }
0x5e: {  	s29 =	simm.s32 $0x80;
	s5 =	simm.s32 $0x0;
	[sflag:s28] =	ssyncadd.s32 $0xFFFFFF80  }
.LBB2_4:
0x5f: {  	p1 =	seq.s32 s0, $0x18F0  }
0x60: {  	s6 =	sand.u32 @!p1 $0x80, s29;
	s11 =	sadd.s32 @!p1 s0, s23;
	s12 =	simm.s32 @!p1 $0x0  }
0x61: {  	[tilespmem:s6], [sflag:$0x2] =	stream.linear.gather @!p1 [hbm4b:s11+s12], $0x80, $0x38;
	[tilespmem:$0x1CB00] =	vst v63  }
0x62: {  	s13 =	sand.u32 $0x1, s5;
	s19 =	sadd.s32 @!p1 s0, s22;
	s6 =	sor.u32 @!p1 $0x100, s6  }
0x63: {  	[tilespmem:s6], [sflag:$0x2] =	stream.linear.gather @!p1 [hbm4b:s19+s12], $0x80, $0x38;
	[tilespmem:$0x1CB00] =	vst v63  }
0x64: {  	s19 =	sshll.u32 s13, $0xD  }
0x65: {  	s11 =	sshll.u32 s13, $0x7;
	s6 =	sor.u32 $0x300, s19  }
0x66: {  	[tilespmem:s6], [sflag:$0x1] =	stream.indirect.gather [hbm4b:s1+s30], $0x40, s11, s30, $0xb8;
	[tilespmem:$0x1CB00] =	vst v63  }
0x67: {  	v3 =	vld [tilespmem:s11+$0x100]  }
0x68: {  	v4 =	vld [tilespmem:s11+$0x110]  }
0x69: {  	v5 =	vld [tilespmem:s11+$0x120]  }
0x6a: {  	v6 =	vld [tilespmem:s11+$0x130]  }
0x6b: {  	v7 =	vld [tilespmem:s11+$0x140]  }
0x6c: {  	v8 =	vld [tilespmem:s11+$0x150]  }
0x6d: {  	vm0 =	vge.s32 v3, v0;
	vm1 =	vlt.s32 v3, v1;
	v3 =	vsub.s32 v3, v0  }
0x6e: {  	v9 =	vld [tilespmem:s11+$0x160];
	vm12 =	vge.s32 v4, v0;
	vm2 =	vlt.s32 v4, v1;
	v4 =	vsub.s32 v4, v0  }
0x6f: {  	vm14 =	vge.s32 v5, v0;
	vm15 =	vlt.s32 v5, v1;
	vm4 =	vge.s32 v6, v0  }
0x70: {  	vm5 =	vlt.s32 v6, v1;
	v5 =	vsub.s32 v5, v0;
	v6 =	vsub.s32 v6, v0  }
0x71: {  	vm6 =	vge.s32 v7, v0;
	vm7 =	vlt.s32 v7, v1;
	vm8 =	vge.s32 v8, v0  }
0x72: {  	v10 =	vld [tilespmem:s11+$0x170];
	vm3 =	vlt.s32 v8, v1;
	v62 =	vsub.s32 v8, v0;
	vm0 =	vmand vm0, vm1  }
0x73: {  	vm10 =	vge.s32 v9, v0;
	vm13 =	vmand vm12, vm2;
	v3 =	vnsel vm0, $0x61C0, v3  }
0x74: {  	vm11 =	vlt.s32 v9, v1;
	vm1 =	vmand vm4, vm5;
	v4 =	vnsel vm13, $0x61C0, v4;
	[tilespmem:s11+$0x200] =	vst v3  }
0x75: {  	vm9 =	vmand vm8, vm3;
	vm0 =	vmand vm14, vm15;
	v6 =	vnsel vm1, $0x61C0, v6;
	[tilespmem:s11+$0x210] =	vst v4  }
0x76: {  	v5 =	vnsel vm0, $0x61C0, v5;
	vm0 =	vmand vm6, vm7;
	v3 =	vsub.s32 v7, v0;
	[tilespmem:s11+$0x230] =	vst v6  }
0x77: {  	vm12 =	vmand vm10, vm11;
	vm13 =	vge.s32 v10, v0;
	[tilespmem:s11+$0x220] =	vst v5;
	v3 =	vnsel vm0, $0x61C0, v3  }
0x78: {  	vm14 =	vlt.s32 v10, v1;
	v4 =	vnsel vm9, $0x61C0, v62;
	[tilespmem:s11+$0x240] =	vst v3;
	v3 =	vsub.s32 v9, v0  }
0x79: {  	v63 =	vsub.s32 v10, v0;
	vm15 =	vmand vm13, vm14;
	[tilespmem:s11+$0x250] =	vst v4;
	v3 =	vnsel vm12, $0x61C0, v3  }
0x7a: {  	[tilespmem:s11+$0x260] =	vst v3;
	v3 =	vnsel vm15, $0x61C0, v63  }
0x7b: {  	[tilespmem:s11+$0x270] =	vst v3  }
0x7c: {  	_ =	swait.ge [sflag:s31], $0x2000  }
0x7d: {  	[sflag:s31] =	ssyncset.done $0x0  }
0x7e: {  	s11 =	sor.u32 $0x200, s11;
	[sflag:s31] =	ssyncadd.s32 $0xFFFFE000  }
0x7f: {  	[spmem:s3] =	stream.indirect.scatter.add.f32 [tilespmem:s6], [sflag:$0x3], $0x40, s11, s30, $0xb8;
	[tilespmem:$0x1CB00] =	vst v63  }
0x80: {  	_ =	swait.ge [sflag:s28], $0x2000  }
0x81: {  	s0 =	sadd.s32 @!p1 $0x10, s0;
	[sflag:s28] =	ssyncset.done $0x0  }
0x82: {  	p2 =	sne.s32 @!p1 s0, $0x1900;
	s6 =	simm.s32 @!p1 $0x2;
	[sflag:s28] =	ssyncadd.s32 $0xFFFFE000  }
0x83: {  	p2 =	por p1, !p2;
	_ =	swait.ge @!p1 [sflag:s6], $0x80  }
.Ltmp1:
0x84: {  	[sflag:s6] =	ssyncset.done @!p1 $0x0;
	(pc) =	sbr.rel @!p2 .LBB2_4-.Ltmp1, $4  }
0x85: {  	[sflag:s6] =	ssyncadd.s32 @!p1 $0xFFFFFF80  }
0x86: {  	_ =	swait.ge @!p1 [sflag:s6], $0x80  }
0x87: {  	[sflag:s6] =	ssyncset.done @!p1 $0x0  }
0x88: {  	s29 =	sadd.s32 @!p1 $0x80, s29;
	s5 =	sadd.s32 @!p1 $0x1, s5;
	[sflag:s6] =	ssyncadd.s32 @!p1 $0xFFFFFF80  }
0x89: {  	s0 =	sadd.s32 $0xFFFFFF30, s2  }
0x8a: {  	s5 =	sadd.s32 $0xD0, s0  }
0x8b: {  	p1 =	sgt.u32 s5, $0xC2  }
0x8c: {  	p2 =	sne.s32 @p1 s0, $0xFFFFFFF3  }
0x8d: {  	p2 =	por p2, !p1  }
0x8e: {  	[bflag:$0x0] =	sbarrier.arrive $0xFFFF;
	s0 =	simm.s32 @!p2 $0x300;
	s5 =	simm.s32 @!p2 $0x4  }
0x8f: {  	[tilespmem:s0], [sflag:$0x4] =	stream.linear.gather @!p2 [spmem:s7], $0x1000, $0x38;
	[tilespmem:$0x1CB00] =	vst v63  }
0x90: {  	_ =	swait.ge @!p2 [sflag:s5], $0x1000  }
0x91: {  	[sflag:s5] =	ssyncset.done @!p2 $0x0  }
0x92: {  	s11 =	simm.s32 @!p2 $0x3;
	[sflag:s5] =	ssyncadd.s32 @!p2 $0xFFFFF000;
	s5 =	simm.s32 @!p2 $0x0  }
0x93: {  	[hbm4b:s9+s5] =	stream.linear.scatter @!p2 [tilespmem:s0], [sflag:$0x3], $0x1000, $0x38;
	[tilespmem:$0x1CB00] =	vst v63  }
0x94: {  	s29 =	simm.s32 $0xFFFFFF50;
	p1 =	por p1, p1;
	_ =	swait.ge @!p2 [sflag:s11], $0x1000  }
0x95: {  	s6 =	simm.s32 @!p1 $0x4;
	s12 =	simm.s32 @!p1 $0x0;
	[sflag:s11] =	ssyncset.done @!p2 $0x0  }
0x96: {  	s5 =	sadd.s32 $0xFFFFFF40, s2;
	[sflag:s11] =	ssyncadd.s32 @!p2 $0xFFFFF000;
	s11 =	simm.s32 @!p1 $0x300  }
0x97: {  	[tilespmem:s11], [sflag:$0x4] =	stream.linear.gather @!p1 [spmem:s8], $0x2000, $0x38;
	[tilespmem:$0x1CB00] =	vst v63  }
0x98: {  	s0 =	sadd.s32 $0x4000, s10;
	s19 =	sadd.s32 $0xD0, s5;
	_ =	swait.ge @!p1 [sflag:s6], $0x2000  }
0x99: {  	p2 =	sgt.u32 s19, $0xC2;
	s19 =	smov.u32 s10;
	[sflag:s6] =	ssyncset.done @!p1 $0x0  }
0x9a: {  	p4 =	sne.s32 @p2 s5, $0xFFFFFFF3;
	s5 =	smov.u32 s8;
	[sflag:s6] =	ssyncadd.s32 @!p1 $0xFFFFE000  }
.LBB2_6:
0x9b: {  	p4 =	por p4, !p2  }
0x9c: {  	s5 =	sadd.s32 $0x20000, s5;
	s13 =	smov.u32 s29;
	s29 =	sadd.s32 $0x10, s29  }
0x9d: {  	[hbm4b:s19+s12] =	stream.linear.scatter @!p1 [tilespmem:s11], [sflag:$0x4], $0x2000, $0x38;
	[tilespmem:$0x1CB00] =	vst v63  }
0x9e: {  	p3 =	sne.s32 s29, $0x0;
	s19 =	smov.u32 s0;
	_ =	swait.ge @!p1 [sflag:s6], $0x2000  }
0x9f: {  	[sflag:s6] =	ssyncset.done @!p1 $0x0  }
0xa0: {  	s11 =	simm.s32 @!p4 $0x300;
	s12 =	simm.s32 @!p4 $0x4;
	[sflag:s6] =	ssyncadd.s32 @!p1 $0xFFFFE000  }
0xa1: {  	[tilespmem:s11], [sflag:$0x4] =	stream.linear.gather @!p4 [spmem:s7], $0x1000, $0x38;
	[tilespmem:$0x1CB00] =	vst v63  }
0xa2: {  	p1 =	por p2, p2;
	_ =	swait.ge @!p4 [sflag:s12], $0x1000  }
0xa3: {  	[sflag:s12] =	ssyncset.done @!p4 $0x0  }
0xa4: {  	s6 =	simm.s32 @!p4 $0x0;
	[sflag:s12] =	ssyncadd.s32 @!p4 $0xFFFFF000;
	s12 =	simm.s32 @!p4 $0x3  }
0xa5: {  	[hbm4b:s9+s6] =	stream.linear.scatter @!p4 [tilespmem:s11], [sflag:$0x3], $0x1000, $0x38;
	[tilespmem:$0x1CB00] =	vst v63  }
0xa6: {  	_ =	swait.ge @!p4 [sflag:s12], $0x1000  }
0xa7: {  	s13 =	sadd.s32 s13, s2;
	s6 =	simm.s32 @!p1 $0x4;
	[sflag:s12] =	ssyncset.done @!p4 $0x0  }
.Ltmp2:
0xa8: {  	s11 =	simm.s32 @!p1 $0x300;
	[sflag:s12] =	ssyncadd.s32 @!p4 $0xFFFFF000;
	(pc) =	sbr.rel @p3 .LBB2_6-.Ltmp2, $4  }
0xa9: {  	[tilespmem:s11], [sflag:$0x4] =	stream.linear.gather @!p1 [spmem:s5], $0x2000, $0x38;
	[tilespmem:$0x1CB00] =	vst v63  }
0xaa: {  	s12 =	sadd.s32 $0xD0, s13;
	_ =	swait.ge @!p1 [sflag:s6], $0x2000  }
0xab: {  	s0 =	sadd.s32 $0x4000, s0;
	p2 =	sgt.u32 s12, $0xC2;
	[sflag:s6] =	ssyncset.done @!p1 $0x0  }
0xac: {  	s12 =	simm.s32 @!p1 $0x0;
	p4 =	sne.s32 @p2 s13, $0xFFFFFFF3;
	[sflag:s6] =	ssyncadd.s32 @!p1 $0xFFFFE000  }
0xad: {  	[hbm4b:s19+s12] =	stream.linear.scatter @!p1 [tilespmem:s11], [sflag:$0x4], $0x2000, $0x38;
	[tilespmem:$0x1CB00] =	vst v63  }
0xae: {  	_ =	swait.ge @!p1 [sflag:s6], $0x2000  }
0xaf: {  	p3 =	por p4, !p2;
	[sflag:s6] =	ssyncset.done @!p1 $0x0  }
0xb0: {  	s11 =	simm.s32 @!p3 $0x300;
	s12 =	simm.s32 @!p3 $0x4;
	[sflag:s6] =	ssyncadd.s32 @!p1 $0xFFFFE000  }
0xb1: {  	[tilespmem:s11], [sflag:$0x4] =	stream.linear.gather @!p3 [spmem:s7], $0x1000, $0x38;
	[tilespmem:$0x1CB00] =	vst v63  }
0xb2: {  	_ =	swait.ge @!p3 [sflag:s12], $0x1000  }
0xb3: {  	[sflag:s12] =	ssyncset.done @!p3 $0x0  }
0xb4: {  	s6 =	simm.s32 @!p3 $0x0;
	[sflag:s12] =	ssyncadd.s32 @!p3 $0xFFFFF000;
	s12 =	simm.s32 @!p3 $0x3  }
0xb5: {  	[hbm4b:s9+s6] =	stream.linear.scatter @!p3 [tilespmem:s11], [sflag:$0x3], $0x1000, $0x38;
	[tilespmem:$0x1CB00] =	vst v63  }
0xb6: {  	_ =	swait.ge @!p3 [sflag:s12], $0x1000  }
0xb7: {  	s5 =	sadd.s32 $0x20000, s5;
	p1 =	por p2, p2;
	[sflag:s12] =	ssyncset.done @!p3 $0x0  }
0xb8: {  	s6 =	simm.s32 @!p1 $0x4;
	s11 =	simm.s32 @!p1 $0x300;
	[sflag:s12] =	ssyncadd.s32 @!p3 $0xFFFFF000  }
0xb9: {  	[tilespmem:s11], [sflag:$0x4] =	stream.linear.gather @!p1 [spmem:s5], $0x2000, $0x38;
	[tilespmem:$0x1CB00] =	vst v63  }
0xba: {  	_ =	swait.ge @!p1 [sflag:s6], $0x2000  }
0xbb: {  	[sflag:s6] =	ssyncset.done @!p1 $0x0  }
0xbc: {  	s5 =	simm.s32 @!p1 $0x0;
	[sflag:s6] =	ssyncadd.s32 @!p1 $0xFFFFE000  }
0xbd: {  	[hbm4b:s0+s5] =	stream.linear.scatter @!p1 [tilespmem:s11], [sflag:$0x4], $0x2000, $0x38;
	[tilespmem:$0x1CB00] =	vst v63  }
0xbe: {  	_ =	swait.ge @!p1 [sflag:s6], $0x2000  }
0xbf: {  	s4 =	sadd.s32 $0x1, s4;
	s29 =	rddreg [dreg:$0x6]  }
0xc0: {  	p2 =	sne.s32 s4, s29  }
.Ltmp3:
0xc1: {  	_ = 	snop;
	(pc) =	sbr.rel @p2 .LBB2_1-.Ltmp3, $3  }
0xc2: {  	_ =	sdelay $0x1  }
0xc3: {  	[sflag:s6] =	ssyncset.done @!p1 $0x0  }
0xc4: {  	[sflag:s6] =	ssyncadd.s32 @!p1 $0xFFFFE000  }
0xc5: {  	_ =	sfence.sel $0x180000  }
0xc6: {  	[bflag:$0x0] =	sbarrier.arrive $0xFFFF  }
0xc7: {  	_ =	strace $0x9000004D  }
0xc8: {  	[bflag:$0x2] =	sbarrier.arrive $0xFFFF  }
0xc9: {  	p0 =	sne.s32 s2, $0x0;
	s0 =	rddreg [dreg:$0x3]  }
0xca: {  	s0 =	sadd.s32 @!p0 $0x100000, s0  }
0xcb: {  	[sflag:s0] =	ssyncadd.tile.s32 @!p0 $0x1;
	_ =	shalt  }
.Lfunc_end2:
_tile_overlayer_lowered:
.L_overlay_start_2:
0xcc: {  	(tag) =	ssettag $0x2  }
0xcd: {  	s0 =	rddreg [dreg:$0x0];
	s2 =	stileid.u32  }
0xce: {  	s1 =	rddreg [dreg:$0x1];
	p0 =	sne.s32 s2, $0x0  }
0xcf: {  	s3 =	rddreg [dreg:$0x2];
	[bflag:$0x3] =	sbarrier.arrive $0xFFFF;
	s2 =	simm.s32 @!p0 $0x1C03  }
0xd0: {  	[timem:s3], [sflag:s2] =	dma.local @!p0 [hbm:s0], s1  }
0xd1: {  	s0 =	simm.s32 @!p0 $0x3  }
0xd2: {  	_ =	swait.ge @!p0 [sflag:s0], s1  }
0xd3: {  	s1 =	ssub.s32 @!p0 $0x0, s1;
	[sflag:s0] =	ssyncset.done @!p0 $0x0  }
0xd4: {  	[sflag:s0] =	ssyncadd.s32 @!p0 s1  }
0xd5: {  	[bflag:$0x3] =	sbarrier.arrive $0xFFFF  }
0xd6: {  	_ =	shalt  }

// kernel: kernel.24.cloned.1.call-start
scs
__scs_entry_jumppad:
0x0: {  	(pc) =	sbr.rel $0x88, $3  }
0x1: {  	(tag) =	ssettag $0x0;
	lr =	simm.s32 $0x1  }
0x2: {  	[smem:$0x3F8E] =	sst lr;
	_ =	strace $0xD0000000  }
0x3: {  	_ = 	snop  }
0x4: {  	_ = 	snop  }
0x5: {  	_ = 	snop  }
0x6: {  	_ = 	snop  }
0x7: {  	_ = 	snop  }
__scs_overlays_trampoline_lowered:
0x8: {  	[smem:$0x3F9D] =	sst s0  }
0x9: {  	[smem:$0x3F9E] =	sst s1  }
0xa: {  	[smem:$0x3F9F] =	sst s2  }
0xb: {  	[smem:$0x3FA0] =	sst s3  }
0xc: {  	[smem:$0x3FA1] =	sst s4  }
0xd: {  	[smem:$0x3FA2] =	sst s5  }
0xe: {  	[smem:$0x3FA3] =	sst s6  }
0xf: {  	[smem:$0x3FA4] =	sst s7  }
0x10: {  	[smem:$0x3FA5] =	sst s8  }
0x11: {  	[smem:$0x3FA6] =	sst s9;
	s0 =	simm.s32 @!p0 $0x0  }
0x12: {  	s1 =	sld [smem:$0x3F8C];
	s0 =	simm.s32 @p0 $0x1  }
0x13: {  	[smem:$0x3FA7] =	sst s0;
	s0 =	simm.s32 @!p1 $0x0  }
0x14: {  	s2 =	sld [smem:$0x3F8B];
	s0 =	simm.s32 @p1 $0x1  }
0x15: {  	[smem:$0x3FA8] =	sst s0;
	s0 =	simm.s32 @!p2 $0x0  }
0x16: {  	s3 =	sld [smem:$0x3FDB];
	s0 =	simm.s32 @p2 $0x1  }
0x17: {  	s4 =	simm.s32 $0x1BF5;
	[smem:$0x3FAA] =	sst s0  }
0x18: {  	s0 =	sld [smem:$0x3F8D];
	_ =	swait.ge [sflag:s4], $0x0  }
0x19: {  	s7 =	sld [smem:$0x3F8E]  }
0x1a: {  	s8 =	sadd.s32 $0xFFFFE003, lr  }
0x1b: {  	s9 =	sadd.s32 $0xFFFFFEF7, lr;
	s5 =	simm.s32 $0xFFFFFFFF;
	p2 =	slt.u32 s8, $0xFFFFF086  }
0x1c: {  	p1 =	slt.u32 s9, $0xF7A;
	s5 =	simm.s32 @!p2 $0x0  }
0x1d: {  	s5 =	simm.s32 @p1 $0x1;
	p0 =	seq.s32 s7, s2  }
0x1e: {  	s7 =	smul.u32 @!p0 $0xF7A, s2;
	p2 =	seq.s32 @!p0 s5, $0x0  }
0x1f: {  	s9 =	smul.u32 $0xF7A, s1;
	s8 =	simm.s32 @!p0 $0x1BF5;
	p2 =	por !p2, p0  }
0x20: {  	[sflag:s8] =	ssyncset.s32 @!p0 $0xFFFFF086;
	s6 =	sadd.s32 @!p0 s3, s7;
	s7 =	simm.s32 @!p0 $0x108  }
0x21: {  	s3 =	sadd.s32 s3, s9;
	s6 =	sadd.s32 @!p0 $0x88, s6;
	s7 =	simm.s32 @p2 $0x1082  }
0x22: {  	[simem:s7], [sflag:s8] =	dma.local @!p0 [hbm:s6], $0xF7A  }
0x23: {  	s9 =	sor.u32 $0xD0000000, s2;
	s6 =	simm.s32 $0x108;
	_ =	swait.ge @!p0 [sflag:s8], $0x0  }
0x24: {  	s3 =	sadd.s32 $0x88, s3;
	s6 =	simm.s32 @!p1 $0x1082;
	[sflag:s4] =	ssyncset.s32 $0xFFFFF086  }
0x25: {  	[simem:s6], [sflag:s4] =	dma.local [hbm:s3], $0xF7A  }
0x26: {  	[smem:$0x3F8E] =	sst s1;
	(tag) =	ssettag s2;
	_ =	strace s9  }
0x27: {  	s1 =	sld [smem:$0x3F9E]  }
0x28: {  	s2 =	sld [smem:$0x3F9F]  }
0x29: {  	s4 =	sld [smem:$0x3FA1]  }
0x2a: {  	p0 =	seq.s32 s5, $0x0;
	s5 =	sld [smem:$0x3FA2]  }
0x2b: {  	s6 =	sld [smem:$0x3FA3]  }
0x2c: {  	s7 =	sld [smem:$0x3FA4]  }
0x2d: {  	s3 =	simm.s32 $0x108;
	s8 =	sld [smem:$0x3FA5]  }
0x2e: {  	s3 =	simm.s32 @!p0 $0x1082;
	s9 =	sld [smem:$0x3FA6]  }
0x2f: {  	lr =	sadd.s32 s0, s3;
	s0 =	sld [smem:$0x3F9D]  }
0x30: {  	s3 =	sld [smem:$0x3FA0]  }
0x31: {  	[smem:$0x3FA9] =	sst s10  }
0x32: {  	s10 =	sld [smem:$0x3FA7];
	_ =	sdelay $0x3  }
0x33: {  	p0 =	seq.s32 s10, $0x1;
	s10 =	sld [smem:$0x3FA9];
	_ =	sdelay $0x3  }
0x34: {  	[smem:$0x3FA9] =	sst s10  }
0x35: {  	s10 =	sld [smem:$0x3FA8];
	_ =	sdelay $0x3  }
0x36: {  	p1 =	seq.s32 s10, $0x1;
	s10 =	sld [smem:$0x3FA9];
	_ =	sdelay $0x3  }
0x37: {  	[smem:$0x3FA9] =	sst s10  }
0x38: {  	s10 =	sld [smem:$0x3FAA]  }
0x39: {  	_ = 	snop;
	(pc) =	sbr.ind lr, $3  }
0x3a: {  	_ = 	snop  }
0x3b: {  	_ = 	snop  }
0x3c: {  	p2 =	seq.s32 s10, $0x1;
	s10 =	sld [smem:$0x3FA9]  }
0x3d: {  	_ =	shalt  }
0x3e: {  	_ =	shalt  }
0x3f: {  	_ =	shalt  }
0x40: {  	_ =	shalt  }
0x41: {  	_ =	shalt  }
0x42: {  	_ =	shalt  }
0x43: {  	_ =	shalt  }
0x44: {  	_ =	shalt  }
0x45: {  	_ =	shalt  }
0x46: {  	_ =	shalt  }
0x47: {  	_ =	shalt  }
0x48: {  	_ =	shalt  }
0x49: {  	_ =	shalt  }
0x4a: {  	_ =	shalt  }
0x4b: {  	_ =	shalt  }
0x4c: {  	_ =	shalt  }
0x4d: {  	_ =	shalt  }
0x4e: {  	_ =	shalt  }
0x4f: {  	_ =	shalt  }
0x50: {  	_ =	shalt  }
0x51: {  	_ =	shalt  }
0x52: {  	_ =	shalt  }
0x53: {  	_ =	shalt  }
0x54: {  	_ =	shalt  }
0x55: {  	_ =	shalt  }
0x56: {  	_ =	shalt  }
0x57: {  	_ =	shalt  }
0x58: {  	_ =	shalt  }
0x59: {  	_ =	shalt  }
0x5a: {  	_ =	shalt  }
0x5b: {  	_ =	shalt  }
0x5c: {  	_ =	shalt  }
0x5d: {  	_ =	shalt  }
0x5e: {  	_ =	shalt  }
0x5f: {  	_ =	shalt  }
0x60: {  	_ =	shalt  }
0x61: {  	_ =	shalt  }
0x62: {  	_ =	shalt  }
0x63: {  	_ =	shalt  }
0x64: {  	_ =	shalt  }
0x65: {  	_ =	shalt  }
0x66: {  	_ =	shalt  }
0x67: {  	_ =	shalt  }
0x68: {  	_ =	shalt  }
0x69: {  	_ =	shalt  }
0x6a: {  	_ =	shalt  }
0x6b: {  	_ =	shalt  }
0x6c: {  	_ =	shalt  }
0x6d: {  	_ =	shalt  }
0x6e: {  	_ =	shalt  }
0x6f: {  	_ =	shalt  }
0x70: {  	_ =	shalt  }
0x71: {  	_ =	shalt  }
0x72: {  	_ =	shalt  }
0x73: {  	_ =	shalt  }
0x74: {  	_ =	shalt  }
0x75: {  	_ =	shalt  }
0x76: {  	_ =	shalt  }
0x77: {  	_ =	shalt  }
0x78: {  	_ =	shalt  }
0x79: {  	_ =	shalt  }
0x7a: {  	_ =	shalt  }
0x7b: {  	_ =	shalt  }
0x7c: {  	_ =	shalt  }
0x7d: {  	_ =	shalt  }
0x7e: {  	_ =	shalt  }
0x7f: {  	_ =	shalt  }
0x80: {  	_ =	shalt  }
0x81: {  	_ =	shalt  }
0x82: {  	_ =	shalt  }
0x83: {  	_ =	shalt  }
0x84: {  	_ =	shalt  }
0x85: {  	_ =	shalt  }
0x86: {  	_ =	shalt  }
0x87: {  	_ =	shalt  }
.Lfunc_end0:
.L_simem_size_0:
called_computation.3_lowered:
.L_overlay_start_0:
0x88: {  	s2 =	sld [smem:$0x3FD9]  }
0x89: {  	s3 =	sld [smem:$0x3FFE];
	_ =	sdelay $0x1  }
0x8a: {  	s1 =	srdreg.scid  }
0x8b: {  	s0 =	sand.u32 $0x1, s1  }
0x8c: {  	s14 =	sshll.u32 s0, $0xA;
	s2 =	sadd.s32 s3, s2  }
0x8d: {  	s2 =	sadd.s32 s2, s14  }
0x8e: {  	[smem:$0x3FB5] =	sst s2  }
0x8f: {  	_ = 	snop  }
0x90: {  	s2 =	sld [smem:$0x3FD0];
	_ =	sdelay $0x2  }
0x91: {  	s15 =	simm.s32 $0xA;
	s4 =	simm.s32 $0x10  }
0x92: {  	[smem:s4], [sflag:s15] =	dma.local [hbm:s2], $0x1  }
0x93: {  	_ =	swait.eq [sflag:s15], $0x1  }
0x94: {  	[sflag:s15] =	ssyncset.done $0x0  }
0x95: {  	[sflag:s15] =	ssyncadd.s32 $0xFFFFFFFF  }
0x96: {  	s16 =	sld [smem:$0x13];
	(tm) =	ssettm $0x1  }
0x97: {  	s17 =	sld [smem:$0x3FFB];
	_ =	sdelay $0x3  }
0x98: {  	_ =	strace s17  }
0x99: {  	s3 =	sld [smem:$0x3FFC];
	_ =	sdelay $0x3  }
0x9a: {  	_ =	strace s3  }
0x9b: {  	s3 =	sld [smem:$0x3FFD];
	_ =	sdelay $0x3  }
0x9c: {  	_ =	strace s3  }
0x9d: {  	_ =	strace $0x8FFFFFFF  }
0x9e: {  	s18 =	sld [smem:$0x3FDB];
	_ =	sdelay $0x1  }
0x9f: {  	s19 =	simm.s32 $_scs_section_size  }
0xa0: {  	s5 =	simm.s32 $_size__tile_overlayer_lowered;
	s6 =	simm.s32 $_tile_overlayer_lowered  }
0xa1: {  	s22 =	simm.s32 $0x1BFF;
	s21 =	sshll.u32 s6, $0x1;
	s3 =	sadd.s32 s19, s18  }
0xa2: {  	s7 =	simm.s32 $0x0;
	s20 =	sshll.u32 s5, $0x1;
	s5 =	sadd.s32 s21, s3  }
0xa3: {  	[timem:s7], [sflag:s22] =	dma.local [hbm:s5], s20  }
0xa4: {  	_ =	swait.ge [sflag:s22], s20  }
0xa5: {  	s4 =	ssub.s32 $0x0, s20;
	[sflag:s22] =	ssyncset.done $0x0  }
0xa6: {  	[sflag:s22] =	ssyncadd.s32 s4;
	_ =	sdelay $0x1  }
0xa7: {  	s23 =	simm.s32 $0x1B8B  }
0xa8: {  	_ =	swait.ge [sflag:s23], $0x1  }
0xa9: {  	[sflag:s23] =	ssyncset.done $0x0  }
0xaa: {  	s25 =	simm.s32 $0x1B8E;
	s24 =	sld [smem:$0x3FFE];
	[sflag:s23] =	ssyncadd.s32 $0xFFFFFFFF  }
0xab: {  	s26 =	simm.s32 $execute0_lowered;
	[smem:$0x3FD2] =	sst s25  }
0xac: {  	s5 =	sshll.u32 s26, $0x1;
	_ =	strace $0x8000004F;
	[dreg:$0x1] =	wrdreg $0xFFFFFFFF  }
0xad: {  	s28 =	simm.s32 $_size_execute0_lowered;
	s3 =	sadd.s32 s3, s5;
	[dreg:$0x0] =	wrdreg $0x0  }
0xae: {  	s5 =	sshll.u32 s28, $0x1;
	[dreg:$0x2] =	wrdreg s3  }
0xaf: {  	[dreg:$0x3] =	wrdreg s5  }
0xb0: {  	[dreg:$0x4] =	wrdreg $0xC0  }
0xb1: {  	_ =	task [dreg:s7], $0x5FFFF  }
0xb2: {  	[dreg:$0x1] =	wrdreg $0xFFFFFFFF  }
0xb3: {  	[dreg:$0x0] =	wrdreg $0x60  }
0xb4: {  	[dreg:$0x2] =	wrdreg s16  }
0xb5: {  	[dreg:$0x3] =	wrdreg s24  }
0xb6: {  	[dreg:$0x4] =	wrdreg $0x43000  }
0xb7: {  	[dreg:$0x5] =	wrdreg $0x9  }
0xb8: {  	_ =	task.clear_ibuf [dreg:s7], $0x6FFFF;
	_ =	strace $0x9000004F  }
0xb9: {  	s29 =	simm.s32 $0x9;
	_ =	strace $0x80000051  }
0xba: {  	_ =	swait.ge [sflag:s29], $0x1  }
0xbb: {  	[sflag:s29] =	ssyncadd.s32 $0xFFFFFFFF  }
0xbc: {  	_ =	strace $0x90000051  }
0xbd: {  	_ =	sfence  }
0xbe: {  	s30 =	sld [smem:$0x0];
	_ =	sdelay $0x2  }
0xbf: {  	s31 =	sshll.u32 s1, $0xD;
	s1 =	sshrl.u32 s1, $0x2  }
0xc0: {  	s3 =	sand.u32 $0x4000, s31;
	s1 =	sadd.s32 s1, s30  }
0xc1: {  	s0 =	sor.u32 s3, s0;
	s1 =	sshll.u32 s1, $0x11  }
0xc2: {  	s0 =	sor.u32 s1, s0  }
0xc3: {  	s0 =	sadd.s32 $0x8F2B, s0  }
0xc4: {  	[sflag:s0] =	ssyncadd.remote.s32 $0x1  }
0xc5: {  	_ =	sfence.sel $0xFFFF  }
0xc6: {  	[dreg:$0x0] =	wrdreg $0xFFFFFFFF;
	(pc) =	sbr.abs _section_cstart, $3  }
0xc7: {  	[dreg:$0x1] =	wrdreg $0xFFFFFFFF  }
0xc8: {  	_ =	task.clear_ibuf [dreg:s7], $0x2FFFF;
	_ =	strace $0x9FFFFFFF  }
0xc9: {  	(tm) =	ssettm $0x7FFFFFFF  }
tec
execute0_lowered:
.L_overlay_start_1:
0x0: {  	(tag) =	ssettag $0x1  }
0x1: {  	s1 =	rddreg [dreg:$0x0]  }
0x2: {  	s0 =	rddreg [dreg:$0x1]  }
0x3: {  	s3 =	rddreg [dreg:$0x2]  }
0x4: {  	s4 =	simm.s32 $0x0;
	s2 =	stileid.u32;
	s6 =	srdreg.scid  }
0x5: {  	s28 =	simm.s32 $0x3;
	s30 =	simm.s32 $0x80;
	s31 =	simm.s32 $0x1  }
0x6: {  	[smem:$0x7FF] =	sst s4;
	s5 =	smul.u32 $0x1900, s2;
	s6 =	sand.u32 $0x1, s6  }
0x7: {  	s17 =	sshll.u32 s2, $0xD;
	s19 =	sor.u32 $0xC0, s2;
	s11 =	smul.u32 $0x61C0, s6  }
0x8: {  	_ =	strace $0x80000050;
	s7 =	ssub.s32 $0x2, s6;
	s6 =	smul.u32 $0x187000, s6  }
0x9: {  	s21 =	sshll.u32 s19, $0xD;
	p0 =	sgt.u32 s19, $0xC3;
	s5 =	sadd.s32 s5, s0  }
0xa: {  	s0 =	sadd.s32 $0x1D600, s0;
	s8 =	sshrl.u32 s7, $0x1;
	s21 =	sadd.s32 s21, s3  }
0xb: {  	s10 =	ssub.s32 s7, s8;
	s22 =	sadd.s32 $0xE0E00, s5;
	s23 =	sadd.s32 $0x4600, s5  }
0xc: {  	s12 =	sadd.s32 $0x61C0, s11;
	s24 =	sshrl.u32 s6, $0x3;
	s7 =	sadd.s32 $0x186000, s3  }
0xd: {  	s8 =	sadd.s32 s17, s3;
	s6 =	sadd.s32 s17, s6;
	[dreg:$0x4] =	wrdreg s22  }
0xe: {  	[dreg:$0x5] =	wrdreg s23;
	s9 =	sadd.s32 s0, s24;
	s10 =	smax.u32 s10, $0x1  }
0xf: {  	s25 =	sadd.s32 $0x20000, s8;
	s26 =	sadd.s32 $0x40000, s8;
	s29 =	sadd.s32 $0x60000, s8  }
0x10: {  	s14 =	sadd.s32 $0x80000, s8;
	s15 =	sadd.s32 $0xA0000, s8;
	s16 =	sadd.s32 $0xC0000, s8  }
0x11: {  	s17 =	sadd.s32 $0xE0000, s8;
	s6 =	sshrl.u32 s6, $0x3;
	[dreg:$0x6] =	wrdreg s10  }
0x12: {  	s18 =	sadd.s32 $0x100000, s8;
	s20 =	sadd.s32 $0x120000, s8;
	[dreg:$0x7] =	wrdreg s25  }
0x13: {  	s22 =	sadd.s32 $0x4610, s5;
	s23 =	sadd.s32 $0xE0E10, s5;
	[dreg:$0x8] =	wrdreg s26  }
0x14: {  	s24 =	sadd.s32 $0x140000, s8;
	s9 =	sadd.s32 $0x30C00, s9;
	[dreg:$0x9] =	wrdreg s29  }
0x15: {  	v2 =	vimm.f32 $0.0e+00;
	v0 =	vmov s11;
	v1 =	vmov s12;
	s10 =	sadd.s32 s6, s0;
	s25 =	sadd.s32 $0x160000, s8;
	s26 =	simm.s32 $0x300  }
.LBB2_1:
0x16: {  	s5 =	simm.s32 $0x100;
	s0 =	simm.s32 $0x0  }
.LBB2_2:
0x17: {  	p1 =	sne.s32 s5, $0x7F00;
	[tilespmem:s0+$0x330] =	vst v2;
	s6 =	smov.u32 s5;
	s5 =	sadd.s32 $0x100, s5  }
.Ltmp0:
0x18: {  	[tilespmem:s0+$0x320] =	vst v2;
	(pc) =	sbr.rel @p1 .LBB2_2-.Ltmp0, $3  }
0x19: {  	[tilespmem:s0+$0x300] =	vst v2  }
0x1a: {  	[tilespmem:s0+$0x310] =	vst v2;
	_ =	sdelay $0x1  }
0x1b: {  	s0 =	sshra.s32 s6, $0x2  }
0x1c: {  	[tilespmem:s0+$0x330] =	vst v2  }
0x1d: {  	[tilespmem:s0+$0x320] =	vst v2  }
0x1e: {  	[tilespmem:s0+$0x300] =	vst v2  }
0x1f: {  	[tilespmem:s0+$0x310] =	vst v2  }
0x20: {  	[spmem:s8] =	stream.linear.scatter [tilespmem:s26], [sflag:$0x3], $0x2000, $0x38;
	[tilespmem:$0x1CB00] =	vst v63  }
0x21: {  	_ =	swait.ge [sflag:s28], $0x2000  }
0x22: {  	[sflag:s28] =	ssyncset.done $0x0  }
0x23: {  	s11 =	rddreg [dreg:$0x7];
	[sflag:s28] =	ssyncadd.s32 $0xFFFFE000  }
0x24: {  	[spmem:s11] =	stream.linear.scatter [tilespmem:s26], [sflag:$0x3], $0x2000, $0x38;
	[tilespmem:$0x1CB00] =	vst v63  }
0x25: {  	_ =	swait.ge [sflag:s28], $0x2000  }
0x26: {  	[sflag:s28] =	ssyncset.done $0x0  }
0x27: {  	s12 =	rddreg [dreg:$0x8];
	[sflag:s28] =	ssyncadd.s32 $0xFFFFE000  }
0x28: {  	[spmem:s12] =	stream.linear.scatter [tilespmem:s26], [sflag:$0x3], $0x2000, $0x38;
	[tilespmem:$0x1CB00] =	vst v63  }
0x29: {  	_ =	swait.ge [sflag:s28], $0x2000  }
0x2a: {  	[sflag:s28] =	ssyncset.done $0x0  }
0x2b: {  	s13 =	rddreg [dreg:$0x9];
	[sflag:s28] =	ssyncadd.s32 $0xFFFFE000  }
0x2c: {  	[spmem:s13] =	stream.linear.scatter [tilespmem:s26], [sflag:$0x3], $0x2000, $0x38;
	[tilespmem:$0x1CB00] =	vst v63  }
0x2d: {  	_ =	swait.ge [sflag:s28], $0x2000  }
0x2e: {  	[sflag:s28] =	ssyncset.done $0x0  }
0x2f: {  	[sflag:s28] =	ssyncadd.s32 $0xFFFFE000  }
0x30: {  	[spmem:s14] =	stream.linear.scatter [tilespmem:s26], [sflag:$0x3], $0x2000, $0x38;
	[tilespmem:$0x1CB00] =	vst v63  }
0x31: {  	_ =	swait.ge [sflag:s28], $0x2000  }
0x32: {  	[sflag:s28] =	ssyncset.done $0x0  }
0x33: {  	[sflag:s28] =	ssyncadd.s32 $0xFFFFE000  }
0x34: {  	[spmem:s15] =	stream.linear.scatter [tilespmem:s26], [sflag:$0x3], $0x2000, $0x38;
	[tilespmem:$0x1CB00] =	vst v63  }
0x35: {  	_ =	swait.ge [sflag:s28], $0x2000  }
0x36: {  	[sflag:s28] =	ssyncset.done $0x0  }
0x37: {  	[sflag:s28] =	ssyncadd.s32 $0xFFFFE000  }
0x38: {  	[spmem:s16] =	stream.linear.scatter [tilespmem:s26], [sflag:$0x3], $0x2000, $0x38;
	[tilespmem:$0x1CB00] =	vst v63  }
0x39: {  	_ =	swait.ge [sflag:s28], $0x2000  }
0x3a: {  	[sflag:s28] =	ssyncset.done $0x0  }
0x3b: {  	[sflag:s28] =	ssyncadd.s32 $0xFFFFE000  }
0x3c: {  	[spmem:s17] =	stream.linear.scatter [tilespmem:s26], [sflag:$0x3], $0x2000, $0x38;
	[tilespmem:$0x1CB00] =	vst v63  }
0x3d: {  	_ =	swait.ge [sflag:s28], $0x2000  }
0x3e: {  	[sflag:s28] =	ssyncset.done $0x0  }
0x3f: {  	[sflag:s28] =	ssyncadd.s32 $0xFFFFE000  }
0x40: {  	[spmem:s18] =	stream.linear.scatter [tilespmem:s26], [sflag:$0x3], $0x2000, $0x38;
	[tilespmem:$0x1CB00] =	vst v63  }
0x41: {  	_ =	swait.ge [sflag:s28], $0x2000  }
0x42: {  	[sflag:s28] =	ssyncset.done $0x0  }
0x43: {  	[sflag:s28] =	ssyncadd.s32 $0xFFFFE000  }
0x44: {  	[spmem:s20] =	stream.linear.scatter [tilespmem:s26], [sflag:$0x3], $0x2000, $0x38;
	[tilespmem:$0x1CB00] =	vst v63  }
0x45: {  	_ =	swait.ge [sflag:s28], $0x2000  }
0x46: {  	[sflag:s28] =	ssyncset.done $0x0  }
0x47: {  	[sflag:s28] =	ssyncadd.s32 $0xFFFFE000  }
0x48: {  	[spmem:s24] =	stream.linear.scatter [tilespmem:s26], [sflag:$0x3], $0x2000, $0x38;
	[tilespmem:$0x1CB00] =	vst v63  }
0x49: {  	_ =	swait.ge [sflag:s28], $0x2000  }
0x4a: {  	[sflag:s28] =	ssyncset.done $0x0  }
0x4b: {  	[sflag:s28] =	ssyncadd.s32 $0xFFFFE000  }
0x4c: {  	[spmem:s25] =	stream.linear.scatter [tilespmem:s26], [sflag:$0x3], $0x2000, $0x38;
	[tilespmem:$0x1CB00] =	vst v63  }
0x4d: {  	_ =	swait.ge [sflag:s28], $0x2000  }
0x4e: {  	[sflag:s28] =	ssyncset.done $0x0  }
0x4f: {  	s0 =	simm.s32 @!p0 $0x300;
	[sflag:s28] =	ssyncadd.s32 $0xFFFFE000  }
0x50: {  	[spmem:s21] =	stream.linear.scatter @!p0 [tilespmem:s0], [sflag:$0x3], $0x2000, $0x38;
	[tilespmem:$0x1CB00] =	vst v63  }
0x51: {  	s0 =	simm.s32 @!p0 $0x3  }
0x52: {  	_ =	swait.ge @!p0 [sflag:s0], $0x2000  }
0x53: {  	[sflag:s0] =	ssyncset.done @!p0 $0x0  }
0x54: {  	[sflag:s0] =	ssyncadd.s32 @!p0 $0xFFFFE000  }
0x55: {  	[bflag:$0x0] =	sbarrier.arrive $0xFFFF  }
0x56: {  	s0 =	simm.s32 $0x0;
	s5 =	rddreg [dreg:$0x4]  }
0x57: {  	[tilespmem:s0], [sflag:$0x3] =	stream.linear.gather [hbm4b:s5+s0], $0x80, $0x38;
	[tilespmem:$0x1CB00] =	vst v63  }
0x58: {  	_ =	swait.ge [sflag:s28], $0x80  }
0x59: {  	[sflag:s28] =	ssyncset.done $0x0  }
0x5a: {  	s6 =	simm.s32 $0x100;
	s19 =	rddreg [dreg:$0x5];
	[sflag:s28] =	ssyncadd.s32 $0xFFFFFF80  }
0x5b: {  	[tilespmem:s6], [sflag:$0x3] =	stream.linear.gather [hbm4b:s19+s0], $0x80, $0x38;
	[tilespmem:$0x1CB00] =	vst v63  }
0x5c: {  	_ =	swait.ge [sflag:s28], $0x80  }
0x5d: {  	[sflag:s28] =	ssyncset.done $0x0  }
0x5e: {  	s29 =	simm.s32 $0x80;
	s5 =	simm.s32 $0x0;
	[sflag:s28] =	ssyncadd.s32 $0xFFFFFF80  }
.LBB2_4:
0x5f: {  	p1 =	seq.s32 s0, $0x18F0  }
0x60: {  	s6 =	sand.u32 @!p1 $0x80, s29;
	s11 =	sadd.s32 @!p1 s0, s23;
	s12 =	simm.s32 @!p1 $0x0  }
0x61: {  	[tilespmem:s6], [sflag:$0x2] =	stream.linear.gather @!p1 [hbm4b:s11+s12], $0x80, $0x38;
	[tilespmem:$0x1CB00] =	vst v63  }
0x62: {  	s13 =	sand.u32 $0x1, s5;
	s19 =	sadd.s32 @!p1 s0, s22;
	s6 =	sor.u32 @!p1 $0x100, s6  }
0x63: {  	[tilespmem:s6], [sflag:$0x2] =	stream.linear.gather @!p1 [hbm4b:s19+s12], $0x80, $0x38;
	[tilespmem:$0x1CB00] =	vst v63  }
0x64: {  	s19 =	sshll.u32 s13, $0xD  }
0x65: {  	s11 =	sshll.u32 s13, $0x7;
	s6 =	sor.u32 $0x300, s19  }
0x66: {  	[tilespmem:s6], [sflag:$0x1] =	stream.indirect.gather [hbm4b:s1+s30], $0x40, s11, s30, $0xb8;
	[tilespmem:$0x1CB00] =	vst v63  }
0x67: {  	v3 =	vld [tilespmem:s11+$0x100]  }
0x68: {  	v4 =	vld [tilespmem:s11+$0x110]  }
0x69: {  	v5 =	vld [tilespmem:s11+$0x120]  }
0x6a: {  	v6 =	vld [tilespmem:s11+$0x130]  }
0x6b: {  	v7 =	vld [tilespmem:s11+$0x140]  }
0x6c: {  	v8 =	vld [tilespmem:s11+$0x150]  }
0x6d: {  	vm0 =	vge.s32 v3, v0;
	vm1 =	vlt.s32 v3, v1;
	v3 =	vsub.s32 v3, v0  }
0x6e: {  	v9 =	vld [tilespmem:s11+$0x160];
	vm12 =	vge.s32 v4, v0;
	vm2 =	vlt.s32 v4, v1;
	v4 =	vsub.s32 v4, v0  }
0x6f: {  	vm14 =	vge.s32 v5, v0;
	vm15 =	vlt.s32 v5, v1;
	vm4 =	vge.s32 v6, v0  }
0x70: {  	vm5 =	vlt.s32 v6, v1;
	v5 =	vsub.s32 v5, v0;
	v6 =	vsub.s32 v6, v0  }
0x71: {  	vm6 =	vge.s32 v7, v0;
	vm7 =	vlt.s32 v7, v1;
	vm8 =	vge.s32 v8, v0  }
0x72: {  	v10 =	vld [tilespmem:s11+$0x170];
	vm3 =	vlt.s32 v8, v1;
	v62 =	vsub.s32 v8, v0;
	vm0 =	vmand vm0, vm1  }
0x73: {  	vm10 =	vge.s32 v9, v0;
	vm13 =	vmand vm12, vm2;
	v3 =	vnsel vm0, $0x61C0, v3  }
0x74: {  	vm11 =	vlt.s32 v9, v1;
	vm1 =	vmand vm4, vm5;
	v4 =	vnsel vm13, $0x61C0, v4;
	[tilespmem:s11+$0x200] =	vst v3  }
0x75: {  	vm9 =	vmand vm8, vm3;
	vm0 =	vmand vm14, vm15;
	v6 =	vnsel vm1, $0x61C0, v6;
	[tilespmem:s11+$0x210] =	vst v4  }
0x76: {  	v5 =	vnsel vm0, $0x61C0, v5;
	vm0 =	vmand vm6, vm7;
	v3 =	vsub.s32 v7, v0;
	[tilespmem:s11+$0x230] =	vst v6  }
0x77: {  	vm12 =	vmand vm10, vm11;
	vm13 =	vge.s32 v10, v0;
	[tilespmem:s11+$0x220] =	vst v5;
	v3 =	vnsel vm0, $0x61C0, v3  }
0x78: {  	vm14 =	vlt.s32 v10, v1;
	v4 =	vnsel vm9, $0x61C0, v62;
	[tilespmem:s11+$0x240] =	vst v3;
	v3 =	vsub.s32 v9, v0  }
0x79: {  	v63 =	vsub.s32 v10, v0;
	vm15 =	vmand vm13, vm14;
	[tilespmem:s11+$0x250] =	vst v4;
	v3 =	vnsel vm12, $0x61C0, v3  }
0x7a: {  	[tilespmem:s11+$0x260] =	vst v3;
	v3 =	vnsel vm15, $0x61C0, v63  }
0x7b: {  	[tilespmem:s11+$0x270] =	vst v3  }
0x7c: {  	_ =	swait.ge [sflag:s31], $0x2000  }
0x7d: {  	[sflag:s31] =	ssyncset.done $0x0  }
0x7e: {  	s11 =	sor.u32 $0x200, s11;
	[sflag:s31] =	ssyncadd.s32 $0xFFFFE000  }
0x7f: {  	[spmem:s3] =	stream.indirect.scatter.add.f32 [tilespmem:s6], [sflag:$0x3], $0x40, s11, s30, $0xb8;
	[tilespmem:$0x1CB00] =	vst v63  }
0x80: {  	_ =	swait.ge [sflag:s28], $0x2000  }
0x81: {  	s0 =	sadd.s32 @!p1 $0x10, s0;
	[sflag:s28] =	ssyncset.done $0x0  }
0x82: {  	p2 =	sne.s32 @!p1 s0, $0x1900;
	s6 =	simm.s32 @!p1 $0x2;
	[sflag:s28] =	ssyncadd.s32 $0xFFFFE000  }
0x83: {  	p2 =	por p1, !p2;
	_ =	swait.ge @!p1 [sflag:s6], $0x80  }
.Ltmp1:
0x84: {  	[sflag:s6] =	ssyncset.done @!p1 $0x0;
	(pc) =	sbr.rel @!p2 .LBB2_4-.Ltmp1, $4  }
0x85: {  	[sflag:s6] =	ssyncadd.s32 @!p1 $0xFFFFFF80  }
0x86: {  	_ =	swait.ge @!p1 [sflag:s6], $0x80  }
0x87: {  	[sflag:s6] =	ssyncset.done @!p1 $0x0  }
0x88: {  	s29 =	sadd.s32 @!p1 $0x80, s29;
	s5 =	sadd.s32 @!p1 $0x1, s5;
	[sflag:s6] =	ssyncadd.s32 @!p1 $0xFFFFFF80  }
0x89: {  	s0 =	sadd.s32 $0xFFFFFF30, s2  }
0x8a: {  	s5 =	sadd.s32 $0xD0, s0  }
0x8b: {  	p1 =	sgt.u32 s5, $0xC2  }
0x8c: {  	p2 =	sne.s32 @p1 s0, $0xFFFFFFF3  }
0x8d: {  	p2 =	por p2, !p1  }
0x8e: {  	[bflag:$0x0] =	sbarrier.arrive $0xFFFF;
	s0 =	simm.s32 @!p2 $0x300;
	s5 =	simm.s32 @!p2 $0x4  }
0x8f: {  	[tilespmem:s0], [sflag:$0x4] =	stream.linear.gather @!p2 [spmem:s7], $0x1000, $0x38;
	[tilespmem:$0x1CB00] =	vst v63  }
0x90: {  	_ =	swait.ge @!p2 [sflag:s5], $0x1000  }
0x91: {  	[sflag:s5] =	ssyncset.done @!p2 $0x0  }
0x92: {  	s11 =	simm.s32 @!p2 $0x3;
	[sflag:s5] =	ssyncadd.s32 @!p2 $0xFFFFF000;
	s5 =	simm.s32 @!p2 $0x0  }
0x93: {  	[hbm4b:s9+s5] =	stream.linear.scatter @!p2 [tilespmem:s0], [sflag:$0x3], $0x1000, $0x38;
	[tilespmem:$0x1CB00] =	vst v63  }
0x94: {  	s29 =	simm.s32 $0xFFFFFF50;
	p1 =	por p1, p1;
	_ =	swait.ge @!p2 [sflag:s11], $0x1000  }
0x95: {  	s6 =	simm.s32 @!p1 $0x4;
	s12 =	simm.s32 @!p1 $0x0;
	[sflag:s11] =	ssyncset.done @!p2 $0x0  }
0x96: {  	s5 =	sadd.s32 $0xFFFFFF40, s2;
	[sflag:s11] =	ssyncadd.s32 @!p2 $0xFFFFF000;
	s11 =	simm.s32 @!p1 $0x300  }
0x97: {  	[tilespmem:s11], [sflag:$0x4] =	stream.linear.gather @!p1 [spmem:s8], $0x2000, $0x38;
	[tilespmem:$0x1CB00] =	vst v63  }
0x98: {  	s0 =	sadd.s32 $0x4000, s10;
	s19 =	sadd.s32 $0xD0, s5;
	_ =	swait.ge @!p1 [sflag:s6], $0x2000  }
0x99: {  	p2 =	sgt.u32 s19, $0xC2;
	s19 =	smov.u32 s10;
	[sflag:s6] =	ssyncset.done @!p1 $0x0  }
0x9a: {  	p4 =	sne.s32 @p2 s5, $0xFFFFFFF3;
	s5 =	smov.u32 s8;
	[sflag:s6] =	ssyncadd.s32 @!p1 $0xFFFFE000  }
.LBB2_6:
0x9b: {  	p4 =	por p4, !p2  }
0x9c: {  	s5 =	sadd.s32 $0x20000, s5;
	s13 =	smov.u32 s29;
	s29 =	sadd.s32 $0x10, s29  }
0x9d: {  	[hbm4b:s19+s12] =	stream.linear.scatter @!p1 [tilespmem:s11], [sflag:$0x4], $0x2000, $0x38;
	[tilespmem:$0x1CB00] =	vst v63  }
0x9e: {  	p3 =	sne.s32 s29, $0x0;
	s19 =	smov.u32 s0;
	_ =	swait.ge @!p1 [sflag:s6], $0x2000  }
0x9f: {  	[sflag:s6] =	ssyncset.done @!p1 $0x0  }
0xa0: {  	s11 =	simm.s32 @!p4 $0x300;
	s12 =	simm.s32 @!p4 $0x4;
	[sflag:s6] =	ssyncadd.s32 @!p1 $0xFFFFE000  }
0xa1: {  	[tilespmem:s11], [sflag:$0x4] =	stream.linear.gather @!p4 [spmem:s7], $0x1000, $0x38;
	[tilespmem:$0x1CB00] =	vst v63  }
0xa2: {  	p1 =	por p2, p2;
	_ =	swait.ge @!p4 [sflag:s12], $0x1000  }
0xa3: {  	[sflag:s12] =	ssyncset.done @!p4 $0x0  }
0xa4: {  	s6 =	simm.s32 @!p4 $0x0;
	[sflag:s12] =	ssyncadd.s32 @!p4 $0xFFFFF000;
	s12 =	simm.s32 @!p4 $0x3  }
0xa5: {  	[hbm4b:s9+s6] =	stream.linear.scatter @!p4 [tilespmem:s11], [sflag:$0x3], $0x1000, $0x38;
	[tilespmem:$0x1CB00] =	vst v63  }
0xa6: {  	_ =	swait.ge @!p4 [sflag:s12], $0x1000  }
0xa7: {  	s13 =	sadd.s32 s13, s2;
	s6 =	simm.s32 @!p1 $0x4;
	[sflag:s12] =	ssyncset.done @!p4 $0x0  }
.Ltmp2:
0xa8: {  	s11 =	simm.s32 @!p1 $0x300;
	[sflag:s12] =	ssyncadd.s32 @!p4 $0xFFFFF000;
	(pc) =	sbr.rel @p3 .LBB2_6-.Ltmp2, $4  }
0xa9: {  	[tilespmem:s11], [sflag:$0x4] =	stream.linear.gather @!p1 [spmem:s5], $0x2000, $0x38;
	[tilespmem:$0x1CB00] =	vst v63  }
0xaa: {  	s12 =	sadd.s32 $0xD0, s13;
	_ =	swait.ge @!p1 [sflag:s6], $0x2000  }
0xab: {  	s0 =	sadd.s32 $0x4000, s0;
	p2 =	sgt.u32 s12, $0xC2;
	[sflag:s6] =	ssyncset.done @!p1 $0x0  }
0xac: {  	s12 =	simm.s32 @!p1 $0x0;
	p4 =	sne.s32 @p2 s13, $0xFFFFFFF3;
	[sflag:s6] =	ssyncadd.s32 @!p1 $0xFFFFE000  }
0xad: {  	[hbm4b:s19+s12] =	stream.linear.scatter @!p1 [tilespmem:s11], [sflag:$0x4], $0x2000, $0x38;
	[tilespmem:$0x1CB00] =	vst v63  }
0xae: {  	_ =	swait.ge @!p1 [sflag:s6], $0x2000  }
0xaf: {  	p3 =	por p4, !p2;
	[sflag:s6] =	ssyncset.done @!p1 $0x0  }
0xb0: {  	s11 =	simm.s32 @!p3 $0x300;
	s12 =	simm.s32 @!p3 $0x4;
	[sflag:s6] =	ssyncadd.s32 @!p1 $0xFFFFE000  }
0xb1: {  	[tilespmem:s11], [sflag:$0x4] =	stream.linear.gather @!p3 [spmem:s7], $0x1000, $0x38;
	[tilespmem:$0x1CB00] =	vst v63  }
0xb2: {  	_ =	swait.ge @!p3 [sflag:s12], $0x1000  }
0xb3: {  	[sflag:s12] =	ssyncset.done @!p3 $0x0  }
0xb4: {  	s6 =	simm.s32 @!p3 $0x0;
	[sflag:s12] =	ssyncadd.s32 @!p3 $0xFFFFF000;
	s12 =	simm.s32 @!p3 $0x3  }
0xb5: {  	[hbm4b:s9+s6] =	stream.linear.scatter @!p3 [tilespmem:s11], [sflag:$0x3], $0x1000, $0x38;
	[tilespmem:$0x1CB00] =	vst v63  }
0xb6: {  	_ =	swait.ge @!p3 [sflag:s12], $0x1000  }
0xb7: {  	s5 =	sadd.s32 $0x20000, s5;
	p1 =	por p2, p2;
	[sflag:s12] =	ssyncset.done @!p3 $0x0  }
0xb8: {  	s6 =	simm.s32 @!p1 $0x4;
	s11 =	simm.s32 @!p1 $0x300;
	[sflag:s12] =	ssyncadd.s32 @!p3 $0xFFFFF000  }
0xb9: {  	[tilespmem:s11], [sflag:$0x4] =	stream.linear.gather @!p1 [spmem:s5], $0x2000, $0x38;
	[tilespmem:$0x1CB00] =	vst v63  }
0xba: {  	_ =	swait.ge @!p1 [sflag:s6], $0x2000  }
0xbb: {  	[sflag:s6] =	ssyncset.done @!p1 $0x0  }
0xbc: {  	s5 =	simm.s32 @!p1 $0x0;
	[sflag:s6] =	ssyncadd.s32 @!p1 $0xFFFFE000  }
0xbd: {  	[hbm4b:s0+s5] =	stream.linear.scatter @!p1 [tilespmem:s11], [sflag:$0x4], $0x2000, $0x38;
	[tilespmem:$0x1CB00] =	vst v63  }
0xbe: {  	_ =	swait.ge @!p1 [sflag:s6], $0x2000  }
0xbf: {  	s4 =	sadd.s32 $0x1, s4;
	s29 =	rddreg [dreg:$0x6]  }
0xc0: {  	p2 =	sne.s32 s4, s29  }
.Ltmp3:
0xc1: {  	_ = 	snop;
	(pc) =	sbr.rel @p2 .LBB2_1-.Ltmp3, $3  }
0xc2: {  	_ =	sdelay $0x1  }
0xc3: {  	[sflag:s6] =	ssyncset.done @!p1 $0x0  }
0xc4: {  	[sflag:s6] =	ssyncadd.s32 @!p1 $0xFFFFE000  }
0xc5: {  	_ =	sfence.sel $0x180000  }
0xc6: {  	[bflag:$0x0] =	sbarrier.arrive $0xFFFF  }
0xc7: {  	_ =	strace $0x90000050  }
0xc8: {  	[bflag:$0x2] =	sbarrier.arrive $0xFFFF  }
0xc9: {  	p0 =	sne.s32 s2, $0x0;
	s0 =	rddreg [dreg:$0x3]  }
0xca: {  	s0 =	sadd.s32 @!p0 $0x100000, s0  }
0xcb: {  	[sflag:s0] =	ssyncadd.tile.s32 @!p0 $0x1;
	_ =	shalt  }
.Lfunc_end2:
_tile_overlayer_lowered:
.L_overlay_start_2:
0xcc: {  	(tag) =	ssettag $0x2  }
0xcd: {  	s0 =	rddreg [dreg:$0x0];
	s2 =	stileid.u32  }
0xce: {  	s1 =	rddreg [dreg:$0x1];
	p0 =	sne.s32 s2, $0x0  }
0xcf: {  	s3 =	rddreg [dreg:$0x2];
	[bflag:$0x3] =	sbarrier.arrive $0xFFFF;
	s2 =	simm.s32 @!p0 $0x1C03  }
0xd0: {  	[timem:s3], [sflag:s2] =	dma.local @!p0 [hbm:s0], s1  }
0xd1: {  	s0 =	simm.s32 @!p0 $0x3  }
0xd2: {  	_ =	swait.ge @!p0 [sflag:s0], s1  }
0xd3: {  	s1 =	ssub.s32 @!p0 $0x0, s1;
	[sflag:s0] =	ssyncset.done @!p0 $0x0  }
0xd4: {  	[sflag:s0] =	ssyncadd.s32 @!p0 s1  }
0xd5: {  	[bflag:$0x3] =	sbarrier.arrive $0xFFFF  }
0xd6: {  	_ =	shalt  }

</sc_bundles>
